<compile_context>
chip_gen: v7x
topology: tpu7x:2x2x1
jax: 0.10.2.dev20260603
libtpu: 0.0.44.dev20260713+nightly
codegen_flags: <defaults>
</compile_context>

<pallas_src>
import functools

import jax
import jax.numpy as jnp
from jax import lax
from jax.experimental import pallas as pl
from jax.experimental.pallas import tpu as pltpu
from jax.experimental.pallas import tpu_sc as plsc

B, L, D = 4096, 50, 64
V = 100000
EPS = 1e-5
N = B * L
NC, NS = 2, 16
NW = NC * NS
C = 128
ROWS_W = N // NW
NCH = ROWS_W // C
NG = N // C
GPL = B // C
CP = C + 1


def _stats_body(p_ref, w_ref, g_ref, b_ref, bi_ref, mi_ref, ai_ref, ci_ref,
                out_ref, bo_ref, mo_ref, ao_ref, co_ref):
    p = p_ref[...]
    s1 = jnp.sum(p)
    s2 = jnp.sum(p * p)
    mean = s1 / N
    var = s2 / N - mean * mean
    w = w_ref[...]
    scale = w * g_ref[...] * lax.rsqrt(w * w * var + EPS)
    off = b_ref[...] - mean * scale
    out_ref[...] = jnp.concatenate([scale, off], axis=0)
    bo_ref[...] = bi_ref[...].reshape(NG, C)
    mo_ref[...] = mi_ref[...].reshape(NG, C)
    ao_ref[...] = ai_ref[...].reshape(NG, C)
    co_ref[...] = ci_ref[...].reshape(NG, C)


def _price_affine(price2d, w, gamma, beta, bi, mi, ai, ci):
    idx2 = jax.ShapeDtypeStruct((NG, C), jnp.int32)
    return pl.pallas_call(
        _stats_body,
        out_shape=(jax.ShapeDtypeStruct((2, D), jnp.float32),
                   idx2, idx2, idx2, idx2),
    )(price2d, w, gamma, beta, bi, mi, ai, ci)


def _sc_body(brand, material, author, color, price, so_tbl, tf0,
             t_brand, t_material, t_author, t_color, out,
             idx_v, x_v, so_v, tf_v, acc0, acc1, tb0, tb1,
             g0, g1, o0, o1):
    wid = lax.axis_index("s") * NC + lax.axis_index("c")
    r0 = wid * ROWS_W
    tables = (t_brand, t_material, t_author, t_color)
    accs = (acc0, acc1)
    tbs = (tb0, tb1)
    gsems = (g0, g1)
    osems = (o0, o1)

    stage = [
        pltpu.async_copy(brand.at[pl.ds(r0, ROWS_W)], idx_v.at[0], g0),
        pltpu.async_copy(material.at[pl.ds(r0, ROWS_W)], idx_v.at[1], g0),
        pltpu.async_copy(author.at[pl.ds(r0, ROWS_W)], idx_v.at[2], g0),
        pltpu.async_copy(color.at[pl.ds(r0, ROWS_W)], idx_v.at[3], g0),
        pltpu.async_copy(price.at[pl.ds(r0, ROWS_W)], x_v, g0),
        pltpu.async_copy(so_tbl, so_v, g0),
        pltpu.async_copy(tf0, tf_v, g0),
    ]
    for cp in stage:
        cp.wait()

    sob = [(so_v[0, pl.ds(b * 16, 16)], so_v[1, pl.ds(b * 16, 16)])
           for b in range(4)]
    didx = [jnp.arange(16, dtype=jnp.int32) + blk * 16 for blk in range(4)]

    def price_fill(c, acc):
        cb = c * C

        carry0 = tuple(v for pair in sob for v in pair)

        @plsc.parallel_loop(0, C, unroll=8, carry=carry0)
        def row(j, carry):
            j16 = jnp.full((16,), cb + j, jnp.int32)
            xs = plsc.load_gather(x_v, [j16])
            for blk in range(4):
                s, o = carry[2 * blk], carry[2 * blk + 1]
                acc[j, pl.ds(blk * 16, 16)] = jnp.maximum(xs * s + o, 0.0)
            return carry

    def fire_gathers(c, slot):
        cb = c * C
        return [pltpu.async_copy(
            tables[f].at[idx_v.at[f, pl.ds(cb, C)]], accs[slot],
            gsems[slot], add=True) for f in range(4)]

    def wait_gathers(c, slot):
        cb = c * C
        for f in range(4):
            pltpu.make_async_copy(
                tables[f].at[idx_v.at[f, pl.ds(cb, C)]], accs[slot],
                gsems[slot]).wait()

    def fixup(c, acc):
        cb = c * C

        def grp(g, _):
            gb = cb + g * 16
            iv = [idx_v[f, pl.ds(gb, 16)] for f in range(4)]
            bad = ((iv[0] == 0) | (iv[1] == 0) | (iv[2] == 0)
                   | (iv[3] == 0))

            def dofix():
                def rr(j, _):
                    j16 = jnp.full((16,), gb + j, jnp.int32)
                    zs = []
                    for f in range(4):
                        f16 = jnp.full((16,), f, jnp.int32)
                        zf = plsc.load_gather(idx_v, [f16, j16])
                        zs.append(jnp.where(zf == 0, -1.0, 0.0))
                    lr = g * 16 + j
                    for blk in range(4):
                        dsl = pl.ds(blk * 16, 16)
                        corr = (zs[0] * tf_v[0, dsl] + zs[1] * tf_v[1, dsl]
                                + zs[2] * tf_v[2, dsl] + zs[3] * tf_v[3, dsl])
                        plsc.addupdate(acc.at[lr, dsl], corr)
                    return _

                lax.fori_loop(0, 16, rr, None)

            lax.cond(jnp.any(bad), dofix, lambda: None)
            return _

        lax.fori_loop(0, C // 16, grp, None)

    def transpose_chunk(acc, tb):
        @plsc.parallel_loop(0, C, unroll=8)
        def row(j):
            j16 = jnp.full((16,), j, jnp.int32)
            for blk in range(4):
                v = acc[j, pl.ds(blk * 16, 16)]
                plsc.store_scatter(tb, [didx[blk], j16], v)

    def out_copies(c, slot, make_only):
        g = wid * NCH + c
        lg = g // GPL
        bt = g % GPL
        for band in range(8):
            tile = (lg * 8 + band) * GPL + bt
            src = tbs[slot].at[pl.ds(band * 8, 8), pl.ds(0, C)]
            dst = out.at[pl.ds(tile * 8, 8), :]
            if make_only:
                pltpu.make_async_copy(src, dst, osems[slot]).wait()
            else:
                pltpu.async_copy(src, dst, osems[slot])

    def fire_out(c, slot):
        out_copies(c, slot, make_only=False)

    def wait_out(c, slot):
        out_copies(c, slot, make_only=True)

    price_fill(0, accs[0])
    fire_gathers(0, 0)

    def S(c, p, q):
        @pl.when(c + 1 < NCH)
        def _issue():
            price_fill(c + 1, accs[p])
            fire_gathers(c + 1, p)

        wait_gathers(c, q)
        fixup(c, accs[q])

        @pl.when(c >= 2)
        def _w():
            wait_out(c - 2, q)
        transpose_chunk(accs[q], tbs[q])
        fire_out(c, q)

    def pair(i, _):
        c = 2 * i
        S(c, 1, 0)
        S(c + 1, 0, 1)
        return _

    lax.fori_loop(0, NCH // 2, pair, None)

    wait_out(NCH - 2, 0)
    wait_out(NCH - 1, 1)


_sc_call = functools.partial(
    pl.kernel,
    out_type=jax.ShapeDtypeStruct((L * D * B // 128, 128), jnp.float32),
    mesh=plsc.VectorSubcoreMesh(core_axis_name="c", subcore_axis_name="s"),
    compiler_params=pltpu.CompilerParams(
        needs_layout_passes=False, use_tc_tiling_on_sc=False),
    scratch_types=[
        pltpu.VMEM((4, ROWS_W), jnp.int32),
        pltpu.VMEM((ROWS_W,), jnp.float32),
        pltpu.VMEM((2, D), jnp.float32),
        pltpu.VMEM((4, D), jnp.float32),
        pltpu.VMEM((C, D), jnp.float32),
        pltpu.VMEM((C, D), jnp.float32),
        pltpu.VMEM((D, CP), jnp.float32),
        pltpu.VMEM((D, CP), jnp.float32),
        pltpu.SemaphoreType.DMA,
        pltpu.SemaphoreType.DMA,
        pltpu.SemaphoreType.DMA,
        pltpu.SemaphoreType.DMA,
    ],
)


def kernel(brand, material, author, color, price, W_price, bn_gamma, bn_beta,
           brand_table, material_table, author_table, color_table):
    xl = jnp.swapaxes(price[:, :, 0], 0, 1).reshape(N)
    so_tbl, b2, m2, a2, c2 = _price_affine(
        xl.reshape(NG, C), W_price,
        bn_gamma.reshape(1, D), bn_beta.reshape(1, D),
        jnp.swapaxes(brand, 0, 1), jnp.swapaxes(material, 0, 1),
        jnp.swapaxes(author, 0, 1), jnp.swapaxes(color, 0, 1))
    bl, ml, al, cl = (b2.reshape(N), m2.reshape(N),
                      a2.reshape(N), c2.reshape(N))
    tf0 = jnp.stack([brand_table[0], material_table[0],
                     author_table[0], color_table[0]])
    sc = _sc_call(_sc_body)
    out = sc(bl, ml, al, cl, xl, so_tbl, tf0,
             brand_table, material_table, author_table, color_table)
    o5 = out.reshape(L, 8, GPL, 8, C)
    return jnp.transpose(o5, (2, 4, 0, 1, 3)).reshape(B, L, D)

# --- scband reference (transcript-rebuilt; emitter-appended) ---
"""Pipeline reference for scband-sasrec-feat-item-encoder-33560874451130 (READ-ONLY COPY).

The authoritative reference and input builder live on the scoring server;
editing this copy changes nothing except your own understanding.
"""

import jax, jax.numpy as jnp
import numpy as np

B, L, D = 4096, 50, 64
V = 100000
EPS = 1e-5


def setup_inputs(seed: int = 0) -> dict:
    key = jax.random.key(seed)
    ks = jax.random.split(key, 12)
    return {
        "brand": jax.random.randint(ks[0], (B, L), 0, V, dtype=jnp.int32),
        "material": jax.random.randint(ks[1], (B, L), 0, V, dtype=jnp.int32),
        "author": jax.random.randint(ks[2], (B, L), 0, V, dtype=jnp.int32),
        "color": jax.random.randint(ks[3], (B, L), 0, V, dtype=jnp.int32),
        "price": jax.random.uniform(ks[4], (B, L, 1), dtype=jnp.float32),
        "W_price": jax.random.normal(ks[5], (1, D), dtype=jnp.float32) * 0.02,
        "bn_gamma": jnp.ones((D,), dtype=jnp.float32),
        "bn_beta": jnp.zeros((D,), dtype=jnp.float32),
        "brand_table": jax.random.normal(ks[6], (V, D), dtype=jnp.float32) * 0.02,
        "material_table": jax.random.normal(ks[7], (V, D), dtype=jnp.float32) * 0.02,
        "author_table": jax.random.normal(ks[8], (V, D), dtype=jnp.float32) * 0.02,
        "color_table": jax.random.normal(ks[9], (V, D), dtype=jnp.float32) * 0.02,
    }


def reference(brand, material, author, color, price, W_price, bn_gamma, bn_beta,
              brand_table, material_table, author_table, color_table):
    # padding_idx=0 -> row 0 of every embedding table is zeros
    bt = brand_table.at[0].set(0.0)
    mt = material_table.at[0].set(0.0)
    at_ = author_table.at[0].set(0.0)
    ct = color_table.at[0].set(0.0)

    # feature embedding lookups (gather)
    feat_emb = (jnp.take(bt, brand, axis=0)
                + jnp.take(mt, material, axis=0)
                + jnp.take(at_, author, axis=0)
                + jnp.take(ct, color, axis=0))  # [B, L, D]

    # price branch: Linear(1, D, bias=False) -> BatchNorm1d (training mode) -> ReLU
    p = jnp.matmul(price, W_price)  # [B, L, D]
    pf = p.reshape(-1, D)
    mean = jnp.mean(pf, axis=0)
    var = jnp.var(pf, axis=0)
    pn = (pf - mean) / jnp.sqrt(var + EPS) * bn_gamma + bn_beta
    price_feat = jax.nn.relu(pn).reshape(B, L, D)

    return feat_emb + price_feat

if __name__ == "__main__":
    import jax
    _d = setup_inputs()
    print(jax.jit(kernel)(*tuple(_d.values())))

</pallas_src>

<mosaic_0001>
#map = affine_map<(d0, d1) -> (0)>
#map1 = affine_map<(d0, d1) -> (0, 0)>
module attributes {stable_mosaic.version = 14 : i64} {
  func.func @_sc_body(%arg0: i32, %arg1: i32, %arg2: memref<204800xi32, #tpu.memory_space<hbm>>, %arg3: memref<204800xi32, #tpu.memory_space<hbm>>, %arg4: memref<204800xi32, #tpu.memory_space<hbm>>, %arg5: memref<204800xi32, #tpu.memory_space<hbm>>, %arg6: memref<204800xf32, #tpu.memory_space<hbm>>, %arg7: memref<2x64xf32, #tpu.memory_space<hbm>>, %arg8: memref<4x64xf32, #tpu.memory_space<hbm>>, %arg9: memref<100000x64xf32, #tpu.memory_space<hbm>>, %arg10: memref<100000x64xf32, #tpu.memory_space<hbm>>, %arg11: memref<100000x64xf32, #tpu.memory_space<hbm>>, %arg12: memref<100000x64xf32, #tpu.memory_space<hbm>>, %arg13: memref<102400x128xf32, #tpu.memory_space<hbm>>, %arg14: memref<4x6400xi32, #tpu.memory_space<vmem>>, %arg15: memref<6400xf32, #tpu.memory_space<vmem>>, %arg16: memref<2x64xf32, #tpu.memory_space<vmem>>, %arg17: memref<4x64xf32, #tpu.memory_space<vmem>>, %arg18: memref<128x64xf32, #tpu.memory_space<vmem>>, %arg19: memref<128x64xf32, #tpu.memory_space<vmem>>, %arg20: memref<64x129xf32, #tpu.memory_space<vmem>>, %arg21: memref<64x129xf32, #tpu.memory_space<vmem>>, %arg22: memref<!tpu.dma_semaphore, #tpu.memory_space<semaphore_mem>>, %arg23: memref<!tpu.dma_semaphore, #tpu.memory_space<semaphore_mem>>, %arg24: memref<!tpu.dma_semaphore, #tpu.memory_space<semaphore_mem>>, %arg25: memref<!tpu.dma_semaphore, #tpu.memory_space<semaphore_mem>>) attributes {dimension_semantics = [#tpu.dimension_semantics<core_parallel>, #tpu.dimension_semantics<subcore_parallel>], iteration_bounds = array<i64: 2, 16>, scalar_prefetch = 0 : i64, scratch_operands = 12 : i64, tpu.core_type = #tpu.core_type<sc_vector_subcore>, window_params = [{transform_indices = #map}, {transform_indices = #map}, {transform_indices = #map}, {transform_indices = #map}, {transform_indices = #map}, {transform_indices = #map1}, {transform_indices = #map1}, {transform_indices = #map1}, {transform_indices = #map1}, {transform_indices = #map1}, {transform_indices = #map1}, {transform_indices = #map1}]} {
    %mul3A = arith.constant 2 : i32
    %mul3A_0 = arith.muli %arg1, %mul3A : i32
    %add3A = arith.addi %mul3A_0, %arg0 : i32
    %mul3A_1 = arith.constant 6400 : i32
    %mul3A_2 = arith.muli %add3A, %mul3A_1 : i32
    %dma_start3A = arith.constant 0 : i32
    %dma_start3A_3 = arith.constant 0 : i32
    %dma_start3A_4 = tpu.memref_slice %arg14[%dma_start3A, %dma_start3A_3] : memref<4x6400xi32, #tpu.memory_space<vmem>> -> memref<1x6400xi32, #tpu.memory_space<vmem>>
    %dma_start3A_5 = tpu.memref_squeeze %dma_start3A_4 : memref<1x6400xi32, #tpu.memory_space<vmem>> -> memref<6400xi32, #tpu.memory_space<vmem>>
    %dma_start3A_6 = tpu.memref_slice %arg2[%mul3A_2] : memref<204800xi32, #tpu.memory_space<hbm>> -> memref<6400xi32, #tpu.memory_space<hbm>>
    %dma_start3A_7 = arith.constant 0 : i32
    %dma_start3A_8 = tpu.memref_slice %arg14[%dma_start3A, %dma_start3A_7] : memref<4x6400xi32, #tpu.memory_space<vmem>> -> memref<1x6400xi32, #tpu.memory_space<vmem>>
    %dma_start3A_9 = tpu.memref_squeeze %dma_start3A_8 : memref<1x6400xi32, #tpu.memory_space<vmem>> -> memref<6400xi32, #tpu.memory_space<vmem>>
    %dma_start3A_10 = tpu.memref_slice %arg2[%mul3A_2] : memref<204800xi32, #tpu.memory_space<hbm>> -> memref<6400xi32, #tpu.memory_space<hbm>>
    tpu.enqueue_dma source(%dma_start3A_10 : memref<6400xi32, #tpu.memory_space<hbm>>) target(%dma_start3A_9 : memref<6400xi32, #tpu.memory_space<vmem>>) target_semaphore(%arg22 : memref<!tpu.dma_semaphore, #tpu.memory_space<semaphore_mem>>)
    %dma_start3A_11 = arith.constant 1 : i32
    %dma_start3A_12 = arith.constant 0 : i32
    %dma_start3A_13 = tpu.memref_slice %arg14[%dma_start3A_11, %dma_start3A_12] : memref<4x6400xi32, #tpu.memory_space<vmem>> -> memref<1x6400xi32, #tpu.memory_space<vmem>>
    %dma_start3A_14 = tpu.memref_squeeze %dma_start3A_13 : memref<1x6400xi32, #tpu.memory_space<vmem>> -> memref<6400xi32, #tpu.memory_space<vmem>>
    %dma_start3A_15 = tpu.memref_slice %arg3[%mul3A_2] : memref<204800xi32, #tpu.memory_space<hbm>> -> memref<6400xi32, #tpu.memory_space<hbm>>
    %dma_start3A_16 = arith.constant 0 : i32
    %dma_start3A_17 = tpu.memref_slice %arg14[%dma_start3A_11, %dma_start3A_16] : memref<4x6400xi32, #tpu.memory_space<vmem>> -> memref<1x6400xi32, #tpu.memory_space<vmem>>
    %dma_start3A_18 = tpu.memref_squeeze %dma_start3A_17 : memref<1x6400xi32, #tpu.memory_space<vmem>> -> memref<6400xi32, #tpu.memory_space<vmem>>
    %dma_start3A_19 = tpu.memref_slice %arg3[%mul3A_2] : memref<204800xi32, #tpu.memory_space<hbm>> -> memref<6400xi32, #tpu.memory_space<hbm>>
    tpu.enqueue_dma source(%dma_start3A_19 : memref<6400xi32, #tpu.memory_space<hbm>>) target(%dma_start3A_18 : memref<6400xi32, #tpu.memory_space<vmem>>) target_semaphore(%arg22 : memref<!tpu.dma_semaphore, #tpu.memory_space<semaphore_mem>>)
    %dma_start3A_20 = arith.constant 2 : i32
    %dma_start3A_21 = arith.constant 0 : i32
    %dma_start3A_22 = tpu.memref_slice %arg14[%dma_start3A_20, %dma_start3A_21] : memref<4x6400xi32, #tpu.memory_space<vmem>> -> memref<1x6400xi32, #tpu.memory_space<vmem>>
    %dma_start3A_23 = tpu.memref_squeeze %dma_start3A_22 : memref<1x6400xi32, #tpu.memory_space<vmem>> -> memref<6400xi32, #tpu.memory_space<vmem>>
    %dma_start3A_24 = tpu.memref_slice %arg4[%mul3A_2] : memref<204800xi32, #tpu.memory_space<hbm>> -> memref<6400xi32, #tpu.memory_space<hbm>>
    %dma_start3A_25 = arith.constant 0 : i32
    %dma_start3A_26 = tpu.memref_slice %arg14[%dma_start3A_20, %dma_start3A_25] : memref<4x6400xi32, #tpu.memory_space<vmem>> -> memref<1x6400xi32, #tpu.memory_space<vmem>>
    %dma_start3A_27 = tpu.memref_squeeze %dma_start3A_26 : memref<1x6400xi32, #tpu.memory_space<vmem>> -> memref<6400xi32, #tpu.memory_space<vmem>>
    %dma_start3A_28 = tpu.memref_slice %arg4[%mul3A_2] : memref<204800xi32, #tpu.memory_space<hbm>> -> memref<6400xi32, #tpu.memory_space<hbm>>
    tpu.enqueue_dma source(%dma_start3A_28 : memref<6400xi32, #tpu.memory_space<hbm>>) target(%dma_start3A_27 : memref<6400xi32, #tpu.memory_space<vmem>>) target_semaphore(%arg22 : memref<!tpu.dma_semaphore, #tpu.memory_space<semaphore_mem>>)
    %dma_start3A_29 = arith.constant 3 : i32
    %dma_start3A_30 = arith.constant 0 : i32
    %dma_start3A_31 = tpu.memref_slice %arg14[%dma_start3A_29, %dma_start3A_30] : memref<4x6400xi32, #tpu.memory_space<vmem>> -> memref<1x6400xi32, #tpu.memory_space<vmem>>
    %dma_start3A_32 = tpu.memref_squeeze %dma_start3A_31 : memref<1x6400xi32, #tpu.memory_space<vmem>> -> memref<6400xi32, #tpu.memory_space<vmem>>
    %dma_start3A_33 = tpu.memref_slice %arg5[%mul3A_2] : memref<204800xi32, #tpu.memory_space<hbm>> -> memref<6400xi32, #tpu.memory_space<hbm>>
    %dma_start3A_34 = arith.constant 0 : i32
    %dma_start3A_35 = tpu.memref_slice %arg14[%dma_start3A_29, %dma_start3A_34] : memref<4x6400xi32, #tpu.memory_space<vmem>> -> memref<1x6400xi32, #tpu.memory_space<vmem>>
    %dma_start3A_36 = tpu.memref_squeeze %dma_start3A_35 : memref<1x6400xi32, #tpu.memory_space<vmem>> -> memref<6400xi32, #tpu.memory_space<vmem>>
    %dma_start3A_37 = tpu.memref_slice %arg5[%mul3A_2] : memref<204800xi32, #tpu.memory_space<hbm>> -> memref<6400xi32, #tpu.memory_space<hbm>>
    tpu.enqueue_dma source(%dma_start3A_37 : memref<6400xi32, #tpu.memory_space<hbm>>) target(%dma_start3A_36 : memref<6400xi32, #tpu.memory_space<vmem>>) target_semaphore(%arg22 : memref<!tpu.dma_semaphore, #tpu.memory_space<semaphore_mem>>)
    %dma_start3A_38 = tpu.memref_slice %arg6[%mul3A_2] : memref<204800xf32, #tpu.memory_space<hbm>> -> memref<6400xf32, #tpu.memory_space<hbm>>
    %dma_start3A_39 = tpu.memref_slice %arg6[%mul3A_2] : memref<204800xf32, #tpu.memory_space<hbm>> -> memref<6400xf32, #tpu.memory_space<hbm>>
    tpu.enqueue_dma source(%dma_start3A_39 : memref<6400xf32, #tpu.memory_space<hbm>>) target(%arg15 : memref<6400xf32, #tpu.memory_space<vmem>>) target_semaphore(%arg22 : memref<!tpu.dma_semaphore, #tpu.memory_space<semaphore_mem>>)
    tpu.enqueue_dma source(%arg7 : memref<2x64xf32, #tpu.memory_space<hbm>>) target(%arg16 : memref<2x64xf32, #tpu.memory_space<vmem>>) target_semaphore(%arg22 : memref<!tpu.dma_semaphore, #tpu.memory_space<semaphore_mem>>)
    tpu.enqueue_dma source(%arg8 : memref<4x64xf32, #tpu.memory_space<hbm>>) target(%arg17 : memref<4x64xf32, #tpu.memory_space<vmem>>) target_semaphore(%arg22 : memref<!tpu.dma_semaphore, #tpu.memory_space<semaphore_mem>>)
    %dma_wait3A = arith.constant 0 : i32
    %dma_wait3A_40 = arith.constant 0 : i32
    %dma_wait3A_41 = tpu.memref_slice %arg14[%dma_wait3A, %dma_wait3A_40] : memref<4x6400xi32, #tpu.memory_space<vmem>> -> memref<1x6400xi32, #tpu.memory_space<vmem>>
    %dma_wait3A_42 = tpu.memref_squeeze %dma_wait3A_41 : memref<1x6400xi32, #tpu.memory_space<vmem>> -> memref<6400xi32, #tpu.memory_space<vmem>>
    %dma_wait3A_43 = tpu.memref_slice %arg2[%mul3A_2] : memref<204800xi32, #tpu.memory_space<hbm>> -> memref<6400xi32, #tpu.memory_space<hbm>>
    %dma_wait3A_44 = arith.constant 0 : i32
    %dma_wait3A_45 = tpu.memref_slice %arg14[%dma_wait3A, %dma_wait3A_44] : memref<4x6400xi32, #tpu.memory_space<vmem>> -> memref<1x6400xi32, #tpu.memory_space<vmem>>
    %dma_wait3A_46 = tpu.memref_squeeze %dma_wait3A_45 : memref<1x6400xi32, #tpu.memory_space<vmem>> -> memref<6400xi32, #tpu.memory_space<vmem>>
    %dma_wait3A_47 = tpu.memref_slice %arg2[%mul3A_2] : memref<204800xi32, #tpu.memory_space<hbm>> -> memref<6400xi32, #tpu.memory_space<hbm>>
    tpu.wait_dma2 semaphore(%arg22 : memref<!tpu.dma_semaphore, #tpu.memory_space<semaphore_mem>>) src(%dma_wait3A_47 : memref<6400xi32, #tpu.memory_space<hbm>>) dst(%dma_wait3A_46 : memref<6400xi32, #tpu.memory_space<vmem>>)
    %dma_wait3A_48 = arith.constant 1 : i32
    %dma_wait3A_49 = arith.constant 0 : i32
    %dma_wait3A_50 = tpu.memref_slice %arg14[%dma_wait3A_48, %dma_wait3A_49] : memref<4x6400xi32, #tpu.memory_space<vmem>> -> memref<1x6400xi32, #tpu.memory_space<vmem>>
    %dma_wait3A_51 = tpu.memref_squeeze %dma_wait3A_50 : memref<1x6400xi32, #tpu.memory_space<vmem>> -> memref<6400xi32, #tpu.memory_space<vmem>>
    %dma_wait3A_52 = tpu.memref_slice %arg3[%mul3A_2] : memref<204800xi32, #tpu.memory_space<hbm>> -> memref<6400xi32, #tpu.memory_space<hbm>>
    %dma_wait3A_53 = arith.constant 0 : i32
    %dma_wait3A_54 = tpu.memref_slice %arg14[%dma_wait3A_48, %dma_wait3A_53] : memref<4x6400xi32, #tpu.memory_space<vmem>> -> memref<1x6400xi32, #tpu.memory_space<vmem>>
    %dma_wait3A_55 = tpu.memref_squeeze %dma_wait3A_54 : memref<1x6400xi32, #tpu.memory_space<vmem>> -> memref<6400xi32, #tpu.memory_space<vmem>>
    %dma_wait3A_56 = tpu.memref_slice %arg3[%mul3A_2] : memref<204800xi32, #tpu.memory_space<hbm>> -> memref<6400xi32, #tpu.memory_space<hbm>>
    tpu.wait_dma2 semaphore(%arg22 : memref<!tpu.dma_semaphore, #tpu.memory_space<semaphore_mem>>) src(%dma_wait3A_56 : memref<6400xi32, #tpu.memory_space<hbm>>) dst(%dma_wait3A_55 : memref<6400xi32, #tpu.memory_space<vmem>>)
    %dma_wait3A_57 = arith.constant 2 : i32
    %dma_wait3A_58 = arith.constant 0 : i32
    %dma_wait3A_59 = tpu.memref_slice %arg14[%dma_wait3A_57, %dma_wait3A_58] : memref<4x6400xi32, #tpu.memory_space<vmem>> -> memref<1x6400xi32, #tpu.memory_space<vmem>>
    %dma_wait3A_60 = tpu.memref_squeeze %dma_wait3A_59 : memref<1x6400xi32, #tpu.memory_space<vmem>> -> memref<6400xi32, #tpu.memory_space<vmem>>
    %dma_wait3A_61 = tpu.memref_slice %arg4[%mul3A_2] : memref<204800xi32, #tpu.memory_space<hbm>> -> memref<6400xi32, #tpu.memory_space<hbm>>
    %dma_wait3A_62 = arith.constant 0 : i32
    %dma_wait3A_63 = tpu.memref_slice %arg14[%dma_wait3A_57, %dma_wait3A_62] : memref<4x6400xi32, #tpu.memory_space<vmem>> -> memref<1x6400xi32, #tpu.memory_space<vmem>>
    %dma_wait3A_64 = tpu.memref_squeeze %dma_wait3A_63 : memref<1x6400xi32, #tpu.memory_space<vmem>> -> memref<6400xi32, #tpu.memory_space<vmem>>
    %dma_wait3A_65 = tpu.memref_slice %arg4[%mul3A_2] : memref<204800xi32, #tpu.memory_space<hbm>> -> memref<6400xi32, #tpu.memory_space<hbm>>
    tpu.wait_dma2 semaphore(%arg22 : memref<!tpu.dma_semaphore, #tpu.memory_space<semaphore_mem>>) src(%dma_wait3A_65 : memref<6400xi32, #tpu.memory_space<hbm>>) dst(%dma_wait3A_64 : memref<6400xi32, #tpu.memory_space<vmem>>)
    %dma_wait3A_66 = arith.constant 3 : i32
    %dma_wait3A_67 = arith.constant 0 : i32
    %dma_wait3A_68 = tpu.memref_slice %arg14[%dma_wait3A_66, %dma_wait3A_67] : memref<4x6400xi32, #tpu.memory_space<vmem>> -> memref<1x6400xi32, #tpu.memory_space<vmem>>
    %dma_wait3A_69 = tpu.memref_squeeze %dma_wait3A_68 : memref<1x6400xi32, #tpu.memory_space<vmem>> -> memref<6400xi32, #tpu.memory_space<vmem>>
    %dma_wait3A_70 = tpu.memref_slice %arg5[%mul3A_2] : memref<204800xi32, #tpu.memory_space<hbm>> -> memref<6400xi32, #tpu.memory_space<hbm>>
    %dma_wait3A_71 = arith.constant 0 : i32
    %dma_wait3A_72 = tpu.memref_slice %arg14[%dma_wait3A_66, %dma_wait3A_71] : memref<4x6400xi32, #tpu.memory_space<vmem>> -> memref<1x6400xi32, #tpu.memory_space<vmem>>
    %dma_wait3A_73 = tpu.memref_squeeze %dma_wait3A_72 : memref<1x6400xi32, #tpu.memory_space<vmem>> -> memref<6400xi32, #tpu.memory_space<vmem>>
    %dma_wait3A_74 = tpu.memref_slice %arg5[%mul3A_2] : memref<204800xi32, #tpu.memory_space<hbm>> -> memref<6400xi32, #tpu.memory_space<hbm>>
    tpu.wait_dma2 semaphore(%arg22 : memref<!tpu.dma_semaphore, #tpu.memory_space<semaphore_mem>>) src(%dma_wait3A_74 : memref<6400xi32, #tpu.memory_space<hbm>>) dst(%dma_wait3A_73 : memref<6400xi32, #tpu.memory_space<vmem>>)
    %dma_wait3A_75 = tpu.memref_slice %arg6[%mul3A_2] : memref<204800xf32, #tpu.memory_space<hbm>> -> memref<6400xf32, #tpu.memory_space<hbm>>
    %dma_wait3A_76 = tpu.memref_slice %arg6[%mul3A_2] : memref<204800xf32, #tpu.memory_space<hbm>> -> memref<6400xf32, #tpu.memory_space<hbm>>
    tpu.wait_dma2 semaphore(%arg22 : memref<!tpu.dma_semaphore, #tpu.memory_space<semaphore_mem>>) src(%dma_wait3A_76 : memref<6400xf32, #tpu.memory_space<hbm>>) dst(%arg15 : memref<6400xf32, #tpu.memory_space<vmem>>)
    tpu.wait_dma2 semaphore(%arg22 : memref<!tpu.dma_semaphore, #tpu.memory_space<semaphore_mem>>) src(%arg7 : memref<2x64xf32, #tpu.memory_space<hbm>>) dst(%arg16 : memref<2x64xf32, #tpu.memory_space<vmem>>)
    tpu.wait_dma2 semaphore(%arg22 : memref<!tpu.dma_semaphore, #tpu.memory_space<semaphore_mem>>) src(%arg8 : memref<4x64xf32, #tpu.memory_space<hbm>>) dst(%arg17 : memref<4x64xf32, #tpu.memory_space<vmem>>)
    %get3A = arith.constant 0 : i32
    %get3A_77 = arith.index_cast %get3A : i32 to index
    %get3A_78 = arith.constant 0 : index
    %get3A_79 = tpu.vector_load %arg16[%get3A_77, %get3A_78] {strides = array<i32>} : memref<2x64xf32, #tpu.memory_space<vmem>>, vector<16xf32>,
    %get3A_80 = arith.constant 1 : i32
    %get3A_81 = arith.index_cast %get3A_80 : i32 to index
    %get3A_82 = arith.constant 0 : index
    %get3A_83 = tpu.vector_load %arg16[%get3A_81, %get3A_82] {strides = array<i32>} : memref<2x64xf32, #tpu.memory_space<vmem>>, vector<16xf32>,
    %get3A_84 = arith.constant 0 : i32
    %get3A_85 = arith.index_cast %get3A_84 : i32 to index
    %get3A_86 = arith.constant 16 : index
    %get3A_87 = tpu.vector_load %arg16[%get3A_85, %get3A_86] {strides = array<i32>} : memref<2x64xf32, #tpu.memory_space<vmem>>, vector<16xf32>,
    %get3A_88 = arith.constant 1 : i32
    %get3A_89 = arith.index_cast %get3A_88 : i32 to index
    %get3A_90 = arith.constant 16 : index
    %get3A_91 = tpu.vector_load %arg16[%get3A_89, %get3A_90] {strides = array<i32>} : memref<2x64xf32, #tpu.memory_space<vmem>>, vector<16xf32>,
    %get3A_92 = arith.constant 0 : i32
    %get3A_93 = arith.index_cast %get3A_92 : i32 to index
    %get3A_94 = arith.constant 32 : index
    %get3A_95 = tpu.vector_load %arg16[%get3A_93, %get3A_94] {strides = array<i32>} : memref<2x64xf32, #tpu.memory_space<vmem>>, vector<16xf32>,
    %get3A_96 = arith.constant 1 : i32
    %get3A_97 = arith.index_cast %get3A_96 : i32 to index
    %get3A_98 = arith.constant 32 : index
    %get3A_99 = tpu.vector_load %arg16[%get3A_97, %get3A_98] {strides = array<i32>} : memref<2x64xf32, #tpu.memory_space<vmem>>, vector<16xf32>,
    %get3A_100 = arith.constant 0 : i32
    %get3A_101 = arith.index_cast %get3A_100 : i32 to index
    %get3A_102 = arith.constant 48 : index
    %get3A_103 = tpu.vector_load %arg16[%get3A_101, %get3A_102] {strides = array<i32>} : memref<2x64xf32, #tpu.memory_space<vmem>>, vector<16xf32>,
    %get3A_104 = arith.constant 1 : i32
    %get3A_105 = arith.index_cast %get3A_104 : i32 to index
    %get3A_106 = arith.constant 48 : index
    %get3A_107 = tpu.vector_load %arg16[%get3A_105, %get3A_106] {strides = array<i32>} : memref<2x64xf32, #tpu.memory_space<vmem>>, vector<16xf32>,
    %iota3A = tpu.iota {dimensions = array<i32: 0>} : vector<16xi32>
    %add3A_108 = arith.constant 0 : i32
    %add3A_109 = vector.broadcast %add3A_108 : i32 to vector<16xi32>
    %add3A_110 = arith.addi %iota3A, %add3A_109 : vector<16xi32>
    %iota3A_111 = tpu.iota {dimensions = array<i32: 0>} : vector<16xi32>
    %add3A_112 = arith.constant 16 : i32
    %add3A_113 = vector.broadcast %add3A_112 : i32 to vector<16xi32>
    %add3A_114 = arith.addi %iota3A_111, %add3A_113 : vector<16xi32>
    %iota3A_115 = tpu.iota {dimensions = array<i32: 0>} : vector<16xi32>
    %add3A_116 = arith.constant 32 : i32
    %add3A_117 = vector.broadcast %add3A_116 : i32 to vector<16xi32>
    %add3A_118 = arith.addi %iota3A_115, %add3A_117 : vector<16xi32>
    %iota3A_119 = tpu.iota {dimensions = array<i32: 0>} : vector<16xi32>
    %add3A_120 = arith.constant 48 : i32
    %add3A_121 = vector.broadcast %add3A_120 : i32 to vector<16xi32>
    %add3A_122 = arith.addi %iota3A_119, %add3A_121 : vector<16xi32>
    %parallel_loop3A = arith.constant 0 : i32
    %parallel_loop3A_123 = arith.constant 128 : i32
    %parallel_loop3A_124 = arith.constant 1 : i32
    %parallel_loop3A_125:8 = scf.for %parallel_loop3A_540 = %parallel_loop3A to %parallel_loop3A_123 step %parallel_loop3A_124 iter_args(%parallel_loop3A_541 = %get3A_79, %parallel_loop3A_542 = %get3A_83, %parallel_loop3A_543 = %get3A_87, %parallel_loop3A_544 = %get3A_91, %parallel_loop3A_545 = %get3A_95, %parallel_loop3A_546 = %get3A_99, %parallel_loop3A_547 = %get3A_103, %parallel_loop3A_548 = %get3A_107) -> (vector<16xf32>, vector<16xf32>, vector<16xf32>, vector<16xf32>, vector<16xf32>, vector<16xf32>, vector<16xf32>, vector<16xf32>)  : i32 {
      %parallel_loop3A_549 = arith.constant 0 : i32
      %parallel_loop3A_550 = arith.addi %parallel_loop3A_549, %parallel_loop3A_540 : i32
      %parallel_loop3A_551 = vector.broadcast %parallel_loop3A_550 : i32 to vector<16xi32>
      %parallel_loop3A_552 = tpu.vector_load_idx %arg15[%parallel_loop3A_551] : memref<6400xf32, #tpu.memory_space<vmem>>[vector<16xi32>], vector<16xf32>,
      %parallel_loop3A_553 = arith.mulf %parallel_loop3A_552, %parallel_loop3A_541 : vector<16xf32>
      %parallel_loop3A_554 = arith.addf %parallel_loop3A_553, %parallel_loop3A_542 : vector<16xf32>
      %parallel_loop3A_555 = arith.constant 0.000000e+00 : f32
      %parallel_loop3A_556 = vector.broadcast %parallel_loop3A_555 : f32 to vector<16xf32>
      %parallel_loop3A_557 = arith.maximumf %parallel_loop3A_554, %parallel_loop3A_556 : vector<16xf32>
      %parallel_loop3A_558 = arith.index_cast %parallel_loop3A_540 : i32 to index
      %parallel_loop3A_559 = arith.constant 0 : index
      %parallel_loop3A_560 = tpu.vector_load %arg18[%parallel_loop3A_558, %parallel_loop3A_559] {strides = array<i32>} : memref<128x64xf32, #tpu.memory_space<vmem>>, vector<16xf32>,
      tpu.vector_store %arg18[%parallel_loop3A_558, %parallel_loop3A_559], %parallel_loop3A_557 {strides = array<i32>} : memref<128x64xf32, #tpu.memory_space<vmem>>, vector<16xf32>,
      %parallel_loop3A_561 = arith.mulf %parallel_loop3A_552, %parallel_loop3A_543 : vector<16xf32>
      %parallel_loop3A_562 = arith.addf %parallel_loop3A_561, %parallel_loop3A_544 : vector<16xf32>
      %parallel_loop3A_563 = arith.constant 0.000000e+00 : f32
      %parallel_loop3A_564 = vector.broadcast %parallel_loop3A_563 : f32 to vector<16xf32>
      %parallel_loop3A_565 = arith.maximumf %parallel_loop3A_562, %parallel_loop3A_564 : vector<16xf32>
      %parallel_loop3A_566 = arith.index_cast %parallel_loop3A_540 : i32 to index
      %parallel_loop3A_567 = arith.constant 16 : index
      %parallel_loop3A_568 = tpu.vector_load %arg18[%parallel_loop3A_566, %parallel_loop3A_567] {strides = array<i32>} : memref<128x64xf32, #tpu.memory_space<vmem>>, vector<16xf32>,
      tpu.vector_store %arg18[%parallel_loop3A_566, %parallel_loop3A_567], %parallel_loop3A_565 {strides = array<i32>} : memref<128x64xf32, #tpu.memory_space<vmem>>, vector<16xf32>,
      %parallel_loop3A_569 = arith.mulf %parallel_loop3A_552, %parallel_loop3A_545 : vector<16xf32>
      %parallel_loop3A_570 = arith.addf %parallel_loop3A_569, %parallel_loop3A_546 : vector<16xf32>
      %parallel_loop3A_571 = arith.constant 0.000000e+00 : f32
      %parallel_loop3A_572 = vector.broadcast %parallel_loop3A_571 : f32 to vector<16xf32>
      %parallel_loop3A_573 = arith.maximumf %parallel_loop3A_570, %parallel_loop3A_572 : vector<16xf32>
      %parallel_loop3A_574 = arith.index_cast %parallel_loop3A_540 : i32 to index
      %parallel_loop3A_575 = arith.constant 32 : index
      %parallel_loop3A_576 = tpu.vector_load %arg18[%parallel_loop3A_574, %parallel_loop3A_575] {strides = array<i32>} : memref<128x64xf32, #tpu.memory_space<vmem>>, vector<16xf32>,
      tpu.vector_store %arg18[%parallel_loop3A_574, %parallel_loop3A_575], %parallel_loop3A_573 {strides = array<i32>} : memref<128x64xf32, #tpu.memory_space<vmem>>, vector<16xf32>,
      %parallel_loop3A_577 = arith.mulf %parallel_loop3A_552, %parallel_loop3A_547 : vector<16xf32>
      %parallel_loop3A_578 = arith.addf %parallel_loop3A_577, %parallel_loop3A_548 : vector<16xf32>
      %parallel_loop3A_579 = arith.constant 0.000000e+00 : f32
      %parallel_loop3A_580 = vector.broadcast %parallel_loop3A_579 : f32 to vector<16xf32>
      %parallel_loop3A_581 = arith.maximumf %parallel_loop3A_578, %parallel_loop3A_580 : vector<16xf32>
      %parallel_loop3A_582 = arith.index_cast %parallel_loop3A_540 : i32 to index
      %parallel_loop3A_583 = arith.constant 48 : index
      %parallel_loop3A_584 = tpu.vector_load %arg18[%parallel_loop3A_582, %parallel_loop3A_583] {strides = array<i32>} : memref<128x64xf32, #tpu.memory_space<vmem>>, vector<16xf32>,
      tpu.vector_store %arg18[%parallel_loop3A_582, %parallel_loop3A_583], %parallel_loop3A_581 {strides = array<i32>} : memref<128x64xf32, #tpu.memory_space<vmem>>, vector<16xf32>,
      scf.yield %parallel_loop3A_541, %parallel_loop3A_542, %parallel_loop3A_543, %parallel_loop3A_544, %parallel_loop3A_545, %parallel_loop3A_546, %parallel_loop3A_547, %parallel_loop3A_548 : vector<16xf32>, vector<16xf32>, vector<16xf32>, vector<16xf32>, vector<16xf32>, vector<16xf32>, vector<16xf32>, vector<16xf32>
    } {sc.loop_unroll_factor = 8 : i64, sc.parallel_access}
    %dma_start3A_126 = arith.constant 0 : i32
    %dma_start3A_127 = arith.constant 0 : i32
    %dma_start3A_128 = tpu.memref_slice %arg14[%dma_start3A_126, %dma_start3A_127] : memref<4x6400xi32, #tpu.memory_space<vmem>> -> memref<1x128xi32, #tpu.memory_space<vmem>>
    %dma_start3A_129 = tpu.memref_squeeze %dma_start3A_128 : memref<1x128xi32, #tpu.memory_space<vmem>> -> memref<128xi32, #tpu.memory_space<vmem>>
    %dma_start3A_130 = arith.constant 0 : i32
    %dma_start3A_131 = arith.constant 0 : i32
    %dma_start3A_132 = tpu.memref_slice %arg9[%dma_start3A_130, %dma_start3A_131] : memref<100000x64xf32, #tpu.memory_space<hbm>> -> memref<100000x64xf32, #tpu.memory_space<hbm>>
    tpu.enqueue_indirect_dma source(%dma_start3A_132 : memref<100000x64xf32, #tpu.memory_space<hbm>>) target(%arg18 : memref<128x64xf32, #tpu.memory_space<vmem>>) offsets(%dma_start3A_129 : memref<128xi32, #tpu.memory_space<vmem>>) semaphore(%arg22 : memref<!tpu.dma_semaphore, #tpu.memory_space<semaphore_mem>>) {add = true}
    %dma_start3A_133 = arith.constant 1 : i32
    %dma_start3A_134 = arith.constant 0 : i32
    %dma_start3A_135 = tpu.memref_slice %arg14[%dma_start3A_133, %dma_start3A_134] : memref<4x6400xi32, #tpu.memory_space<vmem>> -> memref<1x128xi32, #tpu.memory_space<vmem>>
    %dma_start3A_136 = tpu.memref_squeeze %dma_start3A_135 : memref<1x128xi32, #tpu.memory_space<vmem>> -> memref<128xi32, #tpu.memory_space<vmem>>
    %dma_start3A_137 = arith.constant 0 : i32
    %dma_start3A_138 = arith.constant 0 : i32
    %dma_start3A_139 = tpu.memref_slice %arg10[%dma_start3A_137, %dma_start3A_138] : memref<100000x64xf32, #tpu.memory_space<hbm>> -> memref<100000x64xf32, #tpu.memory_space<hbm>>
    tpu.enqueue_indirect_dma source(%dma_start3A_139 : memref<100000x64xf32, #tpu.memory_space<hbm>>) target(%arg18 : memref<128x64xf32, #tpu.memory_space<vmem>>) offsets(%dma_start3A_136 : memref<128xi32, #tpu.memory_space<vmem>>) semaphore(%arg22 : memref<!tpu.dma_semaphore, #tpu.memory_space<semaphore_mem>>) {add = true}
    %dma_start3A_140 = arith.constant 2 : i32
    %dma_start3A_141 = arith.constant 0 : i32
    %dma_start3A_142 = tpu.memref_slice %arg14[%dma_start3A_140, %dma_start3A_141] : memref<4x6400xi32, #tpu.memory_space<vmem>> -> memref<1x128xi32, #tpu.memory_space<vmem>>
    %dma_start3A_143 = tpu.memref_squeeze %dma_start3A_142 : memref<1x128xi32, #tpu.memory_space<vmem>> -> memref<128xi32, #tpu.memory_space<vmem>>
    %dma_start3A_144 = arith.constant 0 : i32
    %dma_start3A_145 = arith.constant 0 : i32
    %dma_start3A_146 = tpu.memref_slice %arg11[%dma_start3A_144, %dma_start3A_145] : memref<100000x64xf32, #tpu.memory_space<hbm>> -> memref<100000x64xf32, #tpu.memory_space<hbm>>
    tpu.enqueue_indirect_dma source(%dma_start3A_146 : memref<100000x64xf32, #tpu.memory_space<hbm>>) target(%arg18 : memref<128x64xf32, #tpu.memory_space<vmem>>) offsets(%dma_start3A_143 : memref<128xi32, #tpu.memory_space<vmem>>) semaphore(%arg22 : memref<!tpu.dma_semaphore, #tpu.memory_space<semaphore_mem>>) {add = true}
    %dma_start3A_147 = arith.constant 3 : i32
    %dma_start3A_148 = arith.constant 0 : i32
    %dma_start3A_149 = tpu.memref_slice %arg14[%dma_start3A_147, %dma_start3A_148] : memref<4x6400xi32, #tpu.memory_space<vmem>> -> memref<1x128xi32, #tpu.memory_space<vmem>>
    %dma_start3A_150 = tpu.memref_squeeze %dma_start3A_149 : memref<1x128xi32, #tpu.memory_space<vmem>> -> memref<128xi32, #tpu.memory_space<vmem>>
    %dma_start3A_151 = arith.constant 0 : i32
    %dma_start3A_152 = arith.constant 0 : i32
    %dma_start3A_153 = tpu.memref_slice %arg12[%dma_start3A_151, %dma_start3A_152] : memref<100000x64xf32, #tpu.memory_space<hbm>> -> memref<100000x64xf32, #tpu.memory_space<hbm>>
    tpu.enqueue_indirect_dma source(%dma_start3A_153 : memref<100000x64xf32, #tpu.memory_space<hbm>>) target(%arg18 : memref<128x64xf32, #tpu.memory_space<vmem>>) offsets(%dma_start3A_150 : memref<128xi32, #tpu.memory_space<vmem>>) semaphore(%arg22 : memref<!tpu.dma_semaphore, #tpu.memory_space<semaphore_mem>>) {add = true}
    %scan3A = arith.constant 0 : i32
    %scan3A_154 = arith.constant 25 : i32
    %scan3A_155 = arith.addi %scan3A, %scan3A_154 : i32
    %scan3A_156 = arith.constant 1 : i32
    scf.for %scan3A_540 = %scan3A to %scan3A_155 step %scan3A_156  : i32 {
      %mul3A_541 = arith.constant 2 : i32
      %mul3A_542 = arith.muli %mul3A_541, %scan3A_540 : i32
      %add3A_543 = arith.constant 1 : i32
      %add3A_544 = arith.addi %mul3A_542, %add3A_543 : i32
      %lt3A_545 = arith.constant 50 : i32
      %lt3A_546 = arith.cmpi slt, %add3A_544, %lt3A_545 : i32
      %convert_element_type3A = arith.extui %lt3A_546 : i1 to i32
      %cond3A = arith.constant 0 : i32
      %cond3A_547 = arith.cmpi ne, %convert_element_type3A, %cond3A : i32
      scf.if %cond3A_547 {
        %add3A_1028 = arith.constant 1 : i32
        %add3A_1029 = arith.addi %mul3A_542, %add3A_1028 : i32
        %mul3A_1030 = arith.constant 128 : i32
        %mul3A_1031 = arith.muli %add3A_1029, %mul3A_1030 : i32
        %parallel_loop3A_1032 = arith.constant 0 : i32
        %parallel_loop3A_1033 = arith.constant 128 : i32
        %parallel_loop3A_1034 = arith.constant 1 : i32
        %parallel_loop3A_1035:8 = scf.for %parallel_loop3A_1064 = %parallel_loop3A_1032 to %parallel_loop3A_1033 step %parallel_loop3A_1034 iter_args(%parallel_loop3A_1065 = %get3A_79, %parallel_loop3A_1066 = %get3A_83, %parallel_loop3A_1067 = %get3A_87, %parallel_loop3A_1068 = %get3A_91, %parallel_loop3A_1069 = %get3A_95, %parallel_loop3A_1070 = %get3A_99, %parallel_loop3A_1071 = %get3A_103, %parallel_loop3A_1072 = %get3A_107) -> (vector<16xf32>, vector<16xf32>, vector<16xf32>, vector<16xf32>, vector<16xf32>, vector<16xf32>, vector<16xf32>, vector<16xf32>)  : i32 {
          %parallel_loop3A_1073 = arith.addi %mul3A_1031, %parallel_loop3A_1064 : i32
          %parallel_loop3A_1074 = vector.broadcast %parallel_loop3A_1073 : i32 to vector<16xi32>
          %parallel_loop3A_1075 = tpu.vector_load_idx %arg15[%parallel_loop3A_1074] : memref<6400xf32, #tpu.memory_space<vmem>>[vector<16xi32>], vector<16xf32>,
          %parallel_loop3A_1076 = arith.mulf %parallel_loop3A_1075, %parallel_loop3A_1065 : vector<16xf32>
          %parallel_loop3A_1077 = arith.addf %parallel_loop3A_1076, %parallel_loop3A_1066 : vector<16xf32>
          %parallel_loop3A_1078 = arith.constant 0.000000e+00 : f32
          %parallel_loop3A_1079 = vector.broadcast %parallel_loop3A_1078 : f32 to vector<16xf32>
          %parallel_loop3A_1080 = arith.maximumf %parallel_loop3A_1077, %parallel_loop3A_1079 : vector<16xf32>
          %parallel_loop3A_1081 = arith.index_cast %parallel_loop3A_1064 : i32 to index
          %parallel_loop3A_1082 = arith.constant 0 : index
          %parallel_loop3A_1083 = tpu.vector_load %arg19[%parallel_loop3A_1081, %parallel_loop3A_1082] {strides = array<i32>} : memref<128x64xf32, #tpu.memory_space<vmem>>, vector<16xf32>,
          tpu.vector_store %arg19[%parallel_loop3A_1081, %parallel_loop3A_1082], %parallel_loop3A_1080 {strides = array<i32>} : memref<128x64xf32, #tpu.memory_space<vmem>>, vector<16xf32>,
          %parallel_loop3A_1084 = arith.mulf %parallel_loop3A_1075, %parallel_loop3A_1067 : vector<16xf32>
          %parallel_loop3A_1085 = arith.addf %parallel_loop3A_1084, %parallel_loop3A_1068 : vector<16xf32>
          %parallel_loop3A_1086 = arith.constant 0.000000e+00 : f32
          %parallel_loop3A_1087 = vector.broadcast %parallel_loop3A_1086 : f32 to vector<16xf32>
          %parallel_loop3A_1088 = arith.maximumf %parallel_loop3A_1085, %parallel_loop3A_1087 : vector<16xf32>
          %parallel_loop3A_1089 = arith.index_cast %parallel_loop3A_1064 : i32 to index
          %parallel_loop3A_1090 = arith.constant 16 : index
          %parallel_loop3A_1091 = tpu.vector_load %arg19[%parallel_loop3A_1089, %parallel_loop3A_1090] {strides = array<i32>} : memref<128x64xf32, #tpu.memory_space<vmem>>, vector<16xf32>,
          tpu.vector_store %arg19[%parallel_loop3A_1089, %parallel_loop3A_1090], %parallel_loop3A_1088 {strides = array<i32>} : memref<128x64xf32, #tpu.memory_space<vmem>>, vector<16xf32>,
          %parallel_loop3A_1092 = arith.mulf %parallel_loop3A_1075, %parallel_loop3A_1069 : vector<16xf32>
          %parallel_loop3A_1093 = arith.addf %parallel_loop3A_1092, %parallel_loop3A_1070 : vector<16xf32>
          %parallel_loop3A_1094 = arith.constant 0.000000e+00 : f32
          %parallel_loop3A_1095 = vector.broadcast %parallel_loop3A_1094 : f32 to vector<16xf32>
          %parallel_loop3A_1096 = arith.maximumf %parallel_loop3A_1093, %parallel_loop3A_1095 : vector<16xf32>
          %parallel_loop3A_1097 = arith.index_cast %parallel_loop3A_1064 : i32 to index
          %parallel_loop3A_1098 = arith.constant 32 : index
          %parallel_loop3A_1099 = tpu.vector_load %arg19[%parallel_loop3A_1097, %parallel_loop3A_1098] {strides = array<i32>} : memref<128x64xf32, #tpu.memory_space<vmem>>, vector<16xf32>,
          tpu.vector_store %arg19[%parallel_loop3A_1097, %parallel_loop3A_1098], %parallel_loop3A_1096 {strides = array<i32>} : memref<128x64xf32, #tpu.memory_space<vmem>>, vector<16xf32>,
          %parallel_loop3A_1100 = arith.mulf %parallel_loop3A_1075, %parallel_loop3A_1071 : vector<16xf32>
          %parallel_loop3A_1101 = arith.addf %parallel_loop3A_1100, %parallel_loop3A_1072 : vector<16xf32>
          %parallel_loop3A_1102 = arith.constant 0.000000e+00 : f32
          %parallel_loop3A_1103 = vector.broadcast %parallel_loop3A_1102 : f32 to vector<16xf32>
          %parallel_loop3A_1104 = arith.maximumf %parallel_loop3A_1101, %parallel_loop3A_1103 : vector<16xf32>
          %parallel_loop3A_1105 = arith.index_cast %parallel_loop3A_1064 : i32 to index
          %parallel_loop3A_1106 = arith.constant 48 : index
          %parallel_loop3A_1107 = tpu.vector_load %arg19[%parallel_loop3A_1105, %parallel_loop3A_1106] {strides = array<i32>} : memref<128x64xf32, #tpu.memory_space<vmem>>, vector<16xf32>,
          tpu.vector_store %arg19[%parallel_loop3A_1105, %parallel_loop3A_1106], %parallel_loop3A_1104 {strides = array<i32>} : memref<128x64xf32, #tpu.memory_space<vmem>>, vector<16xf32>,
          scf.yield %parallel_loop3A_1065, %parallel_loop3A_1066, %parallel_loop3A_1067, %parallel_loop3A_1068, %parallel_loop3A_1069, %parallel_loop3A_1070, %parallel_loop3A_1071, %parallel_loop3A_1072 : vector<16xf32>, vector<16xf32>, vector<16xf32>, vector<16xf32>, vector<16xf32>, vector<16xf32>, vector<16xf32>, vector<16xf32>
        } {sc.loop_unroll_factor = 8 : i64, sc.parallel_access}
        %add3A_1036 = arith.constant 1 : i32
        %add3A_1037 = arith.addi %mul3A_542, %add3A_1036 : i32
        %mul3A_1038 = arith.constant 128 : i32
        %mul3A_1039 = arith.muli %add3A_1037, %mul3A_1038 : i32
        %dma_start3A_1040 = arith.constant 0 : i32
        %dma_start3A_1041 = tpu.memref_slice %arg14[%dma_start3A_1040, %mul3A_1039] : memref<4x6400xi32, #tpu.memory_space<vmem>> -> memref<1x128xi32, #tpu.memory_space<vmem>>
        %dma_start3A_1042 = tpu.memref_squeeze %dma_start3A_1041 : memref<1x128xi32, #tpu.memory_space<vmem>> -> memref<128xi32, #tpu.memory_space<vmem>>
        %dma_start3A_1043 = arith.constant 0 : i32
        %dma_start3A_1044 = arith.constant 0 : i32
        %dma_start3A_1045 = tpu.memref_slice %arg9[%dma_start3A_1043, %dma_start3A_1044] : memref<100000x64xf32, #tpu.memory_space<hbm>> -> memref<100000x64xf32, #tpu.memory_space<hbm>>
        tpu.enqueue_indirect_dma source(%dma_start3A_1045 : memref<100000x64xf32, #tpu.memory_space<hbm>>) target(%arg19 : memref<128x64xf32, #tpu.memory_space<vmem>>) offsets(%dma_start3A_1042 : memref<128xi32, #tpu.memory_space<vmem>>) semaphore(%arg23 : memref<!tpu.dma_semaphore, #tpu.memory_space<semaphore_mem>>) {add = true}
        %dma_start3A_1046 = arith.constant 1 : i32
        %dma_start3A_1047 = tpu.memref_slice %arg14[%dma_start3A_1046, %mul3A_1039] : memref<4x6400xi32, #tpu.memory_space<vmem>> -> memref<1x128xi32, #tpu.memory_space<vmem>>
        %dma_start3A_1048 = tpu.memref_squeeze %dma_start3A_1047 : memref<1x128xi32, #tpu.memory_space<vmem>> -> memref<128xi32, #tpu.memory_space<vmem>>
        %dma_start3A_1049 = arith.constant 0 : i32
        %dma_start3A_1050 = arith.constant 0 : i32
        %dma_start3A_1051 = tpu.memref_slice %arg10[%dma_start3A_1049, %dma_start3A_1050] : memref<100000x64xf32, #tpu.memory_space<hbm>> -> memref<100000x64xf32, #tpu.memory_space<hbm>>
        tpu.enqueue_indirect_dma source(%dma_start3A_1051 : memref<100000x64xf32, #tpu.memory_space<hbm>>) target(%arg19 : memref<128x64xf32, #tpu.memory_space<vmem>>) offsets(%dma_start3A_1048 : memref<128xi32, #tpu.memory_space<vmem>>) semaphore(%arg23 : memref<!tpu.dma_semaphore, #tpu.memory_space<semaphore_mem>>) {add = true}
        %dma_start3A_1052 = arith.constant 2 : i32
        %dma_start3A_1053 = tpu.memref_slice %arg14[%dma_start3A_1052, %mul3A_1039] : memref<4x6400xi32, #tpu.memory_space<vmem>> -> memref<1x128xi32, #tpu.memory_space<vmem>>
        %dma_start3A_1054 = tpu.memref_squeeze %dma_start3A_1053 : memref<1x128xi32, #tpu.memory_space<vmem>> -> memref<128xi32, #tpu.memory_space<vmem>>
        %dma_start3A_1055 = arith.constant 0 : i32
        %dma_start3A_1056 = arith.constant 0 : i32
        %dma_start3A_1057 = tpu.memref_slice %arg11[%dma_start3A_1055, %dma_start3A_1056] : memref<100000x64xf32, #tpu.memory_space<hbm>> -> memref<100000x64xf32, #tpu.memory_space<hbm>>
        tpu.enqueue_indirect_dma source(%dma_start3A_1057 : memref<100000x64xf32, #tpu.memory_space<hbm>>) target(%arg19 : memref<128x64xf32, #tpu.memory_space<vmem>>) offsets(%dma_start3A_1054 : memref<128xi32, #tpu.memory_space<vmem>>) semaphore(%arg23 : memref<!tpu.dma_semaphore, #tpu.memory_space<semaphore_mem>>) {add = true}
        %dma_start3A_1058 = arith.constant 3 : i32
        %dma_start3A_1059 = tpu.memref_slice %arg14[%dma_start3A_1058, %mul3A_1039] : memref<4x6400xi32, #tpu.memory_space<vmem>> -> memref<1x128xi32, #tpu.memory_space<vmem>>
        %dma_start3A_1060 = tpu.memref_squeeze %dma_start3A_1059 : memref<1x128xi32, #tpu.memory_space<vmem>> -> memref<128xi32, #tpu.memory_space<vmem>>
        %dma_start3A_1061 = arith.constant 0 : i32
        %dma_start3A_1062 = arith.constant 0 : i32
        %dma_start3A_1063 = tpu.memref_slice %arg12[%dma_start3A_1061, %dma_start3A_1062] : memref<100000x64xf32, #tpu.memory_space<hbm>> -> memref<100000x64xf32, #tpu.memory_space<hbm>>
        tpu.enqueue_indirect_dma source(%dma_start3A_1063 : memref<100000x64xf32, #tpu.memory_space<hbm>>) target(%arg19 : memref<128x64xf32, #tpu.memory_space<vmem>>) offsets(%dma_start3A_1060 : memref<128xi32, #tpu.memory_space<vmem>>) semaphore(%arg23 : memref<!tpu.dma_semaphore, #tpu.memory_space<semaphore_mem>>) {add = true}
      } else {
      }
      %mul3A_548 = arith.constant 128 : i32
      %mul3A_549 = arith.muli %mul3A_542, %mul3A_548 : i32
      %dma_wait3A_550 = arith.constant 0 : i32
      %dma_wait3A_551 = tpu.memref_slice %arg14[%dma_wait3A_550, %mul3A_549] : memref<4x6400xi32, #tpu.memory_space<vmem>> -> memref<1x128xi32, #tpu.memory_space<vmem>>
      %dma_wait3A_552 = tpu.memref_squeeze %dma_wait3A_551 : memref<1x128xi32, #tpu.memory_space<vmem>> -> memref<128xi32, #tpu.memory_space<vmem>>
      %dma_wait3A_553 = arith.constant 0 : i32
      %dma_wait3A_554 = arith.constant 0 : i32
      %dma_wait3A_555 = tpu.memref_slice %arg9[%dma_wait3A_553, %dma_wait3A_554] : memref<100000x64xf32, #tpu.memory_space<hbm>> -> memref<100000x64xf32, #tpu.memory_space<hbm>>
      tpu.wait_indirect_dma semaphore(%arg22 : memref<!tpu.dma_semaphore, #tpu.memory_space<semaphore_mem>>) src(%dma_wait3A_555 : memref<100000x64xf32, #tpu.memory_space<hbm>>) dst(%arg18 : memref<128x64xf32, #tpu.memory_space<vmem>>)
      %dma_wait3A_556 = arith.constant 1 : i32
      %dma_wait3A_557 = tpu.memref_slice %arg14[%dma_wait3A_556, %mul3A_549] : memref<4x6400xi32, #tpu.memory_space<vmem>> -> memref<1x128xi32, #tpu.memory_space<vmem>>
      %dma_wait3A_558 = tpu.memref_squeeze %dma_wait3A_557 : memref<1x128xi32, #tpu.memory_space<vmem>> -> memref<128xi32, #tpu.memory_space<vmem>>
      %dma_wait3A_559 = arith.constant 0 : i32
      %dma_wait3A_560 = arith.constant 0 : i32
      %dma_wait3A_561 = tpu.memref_slice %arg10[%dma_wait3A_559, %dma_wait3A_560] : memref<100000x64xf32, #tpu.memory_space<hbm>> -> memref<100000x64xf32, #tpu.memory_space<hbm>>
      tpu.wait_indirect_dma semaphore(%arg22 : memref<!tpu.dma_semaphore, #tpu.memory_space<semaphore_mem>>) src(%dma_wait3A_561 : memref<100000x64xf32, #tpu.memory_space<hbm>>) dst(%arg18 : memref<128x64xf32, #tpu.memory_space<vmem>>)
      %dma_wait3A_562 = arith.constant 2 : i32
      %dma_wait3A_563 = tpu.memref_slice %arg14[%dma_wait3A_562, %mul3A_549] : memref<4x6400xi32, #tpu.memory_space<vmem>> -> memref<1x128xi32, #tpu.memory_space<vmem>>
      %dma_wait3A_564 = tpu.memref_squeeze %dma_wait3A_563 : memref<1x128xi32, #tpu.memory_space<vmem>> -> memref<128xi32, #tpu.memory_space<vmem>>
      %dma_wait3A_565 = arith.constant 0 : i32
      %dma_wait3A_566 = arith.constant 0 : i32
      %dma_wait3A_567 = tpu.memref_slice %arg11[%dma_wait3A_565, %dma_wait3A_566] : memref<100000x64xf32, #tpu.memory_space<hbm>> -> memref<100000x64xf32, #tpu.memory_space<hbm>>
      tpu.wait_indirect_dma semaphore(%arg22 : memref<!tpu.dma_semaphore, #tpu.memory_space<semaphore_mem>>) src(%dma_wait3A_567 : memref<100000x64xf32, #tpu.memory_space<hbm>>) dst(%arg18 : memref<128x64xf32, #tpu.memory_space<vmem>>)
      %dma_wait3A_568 = arith.constant 3 : i32
      %dma_wait3A_569 = tpu.memref_slice %arg14[%dma_wait3A_568, %mul3A_549] : memref<4x6400xi32, #tpu.memory_space<vmem>> -> memref<1x128xi32, #tpu.memory_space<vmem>>
      %dma_wait3A_570 = tpu.memref_squeeze %dma_wait3A_569 : memref<1x128xi32, #tpu.memory_space<vmem>> -> memref<128xi32, #tpu.memory_space<vmem>>
      %dma_wait3A_571 = arith.constant 0 : i32
      %dma_wait3A_572 = arith.constant 0 : i32
      %dma_wait3A_573 = tpu.memref_slice %arg12[%dma_wait3A_571, %dma_wait3A_572] : memref<100000x64xf32, #tpu.memory_space<hbm>> -> memref<100000x64xf32, #tpu.memory_space<hbm>>
      tpu.wait_indirect_dma semaphore(%arg22 : memref<!tpu.dma_semaphore, #tpu.memory_space<semaphore_mem>>) src(%dma_wait3A_573 : memref<100000x64xf32, #tpu.memory_space<hbm>>) dst(%arg18 : memref<128x64xf32, #tpu.memory_space<vmem>>)
      %mul3A_574 = arith.constant 128 : i32
      %mul3A_575 = arith.muli %mul3A_542, %mul3A_574 : i32
      %scan3A_576 = arith.constant 0 : i32
      %scan3A_577 = arith.constant 8 : i32
      %scan3A_578 = arith.addi %scan3A_576, %scan3A_577 : i32
      %scan3A_579 = arith.constant 1 : i32
      scf.for %scan3A_1028 = %scan3A_576 to %scan3A_578 step %scan3A_579  : i32 {
        %mul3A_1029 = arith.constant 16 : i32
        %mul3A_1030 = arith.muli %scan3A_1028, %mul3A_1029 : i32
        %add3A_1031 = arith.addi %mul3A_575, %mul3A_1030 : i32
        %get3A_1032 = arith.constant 0 : i32
        %get3A_1033 = arith.index_cast %get3A_1032 : i32 to index
        %get3A_1034 = arith.index_cast %add3A_1031 : i32 to index
        %get3A_1035 = tpu.vector_load %arg14[%get3A_1033, %get3A_1034] {strides = array<i32>} : memref<4x6400xi32, #tpu.memory_space<vmem>>, vector<16xi32>,
        %get3A_1036 = arith.constant 1 : i32
        %get3A_1037 = arith.index_cast %get3A_1036 : i32 to index
        %get3A_1038 = arith.index_cast %add3A_1031 : i32 to index
        %get3A_1039 = tpu.vector_load %arg14[%get3A_1037, %get3A_1038] {strides = array<i32>} : memref<4x6400xi32, #tpu.memory_space<vmem>>, vector<16xi32>,
        %get3A_1040 = arith.constant 2 : i32
        %get3A_1041 = arith.index_cast %get3A_1040 : i32 to index
        %get3A_1042 = arith.index_cast %add3A_1031 : i32 to index
        %get3A_1043 = tpu.vector_load %arg14[%get3A_1041, %get3A_1042] {strides = array<i32>} : memref<4x6400xi32, #tpu.memory_space<vmem>>, vector<16xi32>,
        %get3A_1044 = arith.constant 3 : i32
        %get3A_1045 = arith.index_cast %get3A_1044 : i32 to index
        %get3A_1046 = arith.index_cast %add3A_1031 : i32 to index
        %get3A_1047 = tpu.vector_load %arg14[%get3A_1045, %get3A_1046] {strides = array<i32>} : memref<4x6400xi32, #tpu.memory_space<vmem>>, vector<16xi32>,
        %eq3A_1048 = arith.constant 0 : i32
        %eq3A_1049 = vector.broadcast %eq3A_1048 : i32 to vector<16xi32>
        %eq3A_1050 = arith.cmpi eq, %get3A_1035, %eq3A_1049 : vector<16xi32>
        %eq3A_1051 = arith.constant 0 : i32
        %eq3A_1052 = vector.broadcast %eq3A_1051 : i32 to vector<16xi32>
        %eq3A_1053 = arith.cmpi eq, %get3A_1039, %eq3A_1052 : vector<16xi32>
        %or3A = arith.ori %eq3A_1050, %eq3A_1053 : vector<16xi1>
        %eq3A_1054 = arith.constant 0 : i32
        %eq3A_1055 = vector.broadcast %eq3A_1054 : i32 to vector<16xi32>
        %eq3A_1056 = arith.cmpi eq, %get3A_1043, %eq3A_1055 : vector<16xi32>
        %or3A_1057 = arith.ori %or3A, %eq3A_1056 : vector<16xi1>
        %eq3A_1058 = arith.constant 0 : i32
        %eq3A_1059 = vector.broadcast %eq3A_1058 : i32 to vector<16xi32>
        %eq3A_1060 = arith.cmpi eq, %get3A_1047, %eq3A_1059 : vector<16xi32>
        %or3A_1061 = arith.ori %or3A_1057, %eq3A_1060 : vector<16xi1>
        %reduce_or3A = arith.constant 1.000000e+00 : f32
        %reduce_or3A_1062 = arith.constant 0.000000e+00 : f32
        %reduce_or3A_1063 = vector.broadcast %reduce_or3A : f32 to vector<16xf32>
        %reduce_or3A_1064 = vector.broadcast %reduce_or3A_1062 : f32 to vector<16xf32>
        %reduce_or3A_1065 = arith.select %or3A_1061, %reduce_or3A_1063, %reduce_or3A_1064 : vector<16xi1>, vector<16xf32>
        %reduce_or3A_1066 = arith.constant true
        %reduce_or3A_1067 = vector.broadcast %reduce_or3A_1066 : i1 to vector<16xi1>
        %reduce_or3A_1068 = tpu.scan <max>, %reduce_or3A_1065 masked %reduce_or3A_1067 : vector<16xf32>, vector<16xi1> -> vector<16xf32>
        %reduce_or3A_1069 = vector.extract %reduce_or3A_1068[15] : f32 from vector<16xf32>
        %reduce_or3A_1070 = arith.constant 0.000000e+00 : f32
        %reduce_or3A_1071 = arith.cmpf ogt, %reduce_or3A_1069, %reduce_or3A_1070 : f32
        %convert_element_type3A_1072 = arith.extui %reduce_or3A_1071 : i1 to i32
        %cond3A_1073 = arith.constant 0 : i32
        %cond3A_1074 = arith.cmpi ne, %convert_element_type3A_1072, %cond3A_1073 : i32
        scf.if %cond3A_1074 {
          %scan3A_1075 = arith.constant 0 : i32
          %scan3A_1076 = arith.constant 16 : i32
          %scan3A_1077 = arith.addi %scan3A_1075, %scan3A_1076 : i32
          %scan3A_1078 = arith.constant 1 : i32
          scf.for %scan3A_1080 = %scan3A_1075 to %scan3A_1077 step %scan3A_1078  : i32 {
            %add3A_1081 = arith.addi %add3A_1031, %scan3A_1080 : i32
            %broadcast_in_dim3A = vector.broadcast %add3A_1081 : i32 to vector<16xi32>
            %broadcast_in_dim3A_1082 = arith.constant 0 : i32
            %broadcast_in_dim3A_1083 = vector.broadcast %broadcast_in_dim3A_1082 : i32 to vector<16xi32>
            %gather3A = tpu.vector_load_idx %arg14[%broadcast_in_dim3A_1083, %broadcast_in_dim3A] : memref<4x6400xi32, #tpu.memory_space<vmem>>[vector<16xi32>, vector<16xi32>], vector<16xi32>,
            %eq3A_1084 = arith.constant 0 : i32
            %eq3A_1085 = vector.broadcast %eq3A_1084 : i32 to vector<16xi32>
            %eq3A_1086 = arith.cmpi eq, %gather3A, %eq3A_1085 : vector<16xi32>
            %jit3A_1087 = arith.constant -1.000000e+00 : f32
            %jit3A_1088 = arith.constant 0.000000e+00 : f32
            %broadcast_in_dim3A_1089 = vector.broadcast %jit3A_1087 : f32 to vector<16xf32>
            %broadcast_in_dim3A_1090 = vector.broadcast %jit3A_1088 : f32 to vector<16xf32>
            %select_n3A_1091 = arith.select %eq3A_1086, %broadcast_in_dim3A_1089, %broadcast_in_dim3A_1090 : vector<16xi1>, vector<16xf32>
            %broadcast_in_dim3A_1092 = arith.constant 1 : i32
            %broadcast_in_dim3A_1093 = vector.broadcast %broadcast_in_dim3A_1092 : i32 to vector<16xi32>
            %gather3A_1094 = tpu.vector_load_idx %arg14[%broadcast_in_dim3A_1093, %broadcast_in_dim3A] : memref<4x6400xi32, #tpu.memory_space<vmem>>[vector<16xi32>, vector<16xi32>], vector<16xi32>,
            %eq3A_1095 = arith.constant 0 : i32
            %eq3A_1096 = vector.broadcast %eq3A_1095 : i32 to vector<16xi32>
            %eq3A_1097 = arith.cmpi eq, %gather3A_1094, %eq3A_1096 : vector<16xi32>
            %jit3A_1098 = arith.constant -1.000000e+00 : f32
            %jit3A_1099 = arith.constant 0.000000e+00 : f32
            %broadcast_in_dim3A_1100 = vector.broadcast %jit3A_1098 : f32 to vector<16xf32>
            %broadcast_in_dim3A_1101 = vector.broadcast %jit3A_1099 : f32 to vector<16xf32>
            %select_n3A_1102 = arith.select %eq3A_1097, %broadcast_in_dim3A_1100, %broadcast_in_dim3A_1101 : vector<16xi1>, vector<16xf32>
            %broadcast_in_dim3A_1103 = arith.constant 2 : i32
            %broadcast_in_dim3A_1104 = vector.broadcast %broadcast_in_dim3A_1103 : i32 to vector<16xi32>
            %gather3A_1105 = tpu.vector_load_idx %arg14[%broadcast_in_dim3A_1104, %broadcast_in_dim3A] : memref<4x6400xi32, #tpu.memory_space<vmem>>[vector<16xi32>, vector<16xi32>], vector<16xi32>,
            %eq3A_1106 = arith.constant 0 : i32
            %eq3A_1107 = vector.broadcast %eq3A_1106 : i32 to vector<16xi32>
            %eq3A_1108 = arith.cmpi eq, %gather3A_1105, %eq3A_1107 : vector<16xi32>
            %jit3A_1109 = arith.constant -1.000000e+00 : f32
            %jit3A_1110 = arith.constant 0.000000e+00 : f32
            %broadcast_in_dim3A_1111 = vector.broadcast %jit3A_1109 : f32 to vector<16xf32>
            %broadcast_in_dim3A_1112 = vector.broadcast %jit3A_1110 : f32 to vector<16xf32>
            %select_n3A_1113 = arith.select %eq3A_1108, %broadcast_in_dim3A_1111, %broadcast_in_dim3A_1112 : vector<16xi1>, vector<16xf32>
            %broadcast_in_dim3A_1114 = arith.constant 3 : i32
            %broadcast_in_dim3A_1115 = vector.broadcast %broadcast_in_dim3A_1114 : i32 to vector<16xi32>
            %gather3A_1116 = tpu.vector_load_idx %arg14[%broadcast_in_dim3A_1115, %broadcast_in_dim3A] : memref<4x6400xi32, #tpu.memory_space<vmem>>[vector<16xi32>, vector<16xi32>], vector<16xi32>,
            %eq3A_1117 = arith.constant 0 : i32
            %eq3A_1118 = vector.broadcast %eq3A_1117 : i32 to vector<16xi32>
            %eq3A_1119 = arith.cmpi eq, %gather3A_1116, %eq3A_1118 : vector<16xi32>
            %jit3A_1120 = arith.constant -1.000000e+00 : f32
            %jit3A_1121 = arith.constant 0.000000e+00 : f32
            %broadcast_in_dim3A_1122 = vector.broadcast %jit3A_1120 : f32 to vector<16xf32>
            %broadcast_in_dim3A_1123 = vector.broadcast %jit3A_1121 : f32 to vector<16xf32>
            %select_n3A_1124 = arith.select %eq3A_1119, %broadcast_in_dim3A_1122, %broadcast_in_dim3A_1123 : vector<16xi1>, vector<16xf32>
            %mul3A_1125 = arith.constant 16 : i32
            %mul3A_1126 = arith.muli %scan3A_1028, %mul3A_1125 : i32
            %add3A_1127 = arith.addi %mul3A_1126, %scan3A_1080 : i32
            %get3A_1128 = arith.constant 0 : i32
            %get3A_1129 = arith.index_cast %get3A_1128 : i32 to index
            %get3A_1130 = arith.constant 0 : index
            %get3A_1131 = tpu.vector_load %arg17[%get3A_1129, %get3A_1130] {strides = array<i32>} : memref<4x64xf32, #tpu.memory_space<vmem>>, vector<16xf32>,
            %mul3A_1132 = arith.mulf %select_n3A_1091, %get3A_1131 : vector<16xf32>
            %get3A_1133 = arith.constant 1 : i32
            %get3A_1134 = arith.index_cast %get3A_1133 : i32 to index
            %get3A_1135 = arith.constant 0 : index
            %get3A_1136 = tpu.vector_load %arg17[%get3A_1134, %get3A_1135] {strides = array<i32>} : memref<4x64xf32, #tpu.memory_space<vmem>>, vector<16xf32>,
            %mul3A_1137 = arith.mulf %select_n3A_1102, %get3A_1136 : vector<16xf32>
            %add3A_1138 = arith.addf %mul3A_1132, %mul3A_1137 : vector<16xf32>
            %get3A_1139 = arith.constant 2 : i32
            %get3A_1140 = arith.index_cast %get3A_1139 : i32 to index
            %get3A_1141 = arith.constant 0 : index
            %get3A_1142 = tpu.vector_load %arg17[%get3A_1140, %get3A_1141] {strides = array<i32>} : memref<4x64xf32, #tpu.memory_space<vmem>>, vector<16xf32>,
            %mul3A_1143 = arith.mulf %select_n3A_1113, %get3A_1142 : vector<16xf32>
            %add3A_1144 = arith.addf %add3A_1138, %mul3A_1143 : vector<16xf32>
            %get3A_1145 = arith.constant 3 : i32
            %get3A_1146 = arith.index_cast %get3A_1145 : i32 to index
            %get3A_1147 = arith.constant 0 : index
            %get3A_1148 = tpu.vector_load %arg17[%get3A_1146, %get3A_1147] {strides = array<i32>} : memref<4x64xf32, #tpu.memory_space<vmem>>, vector<16xf32>,
            %mul3A_1149 = arith.mulf %select_n3A_1124, %get3A_1148 : vector<16xf32>
            %add3A_1150 = arith.addf %add3A_1144, %mul3A_1149 : vector<16xf32>
            %swap3A = arith.index_cast %add3A_1127 : i32 to index
            %swap3A_1151 = arith.constant 0 : index
            %swap3A_1152 = tpu.vector_load %arg18[%swap3A, %swap3A_1151] {strides = array<i32>} : memref<128x64xf32, #tpu.memory_space<vmem>>, vector<16xf32>,
            tpu.vector_store %arg18[%swap3A, %swap3A_1151], %add3A_1150 {add = true, strides = array<i32>} : memref<128x64xf32, #tpu.memory_space<vmem>>, vector<16xf32>,
            %get3A_1153 = arith.constant 0 : i32
            %get3A_1154 = arith.index_cast %get3A_1153 : i32 to index
            %get3A_1155 = arith.constant 16 : index
            %get3A_1156 = tpu.vector_load %arg17[%get3A_1154, %get3A_1155] {strides = array<i32>} : memref<4x64xf32, #tpu.memory_space<vmem>>, vector<16xf32>,
            %mul3A_1157 = arith.mulf %select_n3A_1091, %get3A_1156 : vector<16xf32>
            %get3A_1158 = arith.constant 1 : i32
            %get3A_1159 = arith.index_cast %get3A_1158 : i32 to index
            %get3A_1160 = arith.constant 16 : index
            %get3A_1161 = tpu.vector_load %arg17[%get3A_1159, %get3A_1160] {strides = array<i32>} : memref<4x64xf32, #tpu.memory_space<vmem>>, vector<16xf32>,
            %mul3A_1162 = arith.mulf %select_n3A_1102, %get3A_1161 : vector<16xf32>
            %add3A_1163 = arith.addf %mul3A_1157, %mul3A_1162 : vector<16xf32>
            %get3A_1164 = arith.constant 2 : i32
            %get3A_1165 = arith.index_cast %get3A_1164 : i32 to index
            %get3A_1166 = arith.constant 16 : index
            %get3A_1167 = tpu.vector_load %arg17[%get3A_1165, %get3A_1166] {strides = array<i32>} : memref<4x64xf32, #tpu.memory_space<vmem>>, vector<16xf32>,
            %mul3A_1168 = arith.mulf %select_n3A_1113, %get3A_1167 : vector<16xf32>
            %add3A_1169 = arith.addf %add3A_1163, %mul3A_1168 : vector<16xf32>
            %get3A_1170 = arith.constant 3 : i32
            %get3A_1171 = arith.index_cast %get3A_1170 : i32 to index
            %get3A_1172 = arith.constant 16 : index
            %get3A_1173 = tpu.vector_load %arg17[%get3A_1171, %get3A_1172] {strides = array<i32>} : memref<4x64xf32, #tpu.memory_space<vmem>>, vector<16xf32>,
            %mul3A_1174 = arith.mulf %select_n3A_1124, %get3A_1173 : vector<16xf32>
            %add3A_1175 = arith.addf %add3A_1169, %mul3A_1174 : vector<16xf32>
            %swap3A_1176 = arith.index_cast %add3A_1127 : i32 to index
            %swap3A_1177 = arith.constant 16 : index
            %swap3A_1178 = tpu.vector_load %arg18[%swap3A_1176, %swap3A_1177] {strides = array<i32>} : memref<128x64xf32, #tpu.memory_space<vmem>>, vector<16xf32>,
            tpu.vector_store %arg18[%swap3A_1176, %swap3A_1177], %add3A_1175 {add = true, strides = array<i32>} : memref<128x64xf32, #tpu.memory_space<vmem>>, vector<16xf32>,
            %get3A_1179 = arith.constant 0 : i32
            %get3A_1180 = arith.index_cast %get3A_1179 : i32 to index
            %get3A_1181 = arith.constant 32 : index
            %get3A_1182 = tpu.vector_load %arg17[%get3A_1180, %get3A_1181] {strides = array<i32>} : memref<4x64xf32, #tpu.memory_space<vmem>>, vector<16xf32>,
            %mul3A_1183 = arith.mulf %select_n3A_1091, %get3A_1182 : vector<16xf32>
            %get3A_1184 = arith.constant 1 : i32
            %get3A_1185 = arith.index_cast %get3A_1184 : i32 to index
            %get3A_1186 = arith.constant 32 : index
            %get3A_1187 = tpu.vector_load %arg17[%get3A_1185, %get3A_1186] {strides = array<i32>} : memref<4x64xf32, #tpu.memory_space<vmem>>, vector<16xf32>,
            %mul3A_1188 = arith.mulf %select_n3A_1102, %get3A_1187 : vector<16xf32>
            %add3A_1189 = arith.addf %mul3A_1183, %mul3A_1188 : vector<16xf32>
            %get3A_1190 = arith.constant 2 : i32
            %get3A_1191 = arith.index_cast %get3A_1190 : i32 to index
            %get3A_1192 = arith.constant 32 : index
            %get3A_1193 = tpu.vector_load %arg17[%get3A_1191, %get3A_1192] {strides = array<i32>} : memref<4x64xf32, #tpu.memory_space<vmem>>, vector<16xf32>,
            %mul3A_1194 = arith.mulf %select_n3A_1113, %get3A_1193 : vector<16xf32>
            %add3A_1195 = arith.addf %add3A_1189, %mul3A_1194 : vector<16xf32>
            %get3A_1196 = arith.constant 3 : i32
            %get3A_1197 = arith.index_cast %get3A_1196 : i32 to index
            %get3A_1198 = arith.constant 32 : index
            %get3A_1199 = tpu.vector_load %arg17[%get3A_1197, %get3A_1198] {strides = array<i32>} : memref<4x64xf32, #tpu.memory_space<vmem>>, vector<16xf32>,
            %mul3A_1200 = arith.mulf %select_n3A_1124, %get3A_1199 : vector<16xf32>
            %add3A_1201 = arith.addf %add3A_1195, %mul3A_1200 : vector<16xf32>
            %swap3A_1202 = arith.index_cast %add3A_1127 : i32 to index
            %swap3A_1203 = arith.constant 32 : index
            %swap3A_1204 = tpu.vector_load %arg18[%swap3A_1202, %swap3A_1203] {strides = array<i32>} : memref<128x64xf32, #tpu.memory_space<vmem>>, vector<16xf32>,
            tpu.vector_store %arg18[%swap3A_1202, %swap3A_1203], %add3A_1201 {add = true, strides = array<i32>} : memref<128x64xf32, #tpu.memory_space<vmem>>, vector<16xf32>,
            %get3A_1205 = arith.constant 0 : i32
            %get3A_1206 = arith.index_cast %get3A_1205 : i32 to index
            %get3A_1207 = arith.constant 48 : index
            %get3A_1208 = tpu.vector_load %arg17[%get3A_1206, %get3A_1207] {strides = array<i32>} : memref<4x64xf32, #tpu.memory_space<vmem>>, vector<16xf32>,
            %mul3A_1209 = arith.mulf %select_n3A_1091, %get3A_1208 : vector<16xf32>
            %get3A_1210 = arith.constant 1 : i32
            %get3A_1211 = arith.index_cast %get3A_1210 : i32 to index
            %get3A_1212 = arith.constant 48 : index
            %get3A_1213 = tpu.vector_load %arg17[%get3A_1211, %get3A_1212] {strides = array<i32>} : memref<4x64xf32, #tpu.memory_space<vmem>>, vector<16xf32>,
            %mul3A_1214 = arith.mulf %select_n3A_1102, %get3A_1213 : vector<16xf32>
            %add3A_1215 = arith.addf %mul3A_1209, %mul3A_1214 : vector<16xf32>
            %get3A_1216 = arith.constant 2 : i32
            %get3A_1217 = arith.index_cast %get3A_1216 : i32 to index
            %get3A_1218 = arith.constant 48 : index
            %get3A_1219 = tpu.vector_load %arg17[%get3A_1217, %get3A_1218] {strides = array<i32>} : memref<4x64xf32, #tpu.memory_space<vmem>>, vector<16xf32>,
            %mul3A_1220 = arith.mulf %select_n3A_1113, %get3A_1219 : vector<16xf32>
            %add3A_1221 = arith.addf %add3A_1215, %mul3A_1220 : vector<16xf32>
            %get3A_1222 = arith.constant 3 : i32
            %get3A_1223 = arith.index_cast %get3A_1222 : i32 to index
            %get3A_1224 = arith.constant 48 : index
            %get3A_1225 = tpu.vector_load %arg17[%get3A_1223, %get3A_1224] {strides = array<i32>} : memref<4x64xf32, #tpu.memory_space<vmem>>, vector<16xf32>,
            %mul3A_1226 = arith.mulf %select_n3A_1124, %get3A_1225 : vector<16xf32>
            %add3A_1227 = arith.addf %add3A_1221, %mul3A_1226 : vector<16xf32>
            %swap3A_1228 = arith.index_cast %add3A_1127 : i32 to index
            %swap3A_1229 = arith.constant 48 : index
            %swap3A_1230 = tpu.vector_load %arg18[%swap3A_1228, %swap3A_1229] {strides = array<i32>} : memref<128x64xf32, #tpu.memory_space<vmem>>, vector<16xf32>,
            tpu.vector_store %arg18[%swap3A_1228, %swap3A_1229], %add3A_1227 {add = true, strides = array<i32>} : memref<128x64xf32, #tpu.memory_space<vmem>>, vector<16xf32>,
          }
          %scan3A_1079 = arith.constant 16 : i32
        } else {
        }
      }
      %scan3A_580 = arith.constant 8 : i32
      %ge3A = arith.constant 2 : i32
      %ge3A_581 = arith.cmpi sge, %mul3A_542, %ge3A : i32
      %convert_element_type3A_582 = arith.extui %ge3A_581 : i1 to i32
      %cond3A_583 = arith.constant 0 : i32
      %cond3A_584 = arith.cmpi ne, %convert_element_type3A_582, %cond3A_583 : i32
      scf.if %cond3A_584 {
        %sub3A_1028 = arith.constant 2 : i32
        %sub3A_1029 = arith.subi %mul3A_542, %sub3A_1028 : i32
        %mul3A_1030 = arith.constant 50 : i32
        %mul3A_1031 = arith.muli %add3A, %mul3A_1030 : i32
        %add3A_1032 = arith.addi %mul3A_1031, %sub3A_1029 : i32
        %jit3A_1033 = arith.constant 32 : i32
        %div3A_1034 = arith.divsi %add3A_1032, %jit3A_1033 : i32
        %sign3A_1035 = arith.constant 0 : i32
        %sign3A_1036 = arith.cmpi sgt, %add3A_1032, %sign3A_1035 : i32
        %sign3A_1037 = arith.extui %sign3A_1036 : i1 to i32
        %sign3A_1038 = arith.constant 0 : i32
        %sign3A_1039 = arith.cmpi slt, %add3A_1032, %sign3A_1038 : i32
        %sign3A_1040 = arith.extui %sign3A_1039 : i1 to i32
        %sign3A_1041 = arith.subi %sign3A_1037, %sign3A_1040 : i32
        %sign3A_1042 = arith.constant 0 : i32
        %sign3A_1043 = arith.cmpi sgt, %jit3A_1033, %sign3A_1042 : i32
        %sign3A_1044 = arith.extui %sign3A_1043 : i1 to i32
        %sign3A_1045 = arith.constant 0 : i32
        %sign3A_1046 = arith.cmpi slt, %jit3A_1033, %sign3A_1045 : i32
        %sign3A_1047 = arith.extui %sign3A_1046 : i1 to i32
        %sign3A_1048 = arith.subi %sign3A_1044, %sign3A_1047 : i32
        %ne3A_1049 = arith.cmpi ne, %sign3A_1041, %sign3A_1048 : i32
        %rem3A_1050 = arith.remsi %add3A_1032, %jit3A_1033 : i32
        %ne3A_1051 = arith.constant 0 : i32
        %ne3A_1052 = arith.cmpi ne, %rem3A_1050, %ne3A_1051 : i32
        %and3A_1053 = arith.andi %ne3A_1049, %ne3A_1052 : i1
        %sub3A_1054 = arith.constant 1 : i32
        %sub3A_1055 = arith.subi %div3A_1034, %sub3A_1054 : i32
        %select_n3A_1056 = arith.select %and3A_1053, %sub3A_1055, %div3A_1034 : i32
        %jit3A_1057 = arith.constant 32 : i32
        %eq3A_1058 = arith.constant 0 : i32
        %eq3A_1059 = arith.cmpi eq, %jit3A_1057, %eq3A_1058 : i32
        %jit3A_1060 = arith.constant 1 : i32
        %select_n3A_1061 = arith.select %eq3A_1059, %jit3A_1060, %jit3A_1057 : i32
        %rem3A_1062 = arith.remsi %add3A_1032, %select_n3A_1061 : i32
        %ne3A_1063 = arith.constant 0 : i32
        %ne3A_1064 = arith.cmpi ne, %rem3A_1062, %ne3A_1063 : i32
        %lt3A_1065 = arith.constant 0 : i32
        %lt3A_1066 = arith.cmpi slt, %rem3A_1062, %lt3A_1065 : i32
        %lt3A_1067 = arith.constant 0 : i32
        %lt3A_1068 = arith.cmpi slt, %select_n3A_1061, %lt3A_1067 : i32
        %ne3A_1069 = arith.xori %lt3A_1066, %lt3A_1068 : i1
        %and3A_1070 = arith.andi %ne3A_1069, %ne3A_1064 : i1
        %add3A_1071 = arith.addi %rem3A_1062, %select_n3A_1061 : i32
        %select_n3A_1072 = arith.select %and3A_1070, %add3A_1071, %rem3A_1062 : i32
        %mul3A_1073 = arith.constant 8 : i32
        %mul3A_1074 = arith.muli %select_n3A_1056, %mul3A_1073 : i32
        %add3A_1075 = arith.constant 0 : i32
        %add3A_1076 = arith.addi %mul3A_1074, %add3A_1075 : i32
        %mul3A_1077 = arith.constant 32 : i32
        %mul3A_1078 = arith.muli %add3A_1076, %mul3A_1077 : i32
        %add3A_1079 = arith.addi %mul3A_1078, %select_n3A_1072 : i32
        %mul3A_1080 = arith.constant 8 : i32
        %mul3A_1081 = arith.muli %add3A_1079, %mul3A_1080 : i32
        %dma_wait3A_1082 = arith.constant 0 : i32
        %dma_wait3A_1083 = arith.constant 0 : i32
        %dma_wait3A_1084 = tpu.memref_slice %arg20[%dma_wait3A_1082, %dma_wait3A_1083] : memref<64x129xf32, #tpu.memory_space<vmem>> -> memref<8x128xf32, #tpu.memory_space<vmem>>
        %dma_wait3A_1085 = arith.constant 0 : i32
        %dma_wait3A_1086 = tpu.memref_slice %arg13[%mul3A_1081, %dma_wait3A_1085] : memref<102400x128xf32, #tpu.memory_space<hbm>> -> memref<8x128xf32, #tpu.memory_space<hbm>>
        %dma_wait3A_1087 = arith.constant 0 : i32
        %dma_wait3A_1088 = tpu.memref_slice %arg13[%mul3A_1081, %dma_wait3A_1087] : memref<102400x128xf32, #tpu.memory_space<hbm>> -> memref<8x128xf32, #tpu.memory_space<hbm>>
        %dma_wait3A_1089 = arith.constant 0 : i32
        %dma_wait3A_1090 = arith.constant 0 : i32
        %dma_wait3A_1091 = tpu.memref_slice %arg20[%dma_wait3A_1089, %dma_wait3A_1090] : memref<64x129xf32, #tpu.memory_space<vmem>> -> memref<8x128xf32, #tpu.memory_space<vmem>>
        tpu.wait_dma2 semaphore(%arg24 : memref<!tpu.dma_semaphore, #tpu.memory_space<semaphore_mem>>) src(%dma_wait3A_1091 : memref<8x128xf32, #tpu.memory_space<vmem>>) dst(%dma_wait3A_1088 : memref<8x128xf32, #tpu.memory_space<hbm>>)
        %mul3A_1092 = arith.constant 8 : i32
        %mul3A_1093 = arith.muli %select_n3A_1056, %mul3A_1092 : i32
        %add3A_1094 = arith.constant 1 : i32
        %add3A_1095 = arith.addi %mul3A_1093, %add3A_1094 : i32
        %mul3A_1096 = arith.constant 32 : i32
        %mul3A_1097 = arith.muli %add3A_1095, %mul3A_1096 : i32
        %add3A_1098 = arith.addi %mul3A_1097, %select_n3A_1072 : i32
        %mul3A_1099 = arith.constant 8 : i32
        %mul3A_1100 = arith.muli %add3A_1098, %mul3A_1099 : i32
        %dma_wait3A_1101 = arith.constant 8 : i32
        %dma_wait3A_1102 = arith.constant 0 : i32
        %dma_wait3A_1103 = tpu.memref_slice %arg20[%dma_wait3A_1101, %dma_wait3A_1102] : memref<64x129xf32, #tpu.memory_space<vmem>> -> memref<8x128xf32, #tpu.memory_space<vmem>>
        %dma_wait3A_1104 = arith.constant 0 : i32
        %dma_wait3A_1105 = tpu.memref_slice %arg13[%mul3A_1100, %dma_wait3A_1104] : memref<102400x128xf32, #tpu.memory_space<hbm>> -> memref<8x128xf32, #tpu.memory_space<hbm>>
        %dma_wait3A_1106 = arith.constant 0 : i32
        %dma_wait3A_1107 = tpu.memref_slice %arg13[%mul3A_1100, %dma_wait3A_1106] : memref<102400x128xf32, #tpu.memory_space<hbm>> -> memref<8x128xf32, #tpu.memory_space<hbm>>
        %dma_wait3A_1108 = arith.constant 8 : i32
        %dma_wait3A_1109 = arith.constant 0 : i32
        %dma_wait3A_1110 = tpu.memref_slice %arg20[%dma_wait3A_1108, %dma_wait3A_1109] : memref<64x129xf32, #tpu.memory_space<vmem>> -> memref<8x128xf32, #tpu.memory_space<vmem>>
        tpu.wait_dma2 semaphore(%arg24 : memref<!tpu.dma_semaphore, #tpu.memory_space<semaphore_mem>>) src(%dma_wait3A_1110 : memref<8x128xf32, #tpu.memory_space<vmem>>) dst(%dma_wait3A_1107 : memref<8x128xf32, #tpu.memory_space<hbm>>)
        %mul3A_1111 = arith.constant 8 : i32
        %mul3A_1112 = arith.muli %select_n3A_1056, %mul3A_1111 : i32
        %add3A_1113 = arith.constant 2 : i32
        %add3A_1114 = arith.addi %mul3A_1112, %add3A_1113 : i32
        %mul3A_1115 = arith.constant 32 : i32
        %mul3A_1116 = arith.muli %add3A_1114, %mul3A_1115 : i32
        %add3A_1117 = arith.addi %mul3A_1116, %select_n3A_1072 : i32
        %mul3A_1118 = arith.constant 8 : i32
        %mul3A_1119 = arith.muli %add3A_1117, %mul3A_1118 : i32
        %dma_wait3A_1120 = arith.constant 16 : i32
        %dma_wait3A_1121 = arith.constant 0 : i32
        %dma_wait3A_1122 = tpu.memref_slice %arg20[%dma_wait3A_1120, %dma_wait3A_1121] : memref<64x129xf32, #tpu.memory_space<vmem>> -> memref<8x128xf32, #tpu.memory_space<vmem>>
        %dma_wait3A_1123 = arith.constant 0 : i32
        %dma_wait3A_1124 = tpu.memref_slice %arg13[%mul3A_1119, %dma_wait3A_1123] : memref<102400x128xf32, #tpu.memory_space<hbm>> -> memref<8x128xf32, #tpu.memory_space<hbm>>
        %dma_wait3A_1125 = arith.constant 0 : i32
        %dma_wait3A_1126 = tpu.memref_slice %arg13[%mul3A_1119, %dma_wait3A_1125] : memref<102400x128xf32, #tpu.memory_space<hbm>> -> memref<8x128xf32, #tpu.memory_space<hbm>>
        %dma_wait3A_1127 = arith.constant 16 : i32
        %dma_wait3A_1128 = arith.constant 0 : i32
        %dma_wait3A_1129 = tpu.memref_slice %arg20[%dma_wait3A_1127, %dma_wait3A_1128] : memref<64x129xf32, #tpu.memory_space<vmem>> -> memref<8x128xf32, #tpu.memory_space<vmem>>
        tpu.wait_dma2 semaphore(%arg24 : memref<!tpu.dma_semaphore, #tpu.memory_space<semaphore_mem>>) src(%dma_wait3A_1129 : memref<8x128xf32, #tpu.memory_space<vmem>>) dst(%dma_wait3A_1126 : memref<8x128xf32, #tpu.memory_space<hbm>>)
        %mul3A_1130 = arith.constant 8 : i32
        %mul3A_1131 = arith.muli %select_n3A_1056, %mul3A_1130 : i32
        %add3A_1132 = arith.constant 3 : i32
        %add3A_1133 = arith.addi %mul3A_1131, %add3A_1132 : i32
        %mul3A_1134 = arith.constant 32 : i32
        %mul3A_1135 = arith.muli %add3A_1133, %mul3A_1134 : i32
        %add3A_1136 = arith.addi %mul3A_1135, %select_n3A_1072 : i32
        %mul3A_1137 = arith.constant 8 : i32
        %mul3A_1138 = arith.muli %add3A_1136, %mul3A_1137 : i32
        %dma_wait3A_1139 = arith.constant 24 : i32
        %dma_wait3A_1140 = arith.constant 0 : i32
        %dma_wait3A_1141 = tpu.memref_slice %arg20[%dma_wait3A_1139, %dma_wait3A_1140] : memref<64x129xf32, #tpu.memory_space<vmem>> -> memref<8x128xf32, #tpu.memory_space<vmem>>
        %dma_wait3A_1142 = arith.constant 0 : i32
        %dma_wait3A_1143 = tpu.memref_slice %arg13[%mul3A_1138, %dma_wait3A_1142] : memref<102400x128xf32, #tpu.memory_space<hbm>> -> memref<8x128xf32, #tpu.memory_space<hbm>>
        %dma_wait3A_1144 = arith.constant 0 : i32
        %dma_wait3A_1145 = tpu.memref_slice %arg13[%mul3A_1138, %dma_wait3A_1144] : memref<102400x128xf32, #tpu.memory_space<hbm>> -> memref<8x128xf32, #tpu.memory_space<hbm>>
        %dma_wait3A_1146 = arith.constant 24 : i32
        %dma_wait3A_1147 = arith.constant 0 : i32
        %dma_wait3A_1148 = tpu.memref_slice %arg20[%dma_wait3A_1146, %dma_wait3A_1147] : memref<64x129xf32, #tpu.memory_space<vmem>> -> memref<8x128xf32, #tpu.memory_space<vmem>>
        tpu.wait_dma2 semaphore(%arg24 : memref<!tpu.dma_semaphore, #tpu.memory_space<semaphore_mem>>) src(%dma_wait3A_1148 : memref<8x128xf32, #tpu.memory_space<vmem>>) dst(%dma_wait3A_1145 : memref<8x128xf32, #tpu.memory_space<hbm>>)
        %mul3A_1149 = arith.constant 8 : i32
        %mul3A_1150 = arith.muli %select_n3A_1056, %mul3A_1149 : i32
        %add3A_1151 = arith.constant 4 : i32
        %add3A_1152 = arith.addi %mul3A_1150, %add3A_1151 : i32
        %mul3A_1153 = arith.constant 32 : i32
        %mul3A_1154 = arith.muli %add3A_1152, %mul3A_1153 : i32
        %add3A_1155 = arith.addi %mul3A_1154, %select_n3A_1072 : i32
        %mul3A_1156 = arith.constant 8 : i32
        %mul3A_1157 = arith.muli %add3A_1155, %mul3A_1156 : i32
        %dma_wait3A_1158 = arith.constant 32 : i32
        %dma_wait3A_1159 = arith.constant 0 : i32
        %dma_wait3A_1160 = tpu.memref_slice %arg20[%dma_wait3A_1158, %dma_wait3A_1159] : memref<64x129xf32, #tpu.memory_space<vmem>> -> memref<8x128xf32, #tpu.memory_space<vmem>>
        %dma_wait3A_1161 = arith.constant 0 : i32
        %dma_wait3A_1162 = tpu.memref_slice %arg13[%mul3A_1157, %dma_wait3A_1161] : memref<102400x128xf32, #tpu.memory_space<hbm>> -> memref<8x128xf32, #tpu.memory_space<hbm>>
        %dma_wait3A_1163 = arith.constant 0 : i32
        %dma_wait3A_1164 = tpu.memref_slice %arg13[%mul3A_1157, %dma_wait3A_1163] : memref<102400x128xf32, #tpu.memory_space<hbm>> -> memref<8x128xf32, #tpu.memory_space<hbm>>
        %dma_wait3A_1165 = arith.constant 32 : i32
        %dma_wait3A_1166 = arith.constant 0 : i32
        %dma_wait3A_1167 = tpu.memref_slice %arg20[%dma_wait3A_1165, %dma_wait3A_1166] : memref<64x129xf32, #tpu.memory_space<vmem>> -> memref<8x128xf32, #tpu.memory_space<vmem>>
        tpu.wait_dma2 semaphore(%arg24 : memref<!tpu.dma_semaphore, #tpu.memory_space<semaphore_mem>>) src(%dma_wait3A_1167 : memref<8x128xf32, #tpu.memory_space<vmem>>) dst(%dma_wait3A_1164 : memref<8x128xf32, #tpu.memory_space<hbm>>)
        %mul3A_1168 = arith.constant 8 : i32
        %mul3A_1169 = arith.muli %select_n3A_1056, %mul3A_1168 : i32
        %add3A_1170 = arith.constant 5 : i32
        %add3A_1171 = arith.addi %mul3A_1169, %add3A_1170 : i32
        %mul3A_1172 = arith.constant 32 : i32
        %mul3A_1173 = arith.muli %add3A_1171, %mul3A_1172 : i32
        %add3A_1174 = arith.addi %mul3A_1173, %select_n3A_1072 : i32
        %mul3A_1175 = arith.constant 8 : i32
        %mul3A_1176 = arith.muli %add3A_1174, %mul3A_1175 : i32
        %dma_wait3A_1177 = arith.constant 40 : i32
        %dma_wait3A_1178 = arith.constant 0 : i32
        %dma_wait3A_1179 = tpu.memref_slice %arg20[%dma_wait3A_1177, %dma_wait3A_1178] : memref<64x129xf32, #tpu.memory_space<vmem>> -> memref<8x128xf32, #tpu.memory_space<vmem>>
        %dma_wait3A_1180 = arith.constant 0 : i32
        %dma_wait3A_1181 = tpu.memref_slice %arg13[%mul3A_1176, %dma_wait3A_1180] : memref<102400x128xf32, #tpu.memory_space<hbm>> -> memref<8x128xf32, #tpu.memory_space<hbm>>
        %dma_wait3A_1182 = arith.constant 0 : i32
        %dma_wait3A_1183 = tpu.memref_slice %arg13[%mul3A_1176, %dma_wait3A_1182] : memref<102400x128xf32, #tpu.memory_space<hbm>> -> memref<8x128xf32, #tpu.memory_space<hbm>>
        %dma_wait3A_1184 = arith.constant 40 : i32
        %dma_wait3A_1185 = arith.constant 0 : i32
        %dma_wait3A_1186 = tpu.memref_slice %arg20[%dma_wait3A_1184, %dma_wait3A_1185] : memref<64x129xf32, #tpu.memory_space<vmem>> -> memref<8x128xf32, #tpu.memory_space<vmem>>
        tpu.wait_dma2 semaphore(%arg24 : memref<!tpu.dma_semaphore, #tpu.memory_space<semaphore_mem>>) src(%dma_wait3A_1186 : memref<8x128xf32, #tpu.memory_space<vmem>>) dst(%dma_wait3A_1183 : memref<8x128xf32, #tpu.memory_space<hbm>>)
        %mul3A_1187 = arith.constant 8 : i32
        %mul3A_1188 = arith.muli %select_n3A_1056, %mul3A_1187 : i32
        %add3A_1189 = arith.constant 6 : i32
        %add3A_1190 = arith.addi %mul3A_1188, %add3A_1189 : i32
        %mul3A_1191 = arith.constant 32 : i32
        %mul3A_1192 = arith.muli %add3A_1190, %mul3A_1191 : i32
        %add3A_1193 = arith.addi %mul3A_1192, %select_n3A_1072 : i32
        %mul3A_1194 = arith.constant 8 : i32
        %mul3A_1195 = arith.muli %add3A_1193, %mul3A_1194 : i32
        %dma_wait3A_1196 = arith.constant 48 : i32
        %dma_wait3A_1197 = arith.constant 0 : i32
        %dma_wait3A_1198 = tpu.memref_slice %arg20[%dma_wait3A_1196, %dma_wait3A_1197] : memref<64x129xf32, #tpu.memory_space<vmem>> -> memref<8x128xf32, #tpu.memory_space<vmem>>
        %dma_wait3A_1199 = arith.constant 0 : i32
        %dma_wait3A_1200 = tpu.memref_slice %arg13[%mul3A_1195, %dma_wait3A_1199] : memref<102400x128xf32, #tpu.memory_space<hbm>> -> memref<8x128xf32, #tpu.memory_space<hbm>>
        %dma_wait3A_1201 = arith.constant 0 : i32
        %dma_wait3A_1202 = tpu.memref_slice %arg13[%mul3A_1195, %dma_wait3A_1201] : memref<102400x128xf32, #tpu.memory_space<hbm>> -> memref<8x128xf32, #tpu.memory_space<hbm>>
        %dma_wait3A_1203 = arith.constant 48 : i32
        %dma_wait3A_1204 = arith.constant 0 : i32
        %dma_wait3A_1205 = tpu.memref_slice %arg20[%dma_wait3A_1203, %dma_wait3A_1204] : memref<64x129xf32, #tpu.memory_space<vmem>> -> memref<8x128xf32, #tpu.memory_space<vmem>>
        tpu.wait_dma2 semaphore(%arg24 : memref<!tpu.dma_semaphore, #tpu.memory_space<semaphore_mem>>) src(%dma_wait3A_1205 : memref<8x128xf32, #tpu.memory_space<vmem>>) dst(%dma_wait3A_1202 : memref<8x128xf32, #tpu.memory_space<hbm>>)
        %mul3A_1206 = arith.constant 8 : i32
        %mul3A_1207 = arith.muli %select_n3A_1056, %mul3A_1206 : i32
        %add3A_1208 = arith.constant 7 : i32
        %add3A_1209 = arith.addi %mul3A_1207, %add3A_1208 : i32
        %mul3A_1210 = arith.constant 32 : i32
        %mul3A_1211 = arith.muli %add3A_1209, %mul3A_1210 : i32
        %add3A_1212 = arith.addi %mul3A_1211, %select_n3A_1072 : i32
        %mul3A_1213 = arith.constant 8 : i32
        %mul3A_1214 = arith.muli %add3A_1212, %mul3A_1213 : i32
        %dma_wait3A_1215 = arith.constant 56 : i32
        %dma_wait3A_1216 = arith.constant 0 : i32
        %dma_wait3A_1217 = tpu.memref_slice %arg20[%dma_wait3A_1215, %dma_wait3A_1216] : memref<64x129xf32, #tpu.memory_space<vmem>> -> memref<8x128xf32, #tpu.memory_space<vmem>>
        %dma_wait3A_1218 = arith.constant 0 : i32
        %dma_wait3A_1219 = tpu.memref_slice %arg13[%mul3A_1214, %dma_wait3A_1218] : memref<102400x128xf32, #tpu.memory_space<hbm>> -> memref<8x128xf32, #tpu.memory_space<hbm>>
        %dma_wait3A_1220 = arith.constant 0 : i32
        %dma_wait3A_1221 = tpu.memref_slice %arg13[%mul3A_1214, %dma_wait3A_1220] : memref<102400x128xf32, #tpu.memory_space<hbm>> -> memref<8x128xf32, #tpu.memory_space<hbm>>
        %dma_wait3A_1222 = arith.constant 56 : i32
        %dma_wait3A_1223 = arith.constant 0 : i32
        %dma_wait3A_1224 = tpu.memref_slice %arg20[%dma_wait3A_1222, %dma_wait3A_1223] : memref<64x129xf32, #tpu.memory_space<vmem>> -> memref<8x128xf32, #tpu.memory_space<vmem>>
        tpu.wait_dma2 semaphore(%arg24 : memref<!tpu.dma_semaphore, #tpu.memory_space<semaphore_mem>>) src(%dma_wait3A_1224 : memref<8x128xf32, #tpu.memory_space<vmem>>) dst(%dma_wait3A_1221 : memref<8x128xf32, #tpu.memory_space<hbm>>)
      } else {
      }
      %parallel_loop3A_585 = arith.constant 0 : i32
      %parallel_loop3A_586 = arith.constant 128 : i32
      %parallel_loop3A_587 = arith.constant 1 : i32
      scf.for %parallel_loop3A_1028 = %parallel_loop3A_585 to %parallel_loop3A_586 step %parallel_loop3A_587  : i32 {
        %parallel_loop3A_1029 = vector.broadcast %parallel_loop3A_1028 : i32 to vector<16xi32>
        %parallel_loop3A_1030 = arith.index_cast %parallel_loop3A_1028 : i32 to index
        %parallel_loop3A_1031 = arith.constant 0 : index
        %parallel_loop3A_1032 = tpu.vector_load %arg18[%parallel_loop3A_1030, %parallel_loop3A_1031] {strides = array<i32>} : memref<128x64xf32, #tpu.memory_space<vmem>>, vector<16xf32>,
        tpu.vector_store_idx %arg20[%add3A_110, %parallel_loop3A_1029], %parallel_loop3A_1032 : memref<64x129xf32, #tpu.memory_space<vmem>>[vector<16xi32>, vector<16xi32>], vector<16xf32>,
        %parallel_loop3A_1033 = arith.index_cast %parallel_loop3A_1028 : i32 to index
        %parallel_loop3A_1034 = arith.constant 16 : index
        %parallel_loop3A_1035 = tpu.vector_load %arg18[%parallel_loop3A_1033, %parallel_loop3A_1034] {strides = array<i32>} : memref<128x64xf32, #tpu.memory_space<vmem>>, vector<16xf32>,
        tpu.vector_store_idx %arg20[%add3A_114, %parallel_loop3A_1029], %parallel_loop3A_1035 : memref<64x129xf32, #tpu.memory_space<vmem>>[vector<16xi32>, vector<16xi32>], vector<16xf32>,
        %parallel_loop3A_1036 = arith.index_cast %parallel_loop3A_1028 : i32 to index
        %parallel_loop3A_1037 = arith.constant 32 : index
        %parallel_loop3A_1038 = tpu.vector_load %arg18[%parallel_loop3A_1036, %parallel_loop3A_1037] {strides = array<i32>} : memref<128x64xf32, #tpu.memory_space<vmem>>, vector<16xf32>,
        tpu.vector_store_idx %arg20[%add3A_118, %parallel_loop3A_1029], %parallel_loop3A_1038 : memref<64x129xf32, #tpu.memory_space<vmem>>[vector<16xi32>, vector<16xi32>], vector<16xf32>,
        %parallel_loop3A_1039 = arith.index_cast %parallel_loop3A_1028 : i32 to index
        %parallel_loop3A_1040 = arith.constant 48 : index
        %parallel_loop3A_1041 = tpu.vector_load %arg18[%parallel_loop3A_1039, %parallel_loop3A_1040] {strides = array<i32>} : memref<128x64xf32, #tpu.memory_space<vmem>>, vector<16xf32>,
        tpu.vector_store_idx %arg20[%add3A_122, %parallel_loop3A_1029], %parallel_loop3A_1041 : memref<64x129xf32, #tpu.memory_space<vmem>>[vector<16xi32>, vector<16xi32>], vector<16xf32>,
      } {sc.loop_unroll_factor = 8 : i64, sc.parallel_access}
      %mul3A_588 = arith.constant 50 : i32
      %mul3A_589 = arith.muli %add3A, %mul3A_588 : i32
      %add3A_590 = arith.addi %mul3A_589, %mul3A_542 : i32
      %jit3A_591 = arith.constant 32 : i32
      %div3A_592 = arith.divsi %add3A_590, %jit3A_591 : i32
      %sign3A_593 = arith.constant 0 : i32
      %sign3A_594 = arith.cmpi sgt, %add3A_590, %sign3A_593 : i32
      %sign3A_595 = arith.extui %sign3A_594 : i1 to i32
      %sign3A_596 = arith.constant 0 : i32
      %sign3A_597 = arith.cmpi slt, %add3A_590, %sign3A_596 : i32
      %sign3A_598 = arith.extui %sign3A_597 : i1 to i32
      %sign3A_599 = arith.subi %sign3A_595, %sign3A_598 : i32
      %sign3A_600 = arith.constant 0 : i32
      %sign3A_601 = arith.cmpi sgt, %jit3A_591, %sign3A_600 : i32
      %sign3A_602 = arith.extui %sign3A_601 : i1 to i32
      %sign3A_603 = arith.constant 0 : i32
      %sign3A_604 = arith.cmpi slt, %jit3A_591, %sign3A_603 : i32
      %sign3A_605 = arith.extui %sign3A_604 : i1 to i32
      %sign3A_606 = arith.subi %sign3A_602, %sign3A_605 : i32
      %ne3A_607 = arith.cmpi ne, %sign3A_599, %sign3A_606 : i32
      %rem3A_608 = arith.remsi %add3A_590, %jit3A_591 : i32
      %ne3A_609 = arith.constant 0 : i32
      %ne3A_610 = arith.cmpi ne, %rem3A_608, %ne3A_609 : i32
      %and3A_611 = arith.andi %ne3A_607, %ne3A_610 : i1
      %sub3A_612 = arith.constant 1 : i32
      %sub3A_613 = arith.subi %div3A_592, %sub3A_612 : i32
      %select_n3A_614 = arith.select %and3A_611, %sub3A_613, %div3A_592 : i32
      %jit3A_615 = arith.constant 32 : i32
      %eq3A_616 = arith.constant 0 : i32
      %eq3A_617 = arith.cmpi eq, %jit3A_615, %eq3A_616 : i32
      %jit3A_618 = arith.constant 1 : i32
      %select_n3A_619 = arith.select %eq3A_617, %jit3A_618, %jit3A_615 : i32
      %rem3A_620 = arith.remsi %add3A_590, %select_n3A_619 : i32
      %ne3A_621 = arith.constant 0 : i32
      %ne3A_622 = arith.cmpi ne, %rem3A_620, %ne3A_621 : i32
      %lt3A_623 = arith.constant 0 : i32
      %lt3A_624 = arith.cmpi slt, %rem3A_620, %lt3A_623 : i32
      %lt3A_625 = arith.constant 0 : i32
      %lt3A_626 = arith.cmpi slt, %select_n3A_619, %lt3A_625 : i32
      %ne3A_627 = arith.xori %lt3A_624, %lt3A_626 : i1
      %and3A_628 = arith.andi %ne3A_627, %ne3A_622 : i1
      %add3A_629 = arith.addi %rem3A_620, %select_n3A_619 : i32
      %select_n3A_630 = arith.select %and3A_628, %add3A_629, %rem3A_620 : i32
      %mul3A_631 = arith.constant 8 : i32
      %mul3A_632 = arith.muli %select_n3A_614, %mul3A_631 : i32
      %add3A_633 = arith.constant 0 : i32
      %add3A_634 = arith.addi %mul3A_632, %add3A_633 : i32
      %mul3A_635 = arith.constant 32 : i32
      %mul3A_636 = arith.muli %add3A_634, %mul3A_635 : i32
      %add3A_637 = arith.addi %mul3A_636, %select_n3A_630 : i32
      %mul3A_638 = arith.constant 8 : i32
      %mul3A_639 = arith.muli %add3A_637, %mul3A_638 : i32
      %dma_start3A_640 = arith.constant 0 : i32
      %dma_start3A_641 = arith.constant 0 : i32
      %dma_start3A_642 = tpu.memref_slice %arg20[%dma_start3A_640, %dma_start3A_641] : memref<64x129xf32, #tpu.memory_space<vmem>> -> memref<8x128xf32, #tpu.memory_space<vmem>>
      %dma_start3A_643 = arith.constant 0 : i32
      %dma_start3A_644 = tpu.memref_slice %arg13[%mul3A_639, %dma_start3A_643] : memref<102400x128xf32, #tpu.memory_space<hbm>> -> memref<8x128xf32, #tpu.memory_space<hbm>>
      %dma_start3A_645 = arith.constant 0 : i32
      %dma_start3A_646 = tpu.memref_slice %arg13[%mul3A_639, %dma_start3A_645] : memref<102400x128xf32, #tpu.memory_space<hbm>> -> memref<8x128xf32, #tpu.memory_space<hbm>>
      %dma_start3A_647 = arith.constant 0 : i32
      %dma_start3A_648 = arith.constant 0 : i32
      %dma_start3A_649 = tpu.memref_slice %arg20[%dma_start3A_647, %dma_start3A_648] : memref<64x129xf32, #tpu.memory_space<vmem>> -> memref<8x128xf32, #tpu.memory_space<vmem>>
      tpu.enqueue_dma source(%dma_start3A_649 : memref<8x128xf32, #tpu.memory_space<vmem>>) target(%dma_start3A_646 : memref<8x128xf32, #tpu.memory_space<hbm>>) target_semaphore(%arg24 : memref<!tpu.dma_semaphore, #tpu.memory_space<semaphore_mem>>)
      %mul3A_650 = arith.constant 8 : i32
      %mul3A_651 = arith.muli %select_n3A_614, %mul3A_650 : i32
      %add3A_652 = arith.constant 1 : i32
      %add3A_653 = arith.addi %mul3A_651, %add3A_652 : i32
      %mul3A_654 = arith.constant 32 : i32
      %mul3A_655 = arith.muli %add3A_653, %mul3A_654 : i32
      %add3A_656 = arith.addi %mul3A_655, %select_n3A_630 : i32
      %mul3A_657 = arith.constant 8 : i32
      %mul3A_658 = arith.muli %add3A_656, %mul3A_657 : i32
      %dma_start3A_659 = arith.constant 8 : i32
      %dma_start3A_660 = arith.constant 0 : i32
      %dma_start3A_661 = tpu.memref_slice %arg20[%dma_start3A_659, %dma_start3A_660] : memref<64x129xf32, #tpu.memory_space<vmem>> -> memref<8x128xf32, #tpu.memory_space<vmem>>
      %dma_start3A_662 = arith.constant 0 : i32
      %dma_start3A_663 = tpu.memref_slice %arg13[%mul3A_658, %dma_start3A_662] : memref<102400x128xf32, #tpu.memory_space<hbm>> -> memref<8x128xf32, #tpu.memory_space<hbm>>
      %dma_start3A_664 = arith.constant 0 : i32
      %dma_start3A_665 = tpu.memref_slice %arg13[%mul3A_658, %dma_start3A_664] : memref<102400x128xf32, #tpu.memory_space<hbm>> -> memref<8x128xf32, #tpu.memory_space<hbm>>
      %dma_start3A_666 = arith.constant 8 : i32
      %dma_start3A_667 = arith.constant 0 : i32
      %dma_start3A_668 = tpu.memref_slice %arg20[%dma_start3A_666, %dma_start3A_667] : memref<64x129xf32, #tpu.memory_space<vmem>> -> memref<8x128xf32, #tpu.memory_space<vmem>>
      tpu.enqueue_dma source(%dma_start3A_668 : memref<8x128xf32, #tpu.memory_space<vmem>>) target(%dma_start3A_665 : memref<8x128xf32, #tpu.memory_space<hbm>>) target_semaphore(%arg24 : memref<!tpu.dma_semaphore, #tpu.memory_space<semaphore_mem>>)
      %mul3A_669 = arith.constant 8 : i32
      %mul3A_670 = arith.muli %select_n3A_614, %mul3A_669 : i32
      %add3A_671 = arith.constant 2 : i32
      %add3A_672 = arith.addi %mul3A_670, %add3A_671 : i32
      %mul3A_673 = arith.constant 32 : i32
      %mul3A_674 = arith.muli %add3A_672, %mul3A_673 : i32
      %add3A_675 = arith.addi %mul3A_674, %select_n3A_630 : i32
      %mul3A_676 = arith.constant 8 : i32
      %mul3A_677 = arith.muli %add3A_675, %mul3A_676 : i32
      %dma_start3A_678 = arith.constant 16 : i32
      %dma_start3A_679 = arith.constant 0 : i32
      %dma_start3A_680 = tpu.memref_slice %arg20[%dma_start3A_678, %dma_start3A_679] : memref<64x129xf32, #tpu.memory_space<vmem>> -> memref<8x128xf32, #tpu.memory_space<vmem>>
      %dma_start3A_681 = arith.constant 0 : i32
      %dma_start3A_682 = tpu.memref_slice %arg13[%mul3A_677, %dma_start3A_681] : memref<102400x128xf32, #tpu.memory_space<hbm>> -> memref<8x128xf32, #tpu.memory_space<hbm>>
      %dma_start3A_683 = arith.constant 0 : i32
      %dma_start3A_684 = tpu.memref_slice %arg13[%mul3A_677, %dma_start3A_683] : memref<102400x128xf32, #tpu.memory_space<hbm>> -> memref<8x128xf32, #tpu.memory_space<hbm>>
      %dma_start3A_685 = arith.constant 16 : i32
      %dma_start3A_686 = arith.constant 0 : i32
      %dma_start3A_687 = tpu.memref_slice %arg20[%dma_start3A_685, %dma_start3A_686] : memref<64x129xf32, #tpu.memory_space<vmem>> -> memref<8x128xf32, #tpu.memory_space<vmem>>
      tpu.enqueue_dma source(%dma_start3A_687 : memref<8x128xf32, #tpu.memory_space<vmem>>) target(%dma_start3A_684 : memref<8x128xf32, #tpu.memory_space<hbm>>) target_semaphore(%arg24 : memref<!tpu.dma_semaphore, #tpu.memory_space<semaphore_mem>>)
      %mul3A_688 = arith.constant 8 : i32
      %mul3A_689 = arith.muli %select_n3A_614, %mul3A_688 : i32
      %add3A_690 = arith.constant 3 : i32
      %add3A_691 = arith.addi %mul3A_689, %add3A_690 : i32
      %mul3A_692 = arith.constant 32 : i32
      %mul3A_693 = arith.muli %add3A_691, %mul3A_692 : i32
      %add3A_694 = arith.addi %mul3A_693, %select_n3A_630 : i32
      %mul3A_695 = arith.constant 8 : i32
      %mul3A_696 = arith.muli %add3A_694, %mul3A_695 : i32
      %dma_start3A_697 = arith.constant 24 : i32
      %dma_start3A_698 = arith.constant 0 : i32
      %dma_start3A_699 = tpu.memref_slice %arg20[%dma_start3A_697, %dma_start3A_698] : memref<64x129xf32, #tpu.memory_space<vmem>> -> memref<8x128xf32, #tpu.memory_space<vmem>>
      %dma_start3A_700 = arith.constant 0 : i32
      %dma_start3A_701 = tpu.memref_slice %arg13[%mul3A_696, %dma_start3A_700] : memref<102400x128xf32, #tpu.memory_space<hbm>> -> memref<8x128xf32, #tpu.memory_space<hbm>>
      %dma_start3A_702 = arith.constant 0 : i32
      %dma_start3A_703 = tpu.memref_slice %arg13[%mul3A_696, %dma_start3A_702] : memref<102400x128xf32, #tpu.memory_space<hbm>> -> memref<8x128xf32, #tpu.memory_space<hbm>>
      %dma_start3A_704 = arith.constant 24 : i32
      %dma_start3A_705 = arith.constant 0 : i32
      %dma_start3A_706 = tpu.memref_slice %arg20[%dma_start3A_704, %dma_start3A_705] : memref<64x129xf32, #tpu.memory_space<vmem>> -> memref<8x128xf32, #tpu.memory_space<vmem>>
      tpu.enqueue_dma source(%dma_start3A_706 : memref<8x128xf32, #tpu.memory_space<vmem>>) target(%dma_start3A_703 : memref<8x128xf32, #tpu.memory_space<hbm>>) target_semaphore(%arg24 : memref<!tpu.dma_semaphore, #tpu.memory_space<semaphore_mem>>)
      %mul3A_707 = arith.constant 8 : i32
      %mul3A_708 = arith.muli %select_n3A_614, %mul3A_707 : i32
      %add3A_709 = arith.constant 4 : i32
      %add3A_710 = arith.addi %mul3A_708, %add3A_709 : i32
      %mul3A_711 = arith.constant 32 : i32
      %mul3A_712 = arith.muli %add3A_710, %mul3A_711 : i32
      %add3A_713 = arith.addi %mul3A_712, %select_n3A_630 : i32
      %mul3A_714 = arith.constant 8 : i32
      %mul3A_715 = arith.muli %add3A_713, %mul3A_714 : i32
      %dma_start3A_716 = arith.constant 32 : i32
      %dma_start3A_717 = arith.constant 0 : i32
      %dma_start3A_718 = tpu.memref_slice %arg20[%dma_start3A_716, %dma_start3A_717] : memref<64x129xf32, #tpu.memory_space<vmem>> -> memref<8x128xf32, #tpu.memory_space<vmem>>
      %dma_start3A_719 = arith.constant 0 : i32
      %dma_start3A_720 = tpu.memref_slice %arg13[%mul3A_715, %dma_start3A_719] : memref<102400x128xf32, #tpu.memory_space<hbm>> -> memref<8x128xf32, #tpu.memory_space<hbm>>
      %dma_start3A_721 = arith.constant 0 : i32
      %dma_start3A_722 = tpu.memref_slice %arg13[%mul3A_715, %dma_start3A_721] : memref<102400x128xf32, #tpu.memory_space<hbm>> -> memref<8x128xf32, #tpu.memory_space<hbm>>
      %dma_start3A_723 = arith.constant 32 : i32
      %dma_start3A_724 = arith.constant 0 : i32
      %dma_start3A_725 = tpu.memref_slice %arg20[%dma_start3A_723, %dma_start3A_724] : memref<64x129xf32, #tpu.memory_space<vmem>> -> memref<8x128xf32, #tpu.memory_space<vmem>>
      tpu.enqueue_dma source(%dma_start3A_725 : memref<8x128xf32, #tpu.memory_space<vmem>>) target(%dma_start3A_722 : memref<8x128xf32, #tpu.memory_space<hbm>>) target_semaphore(%arg24 : memref<!tpu.dma_semaphore, #tpu.memory_space<semaphore_mem>>)
      %mul3A_726 = arith.constant 8 : i32
      %mul3A_727 = arith.muli %select_n3A_614, %mul3A_726 : i32
      %add3A_728 = arith.constant 5 : i32
      %add3A_729 = arith.addi %mul3A_727, %add3A_728 : i32
      %mul3A_730 = arith.constant 32 : i32
      %mul3A_731 = arith.muli %add3A_729, %mul3A_730 : i32
      %add3A_732 = arith.addi %mul3A_731, %select_n3A_630 : i32
      %mul3A_733 = arith.constant 8 : i32
      %mul3A_734 = arith.muli %add3A_732, %mul3A_733 : i32
      %dma_start3A_735 = arith.constant 40 : i32
      %dma_start3A_736 = arith.constant 0 : i32
      %dma_start3A_737 = tpu.memref_slice %arg20[%dma_start3A_735, %dma_start3A_736] : memref<64x129xf32, #tpu.memory_space<vmem>> -> memref<8x128xf32, #tpu.memory_space<vmem>>
      %dma_start3A_738 = arith.constant 0 : i32
      %dma_start3A_739 = tpu.memref_slice %arg13[%mul3A_734, %dma_start3A_738] : memref<102400x128xf32, #tpu.memory_space<hbm>> -> memref<8x128xf32, #tpu.memory_space<hbm>>
      %dma_start3A_740 = arith.constant 0 : i32
      %dma_start3A_741 = tpu.memref_slice %arg13[%mul3A_734, %dma_start3A_740] : memref<102400x128xf32, #tpu.memory_space<hbm>> -> memref<8x128xf32, #tpu.memory_space<hbm>>
      %dma_start3A_742 = arith.constant 40 : i32
      %dma_start3A_743 = arith.constant 0 : i32
      %dma_start3A_744 = tpu.memref_slice %arg20[%dma_start3A_742, %dma_start3A_743] : memref<64x129xf32, #tpu.memory_space<vmem>> -> memref<8x128xf32, #tpu.memory_space<vmem>>
      tpu.enqueue_dma source(%dma_start3A_744 : memref<8x128xf32, #tpu.memory_space<vmem>>) target(%dma_start3A_741 : memref<8x128xf32, #tpu.memory_space<hbm>>) target_semaphore(%arg24 : memref<!tpu.dma_semaphore, #tpu.memory_space<semaphore_mem>>)
      %mul3A_745 = arith.constant 8 : i32
      %mul3A_746 = arith.muli %select_n3A_614, %mul3A_745 : i32
      %add3A_747 = arith.constant 6 : i32
      %add3A_748 = arith.addi %mul3A_746, %add3A_747 : i32
      %mul3A_749 = arith.constant 32 : i32
      %mul3A_750 = arith.muli %add3A_748, %mul3A_749 : i32
      %add3A_751 = arith.addi %mul3A_750, %select_n3A_630 : i32
      %mul3A_752 = arith.constant 8 : i32
      %mul3A_753 = arith.muli %add3A_751, %mul3A_752 : i32
      %dma_start3A_754 = arith.constant 48 : i32
      %dma_start3A_755 = arith.constant 0 : i32
      %dma_start3A_756 = tpu.memref_slice %arg20[%dma_start3A_754, %dma_start3A_755] : memref<64x129xf32, #tpu.memory_space<vmem>> -> memref<8x128xf32, #tpu.memory_space<vmem>>
      %dma_start3A_757 = arith.constant 0 : i32
      %dma_start3A_758 = tpu.memref_slice %arg13[%mul3A_753, %dma_start3A_757] : memref<102400x128xf32, #tpu.memory_space<hbm>> -> memref<8x128xf32, #tpu.memory_space<hbm>>
      %dma_start3A_759 = arith.constant 0 : i32
      %dma_start3A_760 = tpu.memref_slice %arg13[%mul3A_753, %dma_start3A_759] : memref<102400x128xf32, #tpu.memory_space<hbm>> -> memref<8x128xf32, #tpu.memory_space<hbm>>
      %dma_start3A_761 = arith.constant 48 : i32
      %dma_start3A_762 = arith.constant 0 : i32
      %dma_start3A_763 = tpu.memref_slice %arg20[%dma_start3A_761, %dma_start3A_762] : memref<64x129xf32, #tpu.memory_space<vmem>> -> memref<8x128xf32, #tpu.memory_space<vmem>>
      tpu.enqueue_dma source(%dma_start3A_763 : memref<8x128xf32, #tpu.memory_space<vmem>>) target(%dma_start3A_760 : memref<8x128xf32, #tpu.memory_space<hbm>>) target_semaphore(%arg24 : memref<!tpu.dma_semaphore, #tpu.memory_space<semaphore_mem>>)
      %mul3A_764 = arith.constant 8 : i32
      %mul3A_765 = arith.muli %select_n3A_614, %mul3A_764 : i32
      %add3A_766 = arith.constant 7 : i32
      %add3A_767 = arith.addi %mul3A_765, %add3A_766 : i32
      %mul3A_768 = arith.constant 32 : i32
      %mul3A_769 = arith.muli %add3A_767, %mul3A_768 : i32
      %add3A_770 = arith.addi %mul3A_769, %select_n3A_630 : i32
      %mul3A_771 = arith.constant 8 : i32
      %mul3A_772 = arith.muli %add3A_770, %mul3A_771 : i32
      %dma_start3A_773 = arith.constant 56 : i32
      %dma_start3A_774 = arith.constant 0 : i32
      %dma_start3A_775 = tpu.memref_slice %arg20[%dma_start3A_773, %dma_start3A_774] : memref<64x129xf32, #tpu.memory_space<vmem>> -> memref<8x128xf32, #tpu.memory_space<vmem>>
      %dma_start3A_776 = arith.constant 0 : i32
      %dma_start3A_777 = tpu.memref_slice %arg13[%mul3A_772, %dma_start3A_776] : memref<102400x128xf32, #tpu.memory_space<hbm>> -> memref<8x128xf32, #tpu.memory_space<hbm>>
      %dma_start3A_778 = arith.constant 0 : i32
      %dma_start3A_779 = tpu.memref_slice %arg13[%mul3A_772, %dma_start3A_778] : memref<102400x128xf32, #tpu.memory_space<hbm>> -> memref<8x128xf32, #tpu.memory_space<hbm>>
      %dma_start3A_780 = arith.constant 56 : i32
      %dma_start3A_781 = arith.constant 0 : i32
      %dma_start3A_782 = tpu.memref_slice %arg20[%dma_start3A_780, %dma_start3A_781] : memref<64x129xf32, #tpu.memory_space<vmem>> -> memref<8x128xf32, #tpu.memory_space<vmem>>
      tpu.enqueue_dma source(%dma_start3A_782 : memref<8x128xf32, #tpu.memory_space<vmem>>) target(%dma_start3A_779 : memref<8x128xf32, #tpu.memory_space<hbm>>) target_semaphore(%arg24 : memref<!tpu.dma_semaphore, #tpu.memory_space<semaphore_mem>>)
      %add3A_783 = arith.constant 1 : i32
      %add3A_784 = arith.addi %mul3A_542, %add3A_783 : i32
      %add3A_785 = arith.constant 1 : i32
      %add3A_786 = arith.addi %add3A_784, %add3A_785 : i32
      %lt3A_787 = arith.constant 50 : i32
      %lt3A_788 = arith.cmpi slt, %add3A_786, %lt3A_787 : i32
      %convert_element_type3A_789 = arith.extui %lt3A_788 : i1 to i32
      %cond3A_790 = arith.constant 0 : i32
      %cond3A_791 = arith.cmpi ne, %convert_element_type3A_789, %cond3A_790 : i32
      scf.if %cond3A_791 {
        %add3A_1028 = arith.constant 1 : i32
        %add3A_1029 = arith.addi %add3A_784, %add3A_1028 : i32
        %mul3A_1030 = arith.constant 128 : i32
        %mul3A_1031 = arith.muli %add3A_1029, %mul3A_1030 : i32
        %parallel_loop3A_1032 = arith.constant 0 : i32
        %parallel_loop3A_1033 = arith.constant 128 : i32
        %parallel_loop3A_1034 = arith.constant 1 : i32
        %parallel_loop3A_1035:8 = scf.for %parallel_loop3A_1064 = %parallel_loop3A_1032 to %parallel_loop3A_1033 step %parallel_loop3A_1034 iter_args(%parallel_loop3A_1065 = %get3A_79, %parallel_loop3A_1066 = %get3A_83, %parallel_loop3A_1067 = %get3A_87, %parallel_loop3A_1068 = %get3A_91, %parallel_loop3A_1069 = %get3A_95, %parallel_loop3A_1070 = %get3A_99, %parallel_loop3A_1071 = %get3A_103, %parallel_loop3A_1072 = %get3A_107) -> (vector<16xf32>, vector<16xf32>, vector<16xf32>, vector<16xf32>, vector<16xf32>, vector<16xf32>, vector<16xf32>, vector<16xf32>)  : i32 {
          %parallel_loop3A_1073 = arith.addi %mul3A_1031, %parallel_loop3A_1064 : i32
          %parallel_loop3A_1074 = vector.broadcast %parallel_loop3A_1073 : i32 to vector<16xi32>
          %parallel_loop3A_1075 = tpu.vector_load_idx %arg15[%parallel_loop3A_1074] : memref<6400xf32, #tpu.memory_space<vmem>>[vector<16xi32>], vector<16xf32>,
          %parallel_loop3A_1076 = arith.mulf %parallel_loop3A_1075, %parallel_loop3A_1065 : vector<16xf32>
          %parallel_loop3A_1077 = arith.addf %parallel_loop3A_1076, %parallel_loop3A_1066 : vector<16xf32>
          %parallel_loop3A_1078 = arith.constant 0.000000e+00 : f32
          %parallel_loop3A_1079 = vector.broadcast %parallel_loop3A_1078 : f32 to vector<16xf32>
          %parallel_loop3A_1080 = arith.maximumf %parallel_loop3A_1077, %parallel_loop3A_1079 : vector<16xf32>
          %parallel_loop3A_1081 = arith.index_cast %parallel_loop3A_1064 : i32 to index
          %parallel_loop3A_1082 = arith.constant 0 : index
          %parallel_loop3A_1083 = tpu.vector_load %arg18[%parallel_loop3A_1081, %parallel_loop3A_1082] {strides = array<i32>} : memref<128x64xf32, #tpu.memory_space<vmem>>, vector<16xf32>,
          tpu.vector_store %arg18[%parallel_loop3A_1081, %parallel_loop3A_1082], %parallel_loop3A_1080 {strides = array<i32>} : memref<128x64xf32, #tpu.memory_space<vmem>>, vector<16xf32>,
          %parallel_loop3A_1084 = arith.mulf %parallel_loop3A_1075, %parallel_loop3A_1067 : vector<16xf32>
          %parallel_loop3A_1085 = arith.addf %parallel_loop3A_1084, %parallel_loop3A_1068 : vector<16xf32>
          %parallel_loop3A_1086 = arith.constant 0.000000e+00 : f32
          %parallel_loop3A_1087 = vector.broadcast %parallel_loop3A_1086 : f32 to vector<16xf32>
          %parallel_loop3A_1088 = arith.maximumf %parallel_loop3A_1085, %parallel_loop3A_1087 : vector<16xf32>
          %parallel_loop3A_1089 = arith.index_cast %parallel_loop3A_1064 : i32 to index
          %parallel_loop3A_1090 = arith.constant 16 : index
          %parallel_loop3A_1091 = tpu.vector_load %arg18[%parallel_loop3A_1089, %parallel_loop3A_1090] {strides = array<i32>} : memref<128x64xf32, #tpu.memory_space<vmem>>, vector<16xf32>,
          tpu.vector_store %arg18[%parallel_loop3A_1089, %parallel_loop3A_1090], %parallel_loop3A_1088 {strides = array<i32>} : memref<128x64xf32, #tpu.memory_space<vmem>>, vector<16xf32>,
          %parallel_loop3A_1092 = arith.mulf %parallel_loop3A_1075, %parallel_loop3A_1069 : vector<16xf32>
          %parallel_loop3A_1093 = arith.addf %parallel_loop3A_1092, %parallel_loop3A_1070 : vector<16xf32>
          %parallel_loop3A_1094 = arith.constant 0.000000e+00 : f32
          %parallel_loop3A_1095 = vector.broadcast %parallel_loop3A_1094 : f32 to vector<16xf32>
          %parallel_loop3A_1096 = arith.maximumf %parallel_loop3A_1093, %parallel_loop3A_1095 : vector<16xf32>
          %parallel_loop3A_1097 = arith.index_cast %parallel_loop3A_1064 : i32 to index
          %parallel_loop3A_1098 = arith.constant 32 : index
          %parallel_loop3A_1099 = tpu.vector_load %arg18[%parallel_loop3A_1097, %parallel_loop3A_1098] {strides = array<i32>} : memref<128x64xf32, #tpu.memory_space<vmem>>, vector<16xf32>,
          tpu.vector_store %arg18[%parallel_loop3A_1097, %parallel_loop3A_1098], %parallel_loop3A_1096 {strides = array<i32>} : memref<128x64xf32, #tpu.memory_space<vmem>>, vector<16xf32>,
          %parallel_loop3A_1100 = arith.mulf %parallel_loop3A_1075, %parallel_loop3A_1071 : vector<16xf32>
          %parallel_loop3A_1101 = arith.addf %parallel_loop3A_1100, %parallel_loop3A_1072 : vector<16xf32>
          %parallel_loop3A_1102 = arith.constant 0.000000e+00 : f32
          %parallel_loop3A_1103 = vector.broadcast %parallel_loop3A_1102 : f32 to vector<16xf32>
          %parallel_loop3A_1104 = arith.maximumf %parallel_loop3A_1101, %parallel_loop3A_1103 : vector<16xf32>
          %parallel_loop3A_1105 = arith.index_cast %parallel_loop3A_1064 : i32 to index
          %parallel_loop3A_1106 = arith.constant 48 : index
          %parallel_loop3A_1107 = tpu.vector_load %arg18[%parallel_loop3A_1105, %parallel_loop3A_1106] {strides = array<i32>} : memref<128x64xf32, #tpu.memory_space<vmem>>, vector<16xf32>,
          tpu.vector_store %arg18[%parallel_loop3A_1105, %parallel_loop3A_1106], %parallel_loop3A_1104 {strides = array<i32>} : memref<128x64xf32, #tpu.memory_space<vmem>>, vector<16xf32>,
          scf.yield %parallel_loop3A_1065, %parallel_loop3A_1066, %parallel_loop3A_1067, %parallel_loop3A_1068, %parallel_loop3A_1069, %parallel_loop3A_1070, %parallel_loop3A_1071, %parallel_loop3A_1072 : vector<16xf32>, vector<16xf32>, vector<16xf32>, vector<16xf32>, vector<16xf32>, vector<16xf32>, vector<16xf32>, vector<16xf32>
        } {sc.loop_unroll_factor = 8 : i64, sc.parallel_access}
        %add3A_1036 = arith.constant 1 : i32
        %add3A_1037 = arith.addi %add3A_784, %add3A_1036 : i32
        %mul3A_1038 = arith.constant 128 : i32
        %mul3A_1039 = arith.muli %add3A_1037, %mul3A_1038 : i32
        %dma_start3A_1040 = arith.constant 0 : i32
        %dma_start3A_1041 = tpu.memref_slice %arg14[%dma_start3A_1040, %mul3A_1039] : memref<4x6400xi32, #tpu.memory_space<vmem>> -> memref<1x128xi32, #tpu.memory_space<vmem>>
        %dma_start3A_1042 = tpu.memref_squeeze %dma_start3A_1041 : memref<1x128xi32, #tpu.memory_space<vmem>> -> memref<128xi32, #tpu.memory_space<vmem>>
        %dma_start3A_1043 = arith.constant 0 : i32
        %dma_start3A_1044 = arith.constant 0 : i32
        %dma_start3A_1045 = tpu.memref_slice %arg9[%dma_start3A_1043, %dma_start3A_1044] : memref<100000x64xf32, #tpu.memory_space<hbm>> -> memref<100000x64xf32, #tpu.memory_space<hbm>>
        tpu.enqueue_indirect_dma source(%dma_start3A_1045 : memref<100000x64xf32, #tpu.memory_space<hbm>>) target(%arg18 : memref<128x64xf32, #tpu.memory_space<vmem>>) offsets(%dma_start3A_1042 : memref<128xi32, #tpu.memory_space<vmem>>) semaphore(%arg22 : memref<!tpu.dma_semaphore, #tpu.memory_space<semaphore_mem>>) {add = true}
        %dma_start3A_1046 = arith.constant 1 : i32
        %dma_start3A_1047 = tpu.memref_slice %arg14[%dma_start3A_1046, %mul3A_1039] : memref<4x6400xi32, #tpu.memory_space<vmem>> -> memref<1x128xi32, #tpu.memory_space<vmem>>
        %dma_start3A_1048 = tpu.memref_squeeze %dma_start3A_1047 : memref<1x128xi32, #tpu.memory_space<vmem>> -> memref<128xi32, #tpu.memory_space<vmem>>
        %dma_start3A_1049 = arith.constant 0 : i32
        %dma_start3A_1050 = arith.constant 0 : i32
        %dma_start3A_1051 = tpu.memref_slice %arg10[%dma_start3A_1049, %dma_start3A_1050] : memref<100000x64xf32, #tpu.memory_space<hbm>> -> memref<100000x64xf32, #tpu.memory_space<hbm>>
        tpu.enqueue_indirect_dma source(%dma_start3A_1051 : memref<100000x64xf32, #tpu.memory_space<hbm>>) target(%arg18 : memref<128x64xf32, #tpu.memory_space<vmem>>) offsets(%dma_start3A_1048 : memref<128xi32, #tpu.memory_space<vmem>>) semaphore(%arg22 : memref<!tpu.dma_semaphore, #tpu.memory_space<semaphore_mem>>) {add = true}
        %dma_start3A_1052 = arith.constant 2 : i32
        %dma_start3A_1053 = tpu.memref_slice %arg14[%dma_start3A_1052, %mul3A_1039] : memref<4x6400xi32, #tpu.memory_space<vmem>> -> memref<1x128xi32, #tpu.memory_space<vmem>>
        %dma_start3A_1054 = tpu.memref_squeeze %dma_start3A_1053 : memref<1x128xi32, #tpu.memory_space<vmem>> -> memref<128xi32, #tpu.memory_space<vmem>>
        %dma_start3A_1055 = arith.constant 0 : i32
        %dma_start3A_1056 = arith.constant 0 : i32
        %dma_start3A_1057 = tpu.memref_slice %arg11[%dma_start3A_1055, %dma_start3A_1056] : memref<100000x64xf32, #tpu.memory_space<hbm>> -> memref<100000x64xf32, #tpu.memory_space<hbm>>
        tpu.enqueue_indirect_dma source(%dma_start3A_1057 : memref<100000x64xf32, #tpu.memory_space<hbm>>) target(%arg18 : memref<128x64xf32, #tpu.memory_space<vmem>>) offsets(%dma_start3A_1054 : memref<128xi32, #tpu.memory_space<vmem>>) semaphore(%arg22 : memref<!tpu.dma_semaphore, #tpu.memory_space<semaphore_mem>>) {add = true}
        %dma_start3A_1058 = arith.constant 3 : i32
        %dma_start3A_1059 = tpu.memref_slice %arg14[%dma_start3A_1058, %mul3A_1039] : memref<4x6400xi32, #tpu.memory_space<vmem>> -> memref<1x128xi32, #tpu.memory_space<vmem>>
        %dma_start3A_1060 = tpu.memref_squeeze %dma_start3A_1059 : memref<1x128xi32, #tpu.memory_space<vmem>> -> memref<128xi32, #tpu.memory_space<vmem>>
        %dma_start3A_1061 = arith.constant 0 : i32
        %dma_start3A_1062 = arith.constant 0 : i32
        %dma_start3A_1063 = tpu.memref_slice %arg12[%dma_start3A_1061, %dma_start3A_1062] : memref<100000x64xf32, #tpu.memory_space<hbm>> -> memref<100000x64xf32, #tpu.memory_space<hbm>>
        tpu.enqueue_indirect_dma source(%dma_start3A_1063 : memref<100000x64xf32, #tpu.memory_space<hbm>>) target(%arg18 : memref<128x64xf32, #tpu.memory_space<vmem>>) offsets(%dma_start3A_1060 : memref<128xi32, #tpu.memory_space<vmem>>) semaphore(%arg22 : memref<!tpu.dma_semaphore, #tpu.memory_space<semaphore_mem>>) {add = true}
      } else {
      }
      %mul3A_792 = arith.constant 128 : i32
      %mul3A_793 = arith.muli %add3A_784, %mul3A_792 : i32
      %dma_wait3A_794 = arith.constant 0 : i32
      %dma_wait3A_795 = tpu.memref_slice %arg14[%dma_wait3A_794, %mul3A_793] : memref<4x6400xi32, #tpu.memory_space<vmem>> -> memref<1x128xi32, #tpu.memory_space<vmem>>
      %dma_wait3A_796 = tpu.memref_squeeze %dma_wait3A_795 : memref<1x128xi32, #tpu.memory_space<vmem>> -> memref<128xi32, #tpu.memory_space<vmem>>
      %dma_wait3A_797 = arith.constant 0 : i32
      %dma_wait3A_798 = arith.constant 0 : i32
      %dma_wait3A_799 = tpu.memref_slice %arg9[%dma_wait3A_797, %dma_wait3A_798] : memref<100000x64xf32, #tpu.memory_space<hbm>> -> memref<100000x64xf32, #tpu.memory_space<hbm>>
      tpu.wait_indirect_dma semaphore(%arg23 : memref<!tpu.dma_semaphore, #tpu.memory_space<semaphore_mem>>) src(%dma_wait3A_799 : memref<100000x64xf32, #tpu.memory_space<hbm>>) dst(%arg19 : memref<128x64xf32, #tpu.memory_space<vmem>>)
      %dma_wait3A_800 = arith.constant 1 : i32
      %dma_wait3A_801 = tpu.memref_slice %arg14[%dma_wait3A_800, %mul3A_793] : memref<4x6400xi32, #tpu.memory_space<vmem>> -> memref<1x128xi32, #tpu.memory_space<vmem>>
      %dma_wait3A_802 = tpu.memref_squeeze %dma_wait3A_801 : memref<1x128xi32, #tpu.memory_space<vmem>> -> memref<128xi32, #tpu.memory_space<vmem>>
      %dma_wait3A_803 = arith.constant 0 : i32
      %dma_wait3A_804 = arith.constant 0 : i32
      %dma_wait3A_805 = tpu.memref_slice %arg10[%dma_wait3A_803, %dma_wait3A_804] : memref<100000x64xf32, #tpu.memory_space<hbm>> -> memref<100000x64xf32, #tpu.memory_space<hbm>>
      tpu.wait_indirect_dma semaphore(%arg23 : memref<!tpu.dma_semaphore, #tpu.memory_space<semaphore_mem>>) src(%dma_wait3A_805 : memref<100000x64xf32, #tpu.memory_space<hbm>>) dst(%arg19 : memref<128x64xf32, #tpu.memory_space<vmem>>)
      %dma_wait3A_806 = arith.constant 2 : i32
      %dma_wait3A_807 = tpu.memref_slice %arg14[%dma_wait3A_806, %mul3A_793] : memref<4x6400xi32, #tpu.memory_space<vmem>> -> memref<1x128xi32, #tpu.memory_space<vmem>>
      %dma_wait3A_808 = tpu.memref_squeeze %dma_wait3A_807 : memref<1x128xi32, #tpu.memory_space<vmem>> -> memref<128xi32, #tpu.memory_space<vmem>>
      %dma_wait3A_809 = arith.constant 0 : i32
      %dma_wait3A_810 = arith.constant 0 : i32
      %dma_wait3A_811 = tpu.memref_slice %arg11[%dma_wait3A_809, %dma_wait3A_810] : memref<100000x64xf32, #tpu.memory_space<hbm>> -> memref<100000x64xf32, #tpu.memory_space<hbm>>
      tpu.wait_indirect_dma semaphore(%arg23 : memref<!tpu.dma_semaphore, #tpu.memory_space<semaphore_mem>>) src(%dma_wait3A_811 : memref<100000x64xf32, #tpu.memory_space<hbm>>) dst(%arg19 : memref<128x64xf32, #tpu.memory_space<vmem>>)
      %dma_wait3A_812 = arith.constant 3 : i32
      %dma_wait3A_813 = tpu.memref_slice %arg14[%dma_wait3A_812, %mul3A_793] : memref<4x6400xi32, #tpu.memory_space<vmem>> -> memref<1x128xi32, #tpu.memory_space<vmem>>
      %dma_wait3A_814 = tpu.memref_squeeze %dma_wait3A_813 : memref<1x128xi32, #tpu.memory_space<vmem>> -> memref<128xi32, #tpu.memory_space<vmem>>
      %dma_wait3A_815 = arith.constant 0 : i32
      %dma_wait3A_816 = arith.constant 0 : i32
      %dma_wait3A_817 = tpu.memref_slice %arg12[%dma_wait3A_815, %dma_wait3A_816] : memref<100000x64xf32, #tpu.memory_space<hbm>> -> memref<100000x64xf32, #tpu.memory_space<hbm>>
      tpu.wait_indirect_dma semaphore(%arg23 : memref<!tpu.dma_semaphore, #tpu.memory_space<semaphore_mem>>) src(%dma_wait3A_817 : memref<100000x64xf32, #tpu.memory_space<hbm>>) dst(%arg19 : memref<128x64xf32, #tpu.memory_space<vmem>>)
      %mul3A_818 = arith.constant 128 : i32
      %mul3A_819 = arith.muli %add3A_784, %mul3A_818 : i32
      %scan3A_820 = arith.constant 0 : i32
      %scan3A_821 = arith.constant 8 : i32
      %scan3A_822 = arith.addi %scan3A_820, %scan3A_821 : i32
      %scan3A_823 = arith.constant 1 : i32
      scf.for %scan3A_1028 = %scan3A_820 to %scan3A_822 step %scan3A_823  : i32 {
        %mul3A_1029 = arith.constant 16 : i32
        %mul3A_1030 = arith.muli %scan3A_1028, %mul3A_1029 : i32
        %add3A_1031 = arith.addi %mul3A_819, %mul3A_1030 : i32
        %get3A_1032 = arith.constant 0 : i32
        %get3A_1033 = arith.index_cast %get3A_1032 : i32 to index
        %get3A_1034 = arith.index_cast %add3A_1031 : i32 to index
        %get3A_1035 = tpu.vector_load %arg14[%get3A_1033, %get3A_1034] {strides = array<i32>} : memref<4x6400xi32, #tpu.memory_space<vmem>>, vector<16xi32>,
        %get3A_1036 = arith.constant 1 : i32
        %get3A_1037 = arith.index_cast %get3A_1036 : i32 to index
        %get3A_1038 = arith.index_cast %add3A_1031 : i32 to index
        %get3A_1039 = tpu.vector_load %arg14[%get3A_1037, %get3A_1038] {strides = array<i32>} : memref<4x6400xi32, #tpu.memory_space<vmem>>, vector<16xi32>,
        %get3A_1040 = arith.constant 2 : i32
        %get3A_1041 = arith.index_cast %get3A_1040 : i32 to index
        %get3A_1042 = arith.index_cast %add3A_1031 : i32 to index
        %get3A_1043 = tpu.vector_load %arg14[%get3A_1041, %get3A_1042] {strides = array<i32>} : memref<4x6400xi32, #tpu.memory_space<vmem>>, vector<16xi32>,
        %get3A_1044 = arith.constant 3 : i32
        %get3A_1045 = arith.index_cast %get3A_1044 : i32 to index
        %get3A_1046 = arith.index_cast %add3A_1031 : i32 to index
        %get3A_1047 = tpu.vector_load %arg14[%get3A_1045, %get3A_1046] {strides = array<i32>} : memref<4x6400xi32, #tpu.memory_space<vmem>>, vector<16xi32>,
        %eq3A_1048 = arith.constant 0 : i32
        %eq3A_1049 = vector.broadcast %eq3A_1048 : i32 to vector<16xi32>
        %eq3A_1050 = arith.cmpi eq, %get3A_1035, %eq3A_1049 : vector<16xi32>
        %eq3A_1051 = arith.constant 0 : i32
        %eq3A_1052 = vector.broadcast %eq3A_1051 : i32 to vector<16xi32>
        %eq3A_1053 = arith.cmpi eq, %get3A_1039, %eq3A_1052 : vector<16xi32>
        %or3A = arith.ori %eq3A_1050, %eq3A_1053 : vector<16xi1>
        %eq3A_1054 = arith.constant 0 : i32
        %eq3A_1055 = vector.broadcast %eq3A_1054 : i32 to vector<16xi32>
        %eq3A_1056 = arith.cmpi eq, %get3A_1043, %eq3A_1055 : vector<16xi32>
        %or3A_1057 = arith.ori %or3A, %eq3A_1056 : vector<16xi1>
        %eq3A_1058 = arith.constant 0 : i32
        %eq3A_1059 = vector.broadcast %eq3A_1058 : i32 to vector<16xi32>
        %eq3A_1060 = arith.cmpi eq, %get3A_1047, %eq3A_1059 : vector<16xi32>
        %or3A_1061 = arith.ori %or3A_1057, %eq3A_1060 : vector<16xi1>
        %reduce_or3A = arith.constant 1.000000e+00 : f32
        %reduce_or3A_1062 = arith.constant 0.000000e+00 : f32
        %reduce_or3A_1063 = vector.broadcast %reduce_or3A : f32 to vector<16xf32>
        %reduce_or3A_1064 = vector.broadcast %reduce_or3A_1062 : f32 to vector<16xf32>
        %reduce_or3A_1065 = arith.select %or3A_1061, %reduce_or3A_1063, %reduce_or3A_1064 : vector<16xi1>, vector<16xf32>
        %reduce_or3A_1066 = arith.constant true
        %reduce_or3A_1067 = vector.broadcast %reduce_or3A_1066 : i1 to vector<16xi1>
        %reduce_or3A_1068 = tpu.scan <max>, %reduce_or3A_1065 masked %reduce_or3A_1067 : vector<16xf32>, vector<16xi1> -> vector<16xf32>
        %reduce_or3A_1069 = vector.extract %reduce_or3A_1068[15] : f32 from vector<16xf32>
        %reduce_or3A_1070 = arith.constant 0.000000e+00 : f32
        %reduce_or3A_1071 = arith.cmpf ogt, %reduce_or3A_1069, %reduce_or3A_1070 : f32
        %convert_element_type3A_1072 = arith.extui %reduce_or3A_1071 : i1 to i32
        %cond3A_1073 = arith.constant 0 : i32
        %cond3A_1074 = arith.cmpi ne, %convert_element_type3A_1072, %cond3A_1073 : i32
        scf.if %cond3A_1074 {
          %scan3A_1075 = arith.constant 0 : i32
          %scan3A_1076 = arith.constant 16 : i32
          %scan3A_1077 = arith.addi %scan3A_1075, %scan3A_1076 : i32
          %scan3A_1078 = arith.constant 1 : i32
          scf.for %scan3A_1080 = %scan3A_1075 to %scan3A_1077 step %scan3A_1078  : i32 {
            %add3A_1081 = arith.addi %add3A_1031, %scan3A_1080 : i32
            %broadcast_in_dim3A = vector.broadcast %add3A_1081 : i32 to vector<16xi32>
            %broadcast_in_dim3A_1082 = arith.constant 0 : i32
            %broadcast_in_dim3A_1083 = vector.broadcast %broadcast_in_dim3A_1082 : i32 to vector<16xi32>
            %gather3A = tpu.vector_load_idx %arg14[%broadcast_in_dim3A_1083, %broadcast_in_dim3A] : memref<4x6400xi32, #tpu.memory_space<vmem>>[vector<16xi32>, vector<16xi32>], vector<16xi32>,
            %eq3A_1084 = arith.constant 0 : i32
            %eq3A_1085 = vector.broadcast %eq3A_1084 : i32 to vector<16xi32>
            %eq3A_1086 = arith.cmpi eq, %gather3A, %eq3A_1085 : vector<16xi32>
            %jit3A_1087 = arith.constant -1.000000e+00 : f32
            %jit3A_1088 = arith.constant 0.000000e+00 : f32
            %broadcast_in_dim3A_1089 = vector.broadcast %jit3A_1087 : f32 to vector<16xf32>
            %broadcast_in_dim3A_1090 = vector.broadcast %jit3A_1088 : f32 to vector<16xf32>
            %select_n3A_1091 = arith.select %eq3A_1086, %broadcast_in_dim3A_1089, %broadcast_in_dim3A_1090 : vector<16xi1>, vector<16xf32>
            %broadcast_in_dim3A_1092 = arith.constant 1 : i32
            %broadcast_in_dim3A_1093 = vector.broadcast %broadcast_in_dim3A_1092 : i32 to vector<16xi32>
            %gather3A_1094 = tpu.vector_load_idx %arg14[%broadcast_in_dim3A_1093, %broadcast_in_dim3A] : memref<4x6400xi32, #tpu.memory_space<vmem>>[vector<16xi32>, vector<16xi32>], vector<16xi32>,
            %eq3A_1095 = arith.constant 0 : i32
            %eq3A_1096 = vector.broadcast %eq3A_1095 : i32 to vector<16xi32>
            %eq3A_1097 = arith.cmpi eq, %gather3A_1094, %eq3A_1096 : vector<16xi32>
            %jit3A_1098 = arith.constant -1.000000e+00 : f32
            %jit3A_1099 = arith.constant 0.000000e+00 : f32
            %broadcast_in_dim3A_1100 = vector.broadcast %jit3A_1098 : f32 to vector<16xf32>
            %broadcast_in_dim3A_1101 = vector.broadcast %jit3A_1099 : f32 to vector<16xf32>
            %select_n3A_1102 = arith.select %eq3A_1097, %broadcast_in_dim3A_1100, %broadcast_in_dim3A_1101 : vector<16xi1>, vector<16xf32>
            %broadcast_in_dim3A_1103 = arith.constant 2 : i32
            %broadcast_in_dim3A_1104 = vector.broadcast %broadcast_in_dim3A_1103 : i32 to vector<16xi32>
            %gather3A_1105 = tpu.vector_load_idx %arg14[%broadcast_in_dim3A_1104, %broadcast_in_dim3A] : memref<4x6400xi32, #tpu.memory_space<vmem>>[vector<16xi32>, vector<16xi32>], vector<16xi32>,
            %eq3A_1106 = arith.constant 0 : i32
            %eq3A_1107 = vector.broadcast %eq3A_1106 : i32 to vector<16xi32>
            %eq3A_1108 = arith.cmpi eq, %gather3A_1105, %eq3A_1107 : vector<16xi32>
            %jit3A_1109 = arith.constant -1.000000e+00 : f32
            %jit3A_1110 = arith.constant 0.000000e+00 : f32
            %broadcast_in_dim3A_1111 = vector.broadcast %jit3A_1109 : f32 to vector<16xf32>
            %broadcast_in_dim3A_1112 = vector.broadcast %jit3A_1110 : f32 to vector<16xf32>
            %select_n3A_1113 = arith.select %eq3A_1108, %broadcast_in_dim3A_1111, %broadcast_in_dim3A_1112 : vector<16xi1>, vector<16xf32>
            %broadcast_in_dim3A_1114 = arith.constant 3 : i32
            %broadcast_in_dim3A_1115 = vector.broadcast %broadcast_in_dim3A_1114 : i32 to vector<16xi32>
            %gather3A_1116 = tpu.vector_load_idx %arg14[%broadcast_in_dim3A_1115, %broadcast_in_dim3A] : memref<4x6400xi32, #tpu.memory_space<vmem>>[vector<16xi32>, vector<16xi32>], vector<16xi32>,
            %eq3A_1117 = arith.constant 0 : i32
            %eq3A_1118 = vector.broadcast %eq3A_1117 : i32 to vector<16xi32>
            %eq3A_1119 = arith.cmpi eq, %gather3A_1116, %eq3A_1118 : vector<16xi32>
            %jit3A_1120 = arith.constant -1.000000e+00 : f32
            %jit3A_1121 = arith.constant 0.000000e+00 : f32
            %broadcast_in_dim3A_1122 = vector.broadcast %jit3A_1120 : f32 to vector<16xf32>
            %broadcast_in_dim3A_1123 = vector.broadcast %jit3A_1121 : f32 to vector<16xf32>
            %select_n3A_1124 = arith.select %eq3A_1119, %broadcast_in_dim3A_1122, %broadcast_in_dim3A_1123 : vector<16xi1>, vector<16xf32>
            %mul3A_1125 = arith.constant 16 : i32
            %mul3A_1126 = arith.muli %scan3A_1028, %mul3A_1125 : i32
            %add3A_1127 = arith.addi %mul3A_1126, %scan3A_1080 : i32
            %get3A_1128 = arith.constant 0 : i32
            %get3A_1129 = arith.index_cast %get3A_1128 : i32 to index
            %get3A_1130 = arith.constant 0 : index
            %get3A_1131 = tpu.vector_load %arg17[%get3A_1129, %get3A_1130] {strides = array<i32>} : memref<4x64xf32, #tpu.memory_space<vmem>>, vector<16xf32>,
            %mul3A_1132 = arith.mulf %select_n3A_1091, %get3A_1131 : vector<16xf32>
            %get3A_1133 = arith.constant 1 : i32
            %get3A_1134 = arith.index_cast %get3A_1133 : i32 to index
            %get3A_1135 = arith.constant 0 : index
            %get3A_1136 = tpu.vector_load %arg17[%get3A_1134, %get3A_1135] {strides = array<i32>} : memref<4x64xf32, #tpu.memory_space<vmem>>, vector<16xf32>,
            %mul3A_1137 = arith.mulf %select_n3A_1102, %get3A_1136 : vector<16xf32>
            %add3A_1138 = arith.addf %mul3A_1132, %mul3A_1137 : vector<16xf32>
            %get3A_1139 = arith.constant 2 : i32
            %get3A_1140 = arith.index_cast %get3A_1139 : i32 to index
            %get3A_1141 = arith.constant 0 : index
            %get3A_1142 = tpu.vector_load %arg17[%get3A_1140, %get3A_1141] {strides = array<i32>} : memref<4x64xf32, #tpu.memory_space<vmem>>, vector<16xf32>,
            %mul3A_1143 = arith.mulf %select_n3A_1113, %get3A_1142 : vector<16xf32>
            %add3A_1144 = arith.addf %add3A_1138, %mul3A_1143 : vector<16xf32>
            %get3A_1145 = arith.constant 3 : i32
            %get3A_1146 = arith.index_cast %get3A_1145 : i32 to index
            %get3A_1147 = arith.constant 0 : index
            %get3A_1148 = tpu.vector_load %arg17[%get3A_1146, %get3A_1147] {strides = array<i32>} : memref<4x64xf32, #tpu.memory_space<vmem>>, vector<16xf32>,
            %mul3A_1149 = arith.mulf %select_n3A_1124, %get3A_1148 : vector<16xf32>
            %add3A_1150 = arith.addf %add3A_1144, %mul3A_1149 : vector<16xf32>
            %swap3A = arith.index_cast %add3A_1127 : i32 to index
            %swap3A_1151 = arith.constant 0 : index
            %swap3A_1152 = tpu.vector_load %arg19[%swap3A, %swap3A_1151] {strides = array<i32>} : memref<128x64xf32, #tpu.memory_space<vmem>>, vector<16xf32>,
            tpu.vector_store %arg19[%swap3A, %swap3A_1151], %add3A_1150 {add = true, strides = array<i32>} : memref<128x64xf32, #tpu.memory_space<vmem>>, vector<16xf32>,
            %get3A_1153 = arith.constant 0 : i32
            %get3A_1154 = arith.index_cast %get3A_1153 : i32 to index
            %get3A_1155 = arith.constant 16 : index
            %get3A_1156 = tpu.vector_load %arg17[%get3A_1154, %get3A_1155] {strides = array<i32>} : memref<4x64xf32, #tpu.memory_space<vmem>>, vector<16xf32>,
            %mul3A_1157 = arith.mulf %select_n3A_1091, %get3A_1156 : vector<16xf32>
            %get3A_1158 = arith.constant 1 : i32
            %get3A_1159 = arith.index_cast %get3A_1158 : i32 to index
            %get3A_1160 = arith.constant 16 : index
            %get3A_1161 = tpu.vector_load %arg17[%get3A_1159, %get3A_1160] {strides = array<i32>} : memref<4x64xf32, #tpu.memory_space<vmem>>, vector<16xf32>,
            %mul3A_1162 = arith.mulf %select_n3A_1102, %get3A_1161 : vector<16xf32>
            %add3A_1163 = arith.addf %mul3A_1157, %mul3A_1162 : vector<16xf32>
            %get3A_1164 = arith.constant 2 : i32
            %get3A_1165 = arith.index_cast %get3A_1164 : i32 to index
            %get3A_1166 = arith.constant 16 : index
            %get3A_1167 = tpu.vector_load %arg17[%get3A_1165, %get3A_1166] {strides = array<i32>} : memref<4x64xf32, #tpu.memory_space<vmem>>, vector<16xf32>,
            %mul3A_1168 = arith.mulf %select_n3A_1113, %get3A_1167 : vector<16xf32>
            %add3A_1169 = arith.addf %add3A_1163, %mul3A_1168 : vector<16xf32>
            %get3A_1170 = arith.constant 3 : i32
            %get3A_1171 = arith.index_cast %get3A_1170 : i32 to index
            %get3A_1172 = arith.constant 16 : index
            %get3A_1173 = tpu.vector_load %arg17[%get3A_1171, %get3A_1172] {strides = array<i32>} : memref<4x64xf32, #tpu.memory_space<vmem>>, vector<16xf32>,
            %mul3A_1174 = arith.mulf %select_n3A_1124, %get3A_1173 : vector<16xf32>
            %add3A_1175 = arith.addf %add3A_1169, %mul3A_1174 : vector<16xf32>
            %swap3A_1176 = arith.index_cast %add3A_1127 : i32 to index
            %swap3A_1177 = arith.constant 16 : index
            %swap3A_1178 = tpu.vector_load %arg19[%swap3A_1176, %swap3A_1177] {strides = array<i32>} : memref<128x64xf32, #tpu.memory_space<vmem>>, vector<16xf32>,
            tpu.vector_store %arg19[%swap3A_1176, %swap3A_1177], %add3A_1175 {add = true, strides = array<i32>} : memref<128x64xf32, #tpu.memory_space<vmem>>, vector<16xf32>,
            %get3A_1179 = arith.constant 0 : i32
            %get3A_1180 = arith.index_cast %get3A_1179 : i32 to index
            %get3A_1181 = arith.constant 32 : index
            %get3A_1182 = tpu.vector_load %arg17[%get3A_1180, %get3A_1181] {strides = array<i32>} : memref<4x64xf32, #tpu.memory_space<vmem>>, vector<16xf32>,
            %mul3A_1183 = arith.mulf %select_n3A_1091, %get3A_1182 : vector<16xf32>
            %get3A_1184 = arith.constant 1 : i32
            %get3A_1185 = arith.index_cast %get3A_1184 : i32 to index
            %get3A_1186 = arith.constant 32 : index
            %get3A_1187 = tpu.vector_load %arg17[%get3A_1185, %get3A_1186] {strides = array<i32>} : memref<4x64xf32, #tpu.memory_space<vmem>>, vector<16xf32>,
            %mul3A_1188 = arith.mulf %select_n3A_1102, %get3A_1187 : vector<16xf32>
            %add3A_1189 = arith.addf %mul3A_1183, %mul3A_1188 : vector<16xf32>
            %get3A_1190 = arith.constant 2 : i32
            %get3A_1191 = arith.index_cast %get3A_1190 : i32 to index
            %get3A_1192 = arith.constant 32 : index
            %get3A_1193 = tpu.vector_load %arg17[%get3A_1191, %get3A_1192] {strides = array<i32>} : memref<4x64xf32, #tpu.memory_space<vmem>>, vector<16xf32>,
            %mul3A_1194 = arith.mulf %select_n3A_1113, %get3A_1193 : vector<16xf32>
            %add3A_1195 = arith.addf %add3A_1189, %mul3A_1194 : vector<16xf32>
            %get3A_1196 = arith.constant 3 : i32
            %get3A_1197 = arith.index_cast %get3A_1196 : i32 to index
            %get3A_1198 = arith.constant 32 : index
            %get3A_1199 = tpu.vector_load %arg17[%get3A_1197, %get3A_1198] {strides = array<i32>} : memref<4x64xf32, #tpu.memory_space<vmem>>, vector<16xf32>,
            %mul3A_1200 = arith.mulf %select_n3A_1124, %get3A_1199 : vector<16xf32>
            %add3A_1201 = arith.addf %add3A_1195, %mul3A_1200 : vector<16xf32>
            %swap3A_1202 = arith.index_cast %add3A_1127 : i32 to index
            %swap3A_1203 = arith.constant 32 : index
            %swap3A_1204 = tpu.vector_load %arg19[%swap3A_1202, %swap3A_1203] {strides = array<i32>} : memref<128x64xf32, #tpu.memory_space<vmem>>, vector<16xf32>,
            tpu.vector_store %arg19[%swap3A_1202, %swap3A_1203], %add3A_1201 {add = true, strides = array<i32>} : memref<128x64xf32, #tpu.memory_space<vmem>>, vector<16xf32>,
            %get3A_1205 = arith.constant 0 : i32
            %get3A_1206 = arith.index_cast %get3A_1205 : i32 to index
            %get3A_1207 = arith.constant 48 : index
            %get3A_1208 = tpu.vector_load %arg17[%get3A_1206, %get3A_1207] {strides = array<i32>} : memref<4x64xf32, #tpu.memory_space<vmem>>, vector<16xf32>,
            %mul3A_1209 = arith.mulf %select_n3A_1091, %get3A_1208 : vector<16xf32>
            %get3A_1210 = arith.constant 1 : i32
            %get3A_1211 = arith.index_cast %get3A_1210 : i32 to index
            %get3A_1212 = arith.constant 48 : index
            %get3A_1213 = tpu.vector_load %arg17[%get3A_1211, %get3A_1212] {strides = array<i32>} : memref<4x64xf32, #tpu.memory_space<vmem>>, vector<16xf32>,
            %mul3A_1214 = arith.mulf %select_n3A_1102, %get3A_1213 : vector<16xf32>
            %add3A_1215 = arith.addf %mul3A_1209, %mul3A_1214 : vector<16xf32>
            %get3A_1216 = arith.constant 2 : i32
            %get3A_1217 = arith.index_cast %get3A_1216 : i32 to index
            %get3A_1218 = arith.constant 48 : index
            %get3A_1219 = tpu.vector_load %arg17[%get3A_1217, %get3A_1218] {strides = array<i32>} : memref<4x64xf32, #tpu.memory_space<vmem>>, vector<16xf32>,
            %mul3A_1220 = arith.mulf %select_n3A_1113, %get3A_1219 : vector<16xf32>
            %add3A_1221 = arith.addf %add3A_1215, %mul3A_1220 : vector<16xf32>
            %get3A_1222 = arith.constant 3 : i32
            %get3A_1223 = arith.index_cast %get3A_1222 : i32 to index
            %get3A_1224 = arith.constant 48 : index
            %get3A_1225 = tpu.vector_load %arg17[%get3A_1223, %get3A_1224] {strides = array<i32>} : memref<4x64xf32, #tpu.memory_space<vmem>>, vector<16xf32>,
            %mul3A_1226 = arith.mulf %select_n3A_1124, %get3A_1225 : vector<16xf32>
            %add3A_1227 = arith.addf %add3A_1221, %mul3A_1226 : vector<16xf32>
            %swap3A_1228 = arith.index_cast %add3A_1127 : i32 to index
            %swap3A_1229 = arith.constant 48 : index
            %swap3A_1230 = tpu.vector_load %arg19[%swap3A_1228, %swap3A_1229] {strides = array<i32>} : memref<128x64xf32, #tpu.memory_space<vmem>>, vector<16xf32>,
            tpu.vector_store %arg19[%swap3A_1228, %swap3A_1229], %add3A_1227 {add = true, strides = array<i32>} : memref<128x64xf32, #tpu.memory_space<vmem>>, vector<16xf32>,
          }
          %scan3A_1079 = arith.constant 16 : i32
        } else {
        }
      }
      %scan3A_824 = arith.constant 8 : i32
      %ge3A_825 = arith.constant 2 : i32
      %ge3A_826 = arith.cmpi sge, %add3A_784, %ge3A_825 : i32
      %convert_element_type3A_827 = arith.extui %ge3A_826 : i1 to i32
      %cond3A_828 = arith.constant 0 : i32
      %cond3A_829 = arith.cmpi ne, %convert_element_type3A_827, %cond3A_828 : i32
      scf.if %cond3A_829 {
        %sub3A_1028 = arith.constant 2 : i32
        %sub3A_1029 = arith.subi %add3A_784, %sub3A_1028 : i32
        %mul3A_1030 = arith.constant 50 : i32
        %mul3A_1031 = arith.muli %add3A, %mul3A_1030 : i32
        %add3A_1032 = arith.addi %mul3A_1031, %sub3A_1029 : i32
        %jit3A_1033 = arith.constant 32 : i32
        %div3A_1034 = arith.divsi %add3A_1032, %jit3A_1033 : i32
        %sign3A_1035 = arith.constant 0 : i32
        %sign3A_1036 = arith.cmpi sgt, %add3A_1032, %sign3A_1035 : i32
        %sign3A_1037 = arith.extui %sign3A_1036 : i1 to i32
        %sign3A_1038 = arith.constant 0 : i32
        %sign3A_1039 = arith.cmpi slt, %add3A_1032, %sign3A_1038 : i32
        %sign3A_1040 = arith.extui %sign3A_1039 : i1 to i32
        %sign3A_1041 = arith.subi %sign3A_1037, %sign3A_1040 : i32
        %sign3A_1042 = arith.constant 0 : i32
        %sign3A_1043 = arith.cmpi sgt, %jit3A_1033, %sign3A_1042 : i32
        %sign3A_1044 = arith.extui %sign3A_1043 : i1 to i32
        %sign3A_1045 = arith.constant 0 : i32
        %sign3A_1046 = arith.cmpi slt, %jit3A_1033, %sign3A_1045 : i32
        %sign3A_1047 = arith.extui %sign3A_1046 : i1 to i32
        %sign3A_1048 = arith.subi %sign3A_1044, %sign3A_1047 : i32
        %ne3A_1049 = arith.cmpi ne, %sign3A_1041, %sign3A_1048 : i32
        %rem3A_1050 = arith.remsi %add3A_1032, %jit3A_1033 : i32
        %ne3A_1051 = arith.constant 0 : i32
        %ne3A_1052 = arith.cmpi ne, %rem3A_1050, %ne3A_1051 : i32
        %and3A_1053 = arith.andi %ne3A_1049, %ne3A_1052 : i1
        %sub3A_1054 = arith.constant 1 : i32
        %sub3A_1055 = arith.subi %div3A_1034, %sub3A_1054 : i32
        %select_n3A_1056 = arith.select %and3A_1053, %sub3A_1055, %div3A_1034 : i32
        %jit3A_1057 = arith.constant 32 : i32
        %eq3A_1058 = arith.constant 0 : i32
        %eq3A_1059 = arith.cmpi eq, %jit3A_1057, %eq3A_1058 : i32
        %jit3A_1060 = arith.constant 1 : i32
        %select_n3A_1061 = arith.select %eq3A_1059, %jit3A_1060, %jit3A_1057 : i32
        %rem3A_1062 = arith.remsi %add3A_1032, %select_n3A_1061 : i32
        %ne3A_1063 = arith.constant 0 : i32
        %ne3A_1064 = arith.cmpi ne, %rem3A_1062, %ne3A_1063 : i32
        %lt3A_1065 = arith.constant 0 : i32
        %lt3A_1066 = arith.cmpi slt, %rem3A_1062, %lt3A_1065 : i32
        %lt3A_1067 = arith.constant 0 : i32
        %lt3A_1068 = arith.cmpi slt, %select_n3A_1061, %lt3A_1067 : i32
        %ne3A_1069 = arith.xori %lt3A_1066, %lt3A_1068 : i1
        %and3A_1070 = arith.andi %ne3A_1069, %ne3A_1064 : i1
        %add3A_1071 = arith.addi %rem3A_1062, %select_n3A_1061 : i32
        %select_n3A_1072 = arith.select %and3A_1070, %add3A_1071, %rem3A_1062 : i32
        %mul3A_1073 = arith.constant 8 : i32
        %mul3A_1074 = arith.muli %select_n3A_1056, %mul3A_1073 : i32
        %add3A_1075 = arith.constant 0 : i32
        %add3A_1076 = arith.addi %mul3A_1074, %add3A_1075 : i32
        %mul3A_1077 = arith.constant 32 : i32
        %mul3A_1078 = arith.muli %add3A_1076, %mul3A_1077 : i32
        %add3A_1079 = arith.addi %mul3A_1078, %select_n3A_1072 : i32
        %mul3A_1080 = arith.constant 8 : i32
        %mul3A_1081 = arith.muli %add3A_1079, %mul3A_1080 : i32
        %dma_wait3A_1082 = arith.constant 0 : i32
        %dma_wait3A_1083 = arith.constant 0 : i32
        %dma_wait3A_1084 = tpu.memref_slice %arg21[%dma_wait3A_1082, %dma_wait3A_1083] : memref<64x129xf32, #tpu.memory_space<vmem>> -> memref<8x128xf32, #tpu.memory_space<vmem>>
        %dma_wait3A_1085 = arith.constant 0 : i32
        %dma_wait3A_1086 = tpu.memref_slice %arg13[%mul3A_1081, %dma_wait3A_1085] : memref<102400x128xf32, #tpu.memory_space<hbm>> -> memref<8x128xf32, #tpu.memory_space<hbm>>
        %dma_wait3A_1087 = arith.constant 0 : i32
        %dma_wait3A_1088 = tpu.memref_slice %arg13[%mul3A_1081, %dma_wait3A_1087] : memref<102400x128xf32, #tpu.memory_space<hbm>> -> memref<8x128xf32, #tpu.memory_space<hbm>>
        %dma_wait3A_1089 = arith.constant 0 : i32
        %dma_wait3A_1090 = arith.constant 0 : i32
        %dma_wait3A_1091 = tpu.memref_slice %arg21[%dma_wait3A_1089, %dma_wait3A_1090] : memref<64x129xf32, #tpu.memory_space<vmem>> -> memref<8x128xf32, #tpu.memory_space<vmem>>
        tpu.wait_dma2 semaphore(%arg25 : memref<!tpu.dma_semaphore, #tpu.memory_space<semaphore_mem>>) src(%dma_wait3A_1091 : memref<8x128xf32, #tpu.memory_space<vmem>>) dst(%dma_wait3A_1088 : memref<8x128xf32, #tpu.memory_space<hbm>>)
        %mul3A_1092 = arith.constant 8 : i32
        %mul3A_1093 = arith.muli %select_n3A_1056, %mul3A_1092 : i32
        %add3A_1094 = arith.constant 1 : i32
        %add3A_1095 = arith.addi %mul3A_1093, %add3A_1094 : i32
        %mul3A_1096 = arith.constant 32 : i32
        %mul3A_1097 = arith.muli %add3A_1095, %mul3A_1096 : i32
        %add3A_1098 = arith.addi %mul3A_1097, %select_n3A_1072 : i32
        %mul3A_1099 = arith.constant 8 : i32
        %mul3A_1100 = arith.muli %add3A_1098, %mul3A_1099 : i32
        %dma_wait3A_1101 = arith.constant 8 : i32
        %dma_wait3A_1102 = arith.constant 0 : i32
        %dma_wait3A_1103 = tpu.memref_slice %arg21[%dma_wait3A_1101, %dma_wait3A_1102] : memref<64x129xf32, #tpu.memory_space<vmem>> -> memref<8x128xf32, #tpu.memory_space<vmem>>
        %dma_wait3A_1104 = arith.constant 0 : i32
        %dma_wait3A_1105 = tpu.memref_slice %arg13[%mul3A_1100, %dma_wait3A_1104] : memref<102400x128xf32, #tpu.memory_space<hbm>> -> memref<8x128xf32, #tpu.memory_space<hbm>>
        %dma_wait3A_1106 = arith.constant 0 : i32
        %dma_wait3A_1107 = tpu.memref_slice %arg13[%mul3A_1100, %dma_wait3A_1106] : memref<102400x128xf32, #tpu.memory_space<hbm>> -> memref<8x128xf32, #tpu.memory_space<hbm>>
        %dma_wait3A_1108 = arith.constant 8 : i32
        %dma_wait3A_1109 = arith.constant 0 : i32
        %dma_wait3A_1110 = tpu.memref_slice %arg21[%dma_wait3A_1108, %dma_wait3A_1109] : memref<64x129xf32, #tpu.memory_space<vmem>> -> memref<8x128xf32, #tpu.memory_space<vmem>>
        tpu.wait_dma2 semaphore(%arg25 : memref<!tpu.dma_semaphore, #tpu.memory_space<semaphore_mem>>) src(%dma_wait3A_1110 : memref<8x128xf32, #tpu.memory_space<vmem>>) dst(%dma_wait3A_1107 : memref<8x128xf32, #tpu.memory_space<hbm>>)
        %mul3A_1111 = arith.constant 8 : i32
        %mul3A_1112 = arith.muli %select_n3A_1056, %mul3A_1111 : i32
        %add3A_1113 = arith.constant 2 : i32
        %add3A_1114 = arith.addi %mul3A_1112, %add3A_1113 : i32
        %mul3A_1115 = arith.constant 32 : i32
        %mul3A_1116 = arith.muli %add3A_1114, %mul3A_1115 : i32
        %add3A_1117 = arith.addi %mul3A_1116, %select_n3A_1072 : i32
        %mul3A_1118 = arith.constant 8 : i32
        %mul3A_1119 = arith.muli %add3A_1117, %mul3A_1118 : i32
        %dma_wait3A_1120 = arith.constant 16 : i32
        %dma_wait3A_1121 = arith.constant 0 : i32
        %dma_wait3A_1122 = tpu.memref_slice %arg21[%dma_wait3A_1120, %dma_wait3A_1121] : memref<64x129xf32, #tpu.memory_space<vmem>> -> memref<8x128xf32, #tpu.memory_space<vmem>>
        %dma_wait3A_1123 = arith.constant 0 : i32
        %dma_wait3A_1124 = tpu.memref_slice %arg13[%mul3A_1119, %dma_wait3A_1123] : memref<102400x128xf32, #tpu.memory_space<hbm>> -> memref<8x128xf32, #tpu.memory_space<hbm>>
        %dma_wait3A_1125 = arith.constant 0 : i32
        %dma_wait3A_1126 = tpu.memref_slice %arg13[%mul3A_1119, %dma_wait3A_1125] : memref<102400x128xf32, #tpu.memory_space<hbm>> -> memref<8x128xf32, #tpu.memory_space<hbm>>
        %dma_wait3A_1127 = arith.constant 16 : i32
        %dma_wait3A_1128 = arith.constant 0 : i32
        %dma_wait3A_1129 = tpu.memref_slice %arg21[%dma_wait3A_1127, %dma_wait3A_1128] : memref<64x129xf32, #tpu.memory_space<vmem>> -> memref<8x128xf32, #tpu.memory_space<vmem>>
        tpu.wait_dma2 semaphore(%arg25 : memref<!tpu.dma_semaphore, #tpu.memory_space<semaphore_mem>>) src(%dma_wait3A_1129 : memref<8x128xf32, #tpu.memory_space<vmem>>) dst(%dma_wait3A_1126 : memref<8x128xf32, #tpu.memory_space<hbm>>)
        %mul3A_1130 = arith.constant 8 : i32
        %mul3A_1131 = arith.muli %select_n3A_1056, %mul3A_1130 : i32
        %add3A_1132 = arith.constant 3 : i32
        %add3A_1133 = arith.addi %mul3A_1131, %add3A_1132 : i32
        %mul3A_1134 = arith.constant 32 : i32
        %mul3A_1135 = arith.muli %add3A_1133, %mul3A_1134 : i32
        %add3A_1136 = arith.addi %mul3A_1135, %select_n3A_1072 : i32
        %mul3A_1137 = arith.constant 8 : i32
        %mul3A_1138 = arith.muli %add3A_1136, %mul3A_1137 : i32
        %dma_wait3A_1139 = arith.constant 24 : i32
        %dma_wait3A_1140 = arith.constant 0 : i32
        %dma_wait3A_1141 = tpu.memref_slice %arg21[%dma_wait3A_1139, %dma_wait3A_1140] : memref<64x129xf32, #tpu.memory_space<vmem>> -> memref<8x128xf32, #tpu.memory_space<vmem>>
        %dma_wait3A_1142 = arith.constant 0 : i32
        %dma_wait3A_1143 = tpu.memref_slice %arg13[%mul3A_1138, %dma_wait3A_1142] : memref<102400x128xf32, #tpu.memory_space<hbm>> -> memref<8x128xf32, #tpu.memory_space<hbm>>
        %dma_wait3A_1144 = arith.constant 0 : i32
        %dma_wait3A_1145 = tpu.memref_slice %arg13[%mul3A_1138, %dma_wait3A_1144] : memref<102400x128xf32, #tpu.memory_space<hbm>> -> memref<8x128xf32, #tpu.memory_space<hbm>>
        %dma_wait3A_1146 = arith.constant 24 : i32
        %dma_wait3A_1147 = arith.constant 0 : i32
        %dma_wait3A_1148 = tpu.memref_slice %arg21[%dma_wait3A_1146, %dma_wait3A_1147] : memref<64x129xf32, #tpu.memory_space<vmem>> -> memref<8x128xf32, #tpu.memory_space<vmem>>
        tpu.wait_dma2 semaphore(%arg25 : memref<!tpu.dma_semaphore, #tpu.memory_space<semaphore_mem>>) src(%dma_wait3A_1148 : memref<8x128xf32, #tpu.memory_space<vmem>>) dst(%dma_wait3A_1145 : memref<8x128xf32, #tpu.memory_space<hbm>>)
        %mul3A_1149 = arith.constant 8 : i32
        %mul3A_1150 = arith.muli %select_n3A_1056, %mul3A_1149 : i32
        %add3A_1151 = arith.constant 4 : i32
        %add3A_1152 = arith.addi %mul3A_1150, %add3A_1151 : i32
        %mul3A_1153 = arith.constant 32 : i32
        %mul3A_1154 = arith.muli %add3A_1152, %mul3A_1153 : i32
        %add3A_1155 = arith.addi %mul3A_1154, %select_n3A_1072 : i32
        %mul3A_1156 = arith.constant 8 : i32
        %mul3A_1157 = arith.muli %add3A_1155, %mul3A_1156 : i32
        %dma_wait3A_1158 = arith.constant 32 : i32
        %dma_wait3A_1159 = arith.constant 0 : i32
        %dma_wait3A_1160 = tpu.memref_slice %arg21[%dma_wait3A_1158, %dma_wait3A_1159] : memref<64x129xf32, #tpu.memory_space<vmem>> -> memref<8x128xf32, #tpu.memory_space<vmem>>
        %dma_wait3A_1161 = arith.constant 0 : i32
        %dma_wait3A_1162 = tpu.memref_slice %arg13[%mul3A_1157, %dma_wait3A_1161] : memref<102400x128xf32, #tpu.memory_space<hbm>> -> memref<8x128xf32, #tpu.memory_space<hbm>>
        %dma_wait3A_1163 = arith.constant 0 : i32
        %dma_wait3A_1164 = tpu.memref_slice %arg13[%mul3A_1157, %dma_wait3A_1163] : memref<102400x128xf32, #tpu.memory_space<hbm>> -> memref<8x128xf32, #tpu.memory_space<hbm>>
        %dma_wait3A_1165 = arith.constant 32 : i32
        %dma_wait3A_1166 = arith.constant 0 : i32
        %dma_wait3A_1167 = tpu.memref_slice %arg21[%dma_wait3A_1165, %dma_wait3A_1166] : memref<64x129xf32, #tpu.memory_space<vmem>> -> memref<8x128xf32, #tpu.memory_space<vmem>>
        tpu.wait_dma2 semaphore(%arg25 : memref<!tpu.dma_semaphore, #tpu.memory_space<semaphore_mem>>) src(%dma_wait3A_1167 : memref<8x128xf32, #tpu.memory_space<vmem>>) dst(%dma_wait3A_1164 : memref<8x128xf32, #tpu.memory_space<hbm>>)
        %mul3A_1168 = arith.constant 8 : i32
        %mul3A_1169 = arith.muli %select_n3A_1056, %mul3A_1168 : i32
        %add3A_1170 = arith.constant 5 : i32
        %add3A_1171 = arith.addi %mul3A_1169, %add3A_1170 : i32
        %mul3A_1172 = arith.constant 32 : i32
        %mul3A_1173 = arith.muli %add3A_1171, %mul3A_1172 : i32
        %add3A_1174 = arith.addi %mul3A_1173, %select_n3A_1072 : i32
        %mul3A_1175 = arith.constant 8 : i32
        %mul3A_1176 = arith.muli %add3A_1174, %mul3A_1175 : i32
        %dma_wait3A_1177 = arith.constant 40 : i32
        %dma_wait3A_1178 = arith.constant 0 : i32
        %dma_wait3A_1179 = tpu.memref_slice %arg21[%dma_wait3A_1177, %dma_wait3A_1178] : memref<64x129xf32, #tpu.memory_space<vmem>> -> memref<8x128xf32, #tpu.memory_space<vmem>>
        %dma_wait3A_1180 = arith.constant 0 : i32
        %dma_wait3A_1181 = tpu.memref_slice %arg13[%mul3A_1176, %dma_wait3A_1180] : memref<102400x128xf32, #tpu.memory_space<hbm>> -> memref<8x128xf32, #tpu.memory_space<hbm>>
        %dma_wait3A_1182 = arith.constant 0 : i32
        %dma_wait3A_1183 = tpu.memref_slice %arg13[%mul3A_1176, %dma_wait3A_1182] : memref<102400x128xf32, #tpu.memory_space<hbm>> -> memref<8x128xf32, #tpu.memory_space<hbm>>
        %dma_wait3A_1184 = arith.constant 40 : i32
        %dma_wait3A_1185 = arith.constant 0 : i32
        %dma_wait3A_1186 = tpu.memref_slice %arg21[%dma_wait3A_1184, %dma_wait3A_1185] : memref<64x129xf32, #tpu.memory_space<vmem>> -> memref<8x128xf32, #tpu.memory_space<vmem>>
        tpu.wait_dma2 semaphore(%arg25 : memref<!tpu.dma_semaphore, #tpu.memory_space<semaphore_mem>>) src(%dma_wait3A_1186 : memref<8x128xf32, #tpu.memory_space<vmem>>) dst(%dma_wait3A_1183 : memref<8x128xf32, #tpu.memory_space<hbm>>)
        %mul3A_1187 = arith.constant 8 : i32
        %mul3A_1188 = arith.muli %select_n3A_1056, %mul3A_1187 : i32
        %add3A_1189 = arith.constant 6 : i32
        %add3A_1190 = arith.addi %mul3A_1188, %add3A_1189 : i32
        %mul3A_1191 = arith.constant 32 : i32
        %mul3A_1192 = arith.muli %add3A_1190, %mul3A_1191 : i32
        %add3A_1193 = arith.addi %mul3A_1192, %select_n3A_1072 : i32
        %mul3A_1194 = arith.constant 8 : i32
        %mul3A_1195 = arith.muli %add3A_1193, %mul3A_1194 : i32
        %dma_wait3A_1196 = arith.constant 48 : i32
        %dma_wait3A_1197 = arith.constant 0 : i32
        %dma_wait3A_1198 = tpu.memref_slice %arg21[%dma_wait3A_1196, %dma_wait3A_1197] : memref<64x129xf32, #tpu.memory_space<vmem>> -> memref<8x128xf32, #tpu.memory_space<vmem>>
        %dma_wait3A_1199 = arith.constant 0 : i32
        %dma_wait3A_1200 = tpu.memref_slice %arg13[%mul3A_1195, %dma_wait3A_1199] : memref<102400x128xf32, #tpu.memory_space<hbm>> -> memref<8x128xf32, #tpu.memory_space<hbm>>
        %dma_wait3A_1201 = arith.constant 0 : i32
        %dma_wait3A_1202 = tpu.memref_slice %arg13[%mul3A_1195, %dma_wait3A_1201] : memref<102400x128xf32, #tpu.memory_space<hbm>> -> memref<8x128xf32, #tpu.memory_space<hbm>>
        %dma_wait3A_1203 = arith.constant 48 : i32
        %dma_wait3A_1204 = arith.constant 0 : i32
        %dma_wait3A_1205 = tpu.memref_slice %arg21[%dma_wait3A_1203, %dma_wait3A_1204] : memref<64x129xf32, #tpu.memory_space<vmem>> -> memref<8x128xf32, #tpu.memory_space<vmem>>
        tpu.wait_dma2 semaphore(%arg25 : memref<!tpu.dma_semaphore, #tpu.memory_space<semaphore_mem>>) src(%dma_wait3A_1205 : memref<8x128xf32, #tpu.memory_space<vmem>>) dst(%dma_wait3A_1202 : memref<8x128xf32, #tpu.memory_space<hbm>>)
        %mul3A_1206 = arith.constant 8 : i32
        %mul3A_1207 = arith.muli %select_n3A_1056, %mul3A_1206 : i32
        %add3A_1208 = arith.constant 7 : i32
        %add3A_1209 = arith.addi %mul3A_1207, %add3A_1208 : i32
        %mul3A_1210 = arith.constant 32 : i32
        %mul3A_1211 = arith.muli %add3A_1209, %mul3A_1210 : i32
        %add3A_1212 = arith.addi %mul3A_1211, %select_n3A_1072 : i32
        %mul3A_1213 = arith.constant 8 : i32
        %mul3A_1214 = arith.muli %add3A_1212, %mul3A_1213 : i32
        %dma_wait3A_1215 = arith.constant 56 : i32
        %dma_wait3A_1216 = arith.constant 0 : i32
        %dma_wait3A_1217 = tpu.memref_slice %arg21[%dma_wait3A_1215, %dma_wait3A_1216] : memref<64x129xf32, #tpu.memory_space<vmem>> -> memref<8x128xf32, #tpu.memory_space<vmem>>
        %dma_wait3A_1218 = arith.constant 0 : i32
        %dma_wait3A_1219 = tpu.memref_slice %arg13[%mul3A_1214, %dma_wait3A_1218] : memref<102400x128xf32, #tpu.memory_space<hbm>> -> memref<8x128xf32, #tpu.memory_space<hbm>>
        %dma_wait3A_1220 = arith.constant 0 : i32
        %dma_wait3A_1221 = tpu.memref_slice %arg13[%mul3A_1214, %dma_wait3A_1220] : memref<102400x128xf32, #tpu.memory_space<hbm>> -> memref<8x128xf32, #tpu.memory_space<hbm>>
        %dma_wait3A_1222 = arith.constant 56 : i32
        %dma_wait3A_1223 = arith.constant 0 : i32
        %dma_wait3A_1224 = tpu.memref_slice %arg21[%dma_wait3A_1222, %dma_wait3A_1223] : memref<64x129xf32, #tpu.memory_space<vmem>> -> memref<8x128xf32, #tpu.memory_space<vmem>>
        tpu.wait_dma2 semaphore(%arg25 : memref<!tpu.dma_semaphore, #tpu.memory_space<semaphore_mem>>) src(%dma_wait3A_1224 : memref<8x128xf32, #tpu.memory_space<vmem>>) dst(%dma_wait3A_1221 : memref<8x128xf32, #tpu.memory_space<hbm>>)
      } else {
      }
      %parallel_loop3A_830 = arith.constant 0 : i32
      %parallel_loop3A_831 = arith.constant 128 : i32
      %parallel_loop3A_832 = arith.constant 1 : i32
      scf.for %parallel_loop3A_1028 = %parallel_loop3A_830 to %parallel_loop3A_831 step %parallel_loop3A_832  : i32 {
        %parallel_loop3A_1029 = vector.broadcast %parallel_loop3A_1028 : i32 to vector<16xi32>
        %parallel_loop3A_1030 = arith.index_cast %parallel_loop3A_1028 : i32 to index
        %parallel_loop3A_1031 = arith.constant 0 : index
        %parallel_loop3A_1032 = tpu.vector_load %arg19[%parallel_loop3A_1030, %parallel_loop3A_1031] {strides = array<i32>} : memref<128x64xf32, #tpu.memory_space<vmem>>, vector<16xf32>,
        tpu.vector_store_idx %arg21[%add3A_110, %parallel_loop3A_1029], %parallel_loop3A_1032 : memref<64x129xf32, #tpu.memory_space<vmem>>[vector<16xi32>, vector<16xi32>], vector<16xf32>,
        %parallel_loop3A_1033 = arith.index_cast %parallel_loop3A_1028 : i32 to index
        %parallel_loop3A_1034 = arith.constant 16 : index
        %parallel_loop3A_1035 = tpu.vector_load %arg19[%parallel_loop3A_1033, %parallel_loop3A_1034] {strides = array<i32>} : memref<128x64xf32, #tpu.memory_space<vmem>>, vector<16xf32>,
        tpu.vector_store_idx %arg21[%add3A_114, %parallel_loop3A_1029], %parallel_loop3A_1035 : memref<64x129xf32, #tpu.memory_space<vmem>>[vector<16xi32>, vector<16xi32>], vector<16xf32>,
        %parallel_loop3A_1036 = arith.index_cast %parallel_loop3A_1028 : i32 to index
        %parallel_loop3A_1037 = arith.constant 32 : index
        %parallel_loop3A_1038 = tpu.vector_load %arg19[%parallel_loop3A_1036, %parallel_loop3A_1037] {strides = array<i32>} : memref<128x64xf32, #tpu.memory_space<vmem>>, vector<16xf32>,
        tpu.vector_store_idx %arg21[%add3A_118, %parallel_loop3A_1029], %parallel_loop3A_1038 : memref<64x129xf32, #tpu.memory_space<vmem>>[vector<16xi32>, vector<16xi32>], vector<16xf32>,
        %parallel_loop3A_1039 = arith.index_cast %parallel_loop3A_1028 : i32 to index
        %parallel_loop3A_1040 = arith.constant 48 : index
        %parallel_loop3A_1041 = tpu.vector_load %arg19[%parallel_loop3A_1039, %parallel_loop3A_1040] {strides = array<i32>} : memref<128x64xf32, #tpu.memory_space<vmem>>, vector<16xf32>,
        tpu.vector_store_idx %arg21[%add3A_122, %parallel_loop3A_1029], %parallel_loop3A_1041 : memref<64x129xf32, #tpu.memory_space<vmem>>[vector<16xi32>, vector<16xi32>], vector<16xf32>,
      } {sc.loop_unroll_factor = 8 : i64, sc.parallel_access}
      %mul3A_833 = arith.constant 50 : i32
      %mul3A_834 = arith.muli %add3A, %mul3A_833 : i32
      %add3A_835 = arith.addi %mul3A_834, %add3A_784 : i32
      %jit3A_836 = arith.constant 32 : i32
      %div3A_837 = arith.divsi %add3A_835, %jit3A_836 : i32
      %sign3A_838 = arith.constant 0 : i32
      %sign3A_839 = arith.cmpi sgt, %add3A_835, %sign3A_838 : i32
      %sign3A_840 = arith.extui %sign3A_839 : i1 to i32
      %sign3A_841 = arith.constant 0 : i32
      %sign3A_842 = arith.cmpi slt, %add3A_835, %sign3A_841 : i32
      %sign3A_843 = arith.extui %sign3A_842 : i1 to i32
      %sign3A_844 = arith.subi %sign3A_840, %sign3A_843 : i32
      %sign3A_845 = arith.constant 0 : i32
      %sign3A_846 = arith.cmpi sgt, %jit3A_836, %sign3A_845 : i32
      %sign3A_847 = arith.extui %sign3A_846 : i1 to i32
      %sign3A_848 = arith.constant 0 : i32
      %sign3A_849 = arith.cmpi slt, %jit3A_836, %sign3A_848 : i32
      %sign3A_850 = arith.extui %sign3A_849 : i1 to i32
      %sign3A_851 = arith.subi %sign3A_847, %sign3A_850 : i32
      %ne3A_852 = arith.cmpi ne, %sign3A_844, %sign3A_851 : i32
      %rem3A_853 = arith.remsi %add3A_835, %jit3A_836 : i32
      %ne3A_854 = arith.constant 0 : i32
      %ne3A_855 = arith.cmpi ne, %rem3A_853, %ne3A_854 : i32
      %and3A_856 = arith.andi %ne3A_852, %ne3A_855 : i1
      %sub3A_857 = arith.constant 1 : i32
      %sub3A_858 = arith.subi %div3A_837, %sub3A_857 : i32
      %select_n3A_859 = arith.select %and3A_856, %sub3A_858, %div3A_837 : i32
      %jit3A_860 = arith.constant 32 : i32
      %eq3A_861 = arith.constant 0 : i32
      %eq3A_862 = arith.cmpi eq, %jit3A_860, %eq3A_861 : i32
      %jit3A_863 = arith.constant 1 : i32
      %select_n3A_864 = arith.select %eq3A_862, %jit3A_863, %jit3A_860 : i32
      %rem3A_865 = arith.remsi %add3A_835, %select_n3A_864 : i32
      %ne3A_866 = arith.constant 0 : i32
      %ne3A_867 = arith.cmpi ne, %rem3A_865, %ne3A_866 : i32
      %lt3A_868 = arith.constant 0 : i32
      %lt3A_869 = arith.cmpi slt, %rem3A_865, %lt3A_868 : i32
      %lt3A_870 = arith.constant 0 : i32
      %lt3A_871 = arith.cmpi slt, %select_n3A_864, %lt3A_870 : i32
      %ne3A_872 = arith.xori %lt3A_869, %lt3A_871 : i1
      %and3A_873 = arith.andi %ne3A_872, %ne3A_867 : i1
      %add3A_874 = arith.addi %rem3A_865, %select_n3A_864 : i32
      %select_n3A_875 = arith.select %and3A_873, %add3A_874, %rem3A_865 : i32
      %mul3A_876 = arith.constant 8 : i32
      %mul3A_877 = arith.muli %select_n3A_859, %mul3A_876 : i32
      %add3A_878 = arith.constant 0 : i32
      %add3A_879 = arith.addi %mul3A_877, %add3A_878 : i32
      %mul3A_880 = arith.constant 32 : i32
      %mul3A_881 = arith.muli %add3A_879, %mul3A_880 : i32
      %add3A_882 = arith.addi %mul3A_881, %select_n3A_875 : i32
      %mul3A_883 = arith.constant 8 : i32
      %mul3A_884 = arith.muli %add3A_882, %mul3A_883 : i32
      %dma_start3A_885 = arith.constant 0 : i32
      %dma_start3A_886 = arith.constant 0 : i32
      %dma_start3A_887 = tpu.memref_slice %arg21[%dma_start3A_885, %dma_start3A_886] : memref<64x129xf32, #tpu.memory_space<vmem>> -> memref<8x128xf32, #tpu.memory_space<vmem>>
      %dma_start3A_888 = arith.constant 0 : i32
      %dma_start3A_889 = tpu.memref_slice %arg13[%mul3A_884, %dma_start3A_888] : memref<102400x128xf32, #tpu.memory_space<hbm>> -> memref<8x128xf32, #tpu.memory_space<hbm>>
      %dma_start3A_890 = arith.constant 0 : i32
      %dma_start3A_891 = tpu.memref_slice %arg13[%mul3A_884, %dma_start3A_890] : memref<102400x128xf32, #tpu.memory_space<hbm>> -> memref<8x128xf32, #tpu.memory_space<hbm>>
      %dma_start3A_892 = arith.constant 0 : i32
      %dma_start3A_893 = arith.constant 0 : i32
      %dma_start3A_894 = tpu.memref_slice %arg21[%dma_start3A_892, %dma_start3A_893] : memref<64x129xf32, #tpu.memory_space<vmem>> -> memref<8x128xf32, #tpu.memory_space<vmem>>
      tpu.enqueue_dma source(%dma_start3A_894 : memref<8x128xf32, #tpu.memory_space<vmem>>) target(%dma_start3A_891 : memref<8x128xf32, #tpu.memory_space<hbm>>) target_semaphore(%arg25 : memref<!tpu.dma_semaphore, #tpu.memory_space<semaphore_mem>>)
      %mul3A_895 = arith.constant 8 : i32
      %mul3A_896 = arith.muli %select_n3A_859, %mul3A_895 : i32
      %add3A_897 = arith.constant 1 : i32
      %add3A_898 = arith.addi %mul3A_896, %add3A_897 : i32
      %mul3A_899 = arith.constant 32 : i32
      %mul3A_900 = arith.muli %add3A_898, %mul3A_899 : i32
      %add3A_901 = arith.addi %mul3A_900, %select_n3A_875 : i32
      %mul3A_902 = arith.constant 8 : i32
      %mul3A_903 = arith.muli %add3A_901, %mul3A_902 : i32
      %dma_start3A_904 = arith.constant 8 : i32
      %dma_start3A_905 = arith.constant 0 : i32
      %dma_start3A_906 = tpu.memref_slice %arg21[%dma_start3A_904, %dma_start3A_905] : memref<64x129xf32, #tpu.memory_space<vmem>> -> memref<8x128xf32, #tpu.memory_space<vmem>>
      %dma_start3A_907 = arith.constant 0 : i32
      %dma_start3A_908 = tpu.memref_slice %arg13[%mul3A_903, %dma_start3A_907] : memref<102400x128xf32, #tpu.memory_space<hbm>> -> memref<8x128xf32, #tpu.memory_space<hbm>>
      %dma_start3A_909 = arith.constant 0 : i32
      %dma_start3A_910 = tpu.memref_slice %arg13[%mul3A_903, %dma_start3A_909] : memref<102400x128xf32, #tpu.memory_space<hbm>> -> memref<8x128xf32, #tpu.memory_space<hbm>>
      %dma_start3A_911 = arith.constant 8 : i32
      %dma_start3A_912 = arith.constant 0 : i32
      %dma_start3A_913 = tpu.memref_slice %arg21[%dma_start3A_911, %dma_start3A_912] : memref<64x129xf32, #tpu.memory_space<vmem>> -> memref<8x128xf32, #tpu.memory_space<vmem>>
      tpu.enqueue_dma source(%dma_start3A_913 : memref<8x128xf32, #tpu.memory_space<vmem>>) target(%dma_start3A_910 : memref<8x128xf32, #tpu.memory_space<hbm>>) target_semaphore(%arg25 : memref<!tpu.dma_semaphore, #tpu.memory_space<semaphore_mem>>)
      %mul3A_914 = arith.constant 8 : i32
      %mul3A_915 = arith.muli %select_n3A_859, %mul3A_914 : i32
      %add3A_916 = arith.constant 2 : i32
      %add3A_917 = arith.addi %mul3A_915, %add3A_916 : i32
      %mul3A_918 = arith.constant 32 : i32
      %mul3A_919 = arith.muli %add3A_917, %mul3A_918 : i32
      %add3A_920 = arith.addi %mul3A_919, %select_n3A_875 : i32
      %mul3A_921 = arith.constant 8 : i32
      %mul3A_922 = arith.muli %add3A_920, %mul3A_921 : i32
      %dma_start3A_923 = arith.constant 16 : i32
      %dma_start3A_924 = arith.constant 0 : i32
      %dma_start3A_925 = tpu.memref_slice %arg21[%dma_start3A_923, %dma_start3A_924] : memref<64x129xf32, #tpu.memory_space<vmem>> -> memref<8x128xf32, #tpu.memory_space<vmem>>
      %dma_start3A_926 = arith.constant 0 : i32
      %dma_start3A_927 = tpu.memref_slice %arg13[%mul3A_922, %dma_start3A_926] : memref<102400x128xf32, #tpu.memory_space<hbm>> -> memref<8x128xf32, #tpu.memory_space<hbm>>
      %dma_start3A_928 = arith.constant 0 : i32
      %dma_start3A_929 = tpu.memref_slice %arg13[%mul3A_922, %dma_start3A_928] : memref<102400x128xf32, #tpu.memory_space<hbm>> -> memref<8x128xf32, #tpu.memory_space<hbm>>
      %dma_start3A_930 = arith.constant 16 : i32
      %dma_start3A_931 = arith.constant 0 : i32
      %dma_start3A_932 = tpu.memref_slice %arg21[%dma_start3A_930, %dma_start3A_931] : memref<64x129xf32, #tpu.memory_space<vmem>> -> memref<8x128xf32, #tpu.memory_space<vmem>>
      tpu.enqueue_dma source(%dma_start3A_932 : memref<8x128xf32, #tpu.memory_space<vmem>>) target(%dma_start3A_929 : memref<8x128xf32, #tpu.memory_space<hbm>>) target_semaphore(%arg25 : memref<!tpu.dma_semaphore, #tpu.memory_space<semaphore_mem>>)
      %mul3A_933 = arith.constant 8 : i32
      %mul3A_934 = arith.muli %select_n3A_859, %mul3A_933 : i32
      %add3A_935 = arith.constant 3 : i32
      %add3A_936 = arith.addi %mul3A_934, %add3A_935 : i32
      %mul3A_937 = arith.constant 32 : i32
      %mul3A_938 = arith.muli %add3A_936, %mul3A_937 : i32
      %add3A_939 = arith.addi %mul3A_938, %select_n3A_875 : i32
      %mul3A_940 = arith.constant 8 : i32
      %mul3A_941 = arith.muli %add3A_939, %mul3A_940 : i32
      %dma_start3A_942 = arith.constant 24 : i32
      %dma_start3A_943 = arith.constant 0 : i32
      %dma_start3A_944 = tpu.memref_slice %arg21[%dma_start3A_942, %dma_start3A_943] : memref<64x129xf32, #tpu.memory_space<vmem>> -> memref<8x128xf32, #tpu.memory_space<vmem>>
      %dma_start3A_945 = arith.constant 0 : i32
      %dma_start3A_946 = tpu.memref_slice %arg13[%mul3A_941, %dma_start3A_945] : memref<102400x128xf32, #tpu.memory_space<hbm>> -> memref<8x128xf32, #tpu.memory_space<hbm>>
      %dma_start3A_947 = arith.constant 0 : i32
      %dma_start3A_948 = tpu.memref_slice %arg13[%mul3A_941, %dma_start3A_947] : memref<102400x128xf32, #tpu.memory_space<hbm>> -> memref<8x128xf32, #tpu.memory_space<hbm>>
      %dma_start3A_949 = arith.constant 24 : i32
      %dma_start3A_950 = arith.constant 0 : i32
      %dma_start3A_951 = tpu.memref_slice %arg21[%dma_start3A_949, %dma_start3A_950] : memref<64x129xf32, #tpu.memory_space<vmem>> -> memref<8x128xf32, #tpu.memory_space<vmem>>
      tpu.enqueue_dma source(%dma_start3A_951 : memref<8x128xf32, #tpu.memory_space<vmem>>) target(%dma_start3A_948 : memref<8x128xf32, #tpu.memory_space<hbm>>) target_semaphore(%arg25 : memref<!tpu.dma_semaphore, #tpu.memory_space<semaphore_mem>>)
      %mul3A_952 = arith.constant 8 : i32
      %mul3A_953 = arith.muli %select_n3A_859, %mul3A_952 : i32
      %add3A_954 = arith.constant 4 : i32
      %add3A_955 = arith.addi %mul3A_953, %add3A_954 : i32
      %mul3A_956 = arith.constant 32 : i32
      %mul3A_957 = arith.muli %add3A_955, %mul3A_956 : i32
      %add3A_958 = arith.addi %mul3A_957, %select_n3A_875 : i32
      %mul3A_959 = arith.constant 8 : i32
      %mul3A_960 = arith.muli %add3A_958, %mul3A_959 : i32
      %dma_start3A_961 = arith.constant 32 : i32
      %dma_start3A_962 = arith.constant 0 : i32
      %dma_start3A_963 = tpu.memref_slice %arg21[%dma_start3A_961, %dma_start3A_962] : memref<64x129xf32, #tpu.memory_space<vmem>> -> memref<8x128xf32, #tpu.memory_space<vmem>>
      %dma_start3A_964 = arith.constant 0 : i32
      %dma_start3A_965 = tpu.memref_slice %arg13[%mul3A_960, %dma_start3A_964] : memref<102400x128xf32, #tpu.memory_space<hbm>> -> memref<8x128xf32, #tpu.memory_space<hbm>>
      %dma_start3A_966 = arith.constant 0 : i32
      %dma_start3A_967 = tpu.memref_slice %arg13[%mul3A_960, %dma_start3A_966] : memref<102400x128xf32, #tpu.memory_space<hbm>> -> memref<8x128xf32, #tpu.memory_space<hbm>>
      %dma_start3A_968 = arith.constant 32 : i32
      %dma_start3A_969 = arith.constant 0 : i32
      %dma_start3A_970 = tpu.memref_slice %arg21[%dma_start3A_968, %dma_start3A_969] : memref<64x129xf32, #tpu.memory_space<vmem>> -> memref<8x128xf32, #tpu.memory_space<vmem>>
      tpu.enqueue_dma source(%dma_start3A_970 : memref<8x128xf32, #tpu.memory_space<vmem>>) target(%dma_start3A_967 : memref<8x128xf32, #tpu.memory_space<hbm>>) target_semaphore(%arg25 : memref<!tpu.dma_semaphore, #tpu.memory_space<semaphore_mem>>)
      %mul3A_971 = arith.constant 8 : i32
      %mul3A_972 = arith.muli %select_n3A_859, %mul3A_971 : i32
      %add3A_973 = arith.constant 5 : i32
      %add3A_974 = arith.addi %mul3A_972, %add3A_973 : i32
      %mul3A_975 = arith.constant 32 : i32
      %mul3A_976 = arith.muli %add3A_974, %mul3A_975 : i32
      %add3A_977 = arith.addi %mul3A_976, %select_n3A_875 : i32
      %mul3A_978 = arith.constant 8 : i32
      %mul3A_979 = arith.muli %add3A_977, %mul3A_978 : i32
      %dma_start3A_980 = arith.constant 40 : i32
      %dma_start3A_981 = arith.constant 0 : i32
      %dma_start3A_982 = tpu.memref_slice %arg21[%dma_start3A_980, %dma_start3A_981] : memref<64x129xf32, #tpu.memory_space<vmem>> -> memref<8x128xf32, #tpu.memory_space<vmem>>
      %dma_start3A_983 = arith.constant 0 : i32
      %dma_start3A_984 = tpu.memref_slice %arg13[%mul3A_979, %dma_start3A_983] : memref<102400x128xf32, #tpu.memory_space<hbm>> -> memref<8x128xf32, #tpu.memory_space<hbm>>
      %dma_start3A_985 = arith.constant 0 : i32
      %dma_start3A_986 = tpu.memref_slice %arg13[%mul3A_979, %dma_start3A_985] : memref<102400x128xf32, #tpu.memory_space<hbm>> -> memref<8x128xf32, #tpu.memory_space<hbm>>
      %dma_start3A_987 = arith.constant 40 : i32
      %dma_start3A_988 = arith.constant 0 : i32
      %dma_start3A_989 = tpu.memref_slice %arg21[%dma_start3A_987, %dma_start3A_988] : memref<64x129xf32, #tpu.memory_space<vmem>> -> memref<8x128xf32, #tpu.memory_space<vmem>>
      tpu.enqueue_dma source(%dma_start3A_989 : memref<8x128xf32, #tpu.memory_space<vmem>>) target(%dma_start3A_986 : memref<8x128xf32, #tpu.memory_space<hbm>>) target_semaphore(%arg25 : memref<!tpu.dma_semaphore, #tpu.memory_space<semaphore_mem>>)
      %mul3A_990 = arith.constant 8 : i32
      %mul3A_991 = arith.muli %select_n3A_859, %mul3A_990 : i32
      %add3A_992 = arith.constant 6 : i32
      %add3A_993 = arith.addi %mul3A_991, %add3A_992 : i32
      %mul3A_994 = arith.constant 32 : i32
      %mul3A_995 = arith.muli %add3A_993, %mul3A_994 : i32
      %add3A_996 = arith.addi %mul3A_995, %select_n3A_875 : i32
      %mul3A_997 = arith.constant 8 : i32
      %mul3A_998 = arith.muli %add3A_996, %mul3A_997 : i32
      %dma_start3A_999 = arith.constant 48 : i32
      %dma_start3A_1000 = arith.constant 0 : i32
      %dma_start3A_1001 = tpu.memref_slice %arg21[%dma_start3A_999, %dma_start3A_1000] : memref<64x129xf32, #tpu.memory_space<vmem>> -> memref<8x128xf32, #tpu.memory_space<vmem>>
      %dma_start3A_1002 = arith.constant 0 : i32
      %dma_start3A_1003 = tpu.memref_slice %arg13[%mul3A_998, %dma_start3A_1002] : memref<102400x128xf32, #tpu.memory_space<hbm>> -> memref<8x128xf32, #tpu.memory_space<hbm>>
      %dma_start3A_1004 = arith.constant 0 : i32
      %dma_start3A_1005 = tpu.memref_slice %arg13[%mul3A_998, %dma_start3A_1004] : memref<102400x128xf32, #tpu.memory_space<hbm>> -> memref<8x128xf32, #tpu.memory_space<hbm>>
      %dma_start3A_1006 = arith.constant 48 : i32
      %dma_start3A_1007 = arith.constant 0 : i32
      %dma_start3A_1008 = tpu.memref_slice %arg21[%dma_start3A_1006, %dma_start3A_1007] : memref<64x129xf32, #tpu.memory_space<vmem>> -> memref<8x128xf32, #tpu.memory_space<vmem>>
      tpu.enqueue_dma source(%dma_start3A_1008 : memref<8x128xf32, #tpu.memory_space<vmem>>) target(%dma_start3A_1005 : memref<8x128xf32, #tpu.memory_space<hbm>>) target_semaphore(%arg25 : memref<!tpu.dma_semaphore, #tpu.memory_space<semaphore_mem>>)
      %mul3A_1009 = arith.constant 8 : i32
      %mul3A_1010 = arith.muli %select_n3A_859, %mul3A_1009 : i32
      %add3A_1011 = arith.constant 7 : i32
      %add3A_1012 = arith.addi %mul3A_1010, %add3A_1011 : i32
      %mul3A_1013 = arith.constant 32 : i32
      %mul3A_1014 = arith.muli %add3A_1012, %mul3A_1013 : i32
      %add3A_1015 = arith.addi %mul3A_1014, %select_n3A_875 : i32
      %mul3A_1016 = arith.constant 8 : i32
      %mul3A_1017 = arith.muli %add3A_1015, %mul3A_1016 : i32
      %dma_start3A_1018 = arith.constant 56 : i32
      %dma_start3A_1019 = arith.constant 0 : i32
      %dma_start3A_1020 = tpu.memref_slice %arg21[%dma_start3A_1018, %dma_start3A_1019] : memref<64x129xf32, #tpu.memory_space<vmem>> -> memref<8x128xf32, #tpu.memory_space<vmem>>
      %dma_start3A_1021 = arith.constant 0 : i32
      %dma_start3A_1022 = tpu.memref_slice %arg13[%mul3A_1017, %dma_start3A_1021] : memref<102400x128xf32, #tpu.memory_space<hbm>> -> memref<8x128xf32, #tpu.memory_space<hbm>>
      %dma_start3A_1023 = arith.constant 0 : i32
      %dma_start3A_1024 = tpu.memref_slice %arg13[%mul3A_1017, %dma_start3A_1023] : memref<102400x128xf32, #tpu.memory_space<hbm>> -> memref<8x128xf32, #tpu.memory_space<hbm>>
      %dma_start3A_1025 = arith.constant 56 : i32
      %dma_start3A_1026 = arith.constant 0 : i32
      %dma_start3A_1027 = tpu.memref_slice %arg21[%dma_start3A_1025, %dma_start3A_1026] : memref<64x129xf32, #tpu.memory_space<vmem>> -> memref<8x128xf32, #tpu.memory_space<vmem>>
      tpu.enqueue_dma source(%dma_start3A_1027 : memref<8x128xf32, #tpu.memory_space<vmem>>) target(%dma_start3A_1024 : memref<8x128xf32, #tpu.memory_space<hbm>>) target_semaphore(%arg25 : memref<!tpu.dma_semaphore, #tpu.memory_space<semaphore_mem>>)
    }
    %scan3A_157 = arith.constant 25 : i32
    %mul3A_158 = arith.constant 50 : i32
    %mul3A_159 = arith.muli %add3A, %mul3A_158 : i32
    %add3A_160 = arith.constant 48 : i32
    %add3A_161 = arith.addi %mul3A_159, %add3A_160 : i32
    %jit3A = arith.constant 32 : i32
    %div3A = arith.divsi %add3A_161, %jit3A : i32
    %sign3A = arith.constant 0 : i32
    %sign3A_162 = arith.cmpi sgt, %add3A_161, %sign3A : i32
    %sign3A_163 = arith.extui %sign3A_162 : i1 to i32
    %sign3A_164 = arith.constant 0 : i32
    %sign3A_165 = arith.cmpi slt, %add3A_161, %sign3A_164 : i32
    %sign3A_166 = arith.extui %sign3A_165 : i1 to i32
    %sign3A_167 = arith.subi %sign3A_163, %sign3A_166 : i32
    %sign3A_168 = arith.constant 0 : i32
    %sign3A_169 = arith.cmpi sgt, %jit3A, %sign3A_168 : i32
    %sign3A_170 = arith.extui %sign3A_169 : i1 to i32
    %sign3A_171 = arith.constant 0 : i32
    %sign3A_172 = arith.cmpi slt, %jit3A, %sign3A_171 : i32
    %sign3A_173 = arith.extui %sign3A_172 : i1 to i32
    %sign3A_174 = arith.subi %sign3A_170, %sign3A_173 : i32
    %ne3A = arith.cmpi ne, %sign3A_167, %sign3A_174 : i32
    %rem3A = arith.remsi %add3A_161, %jit3A : i32
    %ne3A_175 = arith.constant 0 : i32
    %ne3A_176 = arith.cmpi ne, %rem3A, %ne3A_175 : i32
    %and3A = arith.andi %ne3A, %ne3A_176 : i1
    %sub3A = arith.constant 1 : i32
    %sub3A_177 = arith.subi %div3A, %sub3A : i32
    %select_n3A = arith.select %and3A, %sub3A_177, %div3A : i32
    %jit3A_178 = arith.constant 32 : i32
    %eq3A = arith.constant 0 : i32
    %eq3A_179 = arith.cmpi eq, %jit3A_178, %eq3A : i32
    %jit3A_180 = arith.constant 1 : i32
    %select_n3A_181 = arith.select %eq3A_179, %jit3A_180, %jit3A_178 : i32
    %rem3A_182 = arith.remsi %add3A_161, %select_n3A_181 : i32
    %ne3A_183 = arith.constant 0 : i32
    %ne3A_184 = arith.cmpi ne, %rem3A_182, %ne3A_183 : i32
    %lt3A = arith.constant 0 : i32
    %lt3A_185 = arith.cmpi slt, %rem3A_182, %lt3A : i32
    %lt3A_186 = arith.constant 0 : i32
    %lt3A_187 = arith.cmpi slt, %select_n3A_181, %lt3A_186 : i32
    %ne3A_188 = arith.xori %lt3A_185, %lt3A_187 : i1
    %and3A_189 = arith.andi %ne3A_188, %ne3A_184 : i1
    %add3A_190 = arith.addi %rem3A_182, %select_n3A_181 : i32
    %select_n3A_191 = arith.select %and3A_189, %add3A_190, %rem3A_182 : i32
    %mul3A_192 = arith.constant 8 : i32
    %mul3A_193 = arith.muli %select_n3A, %mul3A_192 : i32
    %add3A_194 = arith.constant 0 : i32
    %add3A_195 = arith.addi %mul3A_193, %add3A_194 : i32
    %mul3A_196 = arith.constant 32 : i32
    %mul3A_197 = arith.muli %add3A_195, %mul3A_196 : i32
    %add3A_198 = arith.addi %mul3A_197, %select_n3A_191 : i32
    %mul3A_199 = arith.constant 8 : i32
    %mul3A_200 = arith.muli %add3A_198, %mul3A_199 : i32
    %dma_wait3A_201 = arith.constant 0 : i32
    %dma_wait3A_202 = arith.constant 0 : i32
    %dma_wait3A_203 = tpu.memref_slice %arg20[%dma_wait3A_201, %dma_wait3A_202] : memref<64x129xf32, #tpu.memory_space<vmem>> -> memref<8x128xf32, #tpu.memory_space<vmem>>
    %dma_wait3A_204 = arith.constant 0 : i32
    %dma_wait3A_205 = tpu.memref_slice %arg13[%mul3A_200, %dma_wait3A_204] : memref<102400x128xf32, #tpu.memory_space<hbm>> -> memref<8x128xf32, #tpu.memory_space<hbm>>
    %dma_wait3A_206 = arith.constant 0 : i32
    %dma_wait3A_207 = tpu.memref_slice %arg13[%mul3A_200, %dma_wait3A_206] : memref<102400x128xf32, #tpu.memory_space<hbm>> -> memref<8x128xf32, #tpu.memory_space<hbm>>
    %dma_wait3A_208 = arith.constant 0 : i32
    %dma_wait3A_209 = arith.constant 0 : i32
    %dma_wait3A_210 = tpu.memref_slice %arg20[%dma_wait3A_208, %dma_wait3A_209] : memref<64x129xf32, #tpu.memory_space<vmem>> -> memref<8x128xf32, #tpu.memory_space<vmem>>
    tpu.wait_dma2 semaphore(%arg24 : memref<!tpu.dma_semaphore, #tpu.memory_space<semaphore_mem>>) src(%dma_wait3A_210 : memref<8x128xf32, #tpu.memory_space<vmem>>) dst(%dma_wait3A_207 : memref<8x128xf32, #tpu.memory_space<hbm>>)
    %mul3A_211 = arith.constant 8 : i32
    %mul3A_212 = arith.muli %select_n3A, %mul3A_211 : i32
    %add3A_213 = arith.constant 1 : i32
    %add3A_214 = arith.addi %mul3A_212, %add3A_213 : i32
    %mul3A_215 = arith.constant 32 : i32
    %mul3A_216 = arith.muli %add3A_214, %mul3A_215 : i32
    %add3A_217 = arith.addi %mul3A_216, %select_n3A_191 : i32
    %mul3A_218 = arith.constant 8 : i32
    %mul3A_219 = arith.muli %add3A_217, %mul3A_218 : i32
    %dma_wait3A_220 = arith.constant 8 : i32
    %dma_wait3A_221 = arith.constant 0 : i32
    %dma_wait3A_222 = tpu.memref_slice %arg20[%dma_wait3A_220, %dma_wait3A_221] : memref<64x129xf32, #tpu.memory_space<vmem>> -> memref<8x128xf32, #tpu.memory_space<vmem>>
    %dma_wait3A_223 = arith.constant 0 : i32
    %dma_wait3A_224 = tpu.memref_slice %arg13[%mul3A_219, %dma_wait3A_223] : memref<102400x128xf32, #tpu.memory_space<hbm>> -> memref<8x128xf32, #tpu.memory_space<hbm>>
    %dma_wait3A_225 = arith.constant 0 : i32
    %dma_wait3A_226 = tpu.memref_slice %arg13[%mul3A_219, %dma_wait3A_225] : memref<102400x128xf32, #tpu.memory_space<hbm>> -> memref<8x128xf32, #tpu.memory_space<hbm>>
    %dma_wait3A_227 = arith.constant 8 : i32
    %dma_wait3A_228 = arith.constant 0 : i32
    %dma_wait3A_229 = tpu.memref_slice %arg20[%dma_wait3A_227, %dma_wait3A_228] : memref<64x129xf32, #tpu.memory_space<vmem>> -> memref<8x128xf32, #tpu.memory_space<vmem>>
    tpu.wait_dma2 semaphore(%arg24 : memref<!tpu.dma_semaphore, #tpu.memory_space<semaphore_mem>>) src(%dma_wait3A_229 : memref<8x128xf32, #tpu.memory_space<vmem>>) dst(%dma_wait3A_226 : memref<8x128xf32, #tpu.memory_space<hbm>>)
    %mul3A_230 = arith.constant 8 : i32
    %mul3A_231 = arith.muli %select_n3A, %mul3A_230 : i32
    %add3A_232 = arith.constant 2 : i32
    %add3A_233 = arith.addi %mul3A_231, %add3A_232 : i32
    %mul3A_234 = arith.constant 32 : i32
    %mul3A_235 = arith.muli %add3A_233, %mul3A_234 : i32
    %add3A_236 = arith.addi %mul3A_235, %select_n3A_191 : i32
    %mul3A_237 = arith.constant 8 : i32
    %mul3A_238 = arith.muli %add3A_236, %mul3A_237 : i32
    %dma_wait3A_239 = arith.constant 16 : i32
    %dma_wait3A_240 = arith.constant 0 : i32
    %dma_wait3A_241 = tpu.memref_slice %arg20[%dma_wait3A_239, %dma_wait3A_240] : memref<64x129xf32, #tpu.memory_space<vmem>> -> memref<8x128xf32, #tpu.memory_space<vmem>>
    %dma_wait3A_242 = arith.constant 0 : i32
    %dma_wait3A_243 = tpu.memref_slice %arg13[%mul3A_238, %dma_wait3A_242] : memref<102400x128xf32, #tpu.memory_space<hbm>> -> memref<8x128xf32, #tpu.memory_space<hbm>>
    %dma_wait3A_244 = arith.constant 0 : i32
    %dma_wait3A_245 = tpu.memref_slice %arg13[%mul3A_238, %dma_wait3A_244] : memref<102400x128xf32, #tpu.memory_space<hbm>> -> memref<8x128xf32, #tpu.memory_space<hbm>>
    %dma_wait3A_246 = arith.constant 16 : i32
    %dma_wait3A_247 = arith.constant 0 : i32
    %dma_wait3A_248 = tpu.memref_slice %arg20[%dma_wait3A_246, %dma_wait3A_247] : memref<64x129xf32, #tpu.memory_space<vmem>> -> memref<8x128xf32, #tpu.memory_space<vmem>>
    tpu.wait_dma2 semaphore(%arg24 : memref<!tpu.dma_semaphore, #tpu.memory_space<semaphore_mem>>) src(%dma_wait3A_248 : memref<8x128xf32, #tpu.memory_space<vmem>>) dst(%dma_wait3A_245 : memref<8x128xf32, #tpu.memory_space<hbm>>)
    %mul3A_249 = arith.constant 8 : i32
    %mul3A_250 = arith.muli %select_n3A, %mul3A_249 : i32
    %add3A_251 = arith.constant 3 : i32
    %add3A_252 = arith.addi %mul3A_250, %add3A_251 : i32
    %mul3A_253 = arith.constant 32 : i32
    %mul3A_254 = arith.muli %add3A_252, %mul3A_253 : i32
    %add3A_255 = arith.addi %mul3A_254, %select_n3A_191 : i32
    %mul3A_256 = arith.constant 8 : i32
    %mul3A_257 = arith.muli %add3A_255, %mul3A_256 : i32
    %dma_wait3A_258 = arith.constant 24 : i32
    %dma_wait3A_259 = arith.constant 0 : i32
    %dma_wait3A_260 = tpu.memref_slice %arg20[%dma_wait3A_258, %dma_wait3A_259] : memref<64x129xf32, #tpu.memory_space<vmem>> -> memref<8x128xf32, #tpu.memory_space<vmem>>
    %dma_wait3A_261 = arith.constant 0 : i32
    %dma_wait3A_262 = tpu.memref_slice %arg13[%mul3A_257, %dma_wait3A_261] : memref<102400x128xf32, #tpu.memory_space<hbm>> -> memref<8x128xf32, #tpu.memory_space<hbm>>
    %dma_wait3A_263 = arith.constant 0 : i32
    %dma_wait3A_264 = tpu.memref_slice %arg13[%mul3A_257, %dma_wait3A_263] : memref<102400x128xf32, #tpu.memory_space<hbm>> -> memref<8x128xf32, #tpu.memory_space<hbm>>
    %dma_wait3A_265 = arith.constant 24 : i32
    %dma_wait3A_266 = arith.constant 0 : i32
    %dma_wait3A_267 = tpu.memref_slice %arg20[%dma_wait3A_265, %dma_wait3A_266] : memref<64x129xf32, #tpu.memory_space<vmem>> -> memref<8x128xf32, #tpu.memory_space<vmem>>
    tpu.wait_dma2 semaphore(%arg24 : memref<!tpu.dma_semaphore, #tpu.memory_space<semaphore_mem>>) src(%dma_wait3A_267 : memref<8x128xf32, #tpu.memory_space<vmem>>) dst(%dma_wait3A_264 : memref<8x128xf32, #tpu.memory_space<hbm>>)
    %mul3A_268 = arith.constant 8 : i32
    %mul3A_269 = arith.muli %select_n3A, %mul3A_268 : i32
    %add3A_270 = arith.constant 4 : i32
    %add3A_271 = arith.addi %mul3A_269, %add3A_270 : i32
    %mul3A_272 = arith.constant 32 : i32
    %mul3A_273 = arith.muli %add3A_271, %mul3A_272 : i32
    %add3A_274 = arith.addi %mul3A_273, %select_n3A_191 : i32
    %mul3A_275 = arith.constant 8 : i32
    %mul3A_276 = arith.muli %add3A_274, %mul3A_275 : i32
    %dma_wait3A_277 = arith.constant 32 : i32
    %dma_wait3A_278 = arith.constant 0 : i32
    %dma_wait3A_279 = tpu.memref_slice %arg20[%dma_wait3A_277, %dma_wait3A_278] : memref<64x129xf32, #tpu.memory_space<vmem>> -> memref<8x128xf32, #tpu.memory_space<vmem>>
    %dma_wait3A_280 = arith.constant 0 : i32
    %dma_wait3A_281 = tpu.memref_slice %arg13[%mul3A_276, %dma_wait3A_280] : memref<102400x128xf32, #tpu.memory_space<hbm>> -> memref<8x128xf32, #tpu.memory_space<hbm>>
    %dma_wait3A_282 = arith.constant 0 : i32
    %dma_wait3A_283 = tpu.memref_slice %arg13[%mul3A_276, %dma_wait3A_282] : memref<102400x128xf32, #tpu.memory_space<hbm>> -> memref<8x128xf32, #tpu.memory_space<hbm>>
    %dma_wait3A_284 = arith.constant 32 : i32
    %dma_wait3A_285 = arith.constant 0 : i32
    %dma_wait3A_286 = tpu.memref_slice %arg20[%dma_wait3A_284, %dma_wait3A_285] : memref<64x129xf32, #tpu.memory_space<vmem>> -> memref<8x128xf32, #tpu.memory_space<vmem>>
    tpu.wait_dma2 semaphore(%arg24 : memref<!tpu.dma_semaphore, #tpu.memory_space<semaphore_mem>>) src(%dma_wait3A_286 : memref<8x128xf32, #tpu.memory_space<vmem>>) dst(%dma_wait3A_283 : memref<8x128xf32, #tpu.memory_space<hbm>>)
    %mul3A_287 = arith.constant 8 : i32
    %mul3A_288 = arith.muli %select_n3A, %mul3A_287 : i32
    %add3A_289 = arith.constant 5 : i32
    %add3A_290 = arith.addi %mul3A_288, %add3A_289 : i32
    %mul3A_291 = arith.constant 32 : i32
    %mul3A_292 = arith.muli %add3A_290, %mul3A_291 : i32
    %add3A_293 = arith.addi %mul3A_292, %select_n3A_191 : i32
    %mul3A_294 = arith.constant 8 : i32
    %mul3A_295 = arith.muli %add3A_293, %mul3A_294 : i32
    %dma_wait3A_296 = arith.constant 40 : i32
    %dma_wait3A_297 = arith.constant 0 : i32
    %dma_wait3A_298 = tpu.memref_slice %arg20[%dma_wait3A_296, %dma_wait3A_297] : memref<64x129xf32, #tpu.memory_space<vmem>> -> memref<8x128xf32, #tpu.memory_space<vmem>>
    %dma_wait3A_299 = arith.constant 0 : i32
    %dma_wait3A_300 = tpu.memref_slice %arg13[%mul3A_295, %dma_wait3A_299] : memref<102400x128xf32, #tpu.memory_space<hbm>> -> memref<8x128xf32, #tpu.memory_space<hbm>>
    %dma_wait3A_301 = arith.constant 0 : i32
    %dma_wait3A_302 = tpu.memref_slice %arg13[%mul3A_295, %dma_wait3A_301] : memref<102400x128xf32, #tpu.memory_space<hbm>> -> memref<8x128xf32, #tpu.memory_space<hbm>>
    %dma_wait3A_303 = arith.constant 40 : i32
    %dma_wait3A_304 = arith.constant 0 : i32
    %dma_wait3A_305 = tpu.memref_slice %arg20[%dma_wait3A_303, %dma_wait3A_304] : memref<64x129xf32, #tpu.memory_space<vmem>> -> memref<8x128xf32, #tpu.memory_space<vmem>>
    tpu.wait_dma2 semaphore(%arg24 : memref<!tpu.dma_semaphore, #tpu.memory_space<semaphore_mem>>) src(%dma_wait3A_305 : memref<8x128xf32, #tpu.memory_space<vmem>>) dst(%dma_wait3A_302 : memref<8x128xf32, #tpu.memory_space<hbm>>)
    %mul3A_306 = arith.constant 8 : i32
    %mul3A_307 = arith.muli %select_n3A, %mul3A_306 : i32
    %add3A_308 = arith.constant 6 : i32
    %add3A_309 = arith.addi %mul3A_307, %add3A_308 : i32
    %mul3A_310 = arith.constant 32 : i32
    %mul3A_311 = arith.muli %add3A_309, %mul3A_310 : i32
    %add3A_312 = arith.addi %mul3A_311, %select_n3A_191 : i32
    %mul3A_313 = arith.constant 8 : i32
    %mul3A_314 = arith.muli %add3A_312, %mul3A_313 : i32
    %dma_wait3A_315 = arith.constant 48 : i32
    %dma_wait3A_316 = arith.constant 0 : i32
    %dma_wait3A_317 = tpu.memref_slice %arg20[%dma_wait3A_315, %dma_wait3A_316] : memref<64x129xf32, #tpu.memory_space<vmem>> -> memref<8x128xf32, #tpu.memory_space<vmem>>
    %dma_wait3A_318 = arith.constant 0 : i32
    %dma_wait3A_319 = tpu.memref_slice %arg13[%mul3A_314, %dma_wait3A_318] : memref<102400x128xf32, #tpu.memory_space<hbm>> -> memref<8x128xf32, #tpu.memory_space<hbm>>
    %dma_wait3A_320 = arith.constant 0 : i32
    %dma_wait3A_321 = tpu.memref_slice %arg13[%mul3A_314, %dma_wait3A_320] : memref<102400x128xf32, #tpu.memory_space<hbm>> -> memref<8x128xf32, #tpu.memory_space<hbm>>
    %dma_wait3A_322 = arith.constant 48 : i32
    %dma_wait3A_323 = arith.constant 0 : i32
    %dma_wait3A_324 = tpu.memref_slice %arg20[%dma_wait3A_322, %dma_wait3A_323] : memref<64x129xf32, #tpu.memory_space<vmem>> -> memref<8x128xf32, #tpu.memory_space<vmem>>
    tpu.wait_dma2 semaphore(%arg24 : memref<!tpu.dma_semaphore, #tpu.memory_space<semaphore_mem>>) src(%dma_wait3A_324 : memref<8x128xf32, #tpu.memory_space<vmem>>) dst(%dma_wait3A_321 : memref<8x128xf32, #tpu.memory_space<hbm>>)
    %mul3A_325 = arith.constant 8 : i32
    %mul3A_326 = arith.muli %select_n3A, %mul3A_325 : i32
    %add3A_327 = arith.constant 7 : i32
    %add3A_328 = arith.addi %mul3A_326, %add3A_327 : i32
    %mul3A_329 = arith.constant 32 : i32
    %mul3A_330 = arith.muli %add3A_328, %mul3A_329 : i32
    %add3A_331 = arith.addi %mul3A_330, %select_n3A_191 : i32
    %mul3A_332 = arith.constant 8 : i32
    %mul3A_333 = arith.muli %add3A_331, %mul3A_332 : i32
    %dma_wait3A_334 = arith.constant 56 : i32
    %dma_wait3A_335 = arith.constant 0 : i32
    %dma_wait3A_336 = tpu.memref_slice %arg20[%dma_wait3A_334, %dma_wait3A_335] : memref<64x129xf32, #tpu.memory_space<vmem>> -> memref<8x128xf32, #tpu.memory_space<vmem>>
    %dma_wait3A_337 = arith.constant 0 : i32
    %dma_wait3A_338 = tpu.memref_slice %arg13[%mul3A_333, %dma_wait3A_337] : memref<102400x128xf32, #tpu.memory_space<hbm>> -> memref<8x128xf32, #tpu.memory_space<hbm>>
    %dma_wait3A_339 = arith.constant 0 : i32
    %dma_wait3A_340 = tpu.memref_slice %arg13[%mul3A_333, %dma_wait3A_339] : memref<102400x128xf32, #tpu.memory_space<hbm>> -> memref<8x128xf32, #tpu.memory_space<hbm>>
    %dma_wait3A_341 = arith.constant 56 : i32
    %dma_wait3A_342 = arith.constant 0 : i32
    %dma_wait3A_343 = tpu.memref_slice %arg20[%dma_wait3A_341, %dma_wait3A_342] : memref<64x129xf32, #tpu.memory_space<vmem>> -> memref<8x128xf32, #tpu.memory_space<vmem>>
    tpu.wait_dma2 semaphore(%arg24 : memref<!tpu.dma_semaphore, #tpu.memory_space<semaphore_mem>>) src(%dma_wait3A_343 : memref<8x128xf32, #tpu.memory_space<vmem>>) dst(%dma_wait3A_340 : memref<8x128xf32, #tpu.memory_space<hbm>>)
    %mul3A_344 = arith.constant 50 : i32
    %mul3A_345 = arith.muli %add3A, %mul3A_344 : i32
    %add3A_346 = arith.constant 49 : i32
    %add3A_347 = arith.addi %mul3A_345, %add3A_346 : i32
    %jit3A_348 = arith.constant 32 : i32
    %div3A_349 = arith.divsi %add3A_347, %jit3A_348 : i32
    %sign3A_350 = arith.constant 0 : i32
    %sign3A_351 = arith.cmpi sgt, %add3A_347, %sign3A_350 : i32
    %sign3A_352 = arith.extui %sign3A_351 : i1 to i32
    %sign3A_353 = arith.constant 0 : i32
    %sign3A_354 = arith.cmpi slt, %add3A_347, %sign3A_353 : i32
    %sign3A_355 = arith.extui %sign3A_354 : i1 to i32
    %sign3A_356 = arith.subi %sign3A_352, %sign3A_355 : i32
    %sign3A_357 = arith.constant 0 : i32
    %sign3A_358 = arith.cmpi sgt, %jit3A_348, %sign3A_357 : i32
    %sign3A_359 = arith.extui %sign3A_358 : i1 to i32
    %sign3A_360 = arith.constant 0 : i32
    %sign3A_361 = arith.cmpi slt, %jit3A_348, %sign3A_360 : i32
    %sign3A_362 = arith.extui %sign3A_361 : i1 to i32
    %sign3A_363 = arith.subi %sign3A_359, %sign3A_362 : i32
    %ne3A_364 = arith.cmpi ne, %sign3A_356, %sign3A_363 : i32
    %rem3A_365 = arith.remsi %add3A_347, %jit3A_348 : i32
    %ne3A_366 = arith.constant 0 : i32
    %ne3A_367 = arith.cmpi ne, %rem3A_365, %ne3A_366 : i32
    %and3A_368 = arith.andi %ne3A_364, %ne3A_367 : i1
    %sub3A_369 = arith.constant 1 : i32
    %sub3A_370 = arith.subi %div3A_349, %sub3A_369 : i32
    %select_n3A_371 = arith.select %and3A_368, %sub3A_370, %div3A_349 : i32
    %jit3A_372 = arith.constant 32 : i32
    %eq3A_373 = arith.constant 0 : i32
    %eq3A_374 = arith.cmpi eq, %jit3A_372, %eq3A_373 : i32
    %jit3A_375 = arith.constant 1 : i32
    %select_n3A_376 = arith.select %eq3A_374, %jit3A_375, %jit3A_372 : i32
    %rem3A_377 = arith.remsi %add3A_347, %select_n3A_376 : i32
    %ne3A_378 = arith.constant 0 : i32
    %ne3A_379 = arith.cmpi ne, %rem3A_377, %ne3A_378 : i32
    %lt3A_380 = arith.constant 0 : i32
    %lt3A_381 = arith.cmpi slt, %rem3A_377, %lt3A_380 : i32
    %lt3A_382 = arith.constant 0 : i32
    %lt3A_383 = arith.cmpi slt, %select_n3A_376, %lt3A_382 : i32
    %ne3A_384 = arith.xori %lt3A_381, %lt3A_383 : i1
    %and3A_385 = arith.andi %ne3A_384, %ne3A_379 : i1
    %add3A_386 = arith.addi %rem3A_377, %select_n3A_376 : i32
    %select_n3A_387 = arith.select %and3A_385, %add3A_386, %rem3A_377 : i32
    %mul3A_388 = arith.constant 8 : i32
    %mul3A_389 = arith.muli %select_n3A_371, %mul3A_388 : i32
    %add3A_390 = arith.constant 0 : i32
    %add3A_391 = arith.addi %mul3A_389, %add3A_390 : i32
    %mul3A_392 = arith.constant 32 : i32
    %mul3A_393 = arith.muli %add3A_391, %mul3A_392 : i32
    %add3A_394 = arith.addi %mul3A_393, %select_n3A_387 : i32
    %mul3A_395 = arith.constant 8 : i32
    %mul3A_396 = arith.muli %add3A_394, %mul3A_395 : i32
    %dma_wait3A_397 = arith.constant 0 : i32
    %dma_wait3A_398 = arith.constant 0 : i32
    %dma_wait3A_399 = tpu.memref_slice %arg21[%dma_wait3A_397, %dma_wait3A_398] : memref<64x129xf32, #tpu.memory_space<vmem>> -> memref<8x128xf32, #tpu.memory_space<vmem>>
    %dma_wait3A_400 = arith.constant 0 : i32
    %dma_wait3A_401 = tpu.memref_slice %arg13[%mul3A_396, %dma_wait3A_400] : memref<102400x128xf32, #tpu.memory_space<hbm>> -> memref<8x128xf32, #tpu.memory_space<hbm>>
    %dma_wait3A_402 = arith.constant 0 : i32
    %dma_wait3A_403 = tpu.memref_slice %arg13[%mul3A_396, %dma_wait3A_402] : memref<102400x128xf32, #tpu.memory_space<hbm>> -> memref<8x128xf32, #tpu.memory_space<hbm>>
    %dma_wait3A_404 = arith.constant 0 : i32
    %dma_wait3A_405 = arith.constant 0 : i32
    %dma_wait3A_406 = tpu.memref_slice %arg21[%dma_wait3A_404, %dma_wait3A_405] : memref<64x129xf32, #tpu.memory_space<vmem>> -> memref<8x128xf32, #tpu.memory_space<vmem>>
    tpu.wait_dma2 semaphore(%arg25 : memref<!tpu.dma_semaphore, #tpu.memory_space<semaphore_mem>>) src(%dma_wait3A_406 : memref<8x128xf32, #tpu.memory_space<vmem>>) dst(%dma_wait3A_403 : memref<8x128xf32, #tpu.memory_space<hbm>>)
    %mul3A_407 = arith.constant 8 : i32
    %mul3A_408 = arith.muli %select_n3A_371, %mul3A_407 : i32
    %add3A_409 = arith.constant 1 : i32
    %add3A_410 = arith.addi %mul3A_408, %add3A_409 : i32
    %mul3A_411 = arith.constant 32 : i32
    %mul3A_412 = arith.muli %add3A_410, %mul3A_411 : i32
    %add3A_413 = arith.addi %mul3A_412, %select_n3A_387 : i32
    %mul3A_414 = arith.constant 8 : i32
    %mul3A_415 = arith.muli %add3A_413, %mul3A_414 : i32
    %dma_wait3A_416 = arith.constant 8 : i32
    %dma_wait3A_417 = arith.constant 0 : i32
    %dma_wait3A_418 = tpu.memref_slice %arg21[%dma_wait3A_416, %dma_wait3A_417] : memref<64x129xf32, #tpu.memory_space<vmem>> -> memref<8x128xf32, #tpu.memory_space<vmem>>
    %dma_wait3A_419 = arith.constant 0 : i32
    %dma_wait3A_420 = tpu.memref_slice %arg13[%mul3A_415, %dma_wait3A_419] : memref<102400x128xf32, #tpu.memory_space<hbm>> -> memref<8x128xf32, #tpu.memory_space<hbm>>
    %dma_wait3A_421 = arith.constant 0 : i32
    %dma_wait3A_422 = tpu.memref_slice %arg13[%mul3A_415, %dma_wait3A_421] : memref<102400x128xf32, #tpu.memory_space<hbm>> -> memref<8x128xf32, #tpu.memory_space<hbm>>
    %dma_wait3A_423 = arith.constant 8 : i32
    %dma_wait3A_424 = arith.constant 0 : i32
    %dma_wait3A_425 = tpu.memref_slice %arg21[%dma_wait3A_423, %dma_wait3A_424] : memref<64x129xf32, #tpu.memory_space<vmem>> -> memref<8x128xf32, #tpu.memory_space<vmem>>
    tpu.wait_dma2 semaphore(%arg25 : memref<!tpu.dma_semaphore, #tpu.memory_space<semaphore_mem>>) src(%dma_wait3A_425 : memref<8x128xf32, #tpu.memory_space<vmem>>) dst(%dma_wait3A_422 : memref<8x128xf32, #tpu.memory_space<hbm>>)
    %mul3A_426 = arith.constant 8 : i32
    %mul3A_427 = arith.muli %select_n3A_371, %mul3A_426 : i32
    %add3A_428 = arith.constant 2 : i32
    %add3A_429 = arith.addi %mul3A_427, %add3A_428 : i32
    %mul3A_430 = arith.constant 32 : i32
    %mul3A_431 = arith.muli %add3A_429, %mul3A_430 : i32
    %add3A_432 = arith.addi %mul3A_431, %select_n3A_387 : i32
    %mul3A_433 = arith.constant 8 : i32
    %mul3A_434 = arith.muli %add3A_432, %mul3A_433 : i32
    %dma_wait3A_435 = arith.constant 16 : i32
    %dma_wait3A_436 = arith.constant 0 : i32
    %dma_wait3A_437 = tpu.memref_slice %arg21[%dma_wait3A_435, %dma_wait3A_436] : memref<64x129xf32, #tpu.memory_space<vmem>> -> memref<8x128xf32, #tpu.memory_space<vmem>>
    %dma_wait3A_438 = arith.constant 0 : i32
    %dma_wait3A_439 = tpu.memref_slice %arg13[%mul3A_434, %dma_wait3A_438] : memref<102400x128xf32, #tpu.memory_space<hbm>> -> memref<8x128xf32, #tpu.memory_space<hbm>>
    %dma_wait3A_440 = arith.constant 0 : i32
    %dma_wait3A_441 = tpu.memref_slice %arg13[%mul3A_434, %dma_wait3A_440] : memref<102400x128xf32, #tpu.memory_space<hbm>> -> memref<8x128xf32, #tpu.memory_space<hbm>>
    %dma_wait3A_442 = arith.constant 16 : i32
    %dma_wait3A_443 = arith.constant 0 : i32
    %dma_wait3A_444 = tpu.memref_slice %arg21[%dma_wait3A_442, %dma_wait3A_443] : memref<64x129xf32, #tpu.memory_space<vmem>> -> memref<8x128xf32, #tpu.memory_space<vmem>>
    tpu.wait_dma2 semaphore(%arg25 : memref<!tpu.dma_semaphore, #tpu.memory_space<semaphore_mem>>) src(%dma_wait3A_444 : memref<8x128xf32, #tpu.memory_space<vmem>>) dst(%dma_wait3A_441 : memref<8x128xf32, #tpu.memory_space<hbm>>)
    %mul3A_445 = arith.constant 8 : i32
    %mul3A_446 = arith.muli %select_n3A_371, %mul3A_445 : i32
    %add3A_447 = arith.constant 3 : i32
    %add3A_448 = arith.addi %mul3A_446, %add3A_447 : i32
    %mul3A_449 = arith.constant 32 : i32
    %mul3A_450 = arith.muli %add3A_448, %mul3A_449 : i32
    %add3A_451 = arith.addi %mul3A_450, %select_n3A_387 : i32
    %mul3A_452 = arith.constant 8 : i32
    %mul3A_453 = arith.muli %add3A_451, %mul3A_452 : i32
    %dma_wait3A_454 = arith.constant 24 : i32
    %dma_wait3A_455 = arith.constant 0 : i32
    %dma_wait3A_456 = tpu.memref_slice %arg21[%dma_wait3A_454, %dma_wait3A_455] : memref<64x129xf32, #tpu.memory_space<vmem>> -> memref<8x128xf32, #tpu.memory_space<vmem>>
    %dma_wait3A_457 = arith.constant 0 : i32
    %dma_wait3A_458 = tpu.memref_slice %arg13[%mul3A_453, %dma_wait3A_457] : memref<102400x128xf32, #tpu.memory_space<hbm>> -> memref<8x128xf32, #tpu.memory_space<hbm>>
    %dma_wait3A_459 = arith.constant 0 : i32
    %dma_wait3A_460 = tpu.memref_slice %arg13[%mul3A_453, %dma_wait3A_459] : memref<102400x128xf32, #tpu.memory_space<hbm>> -> memref<8x128xf32, #tpu.memory_space<hbm>>
    %dma_wait3A_461 = arith.constant 24 : i32
    %dma_wait3A_462 = arith.constant 0 : i32
    %dma_wait3A_463 = tpu.memref_slice %arg21[%dma_wait3A_461, %dma_wait3A_462] : memref<64x129xf32, #tpu.memory_space<vmem>> -> memref<8x128xf32, #tpu.memory_space<vmem>>
    tpu.wait_dma2 semaphore(%arg25 : memref<!tpu.dma_semaphore, #tpu.memory_space<semaphore_mem>>) src(%dma_wait3A_463 : memref<8x128xf32, #tpu.memory_space<vmem>>) dst(%dma_wait3A_460 : memref<8x128xf32, #tpu.memory_space<hbm>>)
    %mul3A_464 = arith.constant 8 : i32
    %mul3A_465 = arith.muli %select_n3A_371, %mul3A_464 : i32
    %add3A_466 = arith.constant 4 : i32
    %add3A_467 = arith.addi %mul3A_465, %add3A_466 : i32
    %mul3A_468 = arith.constant 32 : i32
    %mul3A_469 = arith.muli %add3A_467, %mul3A_468 : i32
    %add3A_470 = arith.addi %mul3A_469, %select_n3A_387 : i32
    %mul3A_471 = arith.constant 8 : i32
    %mul3A_472 = arith.muli %add3A_470, %mul3A_471 : i32
    %dma_wait3A_473 = arith.constant 32 : i32
    %dma_wait3A_474 = arith.constant 0 : i32
    %dma_wait3A_475 = tpu.memref_slice %arg21[%dma_wait3A_473, %dma_wait3A_474] : memref<64x129xf32, #tpu.memory_space<vmem>> -> memref<8x128xf32, #tpu.memory_space<vmem>>
    %dma_wait3A_476 = arith.constant 0 : i32
    %dma_wait3A_477 = tpu.memref_slice %arg13[%mul3A_472, %dma_wait3A_476] : memref<102400x128xf32, #tpu.memory_space<hbm>> -> memref<8x128xf32, #tpu.memory_space<hbm>>
    %dma_wait3A_478 = arith.constant 0 : i32
    %dma_wait3A_479 = tpu.memref_slice %arg13[%mul3A_472, %dma_wait3A_478] : memref<102400x128xf32, #tpu.memory_space<hbm>> -> memref<8x128xf32, #tpu.memory_space<hbm>>
    %dma_wait3A_480 = arith.constant 32 : i32
    %dma_wait3A_481 = arith.constant 0 : i32
    %dma_wait3A_482 = tpu.memref_slice %arg21[%dma_wait3A_480, %dma_wait3A_481] : memref<64x129xf32, #tpu.memory_space<vmem>> -> memref<8x128xf32, #tpu.memory_space<vmem>>
    tpu.wait_dma2 semaphore(%arg25 : memref<!tpu.dma_semaphore, #tpu.memory_space<semaphore_mem>>) src(%dma_wait3A_482 : memref<8x128xf32, #tpu.memory_space<vmem>>) dst(%dma_wait3A_479 : memref<8x128xf32, #tpu.memory_space<hbm>>)
    %mul3A_483 = arith.constant 8 : i32
    %mul3A_484 = arith.muli %select_n3A_371, %mul3A_483 : i32
    %add3A_485 = arith.constant 5 : i32
    %add3A_486 = arith.addi %mul3A_484, %add3A_485 : i32
    %mul3A_487 = arith.constant 32 : i32
    %mul3A_488 = arith.muli %add3A_486, %mul3A_487 : i32
    %add3A_489 = arith.addi %mul3A_488, %select_n3A_387 : i32
    %mul3A_490 = arith.constant 8 : i32
    %mul3A_491 = arith.muli %add3A_489, %mul3A_490 : i32
    %dma_wait3A_492 = arith.constant 40 : i32
    %dma_wait3A_493 = arith.constant 0 : i32
    %dma_wait3A_494 = tpu.memref_slice %arg21[%dma_wait3A_492, %dma_wait3A_493] : memref<64x129xf32, #tpu.memory_space<vmem>> -> memref<8x128xf32, #tpu.memory_space<vmem>>
    %dma_wait3A_495 = arith.constant 0 : i32
    %dma_wait3A_496 = tpu.memref_slice %arg13[%mul3A_491, %dma_wait3A_495] : memref<102400x128xf32, #tpu.memory_space<hbm>> -> memref<8x128xf32, #tpu.memory_space<hbm>>
    %dma_wait3A_497 = arith.constant 0 : i32
    %dma_wait3A_498 = tpu.memref_slice %arg13[%mul3A_491, %dma_wait3A_497] : memref<102400x128xf32, #tpu.memory_space<hbm>> -> memref<8x128xf32, #tpu.memory_space<hbm>>
    %dma_wait3A_499 = arith.constant 40 : i32
    %dma_wait3A_500 = arith.constant 0 : i32
    %dma_wait3A_501 = tpu.memref_slice %arg21[%dma_wait3A_499, %dma_wait3A_500] : memref<64x129xf32, #tpu.memory_space<vmem>> -> memref<8x128xf32, #tpu.memory_space<vmem>>
    tpu.wait_dma2 semaphore(%arg25 : memref<!tpu.dma_semaphore, #tpu.memory_space<semaphore_mem>>) src(%dma_wait3A_501 : memref<8x128xf32, #tpu.memory_space<vmem>>) dst(%dma_wait3A_498 : memref<8x128xf32, #tpu.memory_space<hbm>>)
    %mul3A_502 = arith.constant 8 : i32
    %mul3A_503 = arith.muli %select_n3A_371, %mul3A_502 : i32
    %add3A_504 = arith.constant 6 : i32
    %add3A_505 = arith.addi %mul3A_503, %add3A_504 : i32
    %mul3A_506 = arith.constant 32 : i32
    %mul3A_507 = arith.muli %add3A_505, %mul3A_506 : i32
    %add3A_508 = arith.addi %mul3A_507, %select_n3A_387 : i32
    %mul3A_509 = arith.constant 8 : i32
    %mul3A_510 = arith.muli %add3A_508, %mul3A_509 : i32
    %dma_wait3A_511 = arith.constant 48 : i32
    %dma_wait3A_512 = arith.constant 0 : i32
    %dma_wait3A_513 = tpu.memref_slice %arg21[%dma_wait3A_511, %dma_wait3A_512] : memref<64x129xf32, #tpu.memory_space<vmem>> -> memref<8x128xf32, #tpu.memory_space<vmem>>
    %dma_wait3A_514 = arith.constant 0 : i32
    %dma_wait3A_515 = tpu.memref_slice %arg13[%mul3A_510, %dma_wait3A_514] : memref<102400x128xf32, #tpu.memory_space<hbm>> -> memref<8x128xf32, #tpu.memory_space<hbm>>
    %dma_wait3A_516 = arith.constant 0 : i32
    %dma_wait3A_517 = tpu.memref_slice %arg13[%mul3A_510, %dma_wait3A_516] : memref<102400x128xf32, #tpu.memory_space<hbm>> -> memref<8x128xf32, #tpu.memory_space<hbm>>
    %dma_wait3A_518 = arith.constant 48 : i32
    %dma_wait3A_519 = arith.constant 0 : i32
    %dma_wait3A_520 = tpu.memref_slice %arg21[%dma_wait3A_518, %dma_wait3A_519] : memref<64x129xf32, #tpu.memory_space<vmem>> -> memref<8x128xf32, #tpu.memory_space<vmem>>
    tpu.wait_dma2 semaphore(%arg25 : memref<!tpu.dma_semaphore, #tpu.memory_space<semaphore_mem>>) src(%dma_wait3A_520 : memref<8x128xf32, #tpu.memory_space<vmem>>) dst(%dma_wait3A_517 : memref<8x128xf32, #tpu.memory_space<hbm>>)
    %mul3A_521 = arith.constant 8 : i32
    %mul3A_522 = arith.muli %select_n3A_371, %mul3A_521 : i32
    %add3A_523 = arith.constant 7 : i32
    %add3A_524 = arith.addi %mul3A_522, %add3A_523 : i32
    %mul3A_525 = arith.constant 32 : i32
    %mul3A_526 = arith.muli %add3A_524, %mul3A_525 : i32
    %add3A_527 = arith.addi %mul3A_526, %select_n3A_387 : i32
    %mul3A_528 = arith.constant 8 : i32
    %mul3A_529 = arith.muli %add3A_527, %mul3A_528 : i32
    %dma_wait3A_530 = arith.constant 56 : i32
    %dma_wait3A_531 = arith.constant 0 : i32
    %dma_wait3A_532 = tpu.memref_slice %arg21[%dma_wait3A_530, %dma_wait3A_531] : memref<64x129xf32, #tpu.memory_space<vmem>> -> memref<8x128xf32, #tpu.memory_space<vmem>>
    %dma_wait3A_533 = arith.constant 0 : i32
    %dma_wait3A_534 = tpu.memref_slice %arg13[%mul3A_529, %dma_wait3A_533] : memref<102400x128xf32, #tpu.memory_space<hbm>> -> memref<8x128xf32, #tpu.memory_space<hbm>>
    %dma_wait3A_535 = arith.constant 0 : i32
    %dma_wait3A_536 = tpu.memref_slice %arg13[%mul3A_529, %dma_wait3A_535] : memref<102400x128xf32, #tpu.memory_space<hbm>> -> memref<8x128xf32, #tpu.memory_space<hbm>>
    %dma_wait3A_537 = arith.constant 56 : i32
    %dma_wait3A_538 = arith.constant 0 : i32
    %dma_wait3A_539 = tpu.memref_slice %arg21[%dma_wait3A_537, %dma_wait3A_538] : memref<64x129xf32, #tpu.memory_space<vmem>> -> memref<8x128xf32, #tpu.memory_space<vmem>>
    tpu.wait_dma2 semaphore(%arg25 : memref<!tpu.dma_semaphore, #tpu.memory_space<semaphore_mem>>) src(%dma_wait3A_539 : memref<8x128xf32, #tpu.memory_space<vmem>>) dst(%dma_wait3A_536 : memref<8x128xf32, #tpu.memory_space<hbm>>)
    return
  }
}

module attributes {stable_mosaic.version = 14 : i64} {
  func.func @_stats_body(%arg0: memref<1600x128xf32, #tpu.memory_space<vmem>>, %arg1: memref<1x64xf32, #tpu.memory_space<vmem>>, %arg2: memref<1x64xf32, #tpu.memory_space<vmem>>, %arg3: memref<1x64xf32, #tpu.memory_space<vmem>>, %arg4: memref<50x4096xi32, #tpu.memory_space<vmem>>, %arg5: memref<50x4096xi32, #tpu.memory_space<vmem>>, %arg6: memref<50x4096xi32, #tpu.memory_space<vmem>>, %arg7: memref<50x4096xi32, #tpu.memory_space<vmem>>, %arg8: memref<2x64xf32, #tpu.memory_space<vmem>>, %arg9: memref<1600x128xi32, #tpu.memory_space<vmem>>, %arg10: memref<1600x128xi32, #tpu.memory_space<vmem>>, %arg11: memref<1600x128xi32, #tpu.memory_space<vmem>>, %arg12: memref<1600x128xi32, #tpu.memory_space<vmem>>) attributes {dimension_semantics = [], scalar_prefetch = 0 : i64, scratch_operands = 0 : i64, tpu.core_type = #tpu.core_type<tc>} {
    %get3A = arith.constant 0 : index
    %get3A_0 = arith.constant 0 : index
    %get3A_1 = vector.load %arg0[%get3A, %get3A_0] : memref<1600x128xf32, #tpu.memory_space<vmem>>, vector<1600x128xf32>
    %reduce_sum3A = vector.shape_cast %get3A_1 : vector<1600x128xf32> to vector<1x1600x128xf32>
    %reduce_sum3A_2 = arith.constant dense<0.000000e+00> : vector<1xf32>
    %reduce_sum3A_3 = vector.multi_reduction <add>, %reduce_sum3A, %reduce_sum3A_2 [1, 2] : vector<1x1600x128xf32> to vector<1xf32>
    %reduce_sum3A_4 = vector.shape_cast %reduce_sum3A_3 : vector<1xf32> to vector<1x1x1xf32>
    %reduce_sum3A_5 = vector.extract %reduce_sum3A_4[0, 0, 0] : f32 from vector<1x1x1xf32>
    %mul3A = arith.mulf %get3A_1, %get3A_1 : vector<1600x128xf32>
    %reduce_sum3A_6 = vector.shape_cast %mul3A : vector<1600x128xf32> to vector<1x1600x128xf32>
    %reduce_sum3A_7 = arith.constant dense<0.000000e+00> : vector<1xf32>
    %reduce_sum3A_8 = vector.multi_reduction <add>, %reduce_sum3A_6, %reduce_sum3A_7 [1, 2] : vector<1x1600x128xf32> to vector<1xf32>
    %reduce_sum3A_9 = vector.shape_cast %reduce_sum3A_8 : vector<1xf32> to vector<1x1x1xf32>
    %reduce_sum3A_10 = vector.extract %reduce_sum3A_9[0, 0, 0] : f32 from vector<1x1x1xf32>
    %div3A = arith.constant 2.048000e+05 : f32
    %div3A_11 = arith.divf %reduce_sum3A_5, %div3A : f32
    %div3A_12 = arith.constant 2.048000e+05 : f32
    %div3A_13 = arith.divf %reduce_sum3A_10, %div3A_12 : f32
    %mul3A_14 = arith.mulf %div3A_11, %div3A_11 : f32
    %sub3A = arith.subf %div3A_13, %mul3A_14 : f32
    %get3A_15 = arith.constant 0 : index
    %get3A_16 = arith.constant 0 : index
    %get3A_17 = vector.load %arg1[%get3A_15, %get3A_16] : memref<1x64xf32, #tpu.memory_space<vmem>>, vector<1x64xf32>
    %get3A_18 = arith.constant 0 : index
    %get3A_19 = arith.constant 0 : index
    %get3A_20 = vector.load %arg2[%get3A_18, %get3A_19] : memref<1x64xf32, #tpu.memory_space<vmem>>, vector<1x64xf32>
    %mul3A_21 = arith.mulf %get3A_17, %get3A_20 : vector<1x64xf32>
    %mul3A_22 = arith.mulf %get3A_17, %get3A_17 : vector<1x64xf32>
    %mul3A_23 = vector.broadcast %sub3A : f32 to vector<1x64xf32>
    %mul3A_24 = arith.mulf %mul3A_22, %mul3A_23 : vector<1x64xf32>
    %add3A = arith.constant 9.99999974E-6 : f32
    %add3A_25 = vector.broadcast %add3A : f32 to vector<1x64xf32>
    %add3A_26 = arith.addf %mul3A_24, %add3A_25 : vector<1x64xf32>
    %rsqrt3A = math.rsqrt %add3A_26 : vector<1x64xf32>
    %mul3A_27 = arith.mulf %mul3A_21, %rsqrt3A : vector<1x64xf32>
    %get3A_28 = arith.constant 0 : index
    %get3A_29 = arith.constant 0 : index
    %get3A_30 = vector.load %arg3[%get3A_28, %get3A_29] : memref<1x64xf32, #tpu.memory_space<vmem>>, vector<1x64xf32>
    %mul3A_31 = vector.broadcast %div3A_11 : f32 to vector<1x64xf32>
    %mul3A_32 = arith.mulf %mul3A_31, %mul3A_27 : vector<1x64xf32>
    %sub3A_33 = arith.subf %get3A_30, %mul3A_32 : vector<1x64xf32>
    %concatenate3A = tpu.concatenate %mul3A_27, %sub3A_33 in 0 : vector<1x64xf32>, vector<1x64xf32> -> vector<2x64xf32>
    %swap3A = arith.constant 0 : index
    %swap3A_34 = arith.constant 0 : index
    %swap3A_35 = vector.load %arg8[%swap3A, %swap3A_34] : memref<2x64xf32, #tpu.memory_space<vmem>>, vector<2x64xf32>
    tpu.vector_store %arg8[%swap3A, %swap3A_34], %concatenate3A {strides = array<i32>} : memref<2x64xf32, #tpu.memory_space<vmem>>, vector<2x64xf32>,
    %get3A_36 = arith.constant 0 : index
    %get3A_37 = arith.constant 0 : index
    %get3A_38 = vector.load %arg4[%get3A_36, %get3A_37] : memref<50x4096xi32, #tpu.memory_space<vmem>>, vector<50x4096xi32>
    %reshape3A = vector.shape_cast %get3A_38 : vector<50x4096xi32> to vector<1600x128xi32>
    %swap3A_39 = arith.constant 0 : index
    %swap3A_40 = arith.constant 0 : index
    %swap3A_41 = vector.load %arg9[%swap3A_39, %swap3A_40] : memref<1600x128xi32, #tpu.memory_space<vmem>>, vector<1600x128xi32>
    tpu.vector_store %arg9[%swap3A_39, %swap3A_40], %reshape3A {strides = array<i32>} : memref<1600x128xi32, #tpu.memory_space<vmem>>, vector<1600x128xi32>,
    %get3A_42 = arith.constant 0 : index
    %get3A_43 = arith.constant 0 : index
    %get3A_44 = vector.load %arg5[%get3A_42, %get3A_43] : memref<50x4096xi32, #tpu.memory_space<vmem>>, vector<50x4096xi32>
    %reshape3A_45 = vector.shape_cast %get3A_44 : vector<50x4096xi32> to vector<1600x128xi32>
    %swap3A_46 = arith.constant 0 : index
    %swap3A_47 = arith.constant 0 : index
    %swap3A_48 = vector.load %arg10[%swap3A_46, %swap3A_47] : memref<1600x128xi32, #tpu.memory_space<vmem>>, vector<1600x128xi32>
    tpu.vector_store %arg10[%swap3A_46, %swap3A_47], %reshape3A_45 {strides = array<i32>} : memref<1600x128xi32, #tpu.memory_space<vmem>>, vector<1600x128xi32>,
    %get3A_49 = arith.constant 0 : index
    %get3A_50 = arith.constant 0 : index
    %get3A_51 = vector.load %arg6[%get3A_49, %get3A_50] : memref<50x4096xi32, #tpu.memory_space<vmem>>, vector<50x4096xi32>
    %reshape3A_52 = vector.shape_cast %get3A_51 : vector<50x4096xi32> to vector<1600x128xi32>
    %swap3A_53 = arith.constant 0 : index
    %swap3A_54 = arith.constant 0 : index
    %swap3A_55 = vector.load %arg11[%swap3A_53, %swap3A_54] : memref<1600x128xi32, #tpu.memory_space<vmem>>, vector<1600x128xi32>
    tpu.vector_store %arg11[%swap3A_53, %swap3A_54], %reshape3A_52 {strides = array<i32>} : memref<1600x128xi32, #tpu.memory_space<vmem>>, vector<1600x128xi32>,
    %get3A_56 = arith.constant 0 : index
    %get3A_57 = arith.constant 0 : index
    %get3A_58 = vector.load %arg7[%get3A_56, %get3A_57] : memref<50x4096xi32, #tpu.memory_space<vmem>>, vector<50x4096xi32>
    %reshape3A_59 = vector.shape_cast %get3A_58 : vector<50x4096xi32> to vector<1600x128xi32>
    %swap3A_60 = arith.constant 0 : index
    %swap3A_61 = arith.constant 0 : index
    %swap3A_62 = vector.load %arg12[%swap3A_60, %swap3A_61] : memref<1600x128xi32, #tpu.memory_space<vmem>>, vector<1600x128xi32>
    tpu.vector_store %arg12[%swap3A_60, %swap3A_61], %reshape3A_59 {strides = array<i32>} : memref<1600x128xi32, #tpu.memory_space<vmem>>, vector<1600x128xi32>,
    return
  }
}

</mosaic_0001>

<sc_bundles>
// kernel: kernel.4.cloned.1.call-start
scs
__scs_entry_jumppad:
0x0: {  	(pc) =	sbr.rel $0x88, $3  }
0x1: {  	(tag) =	ssettag $0x0;
	lr =	simm.s32 $0x1  }
0x2: {  	[smem:$0x3F95] =	sst lr;
	_ =	strace $0xD0000000  }
0x3: {  	_ = 	snop  }
0x4: {  	_ = 	snop  }
0x5: {  	_ = 	snop  }
0x6: {  	_ = 	snop  }
0x7: {  	_ = 	snop  }
__scs_overlays_trampoline_lowered:
0x8: {  	[smem:$0x3FA4] =	sst s0  }
0x9: {  	[smem:$0x3FA5] =	sst s1  }
0xa: {  	[smem:$0x3FA6] =	sst s2  }
0xb: {  	[smem:$0x3FA7] =	sst s3  }
0xc: {  	[smem:$0x3FA8] =	sst s4  }
0xd: {  	[smem:$0x3FA9] =	sst s5  }
0xe: {  	[smem:$0x3FAA] =	sst s6  }
0xf: {  	[smem:$0x3FAB] =	sst s7  }
0x10: {  	[smem:$0x3FAC] =	sst s8  }
0x11: {  	[smem:$0x3FAD] =	sst s9;
	s0 =	simm.s32 @!p0 $0x0  }
0x12: {  	s1 =	sld [smem:$0x3F93];
	s0 =	simm.s32 @p0 $0x1  }
0x13: {  	[smem:$0x3FAE] =	sst s0;
	s0 =	simm.s32 @!p1 $0x0  }
0x14: {  	s2 =	sld [smem:$0x3F92];
	s0 =	simm.s32 @p1 $0x1  }
0x15: {  	[smem:$0x3FAF] =	sst s0;
	s0 =	simm.s32 @!p2 $0x0  }
0x16: {  	s3 =	sld [smem:$0x3FDB];
	s0 =	simm.s32 @p2 $0x1  }
0x17: {  	s4 =	simm.s32 $0x1BF5;
	[smem:$0x3FB1] =	sst s0  }
0x18: {  	s0 =	sld [smem:$0x3F94];
	_ =	swait.ge [sflag:s4], $0x0  }
0x19: {  	s7 =	sld [smem:$0x3F95]  }
0x1a: {  	s8 =	sadd.s32 $0xFFFFE003, lr  }
0x1b: {  	s9 =	sadd.s32 $0xFFFFFEF7, lr;
	s5 =	simm.s32 $0xFFFFFFFF;
	p2 =	slt.u32 s8, $0xFFFFF086  }
0x1c: {  	p1 =	slt.u32 s9, $0xF7A;
	s5 =	simm.s32 @!p2 $0x0  }
0x1d: {  	s5 =	simm.s32 @p1 $0x1;
	p0 =	seq.s32 s7, s2  }
0x1e: {  	s7 =	smul.u32 @!p0 $0xF7A, s2;
	p2 =	seq.s32 @!p0 s5, $0x0  }
0x1f: {  	s9 =	smul.u32 $0xF7A, s1;
	s8 =	simm.s32 @!p0 $0x1BF5;
	p2 =	por !p2, p0  }
0x20: {  	[sflag:s8] =	ssyncset.s32 @!p0 $0xFFFFF086;
	s6 =	sadd.s32 @!p0 s3, s7;
	s7 =	simm.s32 @!p0 $0x108  }
0x21: {  	s3 =	sadd.s32 s3, s9;
	s6 =	sadd.s32 @!p0 $0x88, s6;
	s7 =	simm.s32 @p2 $0x1082  }
0x22: {  	[simem:s7], [sflag:s8] =	dma.local @!p0 [hbm:s6], $0xF7A  }
0x23: {  	s9 =	sor.u32 $0xD0000000, s2;
	s6 =	simm.s32 $0x108;
	_ =	swait.ge @!p0 [sflag:s8], $0x0  }
0x24: {  	s3 =	sadd.s32 $0x88, s3;
	s6 =	simm.s32 @!p1 $0x1082;
	[sflag:s4] =	ssyncset.s32 $0xFFFFF086  }
0x25: {  	[simem:s6], [sflag:s4] =	dma.local [hbm:s3], $0xF7A  }
0x26: {  	[smem:$0x3F95] =	sst s1;
	(tag) =	ssettag s2;
	_ =	strace s9  }
0x27: {  	s1 =	sld [smem:$0x3FA5]  }
0x28: {  	s2 =	sld [smem:$0x3FA6]  }
0x29: {  	s4 =	sld [smem:$0x3FA8]  }
0x2a: {  	p0 =	seq.s32 s5, $0x0;
	s5 =	sld [smem:$0x3FA9]  }
0x2b: {  	s6 =	sld [smem:$0x3FAA]  }
0x2c: {  	s7 =	sld [smem:$0x3FAB]  }
0x2d: {  	s3 =	simm.s32 $0x108;
	s8 =	sld [smem:$0x3FAC]  }
0x2e: {  	s3 =	simm.s32 @!p0 $0x1082;
	s9 =	sld [smem:$0x3FAD]  }
0x2f: {  	lr =	sadd.s32 s0, s3;
	s0 =	sld [smem:$0x3FA4]  }
0x30: {  	s3 =	sld [smem:$0x3FA7]  }
0x31: {  	[smem:$0x3FB0] =	sst s10  }
0x32: {  	s10 =	sld [smem:$0x3FAE];
	_ =	sdelay $0x3  }
0x33: {  	p0 =	seq.s32 s10, $0x1;
	s10 =	sld [smem:$0x3FB0];
	_ =	sdelay $0x3  }
0x34: {  	[smem:$0x3FB0] =	sst s10  }
0x35: {  	s10 =	sld [smem:$0x3FAF];
	_ =	sdelay $0x3  }
0x36: {  	p1 =	seq.s32 s10, $0x1;
	s10 =	sld [smem:$0x3FB0];
	_ =	sdelay $0x3  }
0x37: {  	[smem:$0x3FB0] =	sst s10  }
0x38: {  	s10 =	sld [smem:$0x3FB1]  }
0x39: {  	_ = 	snop;
	(pc) =	sbr.ind lr, $3  }
0x3a: {  	_ = 	snop  }
0x3b: {  	_ = 	snop  }
0x3c: {  	p2 =	seq.s32 s10, $0x1;
	s10 =	sld [smem:$0x3FB0]  }
0x3d: {  	_ =	shalt  }
0x3e: {  	_ =	shalt  }
0x3f: {  	_ =	shalt  }
0x40: {  	_ =	shalt  }
0x41: {  	_ =	shalt  }
0x42: {  	_ =	shalt  }
0x43: {  	_ =	shalt  }
0x44: {  	_ =	shalt  }
0x45: {  	_ =	shalt  }
0x46: {  	_ =	shalt  }
0x47: {  	_ =	shalt  }
0x48: {  	_ =	shalt  }
0x49: {  	_ =	shalt  }
0x4a: {  	_ =	shalt  }
0x4b: {  	_ =	shalt  }
0x4c: {  	_ =	shalt  }
0x4d: {  	_ =	shalt  }
0x4e: {  	_ =	shalt  }
0x4f: {  	_ =	shalt  }
0x50: {  	_ =	shalt  }
0x51: {  	_ =	shalt  }
0x52: {  	_ =	shalt  }
0x53: {  	_ =	shalt  }
0x54: {  	_ =	shalt  }
0x55: {  	_ =	shalt  }
0x56: {  	_ =	shalt  }
0x57: {  	_ =	shalt  }
0x58: {  	_ =	shalt  }
0x59: {  	_ =	shalt  }
0x5a: {  	_ =	shalt  }
0x5b: {  	_ =	shalt  }
0x5c: {  	_ =	shalt  }
0x5d: {  	_ =	shalt  }
0x5e: {  	_ =	shalt  }
0x5f: {  	_ =	shalt  }
0x60: {  	_ =	shalt  }
0x61: {  	_ =	shalt  }
0x62: {  	_ =	shalt  }
0x63: {  	_ =	shalt  }
0x64: {  	_ =	shalt  }
0x65: {  	_ =	shalt  }
0x66: {  	_ =	shalt  }
0x67: {  	_ =	shalt  }
0x68: {  	_ =	shalt  }
0x69: {  	_ =	shalt  }
0x6a: {  	_ =	shalt  }
0x6b: {  	_ =	shalt  }
0x6c: {  	_ =	shalt  }
0x6d: {  	_ =	shalt  }
0x6e: {  	_ =	shalt  }
0x6f: {  	_ =	shalt  }
0x70: {  	_ =	shalt  }
0x71: {  	_ =	shalt  }
0x72: {  	_ =	shalt  }
0x73: {  	_ =	shalt  }
0x74: {  	_ =	shalt  }
0x75: {  	_ =	shalt  }
0x76: {  	_ =	shalt  }
0x77: {  	_ =	shalt  }
0x78: {  	_ =	shalt  }
0x79: {  	_ =	shalt  }
0x7a: {  	_ =	shalt  }
0x7b: {  	_ =	shalt  }
0x7c: {  	_ =	shalt  }
0x7d: {  	_ =	shalt  }
0x7e: {  	_ =	shalt  }
0x7f: {  	_ =	shalt  }
0x80: {  	_ =	shalt  }
0x81: {  	_ =	shalt  }
0x82: {  	_ =	shalt  }
0x83: {  	_ =	shalt  }
0x84: {  	_ =	shalt  }
0x85: {  	_ =	shalt  }
0x86: {  	_ =	shalt  }
0x87: {  	_ =	shalt  }
.Lfunc_end0:
.L_simem_size_0:
called_computation_lowered:
.L_overlay_start_0:
0x88: {  	s2 =	sld [smem:$0x3FD9]  }
0x89: {  	s3 =	sld [smem:$0x3FFE];
	_ =	sdelay $0x1  }
0x8a: {  	s1 =	srdreg.scid  }
0x8b: {  	s0 =	sand.u32 $0x1, s1  }
0x8c: {  	s17 =	sshll.u32 s0, $0xA;
	s2 =	sadd.s32 s3, s2  }
0x8d: {  	s2 =	sadd.s32 s2, s17  }
0x8e: {  	[smem:$0x3FBC] =	sst s2  }
0x8f: {  	_ = 	snop  }
0x90: {  	s2 =	sld [smem:$0x3FD0];
	(tm) =	ssettm $0x1  }
0x91: {  	s18 =	sld [smem:$0x3FFB];
	_ =	sdelay $0x3  }
0x92: {  	_ =	strace s18  }
0x93: {  	s3 =	sld [smem:$0x3FFC];
	_ =	sdelay $0x3  }
0x94: {  	_ =	strace s3  }
0x95: {  	s3 =	sld [smem:$0x3FFD];
	_ =	sdelay $0x3  }
0x96: {  	_ =	strace s3  }
0x97: {  	_ =	strace $0x8FFFFFFF  }
0x98: {  	s19 =	sld [smem:$0x3FDB];
	_ =	sdelay $0x1  }
0x99: {  	s4 =	simm.s32 $_scs_section_size  }
0x9a: {  	s5 =	simm.s32 $_size__tile_overlayer_lowered;
	s6 =	simm.s32 $_tile_overlayer_lowered  }
0x9b: {  	s22 =	simm.s32 $0x1BFF;
	s21 =	sshll.u32 s6, $0x1;
	s3 =	sadd.s32 s4, s19  }
0x9c: {  	s7 =	simm.s32 $0x0;
	s20 =	sshll.u32 s5, $0x1;
	s5 =	sadd.s32 s21, s3  }
0x9d: {  	[timem:s7], [sflag:s22] =	dma.local [hbm:s5], s20  }
0x9e: {  	_ =	swait.ge [sflag:s22], s20  }
0x9f: {  	s4 =	ssub.s32 $0x0, s20;
	[sflag:s22] =	ssyncset.done $0x0  }
0xa0: {  	[sflag:s22] =	ssyncadd.s32 s4;
	_ =	sdelay $0x1  }
0xa1: {  	s23 =	simm.s32 $0x1B8B  }
0xa2: {  	_ =	swait.ge [sflag:s23], $0x1  }
0xa3: {  	[sflag:s23] =	ssyncset.done $0x0  }
0xa4: {  	s25 =	simm.s32 $0x1B8E;
	s24 =	sld [smem:$0x3FFE];
	[sflag:s23] =	ssyncadd.s32 $0xFFFFFFFF  }
0xa5: {  	s26 =	simm.s32 $execute0_lowered;
	[smem:$0x3FD2] =	sst s25  }
0xa6: {  	s5 =	sshll.u32 s26, $0x1;
	_ =	strace $0x80000046;
	[dreg:$0x1] =	wrdreg $0xFFFFFFFF  }
0xa7: {  	s28 =	simm.s32 $_size_execute0_lowered;
	s3 =	sadd.s32 s3, s5;
	[dreg:$0x0] =	wrdreg $0x0  }
0xa8: {  	s5 =	sshll.u32 s28, $0x1;
	[dreg:$0x2] =	wrdreg s3  }
0xa9: {  	[dreg:$0x3] =	wrdreg s5  }
0xaa: {  	[dreg:$0x4] =	wrdreg $0xC0  }
0xab: {  	_ =	task [dreg:s7], $0x5FFFF  }
0xac: {  	[dreg:$0x1] =	wrdreg $0xFFFFFFFF  }
0xad: {  	[dreg:$0x0] =	wrdreg $0x60  }
0xae: {  	[dreg:$0x2] =	wrdreg s24  }
0xaf: {  	[dreg:$0x3] =	wrdreg s2  }
0xb0: {  	[dreg:$0x4] =	wrdreg $0x9  }
0xb1: {  	_ =	task.clear_ibuf [dreg:s7], $0x5FFFF;
	_ =	strace $0x90000046  }
0xb2: {  	s29 =	simm.s32 $0x9;
	_ =	strace $0x80000048  }
0xb3: {  	_ =	swait.ge [sflag:s29], $0x1  }
0xb4: {  	[sflag:s29] =	ssyncadd.s32 $0xFFFFFFFF  }
0xb5: {  	_ =	strace $0x90000048  }
0xb6: {  	_ =	sfence  }
0xb7: {  	s30 =	sld [smem:$0x0];
	_ =	sdelay $0x2  }
0xb8: {  	s31 =	sshll.u32 s1, $0xD;
	s1 =	sshrl.u32 s1, $0x2  }
0xb9: {  	s3 =	sand.u32 $0x4000, s31;
	s1 =	sadd.s32 s1, s30  }
0xba: {  	s0 =	sor.u32 s3, s0;
	s1 =	sshll.u32 s1, $0x11  }
0xbb: {  	s0 =	sor.u32 s1, s0  }
0xbc: {  	s0 =	sadd.s32 $0x8F2B, s0  }
0xbd: {  	[sflag:s0] =	ssyncadd.remote.s32 $0x1  }
0xbe: {  	_ =	sfence.sel $0xFFFF  }
0xbf: {  	[dreg:$0x0] =	wrdreg $0xFFFFFFFF;
	(pc) =	sbr.abs _section_cstart, $3  }
0xc0: {  	[dreg:$0x1] =	wrdreg $0xFFFFFFFF  }
0xc1: {  	_ =	task.clear_ibuf [dreg:s7], $0x2FFFF;
	_ =	strace $0x9FFFFFFF  }
0xc2: {  	(tm) =	ssettm $0x7FFFFFFF  }
0xc3: {  	_ =	shalt  }
tec
execute0_lowered:
.L_overlay_start_1:
0x0: {  	(tag) =	ssettag $0x1  }
0x1: {  	v0 =	vlaneseq.u32  }
0x2: {  	s1 =	rddreg [dreg:$0x0];
	s3 =	simm.s32 $0x0;
	v3 =	vmul.u32 $0x88, v0  }
0x3: {  	vm0 =	vcmask $0x300;
	[smem:$0x7FF] =	sst s3;
	v0 =	vimm.s32 $0x0  }
0x4: {  	s15 =	rddreg [dreg:$0x1];
	_ =	strace $0x80000047;
	v1 =	vsel vm0, $0x3, v0;
	v0 =	vadd.s32 $0x1100, v3;
	[tilespmem:$0x1FEE0] =	vst v3  }
0x5: {  	v4 =	vadd.s32 $0x1104, v3;
	[tilespmem:$0x1FE00] =	vst v0  }
0x6: {  	v5 =	vadd.s32 $0x1984, v3;
	[tilespmem:$0x1FEF0] =	vst v4  }
0x7: {  	v17 =	vor.u32 $0x5, v3;
	[tilespmem:$0x1FF00] =	vst v5  }
0x8: {  	v18 =	vadd.s32 $0x885, v3;
	[tilespmem:$0x1FF10] =	vst v17  }
0x9: {  	v7 =	vadd.s32 $0x1105, v3;
	[tilespmem:$0x1FF20] =	vst v18  }
0xa: {  	v8 =	vadd.s32 $0x1985, v3;
	[tilespmem:$0x1FF30] =	vst v7  }
0xb: {  	v13 =	vadd.s32 $0x886, v3;
	[tilespmem:$0x1FF40] =	vst v8  }
0xc: {  	v23 =	vor.u32 $0x6, v3;
	[tilespmem:$0x1FF50] =	vst v13  }
0xd: {  	v9 =	vadd.s32 $0x1986, v3;
	[tilespmem:$0x1FF60] =	vst v23  }
0xe: {  	v10 =	vor.u32 $0x7, v3;
	[tilespmem:$0x1FF70] =	vst v9  }
0xf: {  	v25 =	vadd.s32 $0x887, v3;
	[tilespmem:$0x1FF80] =	vst v10  }
0x10: {  	v11 =	vadd.s32 $0x1980, v3;
	[tilespmem:$0x1FF90] =	vst v25  }
0x11: {  	v27 =	vadd.s32 $0x1107, v3;
	[tilespmem:$0x1FFA0] =	vst v11  }
0x12: {  	s0 =	srdreg.scid;
	s2 =	stileid.u32;
	s7 =	simm.s32 $0x1900;
	v14 =	vadd.s32 $0x1982, v3;
	[tilespmem:$0x1FFB0] =	vst v27  }
0x13: {  	s8 =	simm.s32 $0x3200;
	s9 =	simm.s32 $0x4B00;
	s28 =	simm.s32 $0x6400;
	v12 =	vadd.s32 $0x1106, v3;
	[tilespmem:$0x1FFC0] =	vst v14  }
0x14: {  	s31 =	simm.s32 $0x1;
	s29 =	simm.s32 $0x9E80;
	s30 =	simm.s32 $0xBE80;
	v26 =	vadd.s32 $0x880, v3;
	[tilespmem:$0x1FFD0] =	vst v12  }
0x15: {  	s13 =	simm.s32 $0x2;
	s14 =	simm.s32 $0xE080;
	s0 =	sand.u32 $0x1, s0;
	v29 =	vadd.s32 $0x1987, v3;
	[tilespmem:$0x1FFE0] =	vst v26  }
0x16: {  	s2 =	sshll.u32 s2, $0x1;
	s5 =	sadd.s32 $0x7C7000, s1;
	s16 =	sadd.s32 $0x12E00, s1;
	v0 =	vor.u32 $0x1, v3;
	[tilespmem:$0x1FFF0] =	vst v29  }
0x17: {  	s17 =	sadd.s32 $0x199800, s1;
	s18 =	sadd.s32 $0x3E3800, s1;
	[dreg:$0x3] =	wrdreg s5;
	[tilespmem:$0x1FE10] =	vst v0;
	v0 =	vadd.s32 $0x881, v3  }
0x18: {  	s19 =	sadd.s32 $0x62D800, s1;
	s2 =	sor.u32 s0, s2;
	[dreg:$0x4] =	wrdreg s16;
	[tilespmem:$0x1FE20] =	vst v0;
	v0 =	vadd.s32 $0x1101, v3  }
0x19: {  	[dreg:$0x5] =	wrdreg s17;
	s0 =	ssub.s32 $0x2, s0;
	s4 =	smul.u32 $0x320, s2;
	[tilespmem:$0x1FE30] =	vst v0;
	v0 =	vadd.s32 $0x1981, v3  }
0x1a: {  	[dreg:$0x6] =	wrdreg s18;
	s20 =	sshrl.u32 s0, $0x1;
	s26 =	smul.u32 $0x32, s2;
	[tilespmem:$0x1FE40] =	vst v0;
	v0 =	vor.u32 $0x2, v3  }
0x1b: {  	[dreg:$0x7] =	wrdreg s19;
	s16 =	sadd.s32 $0x1000, s15;
	s0 =	ssub.s32 s0, s20;
	[tilespmem:$0x1FE50] =	vst v0;
	v0 =	vadd.s32 $0x882, v3  }
0x1c: {  	s4 =	sadd.s32 s4, s1;
	s1 =	sadd.s32 $0x6F0E00, s1;
	[dreg:$0xe] =	wrdreg s26;
	[tilespmem:$0x1FE60] =	vst v0;
	v0 =	vadd.s32 $0x1102, v3  }
0x1d: {  	s17 =	sadd.s32 $0x2000, s15;
	s0 =	smax.u32 s0, $0x1;
	[dreg:$0x8] =	wrdreg s1;
	[tilespmem:$0x1FE70] =	vst v0;
	v0 =	vor.u32 $0x3, v3  }
0x1e: {  	s18 =	sadd.s32 $0x3000, s15;
	s21 =	sadd.s32 $0xCA00, s4;
	[dreg:$0xf] =	wrdreg s0;
	[tilespmem:$0x1FE80] =	vst v0;
	v0 =	vadd.s32 $0x883, v3  }
0x1f: {  	s19 =	sadd.s32 $0x4000, s15;
	s22 =	sadd.s32 $0x7B4400, s4;
	[dreg:$0x9] =	wrdreg s21;
	[tilespmem:$0x1FE90] =	vst v0;
	v0 =	vadd.s32 $0x1103, v3  }
0x20: {  	s20 =	sadd.s32 $0x5000, s15;
	s23 =	sadd.s32 $0x7BA800, s4;
	[dreg:$0xa] =	wrdreg s22;
	[tilespmem:$0x1FEA0] =	vst v0;
	v0 =	vadd.s32 $0x1983, v3  }
0x21: {  	s24 =	sadd.s32 $0x7C0C00, s4;
	s25 =	sadd.s32 $0x6600, s4;
	[dreg:$0xb] =	wrdreg s23;
	[tilespmem:$0x1FEB0] =	vst v0;
	v0 =	vor.u32 $0x4, v3  }
0x22: {  	s0 =	simm.s32 $0x80;
	s4 =	simm.s32 $0x0;
	[dreg:$0xc] =	wrdreg s24;
	[tilespmem:$0x1FEC0] =	vst v0;
	v0 =	vadd.s32 $0x884, v3  }
0x23: {  	v2 =	vimm.f32 $0.0e+00;
	[dreg:$0xd] =	wrdreg s25;
	s21 =	sadd.s32 $0x6000, s15;
	s22 =	sadd.s32 $0x7000, s15;
	[tilespmem:$0x1FED0] =	vst v0  }
.LBB2_1:
0x24: {  	[dreg:$0x10] =	wrdreg s4  }
0x25: {  	s1 =	rddreg [dreg:$0x9]  }
0x26: {  	[tilespmem:s3], [sflag:$0x1] =	stream.linear.gather [hbm4b:s1+s3], $0x1900, $0x38;
	[tilespmem:$0x10280] =	vst v63  }
0x27: {  	s12 =	rddreg [dreg:$0xa]  }
0x28: {  	[tilespmem:s7], [sflag:$0x1] =	stream.linear.gather [hbm4b:s12+s3], $0x1900, $0x38;
	[tilespmem:$0x10280] =	vst v63  }
0x29: {  	s23 =	rddreg [dreg:$0xb]  }
0x2a: {  	[tilespmem:s8], [sflag:$0x1] =	stream.linear.gather [hbm4b:s23+s3], $0x1900, $0x38;
	[tilespmem:$0x10280] =	vst v63  }
0x2b: {  	s24 =	rddreg [dreg:$0xc]  }
0x2c: {  	[tilespmem:s9], [sflag:$0x1] =	stream.linear.gather [hbm4b:s24+s3], $0x1900, $0x38;
	[tilespmem:$0x10280] =	vst v63  }
0x2d: {  	s25 =	rddreg [dreg:$0xd]  }
0x2e: {  	[tilespmem:s28], [sflag:$0x1] =	stream.linear.gather [hbm4b:s25+s3], $0x1900, $0x38;
	[tilespmem:$0x10280] =	vst v63  }
0x2f: {  	s26 =	rddreg [dreg:$0x3];
	s2 =	simm.s32 $0x7D00  }
0x30: {  	[tilespmem:s2], [sflag:$0x1] =	stream.linear.gather [hbm4b:s26+s3], $0x80, $0x38;
	[tilespmem:$0x10280] =	vst v63  }
0x31: {  	s4 =	simm.s32 $0x7D80;
	s2 =	rddreg [dreg:$0x4]  }
0x32: {  	[tilespmem:s4], [sflag:$0x1] =	stream.linear.gather [hbm4b:s2+s3], $0x100, $0x38;
	[tilespmem:$0x10280] =	vst v63  }
0x33: {  	_ =	swait.ge [sflag:s31], $0x1900  }
0x34: {  	[sflag:s31] =	ssyncset.done $0x0  }
0x35: {  	[sflag:s31] =	ssyncadd.s32 $0xFFFFE700  }
0x36: {  	_ =	swait.ge [sflag:s31], $0x1900  }
0x37: {  	[sflag:s31] =	ssyncset.done $0x0  }
0x38: {  	[sflag:s31] =	ssyncadd.s32 $0xFFFFE700  }
0x39: {  	_ =	swait.ge [sflag:s31], $0x1900  }
0x3a: {  	[sflag:s31] =	ssyncset.done $0x0  }
0x3b: {  	[sflag:s31] =	ssyncadd.s32 $0xFFFFE700  }
0x3c: {  	_ =	swait.ge [sflag:s31], $0x1900  }
0x3d: {  	[sflag:s31] =	ssyncset.done $0x0  }
0x3e: {  	[sflag:s31] =	ssyncadd.s32 $0xFFFFE700  }
0x3f: {  	_ =	swait.ge [sflag:s31], $0x1900  }
0x40: {  	s5 =	simm.s32 $0x1;
	[sflag:s31] =	ssyncset.done $0x0  }
0x41: {  	v0 =	vmov s5;
	[sflag:s31] =	ssyncadd.s32 $0xFFFFE700  }
0x42: {  	s6 =	simm.s32 $0x7;
	v0 =	vshrl.u32 v0, $0x3;
	_ =	swait.ge [sflag:s31], $0x80  }
0x43: {  	v34 =	vmov s6;
	v0 =	vshll.u32 v0, v1;
	[sflag:s31] =	ssyncset.done $0x0  }
0x44: {  	s10 =	simm.s32 $0x2;
	v34 =	vshrl.u32 v34, $0x3;
	v0 =	vadd.s32 $0x1, v0;
	[sflag:s31] =	ssyncadd.s32 $0xFFFFFF80  }
0x45: {  	v35 =	vmov s10;
	v36 =	vshll.u32 v34, v1;
	v0 =	vbroadcast v0, $0x0;
	_ =	swait.ge [sflag:s31], $0x100  }
0x46: {  	v38 =	vmov s3;
	s11 =	simm.s32 $0x3;
	v37 =	vshrl.u32 v35, $0x3;
	v36 =	vadd.s32 $0x7, v36;
	[sflag:s31] =	ssyncset.done $0x0  }
0x47: {  	v41 =	vmov s11;
	v37 =	vshll.u32 v37, v1;
	v40 =	vbroadcast v36, $0x0;
	[sflag:s31] =	ssyncadd.s32 $0xFFFFFF00  }
0x48: {  	v39 =	vshrl.u32 v38, $0x3;
	v41 =	vshrl.u32 v41, $0x3;
	v14 =	vadd.s32 $0x2, v37;
	v34 =	vld [tilespmem:$0x7D00]  }
0x49: {  	v45 =	vshll.u32 v39, v1;
	v41 =	vshll.u32 v41, v1;
	v42 =	vbroadcast v14, $0x0;
	v36 =	vld [tilespmem:$0x7D10]  }
0x4a: {  	s12 =	simm.s32 $0x4;
	v47 =	vbroadcast v45, $0x0;
	v41 =	vadd.s32 $0x3, v41;
	s23 =	simm.s32 $0x5;
	v38 =	vld [tilespmem:$0x7D20]  }
0x4b: {  	v43 =	vmov s12;
	v48 =	vbroadcast v41, $0x0;
	v44 =	vmov s23;
	s24 =	simm.s32 $0x6;
	v0 =	vld.idx.msk [tilespmem:v0+s28+$0x0], $0xffff  }
0x4c: {  	v43 =	vshrl.u32 v43, $0x3;
	v44 =	vshrl.u32 v44, $0x3;
	v32 =	vmov s24;
	v39 =	vld [tilespmem:$0x7D30]  }
0x4d: {  	v43 =	vshll.u32 v43, v1;
	v44 =	vshll.u32 v44, v1;
	v46 =	vshrl.u32 v32, $0x3;
	v33 =	vld.idx.msk [tilespmem:v40+s28+$0x0], $0xffff  }
0x4e: {  	v43 =	vadd.s32 $0x4, v43;
	v44 =	vadd.s32 $0x5, v44;
	v46 =	vshll.u32 v46, v1;
	v35 =	vld [tilespmem:$0x7D40]  }
0x4f: {  	v49 =	vbroadcast v43, $0x0;
	v50 =	vbroadcast v44, $0x0;
	v60 =	vadd.s32 $0x6, v46;
	v61 =	vld.idx.msk [tilespmem:v42+s28+$0x0], $0xffff  }
0x50: {  	v51 =	vbroadcast v60, $0x0;
	v41 =	vld [tilespmem:$0x7D70];
	v62 =	vmul.f32 v0, v34  }
0x51: {  	v48 =	vld.idx.msk [tilespmem:v48+s28+$0x0], $0xffff;
	v63 =	vmul.f32 v0, v36;
	v53 =	vmul.f32 v0, v38  }
0x52: {  	s25 =	simm.s32 $0x9;
	v37 =	vld [tilespmem:$0x7D50];
	v54 =	vmul.f32 v33, v34;
	v55 =	vmul.f32 v33, v39  }
0x53: {  	s5 =	simm.s32 $0x8;
	v52 =	vmov s25;
	v40 =	vld [tilespmem:$0x7D60];
	v4 =	vmul.f32 v33, v36;
	v45 =	vmul.f32 v33, v38  }
0x54: {  	v42 =	vmov s5;
	v0 =	vmul.f32 v0, v39;
	v57 =	vmul.f32 v61, v34  }
0x55: {  	v49 =	vld.idx.msk [tilespmem:v49+s28+$0x0], $0xffff;
	v8 =	vmul.f32 v61, v36;
	v10 =	vmul.f32 v61, v38;
	v55 =	vadd.f32 v55, v41  }
0x56: {  	v46 =	vmul.f32 v61, v39;
	v13 =	vmul.f32 v48, v34;
	v44 =	vadd.f32 v62, v35  }
0x57: {  	s4 =	simm.s32 $0x7F80;
	v14 =	vmul.f32 v48, v36;
	v56 =	vadd.f32 v63, v37;
	v5 =	vmax.f32 v55, $0.0e+00  }
0x58: {  	v33 =	vmul.f32 v48, v38;
	v53 =	vadd.f32 v53, v40;
	v6 =	vmax.f32 v44, $0.0e+00;
	[tilespmem:s4+$0xF0] =	vst v5  }
0x59: {  	v48 =	vmul.f32 v48, v39;
	v0 =	vadd.f32 v0, v41;
	v7 =	vmax.f32 v56, $0.0e+00;
	[tilespmem:s4+$0xFFFFFF40] =	vst v6  }
0x5a: {  	v59 =	vmul.f32 v49, v34;
	v9 =	vadd.f32 v57, v35;
	v53 =	vmax.f32 v53, $0.0e+00;
	[tilespmem:s4+$0xFFFFFF50] =	vst v7  }
0x5b: {  	v61 =	vmul.f32 v49, v36;
	v11 =	vadd.f32 v8, v37;
	v0 =	vmax.f32 v0, $0.0e+00;
	[tilespmem:s4+$0xFFFFFF60] =	vst v53  }
0x5c: {  	v54 =	vadd.f32 v54, v35;
	v12 =	vadd.f32 v10, v40;
	[tilespmem:s4+$0xFFFFFF70] =	vst v0;
	v0 =	vmax.f32 v9, $0.0e+00  }
0x5d: {  	v43 =	vadd.f32 v4, v37;
	v46 =	vadd.f32 v46, v41;
	[tilespmem:s4+$0xFFFFFF80] =	vst v0;
	v0 =	vmax.f32 v11, $0.0e+00  }
0x5e: {  	v50 =	vld.idx.msk [tilespmem:v50+s28+$0x0], $0xffff;
	v58 =	vadd.f32 v45, v40;
	v32 =	vadd.f32 v13, v35;
	[tilespmem:s4+$0xFFFFFF90] =	vst v0;
	v0 =	vmax.f32 v12, $0.0e+00  }
0x5f: {  	v57 =	vadd.f32 v14, v37;
	v44 =	vmax.f32 v43, $0.0e+00;
	[tilespmem:s4+$0xFFFFFFA0] =	vst v0;
	v0 =	vmax.f32 v46, $0.0e+00  }
0x60: {  	v43 =	vmax.f32 v58, $0.0e+00;
	v58 =	vadd.f32 v33, v40;
	[tilespmem:s4+$0xFFFFFFB0] =	vst v0;
	v0 =	vmax.f32 v32, $0.0e+00  }
0x61: {  	v60 =	vadd.f32 v48, v41;
	v62 =	vadd.f32 v59, v35;
	[tilespmem:s4+$0xFFFFFFC0] =	vst v0;
	v0 =	vmax.f32 v57, $0.0e+00  }
0x62: {  	v51 =	vld.idx.msk [tilespmem:v51+s28+$0x0], $0xffff;
	v63 =	vmul.f32 v49, v38;
	v4 =	vadd.f32 v61, v37;
	[tilespmem:s4+$0xFFFFFFD0] =	vst v0;
	v0 =	vmax.f32 v58, $0.0e+00  }
0x63: {  	v13 =	vmul.f32 v50, v39;
	v5 =	vmul.f32 v49, v39;
	[tilespmem:s4+$0xFFFFFFE0] =	vst v0;
	v0 =	vmax.f32 v60, $0.0e+00  }
0x64: {  	v6 =	vadd.f32 v63, v40;
	v7 =	vmul.f32 v50, v34;
	[tilespmem:s4+$0xFFFFFFF0] =	vst v0;
	v0 =	vmax.f32 v62, $0.0e+00  }
0x65: {  	v9 =	vmul.f32 v50, v36;
	v8 =	vadd.f32 v5, v41;
	[tilespmem:s4+$0x0] =	vst v0;
	v0 =	vmax.f32 v4, $0.0e+00  }
0x66: {  	v11 =	vmul.f32 v50, v38;
	v10 =	vadd.f32 v7, v35;
	[tilespmem:s4+$0x10] =	vst v0;
	v0 =	vmax.f32 v6, $0.0e+00  }
0x67: {  	v59 =	vmul.f32 v51, v39;
	v12 =	vadd.f32 v9, v37;
	[tilespmem:s4+$0x20] =	vst v0;
	v0 =	vmax.f32 v8, $0.0e+00  }
0x68: {  	v14 =	vadd.f32 v11, v40;
	v32 =	vmul.f32 v51, v34;
	[tilespmem:s4+$0x30] =	vst v0;
	v0 =	vmax.f32 v10, $0.0e+00  }
0x69: {  	v48 =	vadd.f32 v13, v41;
	v33 =	vmul.f32 v51, v36;
	[tilespmem:s4+$0x40] =	vst v0;
	v0 =	vmax.f32 v12, $0.0e+00  }
0x6a: {  	v46 =	vld.idx.msk [tilespmem:v47+s28+$0x0], $0xffff;
	v57 =	vmul.f32 v51, v38;
	v56 =	vadd.f32 v32, v35;
	[tilespmem:s4+$0x50] =	vst v0;
	v0 =	vmax.f32 v14, $0.0e+00  }
0x6b: {  	v61 =	vshrl.u32 v52, $0x3;
	v58 =	vadd.f32 v33, v37;
	[tilespmem:s4+$0x60] =	vst v0;
	v0 =	vmax.f32 v48, $0.0e+00  }
0x6c: {  	s26 =	simm.s32 $0xA;
	v45 =	vmax.f32 v54, $0.0e+00;
	v49 =	vadd.f32 v57, v40;
	[tilespmem:s4+$0x70] =	vst v0;
	v0 =	vmax.f32 v56, $0.0e+00  }
0x6d: {  	v60 =	vmov s26;
	v62 =	vadd.f32 v59, v41;
	[tilespmem:s4+$0x80] =	vst v0;
	v0 =	vmax.f32 v58, $0.0e+00  }
0x6e: {  	v63 =	vshll.u32 v61, v1;
	v47 =	vshrl.u32 v60, $0x3;
	[tilespmem:s4+$0x90] =	vst v0;
	v0 =	vmax.f32 v49, $0.0e+00  }
0x6f: {  	s1 =	simm.s32 $0xF;
	s2 =	simm.s32 $0x10;
	v50 =	vmul.f32 v46, v34;
	v48 =	vmax.f32 v62, $0.0e+00;
	v49 =	vadd.s32 $0x1, v63;
	[tilespmem:s4+$0xA0] =	vst v0  }
.LBB2_2:
0x70: {  	p0 =	slt.u32 s2, $0x78;
	v0 =	vbroadcast v49, $0x0;
	v49 =	vmov s1;
	v51 =	vmul.f32 v46, v36;
	[tilespmem:s4+$0xB0] =	vst v48  }
0x71: {  	v48 =	vshrl.u32 v49, $0x3;
	v49 =	vadd.f32 v50, v35;
	v50 =	vmul.f32 v46, v38;
	[tilespmem:s4+$0xC0] =	vst v45  }
0x72: {  	v46 =	vmul.f32 v46, v39;
	v45 =	vshll.u32 v48, v1;
	v48 =	vadd.f32 v51, v37;
	[tilespmem:s4+$0xD0] =	vst v44  }
0x73: {  	v44 =	vadd.s32 $0x7, v45;
	v45 =	vmax.f32 v49, $0.0e+00;
	v49 =	vadd.f32 v50, v40;
	[tilespmem:s4+$0xE0] =	vst v43  }
0x74: {  	v43 =	vbroadcast v44, $0x0;
	[tilespmem:s4+$0xFFFFFF00] =	vst v45;
	v44 =	vmax.f32 v48, $0.0e+00;
	v45 =	vadd.f32 v46, v41  }
0x75: {  	v42 =	vshrl.u32 v42, $0x3;
	s1 =	sadd.s32 $0x3, s5;
	v46 =	vshll.u32 v47, v1;
	[tilespmem:s4+$0xFFFFFF10] =	vst v44;
	v44 =	vmax.f32 v49, $0.0e+00  }
0x76: {  	s6 =	sadd.s32 $0x5, s5;
	v47 =	vmov s1;
	s1 =	sadd.s32 $0x4, s5;
	v46 =	vadd.s32 $0x2, v46;
	[tilespmem:s4+$0xFFFFFF20] =	vst v44;
	v44 =	vmax.f32 v45, $0.0e+00  }
0x77: {  	v48 =	vmov s6;
	v45 =	vbroadcast v46, $0x0;
	v46 =	vmov s1;
	s1 =	sadd.s32 $0x6, s5;
	s5 =	smov.u32 s2;
	[tilespmem:s4+$0xFFFFFF30] =	vst v44  }
0x78: {  	v42 =	vshll.u32 v42, v1;
	v44 =	vshrl.u32 v47, $0x3;
	v47 =	vmov s1;
	v0 =	vld.idx.msk [tilespmem:v0+s28+$0x0], $0xffff  }
0x79: {  	v48 =	vshrl.u32 v48, $0x3;
	v49 =	vshrl.u32 v46, $0x3;
	v47 =	vshrl.u32 v47, $0x3  }
0x7a: {  	v46 =	vbroadcast v42, $0x0;
	v42 =	vshll.u32 v44, v1;
	v44 =	vshll.u32 v49, v1;
	v43 =	vld.idx.msk [tilespmem:v43+s28+$0x0], $0xffff  }
0x7b: {  	v48 =	vshll.u32 v48, v1;
	v42 =	vadd.s32 $0x3, v42;
	v47 =	vshll.u32 v47, v1  }
0x7c: {  	v49 =	vbroadcast v42, $0x0;
	v42 =	vadd.s32 $0x4, v44;
	v44 =	vadd.s32 $0x5, v48  }
0x7d: {  	v50 =	vbroadcast v42, $0x0;
	v51 =	vbroadcast v44, $0x0;
	v44 =	vadd.s32 $0x6, v47;
	v48 =	vld.idx.msk [tilespmem:v45+s28+$0x0], $0xffff  }
0x7e: {  	s1 =	sadd.s32 $0x1, s2;
	v42 =	vmov s2;
	v52 =	vbroadcast v44, $0x0;
	v45 =	vmul.f32 v0, v34  }
0x7f: {  	v47 =	vmov s1;
	v44 =	vmul.f32 v0, v36;
	v53 =	vmul.f32 v0, v38  }
0x80: {  	v54 =	vadd.f32 v45, v35;
	v45 =	vmul.f32 v43, v34;
	v55 =	vmul.f32 v43, v39  }
0x81: {  	v56 =	vadd.f32 v44, v37;
	v44 =	vmul.f32 v43, v36;
	v43 =	vmul.f32 v43, v38  }
0x82: {  	v0 =	vmul.f32 v0, v39;
	v45 =	vadd.f32 v45, v35;
	v55 =	vadd.f32 v55, v41  }
0x83: {  	v44 =	vadd.f32 v44, v37;
	v43 =	vadd.f32 v43, v40;
	v57 =	vmul.f32 v48, v34;
	v49 =	vld.idx.msk [tilespmem:v49+s28+$0x0], $0xffff  }
0x84: {  	s4 =	sadd.s32 $0x200, s4;
	v53 =	vadd.f32 v53, v40;
	v45 =	vmax.f32 v45, $0.0e+00;
	v55 =	vmax.f32 v55, $0.0e+00  }
0x85: {  	v54 =	vmax.f32 v54, $0.0e+00;
	v44 =	vmax.f32 v44, $0.0e+00;
	v43 =	vmax.f32 v43, $0.0e+00;
	[tilespmem:s4+$0xF0] =	vst v55  }
0x86: {  	v0 =	vadd.f32 v0, v41;
	v55 =	vmul.f32 v48, v36;
	[tilespmem:s4+$0xFFFFFF40] =	vst v54;
	v54 =	vmax.f32 v56, $0.0e+00  }
0x87: {  	v53 =	vmax.f32 v53, $0.0e+00;
	v56 =	vmul.f32 v48, v38;
	[tilespmem:s4+$0xFFFFFF50] =	vst v54;
	v54 =	vadd.f32 v57, v35;
	v50 =	vld.idx.msk [tilespmem:v50+s28+$0x0], $0xffff  }
0x88: {  	v0 =	vmax.f32 v0, $0.0e+00;
	v48 =	vmul.f32 v48, v39;
	[tilespmem:s4+$0xFFFFFF60] =	vst v53;
	v53 =	vadd.f32 v55, v37  }
0x89: {  	v55 =	vmul.f32 v49, v34;
	[tilespmem:s4+$0xFFFFFF70] =	vst v0;
	v0 =	vmax.f32 v54, $0.0e+00;
	v54 =	vadd.f32 v56, v40  }
0x8a: {  	v48 =	vadd.f32 v48, v41;
	[tilespmem:s4+$0xFFFFFF80] =	vst v0;
	v0 =	vmax.f32 v53, $0.0e+00;
	v53 =	vmul.f32 v49, v36  }
0x8b: {  	[tilespmem:s4+$0xFFFFFF90] =	vst v0;
	v0 =	vmax.f32 v54, $0.0e+00;
	v54 =	vadd.f32 v55, v35;
	v55 =	vmul.f32 v49, v38;
	v51 =	vld.idx.msk [tilespmem:v51+s28+$0x0], $0xffff  }
0x8c: {  	v49 =	vmul.f32 v49, v39;
	[tilespmem:s4+$0xFFFFFFA0] =	vst v0;
	v0 =	vmax.f32 v48, $0.0e+00;
	v48 =	vadd.f32 v53, v37  }
0x8d: {  	[tilespmem:s4+$0xFFFFFFB0] =	vst v0;
	v0 =	vmax.f32 v54, $0.0e+00;
	v53 =	vadd.f32 v55, v40;
	v54 =	vmul.f32 v50, v34  }
0x8e: {  	[tilespmem:s4+$0xFFFFFFC0] =	vst v0;
	v0 =	vmax.f32 v48, $0.0e+00;
	v48 =	vadd.f32 v49, v41;
	v49 =	vmul.f32 v50, v36  }
0x8f: {  	[tilespmem:s4+$0xFFFFFFD0] =	vst v0;
	v0 =	vmax.f32 v53, $0.0e+00;
	v53 =	vadd.f32 v54, v35;
	v54 =	vmul.f32 v50, v38;
	v52 =	vld.idx.msk [tilespmem:v52+s28+$0x0], $0xffff  }
0x90: {  	[tilespmem:s4+$0xFFFFFFE0] =	vst v0;
	v0 =	vmax.f32 v48, $0.0e+00;
	v48 =	vadd.f32 v49, v37;
	v49 =	vmul.f32 v50, v39  }
0x91: {  	[tilespmem:s4+$0xFFFFFFF0] =	vst v0;
	v0 =	vmax.f32 v53, $0.0e+00;
	v50 =	vadd.f32 v54, v40;
	v53 =	vmul.f32 v51, v34  }
0x92: {  	[tilespmem:s4+$0x0] =	vst v0;
	v0 =	vmax.f32 v48, $0.0e+00;
	v48 =	vadd.f32 v49, v41;
	v49 =	vmul.f32 v51, v36  }
0x93: {  	[tilespmem:s4+$0x10] =	vst v0;
	v0 =	vmax.f32 v50, $0.0e+00;
	v50 =	vadd.f32 v53, v35;
	v53 =	vmul.f32 v51, v38  }
0x94: {  	[tilespmem:s4+$0x20] =	vst v0;
	v0 =	vmax.f32 v48, $0.0e+00;
	v48 =	vadd.f32 v49, v37;
	v49 =	vmul.f32 v51, v39  }
0x95: {  	v51 =	vmul.f32 v52, v34;
	[tilespmem:s4+$0x30] =	vst v0;
	v0 =	vmax.f32 v50, $0.0e+00;
	v50 =	vadd.f32 v53, v40  }
0x96: {  	v46 =	vld.idx.msk [tilespmem:v46+s28+$0x0], $0xffff;
	[tilespmem:s4+$0x40] =	vst v0;
	v0 =	vmax.f32 v48, $0.0e+00;
	v48 =	vadd.f32 v49, v41;
	v49 =	vmul.f32 v52, v36  }
0x97: {  	[tilespmem:s4+$0x50] =	vst v0;
	v0 =	vmax.f32 v50, $0.0e+00;
	v50 =	vadd.f32 v51, v35;
	v51 =	vmul.f32 v52, v38  }
.Ltmp0:
0x98: {  	s1 =	sadd.s32 $0x2, s2;
	[tilespmem:s4+$0x60] =	vst v0;
	v0 =	vmax.f32 v48, $0.0e+00;
	v48 =	vadd.f32 v49, v37;
	v49 =	vmul.f32 v52, v39;
	(pc) =	sbr.rel @p0 .LBB2_2-.Ltmp0, $4  }
0x99: {  	v52 =	vmov s1;
	[tilespmem:s4+$0x70] =	vst v0;
	v0 =	vmax.f32 v50, $0.0e+00;
	v50 =	vadd.f32 v51, v40  }
0x9a: {  	v47 =	vshrl.u32 v47, $0x3;
	[tilespmem:s4+$0x80] =	vst v0;
	v0 =	vmax.f32 v48, $0.0e+00;
	v48 =	vadd.f32 v49, v41  }
0x9b: {  	v49 =	vshll.u32 v47, v1;
	v47 =	vshrl.u32 v52, $0x3;
	[tilespmem:s4+$0x90] =	vst v0;
	v0 =	vmax.f32 v50, $0.0e+00  }
0x9c: {  	s2 =	sadd.s32 $0x8, s2;
	s1 =	sadd.s32 $0x7, s5;
	v49 =	vadd.s32 $0x1, v49;
	v50 =	vmul.f32 v46, v34;
	[tilespmem:s4+$0xA0] =	vst v0;
	v48 =	vmax.f32 v48, $0.0e+00  }
0x9d: {  	v51 =	vmul.f32 v46, v36  }
0x9e: {  	v0 =	vmov s1;
	v52 =	vmul.f32 v46, v38;
	v49 =	vbroadcast v49, $0x0  }
0x9f: {  	v14 =	vmul.f32 v46, v39;
	v47 =	vshll.u32 v47, v1;
	v53 =	vshrl.u32 v42, $0x3  }
0xa0: {  	s2 =	sadd.s32 $0x3, s5;
	s6 =	sadd.s32 $0x4, s5;
	s10 =	sadd.s32 $0x6, s5;
	v0 =	vshrl.u32 v0, $0x3;
	v50 =	vadd.f32 v50, v35;
	v32 =	vadd.s32 $0x2, v47  }
0xa1: {  	v33 =	vmov s2;
	v55 =	vmov s6;
	v59 =	vmov s10  }
0xa2: {  	s2 =	sadd.s32 $0x5, s5;
	v0 =	vshll.u32 v0, v1;
	v51 =	vadd.f32 v51, v37;
	v54 =	vbroadcast v32, $0x0  }
0xa3: {  	v52 =	vadd.f32 v52, v40;
	v46 =	vadd.f32 v14, v41;
	v56 =	vmov s2  }
0xa4: {  	v47 =	vshrl.u32 v33, $0x3;
	v60 =	vshrl.u32 v55, $0x3;
	v62 =	vshrl.u32 v59, $0x3  }
0xa5: {  	v0 =	vadd.s32 $0x7, v0;
	v50 =	vmax.f32 v50, $0.0e+00;
	v47 =	vshll.u32 v47, v1;
	v49 =	vld.idx.msk [tilespmem:v49+s28+$0x0], $0xffff  }
0xa6: {  	[tilespmem:s4+$0xB0] =	vst v48;
	v61 =	vshrl.u32 v56, $0x3;
	v48 =	vshll.u32 v60, v1;
	v0 =	vbroadcast v0, $0x0  }
0xa7: {  	[tilespmem:s4+$0xC0] =	vst v45;
	v45 =	vshll.u32 v62, v1;
	v51 =	vmax.f32 v51, $0.0e+00;
	v47 =	vadd.s32 $0x3, v47  }
0xa8: {  	[tilespmem:s4+$0xD0] =	vst v44;
	v52 =	vmax.f32 v52, $0.0e+00;
	v48 =	vadd.s32 $0x4, v48;
	v47 =	vbroadcast v47, $0x0;
	v5 =	vld.idx.msk [tilespmem:v54+s28+$0x0], $0xffff  }
0xa9: {  	[tilespmem:s4+$0xE0] =	vst v43;
	v63 =	vshll.u32 v61, v1;
	v45 =	vadd.s32 $0x6, v45;
	v48 =	vbroadcast v48, $0x0  }
0xaa: {  	[tilespmem:s4+$0xFFFFFF00] =	vst v50;
	v4 =	vadd.s32 $0x5, v63;
	v45 =	vbroadcast v45, $0x0;
	v7 =	vmul.f32 v49, v34  }
0xab: {  	v46 =	vmax.f32 v46, $0.0e+00;
	[tilespmem:s4+$0xFFFFFF10] =	vst v51;
	v43 =	vbroadcast v4, $0x0;
	v8 =	vmul.f32 v49, v36  }
0xac: {  	v42 =	vld.idx.msk [tilespmem:v0+s28+$0x0], $0xffff;
	v0 =	vshll.u32 v53, v1;
	v9 =	vmul.f32 v49, v38;
	v50 =	vadd.f32 v7, v35  }
0xad: {  	[tilespmem:s4+$0xFFFFFF20] =	vst v52;
	v0 =	vbroadcast v0, $0x0;
	v10 =	vadd.f32 v8, v37;
	v12 =	vmul.f32 v5, v34  }
0xae: {  	s11 =	sadd.s32 $0x200, s4;
	[tilespmem:s4+$0xFFFFFF30] =	vst v46;
	v47 =	vld.idx.msk [tilespmem:v47+s28+$0x0], $0xffff;
	v52 =	vadd.f32 v9, v40;
	v13 =	vmul.f32 v5, v36;
	v50 =	vmax.f32 v50, $0.0e+00  }
0xaf: {  	v33 =	vmul.f32 v5, v38;
	v46 =	vmax.f32 v10, $0.0e+00;
	v32 =	vadd.f32 v12, v35;
	[tilespmem:s11+$0xFFFFFF40] =	vst v50  }
0xb0: {  	v44 =	vmul.f32 v5, v39;
	v14 =	vmax.f32 v52, $0.0e+00;
	v54 =	vadd.f32 v13, v37;
	[tilespmem:s11+$0xFFFFFF50] =	vst v46  }
0xb1: {  	v6 =	vmul.f32 v42, v39;
	v56 =	vadd.f32 v33, v40;
	[tilespmem:s11+$0xFFFFFF60] =	vst v14;
	v55 =	vmax.f32 v32, $0.0e+00  }
0xb2: {  	v49 =	vmul.f32 v49, v39;
	v48 =	vld.idx.msk [tilespmem:v48+s28+$0x0], $0xffff;
	v44 =	vadd.f32 v44, v41;
	v58 =	vmax.f32 v54, $0.0e+00;
	[tilespmem:s11+$0xFFFFFF80] =	vst v55  }
0xb3: {  	v57 =	vmul.f32 v47, v34;
	v53 =	vadd.f32 v6, v41;
	v60 =	vmax.f32 v56, $0.0e+00;
	[tilespmem:s11+$0xFFFFFF90] =	vst v58  }
0xb4: {  	v49 =	vadd.f32 v49, v41;
	v59 =	vmul.f32 v47, v36;
	v44 =	vmax.f32 v44, $0.0e+00;
	[tilespmem:s11+$0xFFFFFFA0] =	vst v60  }
0xb5: {  	v62 =	vmul.f32 v47, v38;
	v61 =	vadd.f32 v57, v35;
	[tilespmem:s11+$0xFFFFFFB0] =	vst v44;
	v11 =	vmax.f32 v53, $0.0e+00  }
0xb6: {  	v43 =	vld.idx.msk [tilespmem:v43+s28+$0x0], $0xffff;
	v47 =	vmul.f32 v47, v39;
	v63 =	vadd.f32 v59, v37;
	v53 =	vmax.f32 v49, $0.0e+00;
	[tilespmem:s11+$0xF0] =	vst v11  }
0xb7: {  	v9 =	vmul.f32 v48, v36;
	v5 =	vadd.f32 v62, v40;
	[tilespmem:s11+$0xFFFFFF70] =	vst v53;
	v4 =	vmax.f32 v61, $0.0e+00  }
0xb8: {  	v45 =	vld.idx.msk [tilespmem:v45+s28+$0x0], $0xffff;
	v12 =	vmul.f32 v48, v38;
	v8 =	vadd.f32 v47, v41;
	v7 =	vmax.f32 v63, $0.0e+00;
	[tilespmem:s11+$0xFFFFFFC0] =	vst v4  }
0xb9: {  	v32 =	vmul.f32 v48, v39;
	v14 =	vadd.f32 v9, v37;
	v10 =	vmax.f32 v5, $0.0e+00;
	[tilespmem:s11+$0xFFFFFFD0] =	vst v7  }
0xba: {  	v6 =	vmul.f32 v48, v34;
	v52 =	vadd.f32 v12, v40;
	v13 =	vmax.f32 v8, $0.0e+00;
	[tilespmem:s11+$0xFFFFFFE0] =	vst v10  }
0xbb: {  	v56 =	vmul.f32 v43, v36;
	v55 =	vadd.f32 v32, v41;
	v54 =	vmax.f32 v14, $0.0e+00;
	[tilespmem:s11+$0xFFFFFFF0] =	vst v13  }
0xbc: {  	v59 =	vmul.f32 v43, v38;
	v11 =	vadd.f32 v6, v35;
	v57 =	vmax.f32 v52, $0.0e+00;
	[tilespmem:s11+$0x10] =	vst v54  }
0xbd: {  	v9 =	vmul.f32 v45, v38;
	v61 =	vadd.f32 v56, v37;
	[tilespmem:s11+$0x20] =	vst v57;
	v60 =	vmax.f32 v55, $0.0e+00  }
0xbe: {  	v53 =	vmul.f32 v43, v34;
	v63 =	vadd.f32 v59, v40;
	v33 =	vmax.f32 v11, $0.0e+00;
	[tilespmem:s11+$0x30] =	vst v60  }
0xbf: {  	v43 =	vmul.f32 v43, v39;
	v13 =	vadd.f32 v9, v40;
	v5 =	vmax.f32 v61, $0.0e+00;
	[tilespmem:s11+$0x0] =	vst v33  }
0xc0: {  	v6 =	vmul.f32 v45, v36;
	v58 =	vadd.f32 v53, v35;
	v7 =	vmax.f32 v63, $0.0e+00;
	[tilespmem:s11+$0x50] =	vst v5  }
0xc1: {  	v0 =	vld.idx.msk [tilespmem:v0+s28+$0x0], $0xffff;
	v14 =	vmul.f32 v42, v36;
	v43 =	vadd.f32 v43, v41;
	[tilespmem:s11+$0x60] =	vst v7;
	v50 =	vmax.f32 v13, $0.0e+00  }
0xc2: {  	v4 =	vmul.f32 v45, v34;
	v10 =	vadd.f32 v6, v37;
	v62 =	vmax.f32 v58, $0.0e+00;
	[tilespmem:s11+$0xA0] =	vst v50  }
0xc3: {  	v45 =	vmul.f32 v45, v39;
	v51 =	vadd.f32 v14, v37;
	v43 =	vmax.f32 v43, $0.0e+00;
	[tilespmem:s11+$0x40] =	vst v62  }
0xc4: {  	v11 =	vmul.f32 v42, v34;
	v8 =	vadd.f32 v4, v35;
	v32 =	vmax.f32 v10, $0.0e+00;
	[tilespmem:s11+$0x70] =	vst v43  }
0xc5: {  	v42 =	vmul.f32 v42, v38;
	v33 =	vadd.f32 v45, v41;
	v56 =	vmax.f32 v51, $0.0e+00;
	[tilespmem:s11+$0x90] =	vst v32  }
0xc6: {  	v52 =	vmul.f32 v0, v34;
	v49 =	vadd.f32 v11, v35;
	v12 =	vmax.f32 v8, $0.0e+00;
	[tilespmem:s11+$0xD0] =	vst v56  }
0xc7: {  	v55 =	vmul.f32 v0, v36;
	v42 =	vadd.f32 v42, v40;
	v53 =	vmax.f32 v33, $0.0e+00;
	[tilespmem:s11+$0x80] =	vst v12  }
0xc8: {  	v57 =	vadd.f32 v52, v35;
	v58 =	vmul.f32 v0, v38;
	v54 =	vmax.f32 v49, $0.0e+00;
	[tilespmem:s11+$0xB0] =	vst v53  }
0xc9: {  	v59 =	vadd.f32 v55, v37;
	v0 =	vmul.f32 v0, v39;
	v42 =	vmax.f32 v42, $0.0e+00;
	[tilespmem:s11+$0xC0] =	vst v54  }
0xca: {  	v60 =	vmax.f32 v57, $0.0e+00;
	v61 =	vadd.f32 v58, v40;
	[tilespmem:s11+$0xE0] =	vst v42  }
0xcb: {  	v62 =	vmax.f32 v59, $0.0e+00;
	v0 =	vadd.f32 v0, v41;
	[tilespmem:s11+$0xFFFFFF00] =	vst v60  }
0xcc: {  	[tilespmem:s11+$0xFFFFFF10] =	vst v62;
	v63 =	vmax.f32 v61, $0.0e+00  }
0xcd: {  	v0 =	vmax.f32 v0, $0.0e+00;
	[tilespmem:s11+$0xFFFFFF20] =	vst v63  }
0xce: {  	s23 =	simm.s32 $0x80;
	[tilespmem:s11+$0xFFFFFF30] =	vst v0  }
0xcf: {  	s12 =	simm.s32 $0x7E80;
	s2 =	simm.s32 $0x0;
	s1 =	rddreg [dreg:$0x5]  }
0xd0: {  	[tilespmem:s12], [sflag:$0x1] =	stream.indirect.gather.add.f32 [hbm:s1], $0x40, s2, s23, $0xb8;
	[tilespmem:$0x10280] =	vst v63  }
0xd1: {  	s24 =	rddreg [dreg:$0x6]  }
0xd2: {  	[tilespmem:s12], [sflag:$0x1] =	stream.indirect.gather.add.f32 [hbm:s24], $0x40, s7, s23, $0xb8;
	[tilespmem:$0x10280] =	vst v63  }
0xd3: {  	s25 =	rddreg [dreg:$0x7]  }
0xd4: {  	[tilespmem:s12], [sflag:$0x1] =	stream.indirect.gather.add.f32 [hbm:s25], $0x40, s8, s23, $0xb8;
	[tilespmem:$0x10280] =	vst v63  }
0xd5: {  	s26 =	rddreg [dreg:$0x8];
	s25 =	simm.s32 $0x0  }
0xd6: {  	[tilespmem:s12], [sflag:$0x1] =	stream.indirect.gather.add.f32 [hbm:s26], $0x40, s9, s23, $0xb8;
	[tilespmem:$0x10280] =	vst v63  }
.LBB2_4:
0xd7: {  	s1 =	sadd.s32 $0xFFFFFFF8, s2  }
0xd8: {  	s4 =	sadd.s32 $0x8F, s1  }
0xd9: {  	v0 =	vmov s4  }
0xda: {  	s11 =	sadd.s32 $0x89, s1;
	v0 =	vshrl.u32 v0, $0x3  }
0xdb: {  	v42 =	vmov s11;
	v0 =	vshll.u32 v0, v1  }
0xdc: {  	s5 =	sadd.s32 $0x8A, s1;
	v42 =	vshrl.u32 v42, $0x3;
	v0 =	vadd.s32 $0x7, v0  }
0xdd: {  	v43 =	vmov s5;
	v42 =	vshll.u32 v42, v1;
	v0 =	vbroadcast v0, $0x0  }
0xde: {  	s12 =	sadd.s32 $0x8B, s1;
	v43 =	vshrl.u32 v43, $0x3;
	v42 =	vadd.s32 $0x1, v42  }
0xdf: {  	s6 =	sadd.s32 $0x8C, s1;
	v44 =	vmov s12;
	v43 =	vshll.u32 v43, v1;
	v42 =	vbroadcast v42, $0x0  }
0xe0: {  	s24 =	sadd.s32 $0x8D, s1;
	v45 =	vmov s6;
	v44 =	vshrl.u32 v44, $0x3;
	v43 =	vadd.s32 $0x2, v43  }
0xe1: {  	s26 =	sadd.s32 $0x8E, s1;
	v46 =	vmov s24;
	v44 =	vshll.u32 v44, v1;
	v43 =	vbroadcast v43, $0x0  }
0xe2: {  	s1 =	sadd.s32 $0x88, s1;
	v47 =	vmov s26;
	v46 =	vshrl.u32 v46, $0x3;
	v44 =	vadd.s32 $0x3, v44  }
0xe3: {  	v48 =	vmov s1;
	v46 =	vshll.u32 v46, v1;
	v44 =	vbroadcast v44, $0x0;
	v0 =	vld.idx.msk [tilespmem:v0+s28+$0x0], $0xffff  }
0xe4: {  	v45 =	vshrl.u32 v45, $0x3;
	v47 =	vshrl.u32 v47, $0x3;
	v46 =	vadd.s32 $0x5, v46  }
0xe5: {  	v48 =	vshrl.u32 v48, $0x3;
	v47 =	vshll.u32 v47, v1;
	v46 =	vbroadcast v46, $0x0;
	v42 =	vld.idx.msk [tilespmem:v42+s28+$0x0], $0xffff  }
0xe6: {  	v45 =	vshll.u32 v45, v1;
	v48 =	vshll.u32 v48, v1;
	v47 =	vadd.s32 $0x6, v47  }
0xe7: {  	v45 =	vadd.s32 $0x4, v45;
	v48 =	vbroadcast v48, $0x0;
	v47 =	vbroadcast v47, $0x0;
	v43 =	vld.idx.msk [tilespmem:v43+s28+$0x0], $0xffff  }
0xe8: {  	v45 =	vbroadcast v45, $0x0;
	v49 =	vmul.f32 v0, v34  }
0xe9: {  	v44 =	vld.idx.msk [tilespmem:v44+s28+$0x0], $0xffff;
	v50 =	vmul.f32 v0, v39;
	v51 =	vmul.f32 v0, v36  }
0xea: {  	v0 =	vmul.f32 v0, v38;
	v52 =	vmul.f32 v42, v34  }
0xeb: {  	v46 =	vld.idx.msk [tilespmem:v46+s28+$0x0], $0xffff;
	v53 =	vmul.f32 v42, v36;
	v54 =	vmul.f32 v42, v38  }
0xec: {  	v42 =	vmul.f32 v42, v39;
	v55 =	vmul.f32 v43, v34  }
0xed: {  	v47 =	vld.idx.msk [tilespmem:v47+s28+$0x0], $0xffff;
	v56 =	vmul.f32 v43, v36;
	v57 =	vmul.f32 v43, v38  }
0xee: {  	v43 =	vmul.f32 v43, v39;
	v11 =	vmul.f32 v44, v34  }
0xef: {  	v60 =	vmul.f32 v44, v36;
	v61 =	vmul.f32 v44, v38  }
0xf0: {  	v45 =	vld.idx.msk [tilespmem:v45+s28+$0x0], $0xffff;
	v32 =	vmul.f32 v46, v34;
	v13 =	vmul.f32 v46, v36  }
0xf1: {  	v33 =	vmul.f32 v46, v38;
	v46 =	vmul.f32 v46, v39;
	v49 =	vadd.f32 v49, v35  }
0xf2: {  	v12 =	vmul.f32 v47, v36;
	v50 =	vadd.f32 v50, v41;
	v51 =	vadd.f32 v51, v37  }
0xf3: {  	v9 =	vmul.f32 v47, v38;
	v0 =	vadd.f32 v0, v40;
	v52 =	vadd.f32 v52, v35  }
0xf4: {  	v10 =	vmul.f32 v47, v39;
	v8 =	vadd.f32 v53, v37;
	v6 =	vadd.f32 v54, v40  }
0xf5: {  	v7 =	vadd.f32 v42, v41;
	v4 =	vadd.f32 v55, v35;
	v55 =	vmul.f32 v45, v34  }
0xf6: {  	v42 =	vmul.f32 v45, v36;
	v3 =	vadd.f32 v56, v37;
	v56 =	vmul.f32 v45, v38  }
0xf7: {  	v45 =	vmul.f32 v45, v39;
	v57 =	vadd.f32 v57, v40;
	v59 =	vadd.f32 v43, v41  }
0xf8: {  	v58 =	vadd.f32 v11, v35;
	v11 =	vmul.f32 v47, v34;
	v53 =	vadd.f32 v13, v37  }
0xf9: {  	s10 =	simm.s32 $0x9F80;
	v43 =	vadd.f32 v12, v37;
	v47 =	vadd.f32 v9, v40;
	v50 =	vmax.f32 v50, $0.0e+00  }
0xfa: {  	v62 =	vmax.f32 v49, $0.0e+00;
	v5 =	vmax.f32 v0, $0.0e+00;
	v0 =	vmul.f32 v44, v39;
	[tilespmem:s10+$0xF0] =	vst v50  }
0xfb: {  	v51 =	vmax.f32 v51, $0.0e+00;
	v49 =	vld.idx.msk [tilespmem:v48+s28+$0x0], $0xffff;
	v44 =	vadd.f32 v60, v37;
	v48 =	vadd.f32 v61, v40;
	[tilespmem:s10+$0xC0] =	vst v62  }
0xfc: {  	v54 =	vadd.f32 v45, v41;
	v45 =	vadd.f32 v46, v41;
	[tilespmem:s10+$0xD0] =	vst v51  }
0xfd: {  	v46 =	vadd.f32 v11, v35;
	[tilespmem:s10+$0xE0] =	vst v5;
	v50 =	vadd.f32 v0, v41;
	v0 =	vmax.f32 v52, $0.0e+00  }
0xfe: {  	v51 =	vadd.f32 v55, v35;
	v55 =	vadd.f32 v56, v40;
	[tilespmem:s10+$0xFFFFFF40] =	vst v0;
	v0 =	vmax.f32 v8, $0.0e+00  }
0xff: {  	v56 =	vadd.f32 v32, v35;
	v52 =	vadd.f32 v42, v37;
	[tilespmem:s10+$0xFFFFFF50] =	vst v0;
	v0 =	vmax.f32 v6, $0.0e+00  }
0x100: {  	v42 =	vadd.f32 v10, v41;
	v63 =	vmul.f32 v49, v34;
	[tilespmem:s10+$0xFFFFFF60] =	vst v0;
	v0 =	vmax.f32 v7, $0.0e+00  }
0x101: {  	s5 =	sshll.u32 s25, $0x1;
	s26 =	sshllo.u32 s25, $0x1;
	v62 =	vmul.f32 v49, v36;
	v61 =	vmul.f32 v49, v38;
	[tilespmem:s10+$0xFFFFFF70] =	vst v0;
	v0 =	vmax.f32 v4, $0.0e+00  }
0x102: {  	s12 =	simm.s32 $0x0;
	s11 =	simm.s32 $0x9F80;
	s4 =	sshll.u32 s26, $0x7;
	v60 =	vmul.f32 v49, v39;
	v49 =	vadd.f32 v33, v40;
	[tilespmem:s10+$0xFFFFFF80] =	vst v0;
	v0 =	vmax.f32 v3, $0.0e+00  }
.LBB2_5:
0x103: {  	s1 =	sadd.s32 s12, s2;
	s12 =	sadd.s32 $0x8, s12;
	v63 =	vadd.f32 v63, v35;
	v62 =	vadd.f32 v62, v37;
	[tilespmem:s10+$0xFFFFFF90] =	vst v0;
	v0 =	vmax.f32 v57, $0.0e+00  }
0x104: {  	v61 =	vadd.f32 v61, v40;
	v57 =	vadd.f32 v60, v41;
	s6 =	sadd.s32 $0x89, s1;
	s7 =	sadd.s32 $0x8F, s1;
	p0 =	slt.u32 s12, $0x78;
	[tilespmem:s10+$0xFFFFFFA0] =	vst v0;
	v0 =	vmax.f32 v59, $0.0e+00  }
0x105: {  	s8 =	sadd.s32 $0x8B, s1;
	s24 =	sadd.s32 $0x8C, s1;
	v59 =	vmov s6;
	s6 =	sadd.s32 $0x8A, s1;
	v60 =	vmov s7;
	[tilespmem:s10+$0xFFFFFFB0] =	vst v0;
	v0 =	vmax.f32 v58, $0.0e+00  }
0x106: {  	s7 =	sadd.s32 $0x88, s1;
	v3 =	vmov s8;
	v58 =	vmov s6;
	s6 =	sadd.s32 $0x8D, s1;
	s1 =	sadd.s32 $0x8E, s1;
	v60 =	vshrl.u32 v60, $0x3;
	[tilespmem:s10+$0xFFFFFFC0] =	vst v0  }
0x107: {  	v0 =	vmov s24;
	v4 =	vmov s6;
	v60 =	vshll.u32 v60, v1  }
0x108: {  	v59 =	vshrl.u32 v59, $0x3;
	v5 =	vmov s1;
	v60 =	vadd.s32 $0x7, v60  }
0x109: {  	v3 =	vshrl.u32 v3, $0x3;
	v58 =	vshrl.u32 v58, $0x3;
	v60 =	vbroadcast v60, $0x0  }
0x10a: {  	v0 =	vshrl.u32 v0, $0x3;
	v4 =	vshrl.u32 v4, $0x3;
	v5 =	vshrl.u32 v5, $0x3  }
0x10b: {  	v6 =	vmov s7;
	v59 =	vshll.u32 v59, v1;
	v58 =	vshll.u32 v58, v1  }
0x10c: {  	v3 =	vshll.u32 v3, v1;
	v0 =	vshll.u32 v0, v1;
	v4 =	vshll.u32 v4, v1  }
0x10d: {  	v6 =	vshrl.u32 v6, $0x3;
	v59 =	vadd.s32 $0x1, v59;
	v5 =	vshll.u32 v5, v1  }
0x10e: {  	v3 =	vadd.s32 $0x3, v3;
	v58 =	vadd.s32 $0x2, v58;
	v0 =	vadd.s32 $0x4, v0  }
0x10f: {  	v6 =	vshll.u32 v6, v1;
	v4 =	vadd.s32 $0x5, v4;
	v5 =	vadd.s32 $0x6, v5;
	v60 =	vld.idx.msk [tilespmem:v60+s28+$0x0], $0xffff  }
0x110: {  	v44 =	vmax.f32 v44, $0.0e+00;
	v59 =	vbroadcast v59, $0x0;
	v58 =	vbroadcast v58, $0x0  }
0x111: {  	v3 =	vbroadcast v3, $0x0;
	v0 =	vbroadcast v0, $0x0;
	[tilespmem:s10+$0xFFFFFFD0] =	vst v44;
	v44 =	vmax.f32 v48, $0.0e+00  }
0x112: {  	v4 =	vbroadcast v4, $0x0;
	v5 =	vbroadcast v5, $0x0;
	[tilespmem:s10+$0xFFFFFFE0] =	vst v44;
	v44 =	vmax.f32 v50, $0.0e+00  }
0x113: {  	v6 =	vbroadcast v6, $0x0;
	v48 =	vmax.f32 v52, $0.0e+00;
	[tilespmem:s10+$0xFFFFFFF0] =	vst v44;
	v44 =	vmax.f32 v51, $0.0e+00  }
0x114: {  	v50 =	vmax.f32 v54, $0.0e+00;
	v51 =	vmax.f32 v56, $0.0e+00;
	[tilespmem:s10+$0x0] =	vst v44;
	v44 =	vmax.f32 v55, $0.0e+00  }
0x115: {  	v52 =	vmul.f32 v60, v34;
	v54 =	vmul.f32 v60, v39;
	[tilespmem:s10+$0x10] =	vst v48;
	v48 =	vmax.f32 v53, $0.0e+00  }
0x116: {  	v55 =	vmul.f32 v60, v36;
	v56 =	vmul.f32 v60, v38;
	v53 =	vld.idx.msk [tilespmem:v59+s28+$0x0], $0xffff;
	[tilespmem:s10+$0x20] =	vst v44;
	v44 =	vmax.f32 v49, $0.0e+00  }
0x117: {  	v45 =	vmax.f32 v45, $0.0e+00;
	v52 =	vadd.f32 v52, v35;
	v54 =	vadd.f32 v54, v41;
	v49 =	vld.idx.msk [tilespmem:v58+s28+$0x0], $0xffff;
	[tilespmem:s10+$0x30] =	vst v50  }
0x118: {  	v46 =	vmax.f32 v46, $0.0e+00;
	v50 =	vadd.f32 v55, v37;
	v55 =	vadd.f32 v56, v40;
	v3 =	vld.idx.msk [tilespmem:v3+s28+$0x0], $0xffff;
	[tilespmem:s10+$0x40] =	vst v51  }
0x119: {  	v43 =	vmax.f32 v43, $0.0e+00;
	v47 =	vmax.f32 v47, $0.0e+00;
	v51 =	vmax.f32 v54, $0.0e+00;
	s10 =	sadd.s32 $0x200, s10;
	v0 =	vld.idx.msk [tilespmem:v0+s28+$0x0], $0xffff;
	[tilespmem:s11+$0x50] =	vst v48  }
0x11a: {  	v42 =	vmax.f32 v42, $0.0e+00;
	v48 =	vmax.f32 v52, $0.0e+00;
	v50 =	vmax.f32 v50, $0.0e+00;
	v4 =	vld.idx.msk [tilespmem:v4+s28+$0x0], $0xffff;
	[tilespmem:s10+$0xF0] =	vst v51  }
0x11b: {  	v54 =	vmax.f32 v62, $0.0e+00;
	v52 =	vmax.f32 v63, $0.0e+00;
	v51 =	vmax.f32 v55, $0.0e+00;
	v5 =	vld.idx.msk [tilespmem:v5+s28+$0x0], $0xffff;
	[tilespmem:s11+$0x60] =	vst v44  }
0x11c: {  	v56 =	vmax.f32 v61, $0.0e+00;
	v44 =	vmul.f32 v53, v34;
	v55 =	vmul.f32 v53, v36;
	v6 =	vld.idx.msk [tilespmem:v6+s28+$0x0], $0xffff;
	[tilespmem:s11+$0x70] =	vst v45  }
0x11d: {  	v60 =	vmax.f32 v57, $0.0e+00;
	v45 =	vmul.f32 v53, v38;
	v53 =	vmul.f32 v53, v39;
	[tilespmem:s11+$0x80] =	vst v46  }
0x11e: {  	v57 =	vmul.f32 v49, v36;
	v46 =	vadd.f32 v44, v35;
	v44 =	vmul.f32 v49, v34;
	[tilespmem:s11+$0x90] =	vst v43  }
0x11f: {  	v43 =	vadd.f32 v55, v37;
	v55 =	vmul.f32 v49, v38;
	v49 =	vmul.f32 v49, v39;
	[tilespmem:s11+$0xA0] =	vst v47  }
0x120: {  	v61 =	vmul.f32 v3, v36;
	v45 =	vadd.f32 v45, v40;
	v47 =	vmul.f32 v3, v34;
	[tilespmem:s11+$0xB0] =	vst v42  }
0x121: {  	v42 =	vadd.f32 v53, v41;
	v53 =	vmul.f32 v3, v38;
	v3 =	vmul.f32 v3, v39;
	[tilespmem:s10+$0xC0] =	vst v48  }
0x122: {  	v8 =	vmul.f32 v0, v34;
	v9 =	vmul.f32 v0, v36;
	v7 =	vadd.f32 v44, v35;
	[tilespmem:s10+$0xD0] =	vst v50  }
0x123: {  	v10 =	vadd.f32 v57, v37;
	v11 =	vmul.f32 v0, v38;
	v0 =	vmul.f32 v0, v39;
	[tilespmem:s10+$0xE0] =	vst v51  }
0x124: {  	v12 =	vmul.f32 v4, v34;
	v13 =	vmul.f32 v4, v36;
	v57 =	vadd.f32 v55, v40;
	[tilespmem:s11+$0xFFFFFF00] =	vst v52  }
0x125: {  	v59 =	vadd.f32 v49, v41;
	v49 =	vmul.f32 v4, v38;
	v4 =	vmul.f32 v4, v39;
	[tilespmem:s11+$0xFFFFFF10] =	vst v54  }
0x126: {  	v14 =	vmul.f32 v5, v36;
	v58 =	vadd.f32 v47, v35;
	v47 =	vmul.f32 v5, v34;
	[tilespmem:s11+$0xFFFFFF20] =	vst v56  }
0x127: {  	v44 =	vadd.f32 v61, v37;
	v15 =	vmul.f32 v5, v38;
	v5 =	vmul.f32 v5, v39;
	[tilespmem:s11+$0xFFFFFF30] =	vst v60;
	s11 =	smov.u32 s10  }
0x128: {  	v63 =	vmul.f32 v6, v34;
	v62 =	vmul.f32 v6, v36;
	v48 =	vadd.f32 v53, v40  }
0x129: {  	v61 =	vmul.f32 v6, v38;
	v50 =	vadd.f32 v3, v41;
	v60 =	vmul.f32 v6, v39  }
0x12a: {  	v3 =	vmax.f32 v46, $0.0e+00;
	v51 =	vadd.f32 v8, v35;
	v52 =	vadd.f32 v9, v37  }
.Ltmp1:
0x12b: {  	v55 =	vadd.f32 v11, v40;
	v54 =	vadd.f32 v0, v41;
	[tilespmem:s10+$0xFFFFFF40] =	vst v3;
	v3 =	vmax.f32 v43, $0.0e+00;
	(pc) =	sbr.rel @p0 .LBB2_5-.Ltmp1, $4  }
0x12c: {  	v53 =	vadd.f32 v13, v37;
	v0 =	vmax.f32 v45, $0.0e+00;
	v56 =	vadd.f32 v12, v35;
	[tilespmem:s10+$0xFFFFFF50] =	vst v3  }
0x12d: {  	v49 =	vadd.f32 v49, v40;
	v45 =	vadd.f32 v4, v41;
	[tilespmem:s10+$0xFFFFFF60] =	vst v0;
	v0 =	vmax.f32 v42, $0.0e+00  }
0x12e: {  	v46 =	vadd.f32 v47, v35;
	v43 =	vadd.f32 v14, v37;
	[tilespmem:s10+$0xFFFFFF70] =	vst v0;
	v0 =	vmax.f32 v7, $0.0e+00  }
0x12f: {  	v47 =	vadd.f32 v15, v40;
	v42 =	vadd.f32 v5, v41;
	[tilespmem:s10+$0xFFFFFF80] =	vst v0;
	v0 =	vmax.f32 v10, $0.0e+00  }
0x130: {  	[tilespmem:s10+$0xFFFFFF90] =	vst v0;
	v0 =	vmax.f32 v57, $0.0e+00  }
0x131: {  	v3 =	vmax.f32 v52, $0.0e+00;
	[tilespmem:s10+$0xFFFFFFA0] =	vst v0  }
0x132: {  	v0 =	vmax.f32 v59, $0.0e+00;
	[tilespmem:s10+$0x10] =	vst v3  }
0x133: {  	v3 =	vmax.f32 v54, $0.0e+00;
	[tilespmem:s10+$0xFFFFFFB0] =	vst v0  }
0x134: {  	v4 =	vmax.f32 v47, $0.0e+00;
	[tilespmem:s10+$0x30] =	vst v3  }
0x135: {  	v0 =	vmax.f32 v58, $0.0e+00;
	[tilespmem:s11+$0xA0] =	vst v4  }
0x136: {  	[tilespmem:s10+$0xFFFFFFC0] =	vst v0;
	v0 =	vmax.f32 v44, $0.0e+00  }
0x137: {  	[tilespmem:s10+$0xFFFFFFD0] =	vst v0;
	v0 =	vmax.f32 v48, $0.0e+00  }
0x138: {  	[tilespmem:s10+$0xFFFFFFE0] =	vst v0;
	v0 =	vmax.f32 v50, $0.0e+00  }
0x139: {  	[tilespmem:s10+$0xFFFFFFF0] =	vst v0;
	v0 =	vmax.f32 v51, $0.0e+00  }
0x13a: {  	[tilespmem:s10+$0x0] =	vst v0;
	v0 =	vmax.f32 v55, $0.0e+00  }
0x13b: {  	[tilespmem:s10+$0x20] =	vst v0;
	v0 =	vmax.f32 v56, $0.0e+00  }
0x13c: {  	v3 =	vmax.f32 v53, $0.0e+00;
	[tilespmem:s10+$0x40] =	vst v0  }
0x13d: {  	v0 =	vmax.f32 v49, $0.0e+00;
	[tilespmem:s11+$0x50] =	vst v3  }
0x13e: {  	v3 =	vmax.f32 v45, $0.0e+00;
	[tilespmem:s11+$0x60] =	vst v0  }
0x13f: {  	v0 =	vmax.f32 v46, $0.0e+00;
	[tilespmem:s11+$0x70] =	vst v3  }
0x140: {  	v3 =	vmax.f32 v43, $0.0e+00;
	[tilespmem:s11+$0x80] =	vst v0;
	v0 =	vadd.f32 v63, v35  }
0x141: {  	v5 =	vmax.f32 v42, $0.0e+00;
	[tilespmem:s11+$0x90] =	vst v3;
	v3 =	vadd.f32 v62, v37  }
0x142: {  	[tilespmem:s11+$0xB0] =	vst v5;
	v62 =	vadd.f32 v61, v40;
	v0 =	vmax.f32 v0, $0.0e+00  }
0x143: {  	v63 =	vadd.f32 v60, v41;
	v3 =	vmax.f32 v3, $0.0e+00;
	[tilespmem:s11+$0xFFFFFF00] =	vst v0  }
0x144: {  	v0 =	vmax.f32 v62, $0.0e+00;
	[tilespmem:s11+$0xFFFFFF10] =	vst v3  }
0x145: {  	v3 =	vmax.f32 v63, $0.0e+00;
	[tilespmem:s11+$0xFFFFFF20] =	vst v0  }
0x146: {  	[tilespmem:s11+$0xFFFFFF30] =	vst v3  }
0x147: {  	s1 =	rddreg [dreg:$0x5]  }
0x148: {  	[tilespmem:s29], [sflag:$0x2] =	stream.indirect.gather.add.f32 [hbm:s1], $0x40, s4, s0, $0xb8;
	[tilespmem:$0x10280] =	vst v63  }
0x149: {  	s9 =	sadd.s32 $0x1900, s4;
	s6 =	rddreg [dreg:$0x6]  }
0x14a: {  	[tilespmem:s29], [sflag:$0x2] =	stream.indirect.gather.add.f32 [hbm:s6], $0x40, s9, s0, $0xb8;
	[tilespmem:$0x10280] =	vst v63  }
0x14b: {  	s10 =	sadd.s32 $0x3200, s4;
	s11 =	rddreg [dreg:$0x7]  }
0x14c: {  	[tilespmem:s29], [sflag:$0x2] =	stream.indirect.gather.add.f32 [hbm:s11], $0x40, s10, s0, $0xb8;
	[tilespmem:$0x10280] =	vst v63  }
0x14d: {  	s12 =	sadd.s32 $0x4B00, s4;
	s24 =	rddreg [dreg:$0x8]  }
0x14e: {  	[tilespmem:s29], [sflag:$0x2] =	stream.indirect.gather.add.f32 [hbm:s24], $0x40, s12, s0, $0xb8;
	[tilespmem:$0x10280] =	vst v63  }
0x14f: {  	_ =	swait.ge [sflag:s31], $0x2000  }
0x150: {  	[sflag:s31] =	ssyncset.done $0x0  }
0x151: {  	[sflag:s31] =	ssyncadd.s32 $0xFFFFE000  }
0x152: {  	_ =	swait.ge [sflag:s31], $0x2000  }
0x153: {  	[sflag:s31] =	ssyncset.done $0x0  }
0x154: {  	[sflag:s31] =	ssyncadd.s32 $0xFFFFE000  }
0x155: {  	_ =	swait.ge [sflag:s31], $0x2000  }
0x156: {  	[sflag:s31] =	ssyncset.done $0x0  }
0x157: {  	[sflag:s31] =	ssyncadd.s32 $0xFFFFE000  }
0x158: {  	_ =	swait.ge [sflag:s31], $0x2000  }
0x159: {  	v33 =	vld [tilespmem:$0x1FEE0]  }
0x15a: {  	v19 =	vld [tilespmem:$0x1FE00]  }
0x15b: {  	v56 =	vld [tilespmem:$0x1FE10]  }
0x15c: {  	v32 =	vld [tilespmem:$0x1FE20]  }
0x15d: {  	v31 =	vld [tilespmem:$0x1FE30]  }
0x15e: {  	v20 =	vld [tilespmem:$0x1FE50]  }
0x15f: {  	v61 =	vld [tilespmem:$0x1FE60]  }
0x160: {  	v60 =	vld [tilespmem:$0x1FE70]  }
0x161: {  	v28 =	vld [tilespmem:$0x1FE80]  }
0x162: {  	v22 =	vld [tilespmem:$0x1FE90]  }
.Ltmp2:
0x163: {  	v18 =	vld [tilespmem:$0x1FEA0];
	(pc) =	sbr.rel .LBB2_7-.Ltmp2, $4  }
0x164: {  	v16 =	vld [tilespmem:$0x1FEC0]  }
0x165: {  	v21 =	vld [tilespmem:$0x1FED0]  }
0x166: {  	s10 =	sshll.u32 s25, $0x8;
	s11 =	simm.s32 $0x0;
	[sflag:s31] =	ssyncset.done $0x0;
	v59 =	vld [tilespmem:$0x1FEF0]  }
0x167: {  	s12 =	simm.s32 $0x7E80;
	s24 =	smov.u32 s2;
	v24 =	vld [tilespmem:$0x1FF80];
	[sflag:s31] =	ssyncadd.s32 $0xFFFFE000  }
.LBB2_10:
0x168: {  	v3 =	vadd.s32 $0x1900, v43;
	v4 =	vadd.f32 v44, v45;
	_ =	sdelay $0x1  }
0x169: {  	v0 =	vadd.f32 v0, v4  }
0x16a: {  	v13 =	vadd.s32 $0x3200, v43  }
0x16b: {  	[tilespmem:s8+$0x30] =	vst.add.f32.msk $0xffff, v0  }
0x16c: {  	v0 =	vld.idx.msk [tilespmem:v3+s3+$0x0], $0xffff  }
0x16d: {  	v3 =	vadd.s32 $0x4B00, v43;
	v5 =	vld.idx.msk [tilespmem:v42+s3+$0x0], $0xffff  }
0x16e: {  	v6 =	vld [tilespmem:$0x7DC0]  }
0x16f: {  	v4 =	vld.idx.msk [tilespmem:v13+s3+$0x0], $0xffff  }
0x170: {  	v7 =	vld [tilespmem:$0x7D80]  }
0x171: {  	v8 =	vld [tilespmem:$0x7E00]  }
0x172: {  	v3 =	vld.idx.msk [tilespmem:v3+s3+$0x0], $0xffff  }
0x173: {  	vm0 =	veq.s32 v0, $0x0;
	vm1 =	veq.s32 v5, $0x0  }
0x174: {  	v9 =	vld [tilespmem:$0x7E40];
	v0 =	vsel vm0, $0xBF800000, v2;
	v5 =	vsel vm1, $0xBF800000, v2  }
0x175: {  	vm14 =	veq.s32 v4, $0x0;
	v14 =	vmul.f32 v7, v5;
	v6 =	vmul.f32 v6, v0  }
0x176: {  	v42 =	vsel vm14, $0xBF800000, v2  }
0x177: {  	v43 =	vmul.f32 v8, v42;
	vm15 =	veq.s32 v3, $0x0;
	v3 =	vadd.f32 v6, v14  }
0x178: {  	v44 =	vsel vm15, $0xBF800000, v2  }
0x179: {  	v3 =	vadd.f32 v43, v3;
	v45 =	vmul.f32 v9, v44;
	_ =	sdelay $0x1  }
0x17a: {  	s1 =	sshra.s32 s1, $0x2;
	v3 =	vadd.f32 v45, v3  }
0x17b: {  	s1 =	sadd.s32 s1, s12  }
0x17c: {  	[tilespmem:s1+$0x0] =	vst.add.f32.msk $0xffff, v3  }
0x17d: {  	v3 =	vld [tilespmem:$0x7D90]  }
0x17e: {  	v46 =	vld [tilespmem:$0x7DD0];
	_ =	sdelay $0x1  }
0x17f: {  	v47 =	vld [tilespmem:$0x7E10];
	_ =	sdelay $0x1  }
0x180: {  	v48 =	vld [tilespmem:$0x7E50]  }
0x181: {  	v3 =	vmul.f32 v3, v5;
	v4 =	vmul.f32 v46, v0;
	_ =	sdelay $0x1  }
0x182: {  	v49 =	vmul.f32 v47, v42;
	v3 =	vadd.f32 v4, v3;
	_ =	sdelay $0x1  }
0x183: {  	v50 =	vmul.f32 v48, v44;
	v3 =	vadd.f32 v49, v3;
	_ =	sdelay $0x1  }
0x184: {  	v3 =	vadd.f32 v50, v3;
	_ =	sdelay $0x1  }
0x185: {  	[tilespmem:s1+$0x10] =	vst.add.f32.msk $0xffff, v3  }
0x186: {  	v3 =	vld [tilespmem:$0x7DA0]  }
0x187: {  	v51 =	vld [tilespmem:$0x7DE0];
	_ =	sdelay $0x1  }
0x188: {  	v52 =	vld [tilespmem:$0x7E20];
	_ =	sdelay $0x1  }
0x189: {  	v53 =	vld [tilespmem:$0x7E60]  }
0x18a: {  	v3 =	vmul.f32 v3, v5;
	v4 =	vmul.f32 v51, v0;
	_ =	sdelay $0x1  }
0x18b: {  	v54 =	vmul.f32 v52, v42;
	v3 =	vadd.f32 v4, v3;
	_ =	sdelay $0x1  }
0x18c: {  	v55 =	vmul.f32 v53, v44;
	v3 =	vadd.f32 v54, v3;
	_ =	sdelay $0x1  }
0x18d: {  	v3 =	vadd.f32 v55, v3;
	_ =	sdelay $0x1  }
0x18e: {  	[tilespmem:s1+$0x20] =	vst.add.f32.msk $0xffff, v3  }
0x18f: {  	v3 =	vld [tilespmem:$0x7DB0]  }
0x190: {  	v57 =	vld [tilespmem:$0x7DF0];
	_ =	sdelay $0x1  }
0x191: {  	v58 =	vld [tilespmem:$0x7E30];
	_ =	sdelay $0x1  }
0x192: {  	v62 =	vld [tilespmem:$0x7E70]  }
0x193: {  	v3 =	vmul.f32 v3, v5;
	v0 =	vmul.f32 v57, v0;
	_ =	sdelay $0x1  }
0x194: {  	v63 =	vmul.f32 v58, v42;
	v0 =	vadd.f32 v0, v3;
	_ =	sdelay $0x1  }
0x195: {  	v3 =	vmul.f32 v62, v44;
	v0 =	vadd.f32 v63, v0;
	_ =	sdelay $0x1  }
0x196: {  	v0 =	vadd.f32 v3, v0;
	_ =	sdelay $0x1  }
0x197: {  	[tilespmem:s1+$0x30] =	vst.add.f32.msk $0xffff, v0  }
.LBB2_11:
0x198: {  	s11 =	sadd.s32 $0x1, s11  }
0x199: {  	p0 =	sne.s32 s11, $0x8  }
.Ltmp3:
0x19a: {  	_ = 	snop;
	(pc) =	sbr.rel @!p0 .LBB2_12-.Ltmp3, $2  }
0x19b: {  	_ =	sdelay $0x2  }
0x19c: {  	s24 =	sadd.s32 $0x10, s24;
	s12 =	sadd.s32 $0x400, s12  }
.LBB2_7:
0x19d: {  	s1 =	sshll.u32 s11, $0x4  }
0x19e: {  	s1 =	sor.u32 s10, s1  }
0x19f: {  	v0 =	vld [tilespmem:s1+$0x0]  }
0x1a0: {  	v3 =	vld [tilespmem:s1+$0x1900]  }
0x1a1: {  	v4 =	vld [tilespmem:s1+$0x3200]  }
0x1a2: {  	v5 =	vld [tilespmem:s1+$0x4B00];
	_ =	sdelay $0x2  }
0x1a3: {  	vm0 =	veq.s32 v0, $0x0;
	vm1 =	veq.s32 v3, $0x0  }
0x1a4: {  	vm14 =	veq.s32 v4, $0x0;
	vm0 =	vmor vm0, vm1  }
0x1a5: {  	vm15 =	veq.s32 v5, $0x0;
	vm0 =	vmor vm0, vm14  }
0x1a6: {  	vm0 =	vmor vm0, vm15  }
0x1a7: {  	v0 =	vsel vm0, $0x3F800000, v2  }
0x1a8: {  	(xrf0) =	vmax.scan.msk.f32 $0xffff, v0;
	_ =	sdelay $0x5  }
0x1a9: {  	v0, _, _ =	vpop (xrf0)  }
0x1aa: {  	(v2sf) =	vpush v0, $0xF;
	_ =	sdelay $0xe  }
0x1ab: {  	s9 =	spop (v2sf)  }
0x1ac: {  	p0 =	sgt.f32 s9, $0.0e+00  }
.Ltmp4:
0x1ad: {  	_ = 	snop;
	(pc) =	sbr.rel @!p0 .LBB2_11-.Ltmp4, $1  }
0x1ae: {  	_ =	sdelay $0x3  }
0x1af: {  	v0 =	vmov s24  }
0x1b0: {  	v3 =	vand.u32 $0x1F7F, v0  }
0x1b1: {  	v4 =	vadd.s32 $0x1900, v3;
	_ =	sdelay $0x1  }
0x1b2: {  	v5 =	vadd.s32 $0x3200, v3  }
0x1b3: {  	v6 =	vld [tilespmem:$0x7DC0]  }
0x1b4: {  	v3 =	vadd.s32 $0x4B00, v3;
	v0 =	vld.idx.msk [tilespmem:v0+s3+$0x0], $0xffff  }
0x1b5: {  	v4 =	vld.idx.msk [tilespmem:v4+s3+$0x0], $0xffff  }
0x1b6: {  	v7 =	vld [tilespmem:$0x7D80]  }
0x1b7: {  	v5 =	vld.idx.msk [tilespmem:v5+s3+$0x0], $0xffff  }
0x1b8: {  	v8 =	vld [tilespmem:$0x7E00]  }
0x1b9: {  	v3 =	vld.idx.msk [tilespmem:v3+s3+$0x0], $0xffff  }
0x1ba: {  	vm1 =	veq.s32 v0, $0x0;
	vm0 =	veq.s32 v4, $0x0  }
0x1bb: {  	v9 =	vld [tilespmem:$0x7E40];
	v45 =	vsel vm1, $0xBF800000, v2;
	v0 =	vsel vm0, $0xBF800000, v2  }
0x1bc: {  	vm14 =	veq.s32 v5, $0x0;
	v11 =	vmul.f32 v7, v45;
	v6 =	vmul.f32 v6, v0  }
0x1bd: {  	v12 =	vsel vm14, $0xBF800000, v2  }
0x1be: {  	vm15 =	veq.s32 v3, $0x0;
	v13 =	vmul.f32 v8, v12;
	v3 =	vadd.f32 v6, v11  }
0x1bf: {  	v14 =	vsel vm15, $0xBF800000, v2  }
0x1c0: {  	v46 =	vmul.f32 v9, v14;
	v3 =	vadd.f32 v13, v3;
	_ =	sdelay $0x1  }
0x1c1: {  	v3 =	vadd.f32 v46, v3  }
0x1c2: {  	s8 =	sadd.s32 $0x0, s12  }
0x1c3: {  	[tilespmem:s8+$0x0] =	vst.add.f32.msk $0xffff, v3  }
0x1c4: {  	v3 =	vld [tilespmem:$0x7D90]  }
0x1c5: {  	v47 =	vld [tilespmem:$0x7DD0];
	_ =	sdelay $0x1  }
0x1c6: {  	v48 =	vld [tilespmem:$0x7E10];
	_ =	sdelay $0x1  }
0x1c7: {  	v49 =	vld [tilespmem:$0x7E50]  }
0x1c8: {  	v3 =	vmul.f32 v3, v45;
	v5 =	vmul.f32 v47, v0;
	_ =	sdelay $0x1  }
0x1c9: {  	v50 =	vmul.f32 v48, v12;
	v3 =	vadd.f32 v5, v3;
	_ =	sdelay $0x1  }
0x1ca: {  	v51 =	vmul.f32 v49, v14;
	v3 =	vadd.f32 v50, v3;
	_ =	sdelay $0x1  }
0x1cb: {  	v3 =	vadd.f32 v51, v3;
	_ =	sdelay $0x1  }
0x1cc: {  	[tilespmem:s8+$0x10] =	vst.add.f32.msk $0xffff, v3  }
0x1cd: {  	v3 =	vld [tilespmem:$0x7DA0]  }
0x1ce: {  	v52 =	vld [tilespmem:$0x7DE0];
	_ =	sdelay $0x1  }
0x1cf: {  	v53 =	vld [tilespmem:$0x7E20];
	_ =	sdelay $0x1  }
0x1d0: {  	v54 =	vld [tilespmem:$0x7E60]  }
0x1d1: {  	v3 =	vmul.f32 v3, v45;
	v5 =	vmul.f32 v52, v0;
	_ =	sdelay $0x1  }
0x1d2: {  	v55 =	vmul.f32 v53, v12;
	v3 =	vadd.f32 v5, v3;
	_ =	sdelay $0x1  }
0x1d3: {  	v57 =	vmul.f32 v54, v14;
	v3 =	vadd.f32 v55, v3;
	_ =	sdelay $0x1  }
0x1d4: {  	v3 =	vadd.f32 v57, v3;
	_ =	sdelay $0x1  }
0x1d5: {  	[tilespmem:s8+$0x20] =	vst.add.f32.msk $0xffff, v3  }
0x1d6: {  	v3 =	vld [tilespmem:$0x7DB0]  }
0x1d7: {  	v58 =	vld [tilespmem:$0x7DF0];
	_ =	sdelay $0x1  }
0x1d8: {  	v62 =	vld [tilespmem:$0x7E30]  }
0x1d9: {  	v63 =	vld [tilespmem:$0x7E70];
	_ =	sdelay $0x1  }
0x1da: {  	v3 =	vmul.f32 v3, v45;
	v0 =	vmul.f32 v58, v0  }
0x1db: {  	s6 =	sadd.s32 $0x1, s24  }
0x1dc: {  	v42 =	vmov s6;
	v44 =	vmul.f32 v62, v12;
	v45 =	vadd.f32 v0, v3  }
0x1dd: {  	s1 =	simm.s32 $0x100;
	s7 =	simm.s32 $0x200;
	v43 =	vand.u32 $0x1F7F, v42;
	v0 =	vmul.f32 v63, v14  }
.LBB2_9:
0x1de: {  	p0 =	sne.s32 s7, $0xF00;
	v3 =	vadd.s32 $0x1900, v43;
	v4 =	vadd.f32 v44, v45;
	s9 =	smov.u32 s7;
	s7 =	sadd.s32 $0x100, s7  }
0x1df: {  	_ = 	snop  }
0x1e0: {  	v0 =	vadd.f32 v0, v4  }
0x1e1: {  	v4 =	vadd.s32 $0x3200, v43  }
0x1e2: {  	[tilespmem:s8+$0x30] =	vst.add.f32.msk $0xffff, v0  }
0x1e3: {  	v0 =	vld.idx.msk [tilespmem:v3+s3+$0x0], $0xffff;
	v3 =	vadd.s32 $0x4B00, v43  }
0x1e4: {  	v5 =	vld.idx.msk [tilespmem:v42+s3+$0x0], $0xffff  }
0x1e5: {  	v6 =	vld [tilespmem:$0x7DC0]  }
0x1e6: {  	v4 =	vld.idx.msk [tilespmem:v4+s3+$0x0], $0xffff  }
0x1e7: {  	v7 =	vld [tilespmem:$0x7D80]  }
0x1e8: {  	v3 =	vld.idx.msk [tilespmem:v3+s3+$0x0], $0xffff  }
0x1e9: {  	vm0 =	veq.s32 v0, $0x0;
	v0 =	vld [tilespmem:$0x7E00]  }
0x1ea: {  	vm1 =	veq.s32 v5, $0x0;
	v5 =	vsel vm0, $0xBF800000, v2  }
0x1eb: {  	v8 =	vsel vm1, $0xBF800000, v2;
	v9 =	vld [tilespmem:$0x7E40]  }
0x1ec: {  	v6 =	vmul.f32 v6, v5;
	vm0 =	veq.s32 v4, $0x0;
	v4 =	vmul.f32 v7, v8  }
0x1ed: {  	v7 =	vsel vm0, $0xBF800000, v2  }
0x1ee: {  	vm0 =	veq.s32 v3, $0x0;
	v3 =	vadd.f32 v6, v4;
	v0 =	vmul.f32 v0, v7  }
0x1ef: {  	v4 =	vsel vm0, $0xBF800000, v2  }
0x1f0: {  	v0 =	vadd.f32 v0, v3;
	v3 =	vmul.f32 v9, v4;
	_ =	sdelay $0x1  }
0x1f1: {  	s8 =	sshra.s32 s1, $0x2;
	s1 =	smov.u32 s9;
	v0 =	vadd.f32 v3, v0  }
0x1f2: {  	s8 =	sadd.s32 s8, s12  }
0x1f3: {  	[tilespmem:s8+$0x0] =	vst.add.f32.msk $0xffff, v0  }
0x1f4: {  	v0 =	vld [tilespmem:$0x7D90]  }
0x1f5: {  	v3 =	vld [tilespmem:$0x7DD0];
	_ =	sdelay $0x1  }
0x1f6: {  	v6 =	vld [tilespmem:$0x7E10];
	_ =	sdelay $0x1  }
0x1f7: {  	v0 =	vmul.f32 v0, v8;
	v9 =	vld [tilespmem:$0x7E50]  }
0x1f8: {  	v3 =	vmul.f32 v3, v5;
	_ =	sdelay $0x1  }
0x1f9: {  	v0 =	vadd.f32 v3, v0;
	v3 =	vmul.f32 v6, v7;
	_ =	sdelay $0x1  }
0x1fa: {  	v0 =	vadd.f32 v3, v0;
	v3 =	vmul.f32 v9, v4;
	_ =	sdelay $0x1  }
0x1fb: {  	v0 =	vadd.f32 v3, v0;
	_ =	sdelay $0x1  }
0x1fc: {  	[tilespmem:s8+$0x10] =	vst.add.f32.msk $0xffff, v0  }
0x1fd: {  	v0 =	vld [tilespmem:$0x7DA0]  }
0x1fe: {  	v3 =	vld [tilespmem:$0x7DE0];
	_ =	sdelay $0x1  }
0x1ff: {  	v6 =	vld [tilespmem:$0x7E20];
	_ =	sdelay $0x1  }
0x200: {  	v0 =	vmul.f32 v0, v8;
	v9 =	vld [tilespmem:$0x7E60]  }
0x201: {  	v3 =	vmul.f32 v3, v5;
	_ =	sdelay $0x1  }
0x202: {  	v0 =	vadd.f32 v3, v0;
	v3 =	vmul.f32 v6, v7;
	_ =	sdelay $0x1  }
0x203: {  	v0 =	vadd.f32 v3, v0;
	v3 =	vmul.f32 v9, v4;
	_ =	sdelay $0x1  }
0x204: {  	v0 =	vadd.f32 v3, v0;
	_ =	sdelay $0x1  }
0x205: {  	[tilespmem:s8+$0x20] =	vst.add.f32.msk $0xffff, v0  }
0x206: {  	v0 =	vld [tilespmem:$0x7DB0]  }
0x207: {  	v3 =	vld [tilespmem:$0x7DF0]  }
0x208: {  	v6 =	vld [tilespmem:$0x7E30]  }
0x209: {  	v9 =	vld [tilespmem:$0x7E70];
	_ =	sdelay $0x1  }
.Ltmp5:
0x20a: {  	v0 =	vmul.f32 v0, v8;
	(pc) =	sbr.rel @p0 .LBB2_9-.Ltmp5, $4  }
0x20b: {  	v3 =	vmul.f32 v3, v5  }
0x20c: {  	s6 =	sadd.s32 $0x1, s6;
	v44 =	vmul.f32 v6, v7  }
0x20d: {  	v42 =	vmov s6;
	v45 =	vadd.f32 v3, v0  }
0x20e: {  	v43 =	vand.u32 $0x1F7F, v42;
	v0 =	vmul.f32 v9, v4  }
.Ltmp6:
0x20f: {  	_ = 	snop;
	(pc) =	sbr.rel .LBB2_10-.Ltmp6, $1  }
0x210: {  	_ =	sdelay $0x3  }
.LBB2_12:
0x211: {  	p0 =	seq.s32 s25, $0x0  }
0x212: {  	s1 =	simm.s32 @!p0 $0x3  }
0x213: {  	_ =	swait.ge @!p0 [sflag:s1], $0x400  }
0x214: {  	[sflag:s1] =	ssyncset.done @!p0 $0x0  }
0x215: {  	[sflag:s1] =	ssyncadd.s32 @!p0 $0xFFFFFC00  }
0x216: {  	_ =	swait.ge @!p0 [sflag:s1], $0x400  }
0x217: {  	[sflag:s1] =	ssyncset.done @!p0 $0x0  }
0x218: {  	[sflag:s1] =	ssyncadd.s32 @!p0 $0xFFFFFC00  }
0x219: {  	_ =	swait.ge @!p0 [sflag:s1], $0x400  }
0x21a: {  	[sflag:s1] =	ssyncset.done @!p0 $0x0  }
0x21b: {  	[sflag:s1] =	ssyncadd.s32 @!p0 $0xFFFFFC00  }
0x21c: {  	_ =	swait.ge @!p0 [sflag:s1], $0x400  }
0x21d: {  	[sflag:s1] =	ssyncset.done @!p0 $0x0  }
0x21e: {  	[sflag:s1] =	ssyncadd.s32 @!p0 $0xFFFFFC00  }
0x21f: {  	_ =	swait.ge @!p0 [sflag:s1], $0x400  }
0x220: {  	[sflag:s1] =	ssyncset.done @!p0 $0x0  }
0x221: {  	[sflag:s1] =	ssyncadd.s32 @!p0 $0xFFFFFC00  }
0x222: {  	s6 =	simm.s32 $0x0;
	s24 =	simm.s32 $0x1;
	_ =	swait.ge @!p0 [sflag:s1], $0x400  }
0x223: {  	s7 =	simm.s32 $0x2;
	s8 =	simm.s32 $0x3;
	[sflag:s1] =	ssyncset.done @!p0 $0x0  }
0x224: {  	s9 =	simm.s32 $0x7;
	s11 =	simm.s32 $0x5;
	v0 =	vmov s6;
	v3 =	vmov s24;
	v4 =	vmov s7;
	[sflag:s1] =	ssyncadd.s32 @!p0 $0xFFFFFC00  }
0x225: {  	s12 =	simm.s32 $0x6;
	v5 =	vmov s8;
	s8 =	simm.s32 $0x4;
	v7 =	vmov s9;
	v8 =	vmov s11;
	_ =	swait.ge @!p0 [sflag:s1], $0x400  }
0x226: {  	v9 =	vmov s12;
	v0 =	vshrl.u32 v0, $0x3;
	v6 =	vmov s8;
	[sflag:s1] =	ssyncset.done @!p0 $0x0  }
0x227: {  	v7 =	vshrl.u32 v7, $0x3;
	v3 =	vshrl.u32 v3, $0x3;
	v4 =	vshrl.u32 v4, $0x3;
	[sflag:s1] =	ssyncadd.s32 @!p0 $0xFFFFFC00  }
0x228: {  	v5 =	vshrl.u32 v5, $0x3;
	v63 =	vshrl.u32 v8, $0x3;
	v7 =	vshll.u32 v7, v1;
	_ =	swait.ge @!p0 [sflag:s1], $0x400  }
0x229: {  	v9 =	vshrl.u32 v9, $0x3;
	v0 =	vshll.u32 v0, v1;
	v7 =	vbroadcast v7, $0x0;
	[sflag:s1] =	ssyncset.done @!p0 $0x0  }
0x22a: {  	s11 =	simm.s32 $0x7F80;
	v6 =	vshrl.u32 v6, $0x3;
	v42 =	vbroadcast v0, $0x0;
	v0 =	vshll.u32 v3, v1;
	[sflag:s1] =	ssyncadd.s32 @!p0 $0xFFFFFC00  }
0x22b: {  	v3 =	vshll.u32 v4, v1;
	v0 =	vbroadcast v0, $0x0;
	v10 =	vadd.s32 v24, v7;
	v57 =	vld [tilespmem:s11+$0xC0]  }
0x22c: {  	v5 =	vshll.u32 v5, v1;
	v3 =	vbroadcast v3, $0x0;
	v12 =	vadd.s32 v33, v42;
	v11 =	vld [tilespmem:s11+$0xFFFFFF00]  }
0x22d: {  	v44 =	vbroadcast v5, $0x0;
	v58 =	vshll.u32 v6, v1;
	v14 =	vadd.s32 v56, v0;
	v13 =	vld [tilespmem:s11+$0xFFFFFF40]  }
0x22e: {  	v5 =	vshll.u32 v63, v1;
	v43 =	vbroadcast v58, $0x0;
	v15 =	vadd.s32 v20, v3;
	v62 =	vld [tilespmem:s11+$0xFFFFFF80]  }
0x22f: {  	v51 =	vshll.u32 v9, v1;
	v46 =	vbroadcast v5, $0x0;
	v47 =	vadd.s32 v28, v44;
	v33 =	vld [tilespmem:s11+$0xFFFFFFC0]  }
0x230: {  	v45 =	vbroadcast v51, $0x0;
	v49 =	vadd.s32 v16, v43;
	v48 =	vld [tilespmem:s11+$0x0];
	[tilespmem:v10+s30+$0x0] =	vst.idx.msk $0xffff, v57  }
0x231: {  	v54 =	vadd.s32 v17, v46;
	v53 =	vld [tilespmem:s11+$0x40];
	[tilespmem:v12+s30+$0x0] =	vst.idx.msk $0xffff, v11  }
0x232: {  	v55 =	vld [tilespmem:s11+$0x80];
	[tilespmem:v14+s30+$0x0] =	vst.idx.msk $0xffff, v13;
	v57 =	vadd.s32 v23, v45  }
0x233: {  	v52 =	vadd.s32 v25, v7;
	[tilespmem:v15+s30+$0x0] =	vst.idx.msk $0xffff, v62;
	v4 =	vld [tilespmem:s11+$0xD0]  }
0x234: {  	v62 =	vadd.s32 v32, v0;
	[tilespmem:v47+s30+$0x0] =	vst.idx.msk $0xffff, v33;
	v58 =	vld [tilespmem:s11+$0xFFFFFF50]  }
0x235: {  	v33 =	vadd.s32 v61, v3;
	[tilespmem:v49+s30+$0x0] =	vst.idx.msk $0xffff, v48;
	v63 =	vld [tilespmem:s11+$0xFFFFFF90]  }
0x236: {  	[tilespmem:v54+s30+$0x0] =	vst.idx.msk $0xffff, v53  }
0x237: {  	[tilespmem:v57+s30+$0x0] =	vst.idx.msk $0xffff, v55  }
0x238: {  	v15 =	vld [tilespmem:s11+$0xFFFFFFD0];
	[tilespmem:v52+s30+$0x0] =	vst.idx.msk $0xffff, v4  }
0x239: {  	v48 =	vadd.s32 v22, v44;
	v50 =	vld [tilespmem:s11+$0x10];
	[tilespmem:v62+s30+$0x0] =	vst.idx.msk $0xffff, v58  }
0x23a: {  	v11 =	vld [tilespmem:$0x1FF20];
	[tilespmem:v33+s30+$0x0] =	vst.idx.msk $0xffff, v63  }
0x23b: {  	v51 =	vadd.s32 v21, v43;
	v12 =	vld [tilespmem:$0x1FF50]  }
0x23c: {  	v49 =	vadd.s32 v27, v7;
	v4 =	vld [tilespmem:s11+$0xE0]  }
0x23d: {  	v54 =	vld [tilespmem:s11+$0xFFFFFF10];
	v55 =	vadd.s32 v26, v42  }
0x23e: {  	v57 =	vadd.s32 v31, v0;
	[tilespmem:v48+s30+$0x0] =	vst.idx.msk $0xffff, v15;
	v15 =	vld [tilespmem:s11+$0xFFFFFF60]  }
0x23f: {  	v52 =	vld [tilespmem:s11+$0x50];
	v11 =	vadd.s32 v11, v46  }
0x240: {  	v53 =	vld [tilespmem:s11+$0x90];
	[tilespmem:v51+s30+$0x0] =	vst.idx.msk $0xffff, v50;
	v12 =	vadd.s32 v12, v45  }
0x241: {  	[tilespmem:v49+s30+$0x0] =	vst.idx.msk $0xffff, v4  }
0x242: {  	v58 =	vadd.s32 v29, v7;
	[tilespmem:v55+s30+$0x0] =	vst.idx.msk $0xffff, v54;
	v4 =	vld [tilespmem:s11+$0xF0]  }
0x243: {  	v9 =	vadd.s32 v60, v3;
	v7 =	vld [tilespmem:s11+$0xFFFFFFA0];
	[tilespmem:v57+s30+$0x0] =	vst.idx.msk $0xffff, v15  }
0x244: {  	v6 =	vld [tilespmem:s11+$0xFFFFFFE0];
	[tilespmem:v11+s30+$0x0] =	vst.idx.msk $0xffff, v52  }
0x245: {  	v8 =	vld [tilespmem:s11+$0x20];
	[tilespmem:v12+s30+$0x0] =	vst.idx.msk $0xffff, v53  }
0x246: {  	v13 =	vld [tilespmem:$0x1FF30]  }
0x247: {  	v63 =	vld [tilespmem:$0x1FFD0];
	[tilespmem:v58+s30+$0x0] =	vst.idx.msk $0xffff, v4  }
0x248: {  	v33 =	vadd.s32 v18, v44;
	v55 =	vld [tilespmem:s11+$0xFFFFFF20];
	[tilespmem:v9+s30+$0x0] =	vst.idx.msk $0xffff, v7  }
0x249: {  	v4 =	vld [tilespmem:$0x1FE40]  }
0x24a: {  	v11 =	vadd.s32 v59, v43;
	v49 =	vld [tilespmem:s11+$0x60]  }
0x24b: {  	v51 =	vld [tilespmem:s11+$0xA0]  }
0x24c: {  	v58 =	vld [tilespmem:s11+$0xFFFFFF70]  }
0x24d: {  	[tilespmem:v33+s30+$0x0] =	vst.idx.msk $0xffff, v6;
	v59 =	vld [tilespmem:s11+$0xFFFFFFB0]  }
0x24e: {  	s24 =	simm.s32 $0x8;
	v60 =	vadd.s32 v4, v0;
	v0 =	vld [tilespmem:$0x1FFC0]  }
0x24f: {  	s12 =	simm.s32 $0xD;
	v62 =	vmov s24;
	s24 =	simm.s32 $0xE;
	v18 =	vld [tilespmem:$0x1FEB0];
	[tilespmem:v11+s30+$0x0] =	vst.idx.msk $0xffff, v8  }
0x250: {  	s9 =	simm.s32 $0xC;
	v47 =	vmov s12;
	v48 =	vmov s24;
	v57 =	vadd.s32 v19, v42;
	v21 =	vld [tilespmem:$0x1FF00]  }
0x251: {  	s6 =	simm.s32 $0x9;
	s8 =	simm.s32 $0xB;
	v19 =	vmovc v56;
	v56 =	vmov s9;
	v12 =	vshrl.u32 v62, $0x3;
	v50 =	vadd.s32 v13, v46;
	v30 =	vld [tilespmem:$0x1FF40]  }
0x252: {  	s7 =	simm.s32 $0xA;
	v62 =	vmov s6;
	v53 =	vmov s8;
	v54 =	vshll.u32 v12, v1;
	v29 =	vld [tilespmem:$0x1FF70]  }
0x253: {  	s1 =	simm.s32 $0xF;
	s12 =	simm.s32 $0x10;
	v33 =	vmovc v61;
	v52 =	vadd.s32 v63, v45;
	v63 =	vmov s7;
	v27 =	vld [tilespmem:$0x1FFA0];
	v61 =	vadd.s32 v0, v3  }
.LBB2_13:
0x254: {  	_ = 	snop  }
0x255: {  	v4 =	vld [tilespmem:s11+$0xFFFFFFF0]  }
0x256: {  	v7 =	vld [tilespmem:s11+$0x30];
	v8 =	vadd.s32 v21, v43;
	[tilespmem:v50+s30+$0x0] =	vst.idx.msk $0xffff, v49  }
0x257: {  	v3 =	vmov s1;
	[tilespmem:v57+s30+$0x0] =	vst.idx.msk $0xffff, v55;
	v55 =	vld [tilespmem:$0x1FEE0]  }
0x258: {  	v5 =	vadd.s32 v18, v44;
	v3 =	vshrl.u32 v3, $0x3;
	[tilespmem:v52+s30+$0x0] =	vst.idx.msk $0xffff, v51;
	v10 =	vld [tilespmem:s11+$0x70]  }
0x259: {  	v3 =	vshll.u32 v3, v1;
	v13 =	vld [tilespmem:s11+$0xB0]  }
0x25a: {  	v11 =	vadd.s32 v30, v46;
	v3 =	vbroadcast v3, $0x0;
	v15 =	vld [tilespmem:s11+$0xFFFFFF30]  }
0x25b: {  	v0 =	vshrl.u32 v62, $0x3;
	v52 =	vadd.s32 v27, v42;
	v42 =	vbroadcast v54, $0x0;
	s11 =	sadd.s32 $0x200, s11;
	[tilespmem:v8+s30+$0x0] =	vst.idx.msk $0xffff, v7;
	v8 =	vld [tilespmem:$0x1FFB0]  }
0x25c: {  	v9 =	vshrl.u32 v53, $0x3;
	v0 =	vshll.u32 v0, v1;
	[tilespmem:v60+s30+$0x0] =	vst.idx.msk $0xffff, v58;
	v53 =	vadd.s32 v24, v3;
	v49 =	vld [tilespmem:s11+$0xC0]  }
0x25d: {  	v6 =	vshrl.u32 v63, $0x3;
	v0 =	vbroadcast v0, $0x0;
	[tilespmem:v5+s30+$0x0] =	vst.idx.msk $0xffff, v4;
	v54 =	vld [tilespmem:s11+$0xFFFFFF00];
	v5 =	vadd.s32 v55, v42  }
0x25e: {  	v12 =	vshrl.u32 v56, $0x3;
	v14 =	vadd.s32 v29, v45;
	v6 =	vshll.u32 v6, v1;
	[tilespmem:v61+s30+$0x0] =	vst.idx.msk $0xffff, v59;
	v56 =	vld [tilespmem:s11+$0xFFFFFF40]  }
0x25f: {  	v6 =	vbroadcast v6, $0x0;
	v57 =	vadd.s32 v19, v0;
	v59 =	vld [tilespmem:s11+$0xFFFFFF80];
	[tilespmem:v11+s30+$0x0] =	vst.idx.msk $0xffff, v10  }
0x260: {  	v48 =	vshrl.u32 v48, $0x3;
	v9 =	vshll.u32 v9, v1;
	v62 =	vld [tilespmem:s11+$0xFFFFFFC0];
	[tilespmem:v52+s30+$0x0] =	vst.idx.msk $0xffff, v15  }
0x261: {  	v44 =	vbroadcast v9, $0x0;
	v60 =	vadd.s32 v20, v6;
	v15 =	vld [tilespmem:s11+$0x0];
	v52 =	vshll.u32 v48, v1;
	[tilespmem:v53+s30+$0x0] =	vst.idx.msk $0xffff, v49  }
0x262: {  	v58 =	vshll.u32 v12, v1;
	v45 =	vbroadcast v52, $0x0;
	v53 =	vld [tilespmem:s11+$0xD0];
	[tilespmem:v5+s30+$0x0] =	vst.idx.msk $0xffff, v54;
	v54 =	vadd.s32 v25, v3  }
0x263: {  	v61 =	vshrl.u32 v47, $0x3;
	v63 =	vadd.s32 v28, v44;
	v43 =	vbroadcast v58, $0x0;
	[tilespmem:v14+s30+$0x0] =	vst.idx.msk $0xffff, v13;
	v55 =	vld [tilespmem:s11+$0x40]  }
0x264: {  	v9 =	vshll.u32 v61, v1;
	[tilespmem:v57+s30+$0x0] =	vst.idx.msk $0xffff, v56;
	v57 =	vld [tilespmem:s11+$0x80];
	v58 =	vadd.s32 v23, v45  }
0x265: {  	v46 =	vbroadcast v9, $0x0;
	v51 =	vadd.s32 v16, v43;
	v49 =	vld [tilespmem:$0x1FED0]  }
0x266: {  	[tilespmem:v60+s30+$0x0] =	vst.idx.msk $0xffff, v59;
	v59 =	vld [tilespmem:s11+$0xFFFFFF50]  }
0x267: {  	v56 =	vadd.s32 v17, v46;
	v61 =	vld [tilespmem:s11+$0xFFFFFF90];
	[tilespmem:v54+s30+$0x0] =	vst.idx.msk $0xffff, v53  }
0x268: {  	[tilespmem:v63+s30+$0x0] =	vst.idx.msk $0xffff, v62;
	v5 =	vadd.s32 v8, v3;
	v4 =	vld [tilespmem:s11+$0xE0]  }
0x269: {  	[tilespmem:v58+s30+$0x0] =	vst.idx.msk $0xffff, v57;
	v57 =	vld [tilespmem:$0x1FFF0]  }
0x26a: {  	v60 =	vadd.s32 v32, v0;
	[tilespmem:v51+s30+$0x0] =	vst.idx.msk $0xffff, v15;
	v15 =	vld [tilespmem:s11+$0xFFFFFFD0]  }
0x26b: {  	v51 =	vld [tilespmem:$0x1FF20]  }
0x26c: {  	v62 =	vadd.s32 v33, v6;
	[tilespmem:v56+s30+$0x0] =	vst.idx.msk $0xffff, v55;
	v48 =	vld [tilespmem:s11+$0x10]  }
0x26d: {  	v50 =	vld [tilespmem:s11+$0x50];
	[tilespmem:v5+s30+$0x0] =	vst.idx.msk $0xffff, v4  }
0x26e: {  	v3 =	vadd.s32 v57, v3;
	v4 =	vld [tilespmem:s11+$0xF0]  }
0x26f: {  	[tilespmem:v60+s30+$0x0] =	vst.idx.msk $0xffff, v59;
	v59 =	vld [tilespmem:$0x1FEA0]  }
0x270: {  	v60 =	vld [tilespmem:$0x1FEF0]  }
0x271: {  	[tilespmem:v62+s30+$0x0] =	vst.idx.msk $0xffff, v61;
	v62 =	vld [tilespmem:$0x1FF30]  }
0x272: {  	v63 =	vadd.s32 v22, v44;
	v58 =	vld [tilespmem:$0x1FE70]  }
0x273: {  	[tilespmem:v3+s30+$0x0] =	vst.idx.msk $0xffff, v4;
	v3 =	vld [tilespmem:$0x1FE00]  }
0x274: {  	v52 =	vld [tilespmem:s11+$0x90]  }
0x275: {  	v8 =	vadd.s32 v49, v43;
	v53 =	vld [tilespmem:$0x1FF50]  }
0x276: {  	v54 =	vld [tilespmem:s11+$0xFFFFFF10]  }
0x277: {  	v10 =	vadd.s32 v51, v46;
	[tilespmem:v63+s30+$0x0] =	vst.idx.msk $0xffff, v15;
	v15 =	vld [tilespmem:s11+$0xFFFFFF60]  }
0x278: {  	v55 =	vadd.s32 v26, v42;
	v57 =	vadd.s32 v3, v42;
	v3 =	vld [tilespmem:$0x1FE40]  }
0x279: {  	v56 =	vadd.s32 v31, v0;
	v63 =	vld [tilespmem:$0x1FFD0]  }
0x27a: {  	[tilespmem:v8+s30+$0x0] =	vst.idx.msk $0xffff, v48;
	v8 =	vld [tilespmem:s11+$0xFFFFFFE0];
	v9 =	vadd.s32 v59, v44  }
0x27b: {  	v12 =	vadd.s32 v53, v45;
	v5 =	vld [tilespmem:s11+$0xFFFFFFA0]  }
0x27c: {  	v7 =	vadd.s32 v58, v6;
	[tilespmem:v10+s30+$0x0] =	vst.idx.msk $0xffff, v50;
	v10 =	vld [tilespmem:s11+$0x20]  }
0x27d: {  	p1 =	slt.u32 s12, $0x78;
	s9 =	sadd.s32 $0x5, s12;
	v11 =	vadd.s32 v60, v43;
	[tilespmem:v55+s30+$0x0] =	vst.idx.msk $0xffff, v54;
	v60 =	vadd.s32 v3, v0;
	v0 =	vld [tilespmem:$0x1FFC0]  }
.Ltmp7:
0x27e: {  	s24 =	sadd.s32 $0x6, s12;
	v47 =	vmov s9;
	[tilespmem:v56+s30+$0x0] =	vst.idx.msk $0xffff, v15;
	v55 =	vld [tilespmem:s11+$0xFFFFFF20];
	(pc) =	sbr.rel @p1 .LBB2_13-.Ltmp7, $4  }
0x27f: {  	s6 =	sadd.s32 $0x1, s12;
	s8 =	sadd.s32 $0x4, s12;
	v61 =	vmov s12;
	v48 =	vmov s24;
	v49 =	vld [tilespmem:s11+$0x60];
	[tilespmem:v9+s30+$0x0] =	vst.idx.msk $0xffff, v8  }
0x280: {  	v50 =	vadd.s32 v62, v46;
	v62 =	vmov s6;
	s6 =	sadd.s32 $0x3, s12;
	v56 =	vmov s8;
	v58 =	vld [tilespmem:s11+$0xFFFFFF70];
	[tilespmem:v12+s30+$0x0] =	vst.idx.msk $0xffff, v52  }
0x281: {  	s7 =	sadd.s32 $0x2, s12;
	v53 =	vmov s6;
	v12 =	vshrl.u32 v61, $0x3;
	v52 =	vadd.s32 v63, v45;
	v51 =	vld [tilespmem:s11+$0xA0];
	[tilespmem:v7+s30+$0x0] =	vst.idx.msk $0xffff, v5  }
0x282: {  	s1 =	sadd.s32 $0x7, s12;
	s12 =	sadd.s32 $0x8, s12;
	v63 =	vmov s7;
	v54 =	vshll.u32 v12, v1;
	[tilespmem:v11+s30+$0x0] =	vst.idx.msk $0xffff, v10;
	v59 =	vld [tilespmem:s11+$0xFFFFFFB0];
	v61 =	vadd.s32 v0, v6  }
0x283: {  	_ =	sdelay $0x3  }
0x284: {  	v4 =	vld [tilespmem:s11+$0xFFFFFFF0];
	v5 =	vadd.s32 v18, v44;
	[tilespmem:v57+s30+$0x0] =	vst.idx.msk $0xffff, v55  }
0x285: {  	[tilespmem:v50+s30+$0x0] =	vst.idx.msk $0xffff, v49  }
0x286: {  	[tilespmem:v60+s30+$0x0] =	vst.idx.msk $0xffff, v58  }
0x287: {  	[tilespmem:v52+s30+$0x0] =	vst.idx.msk $0xffff, v51  }
0x288: {  	v0 =	vshrl.u32 v62, $0x3;
	v3 =	vmov s1;
	v6 =	vshrl.u32 v63, $0x3;
	v7 =	vld [tilespmem:s11+$0x30];
	[tilespmem:v61+s30+$0x0] =	vst.idx.msk $0xffff, v59  }
0x289: {  	v8 =	vadd.s32 v21, v43;
	v9 =	vshrl.u32 v53, $0x3;
	v15 =	vbroadcast v54, $0x0;
	v54 =	vld [tilespmem:s11+$0xFFFFFF30];
	[tilespmem:v5+s30+$0x0] =	vst.idx.msk $0xffff, v4  }
0x28a: {  	v42 =	vadd.s32 v27, v42;
	v3 =	vshrl.u32 v3, $0x3;
	v0 =	vshll.u32 v0, v1;
	v51 =	vld [tilespmem:$0x1FEE0]  }
0x28b: {  	v11 =	vadd.s32 v30, v46;
	v3 =	vshll.u32 v3, v1;
	v10 =	vld [tilespmem:s11+$0x70];
	v0 =	vbroadcast v0, $0x0  }
0x28c: {  	v12 =	vshrl.u32 v56, $0x3;
	v14 =	vadd.s32 v29, v45;
	s24 =	sadd.s32 $0x200, s11;
	v3 =	vbroadcast v3, $0x0;
	v13 =	vld [tilespmem:s11+$0xB0]  }
0x28d: {  	v63 =	vshrl.u32 v47, $0x3;
	v6 =	vshll.u32 v6, v1;
	v57 =	vld [tilespmem:s24+$0xFFFFFF40];
	v58 =	vadd.s32 v19, v0  }
0x28e: {  	v44 =	vld [tilespmem:s24+$0xC0];
	v12 =	vshll.u32 v12, v1;
	v6 =	vbroadcast v6, $0x0;
	v45 =	vadd.s32 v24, v3;
	[tilespmem:v8+s30+$0x0] =	vst.idx.msk $0xffff, v7  }
0x28f: {  	v55 =	vld [tilespmem:s24+$0xFFFFFF00];
	v9 =	vshll.u32 v9, v1;
	v12 =	vbroadcast v12, $0x0;
	[tilespmem:v42+s30+$0x0] =	vst.idx.msk $0xffff, v54;
	v56 =	vadd.s32 v51, v15  }
0x290: {  	v46 =	vshll.u32 v63, v1;
	v9 =	vbroadcast v9, $0x0;
	v59 =	vld [tilespmem:s24+$0xFFFFFF80];
	v61 =	vadd.s32 v20, v6;
	[tilespmem:v11+s30+$0x0] =	vst.idx.msk $0xffff, v10  }
0x291: {  	v53 =	vld [tilespmem:s24+$0x0];
	v46 =	vbroadcast v46, $0x0;
	v54 =	vadd.s32 v16, v12;
	[tilespmem:v14+s30+$0x0] =	vst.idx.msk $0xffff, v13  }
0x292: {  	v52 =	vshrl.u32 v48, $0x3;
	v50 =	vadd.s32 v28, v9;
	v13 =	vld [tilespmem:s24+$0xFFFFFFC0];
	[tilespmem:v58+s30+$0x0] =	vst.idx.msk $0xffff, v57  }
0x293: {  	v47 =	vshll.u32 v52, v1;
	v57 =	vld [tilespmem:s24+$0x40];
	v58 =	vadd.s32 v17, v46;
	[tilespmem:v45+s30+$0x0] =	vst.idx.msk $0xffff, v44  }
0x294: {  	v4 =	vbroadcast v47, $0x0;
	[tilespmem:v56+s30+$0x0] =	vst.idx.msk $0xffff, v55;
	v55 =	vld [tilespmem:s24+$0xD0];
	v56 =	vadd.s32 v25, v3  }
0x295: {  	[tilespmem:v61+s30+$0x0] =	vst.idx.msk $0xffff, v59  }
0x296: {  	v59 =	vld [tilespmem:s24+$0x80];
	v61 =	vadd.s32 v23, v4;
	[tilespmem:v54+s30+$0x0] =	vst.idx.msk $0xffff, v53  }
0x297: {  	v48 =	vadd.s32 v32, v0;
	v63 =	vld [tilespmem:s24+$0xFFFFFF50];
	[tilespmem:v50+s30+$0x0] =	vst.idx.msk $0xffff, v13  }
0x298: {  	[tilespmem:v58+s30+$0x0] =	vst.idx.msk $0xffff, v57  }
0x299: {  	v50 =	vld [tilespmem:s24+$0xFFFFFF90];
	[tilespmem:v56+s30+$0x0] =	vst.idx.msk $0xffff, v55  }
0x29a: {  	v52 =	vadd.s32 v33, v6;
	v7 =	vld [tilespmem:$0x1FFB0]  }
0x29b: {  	v54 =	vadd.s32 v22, v9;
	v22 =	vld [tilespmem:$0x1FED0];
	[tilespmem:v61+s30+$0x0] =	vst.idx.msk $0xffff, v59  }
0x29c: {  	v53 =	vld [tilespmem:s24+$0xFFFFFFD0];
	[tilespmem:v48+s30+$0x0] =	vst.idx.msk $0xffff, v63  }
0x29d: {  	v23 =	vmov v33;
	v33 =	vld [tilespmem:$0x1FF20]  }
0x29e: {  	v55 =	vld [tilespmem:s24+$0x10]  }
0x29f: {  	v5 =	vld [tilespmem:s24+$0xE0];
	[tilespmem:v52+s30+$0x0] =	vst.idx.msk $0xffff, v50;
	v7 =	vadd.s32 v7, v3  }
0x2a0: {  	v14 =	vld [tilespmem:$0x1FF50];
	v56 =	vadd.s32 v22, v12;
	_ =	sdelay $0x1  }
0x2a1: {  	v61 =	vld [tilespmem:s24+$0x50];
	v63 =	vadd.s32 v33, v46  }
0x2a2: {  	v48 =	vld [tilespmem:s24+$0x90];
	[tilespmem:v54+s30+$0x0] =	vst.idx.msk $0xffff, v53  }
0x2a3: {  	v50 =	vld [tilespmem:s24+$0xFFFFFF10];
	[tilespmem:v7+s30+$0x0] =	vst.idx.msk $0xffff, v5  }
0x2a4: {  	v58 =	vld [tilespmem:s24+$0xFFFFFF60];
	v14 =	vadd.s32 v14, v4;
	[tilespmem:v56+s30+$0x0] =	vst.idx.msk $0xffff, v55  }
0x2a5: {  	v57 =	vadd.s32 v26, v15;
	v25 =	vmov v26;
	v26 =	vld [tilespmem:$0x1FFF0]  }
0x2a6: {  	v59 =	vadd.s32 v31, v0;
	v54 =	vld [tilespmem:$0x1FE70];
	[tilespmem:v63+s30+$0x0] =	vst.idx.msk $0xffff, v61  }
0x2a7: {  	v11 =	vld [tilespmem:$0x1FEA0]  }
0x2a8: {  	v10 =	vld [tilespmem:s24+$0xFFFFFFE0]  }
0x2a9: {  	v7 =	vld [tilespmem:s24+$0xFFFFFFA0];
	[tilespmem:v14+s30+$0x0] =	vst.idx.msk $0xffff, v48  }
0x2aa: {  	v5 =	vld [tilespmem:s24+$0xF0];
	[tilespmem:v57+s30+$0x0] =	vst.idx.msk $0xffff, v50;
	v3 =	vadd.s32 v26, v3  }
0x2ab: {  	v50 =	vld [tilespmem:$0x1FEF0];
	[tilespmem:v59+s30+$0x0] =	vst.idx.msk $0xffff, v58;
	v8 =	vadd.s32 v54, v6  }
0x2ac: {  	v59 =	vld [tilespmem:$0x1FF30];
	v11 =	vadd.s32 v11, v9  }
0x2ad: {  	v62 =	vmov v18;
	v18 =	vld [tilespmem:$0x1FFD0]  }
0x2ae: {  	v61 =	vld [tilespmem:s24+$0x20]  }
0x2af: {  	v48 =	vld [tilespmem:s24+$0x60];
	[tilespmem:v3+s30+$0x0] =	vst.idx.msk $0xffff, v5  }
0x2b0: {  	v5 =	vld [tilespmem:$0x1FE00];
	[tilespmem:v8+s30+$0x0] =	vst.idx.msk $0xffff, v7  }
0x2b1: {  	v63 =	vadd.s32 v50, v12;
	v8 =	vld [tilespmem:$0x1FE40];
	[tilespmem:v11+s30+$0x0] =	vst.idx.msk $0xffff, v10  }
0x2b2: {  	v52 =	vadd.s32 v59, v46;
	v17 =	vmov v18;
	v55 =	vadd.s32 v18, v4;
	v18 =	vld [tilespmem:$0x1FFC0]  }
0x2b3: {  	v53 =	vld [tilespmem:s24+$0xA0]  }
0x2b4: {  	v9 =	vadd.s32 v62, v9;
	v10 =	vld [tilespmem:s24+$0xFFFFFFF0]  }
0x2b5: {  	v3 =	vld [tilespmem:s24+$0xFFFFFF20];
	v5 =	vadd.s32 v5, v15  }
0x2b6: {  	v56 =	vld [tilespmem:s24+$0xFFFFFF70];
	[tilespmem:v63+s30+$0x0] =	vst.idx.msk $0xffff, v61;
	v0 =	vadd.s32 v8, v0  }
0x2b7: {  	v57 =	vld [tilespmem:s24+$0xFFFFFFB0];
	[tilespmem:v52+s30+$0x0] =	vst.idx.msk $0xffff, v48;
	v6 =	vadd.s32 v18, v6  }
0x2b8: {  	[tilespmem:v55+s30+$0x0] =	vst.idx.msk $0xffff, v53  }
0x2b9: {  	[tilespmem:v9+s30+$0x0] =	vst.idx.msk $0xffff, v10  }
0x2ba: {  	v12 =	vadd.s32 v21, v12;
	v58 =	vld [tilespmem:s24+$0x30];
	[tilespmem:v5+s30+$0x0] =	vst.idx.msk $0xffff, v3  }
0x2bb: {  	v61 =	vadd.s32 v30, v46;
	v3 =	vld [tilespmem:s24+$0x70];
	[tilespmem:v0+s30+$0x0] =	vst.idx.msk $0xffff, v56  }
0x2bc: {  	v4 =	vadd.s32 v29, v4;
	v0 =	vld [tilespmem:s24+$0xB0];
	[tilespmem:v6+s30+$0x0] =	vst.idx.msk $0xffff, v57  }
0x2bd: {  	v63 =	vadd.s32 v27, v15;
	v62 =	vld [tilespmem:s24+$0xFFFFFF30];
	s6 =	rddreg [dreg:$0xe]  }
0x2be: {  	s1 =	sadd.s32 s6, s5  }
0x2bf: {  	[tilespmem:v12+s30+$0x0] =	vst.idx.msk $0xffff, v58;
	s5 =	sshll.u32 s1, $0xA;
	s1 =	sshll.u32 s1, $0x7  }
0x2c0: {  	[tilespmem:v61+s30+$0x0] =	vst.idx.msk $0xffff, v3;
	s5 =	sand.u32 $0x7FFF8000, s5;
	s1 =	sand.u32 $0xF00, s1  }
0x2c1: {  	[tilespmem:v4+s30+$0x0] =	vst.idx.msk $0xffff, v0;
	s1 =	sor.u32 s1, s5  }
0x2c2: {  	[tilespmem:v63+s30+$0x0] =	vst.idx.msk $0xffff, v62;
	s5 =	sadd.s32 s15, s1  }
0x2c3: {  	[hbm4b:s5+s3] =	stream.linear.scatter [tilespmem:s30], [sflag:$0x3], $0x80, $0x38;
	[tilespmem:$0x10280] =	vst v63  }
0x2c4: {  	s7 =	simm.s32 $0xBF08;
	s6 =	sadd.s32 $0x10, s5  }
0x2c5: {  	[hbm4b:s6+s3] =	stream.linear.scatter [tilespmem:s7], [sflag:$0x3], $0x80, $0x38;
	[tilespmem:$0x10280] =	vst v63  }
0x2c6: {  	s8 =	simm.s32 $0xBF90;
	s7 =	sadd.s32 $0x20, s5  }
0x2c7: {  	[hbm4b:s7+s3] =	stream.linear.scatter [tilespmem:s8], [sflag:$0x3], $0x80, $0x38;
	[tilespmem:$0x10280] =	vst v63  }
0x2c8: {  	s11 =	simm.s32 $0xC018;
	s9 =	sadd.s32 $0x30, s5  }
0x2c9: {  	[hbm4b:s9+s3] =	stream.linear.scatter [tilespmem:s11], [sflag:$0x3], $0x80, $0x38;
	[tilespmem:$0x10280] =	vst v63  }
0x2ca: {  	s24 =	simm.s32 $0xC0A0;
	s12 =	sadd.s32 $0x40, s5  }
0x2cb: {  	[hbm4b:s12+s3] =	stream.linear.scatter [tilespmem:s24], [sflag:$0x3], $0x80, $0x38;
	[tilespmem:$0x10280] =	vst v63  }
0x2cc: {  	s7 =	sadd.s32 $0x50, s5;
	s8 =	simm.s32 $0xC128  }
0x2cd: {  	[hbm4b:s7+s3] =	stream.linear.scatter [tilespmem:s8], [sflag:$0x3], $0x80, $0x38;
	[tilespmem:$0x10280] =	vst v63  }
0x2ce: {  	s9 =	sadd.s32 $0x60, s5;
	s11 =	simm.s32 $0xC1B0  }
0x2cf: {  	[hbm4b:s9+s3] =	stream.linear.scatter [tilespmem:s11], [sflag:$0x3], $0x80, $0x38;
	[tilespmem:$0x10280] =	vst v63  }
0x2d0: {  	s5 =	sadd.s32 $0x70, s5;
	s12 =	simm.s32 $0xC238  }
0x2d1: {  	[hbm4b:s5+s3] =	stream.linear.scatter [tilespmem:s12], [sflag:$0x3], $0x80, $0x38;
	[tilespmem:$0x10280] =	vst v63  }
0x2d2: {  	s24 =	simm.s32 $0xC2C0;
	s5 =	sadd.s32 s1, s16  }
0x2d3: {  	[hbm4b:s5+s3] =	stream.linear.scatter [tilespmem:s24], [sflag:$0x3], $0x80, $0x38;
	[tilespmem:$0x10280] =	vst v63  }
0x2d4: {  	s8 =	simm.s32 $0xC348;
	s7 =	sadd.s32 $0x10, s5  }
0x2d5: {  	[hbm4b:s7+s3] =	stream.linear.scatter [tilespmem:s8], [sflag:$0x3], $0x80, $0x38;
	[tilespmem:$0x10280] =	vst v63  }
0x2d6: {  	s11 =	simm.s32 $0xC3D0;
	s9 =	sadd.s32 $0x20, s5  }
0x2d7: {  	[hbm4b:s9+s3] =	stream.linear.scatter [tilespmem:s11], [sflag:$0x3], $0x80, $0x38;
	[tilespmem:$0x10280] =	vst v63  }
0x2d8: {  	s12 =	sadd.s32 $0x30, s5;
	s24 =	simm.s32 $0xC458  }
0x2d9: {  	[hbm4b:s12+s3] =	stream.linear.scatter [tilespmem:s24], [sflag:$0x3], $0x80, $0x38;
	[tilespmem:$0x10280] =	vst v63  }
0x2da: {  	s7 =	sadd.s32 $0x40, s5;
	s8 =	simm.s32 $0xC4E0  }
0x2db: {  	[hbm4b:s7+s3] =	stream.linear.scatter [tilespmem:s8], [sflag:$0x3], $0x80, $0x38;
	[tilespmem:$0x10280] =	vst v63  }
0x2dc: {  	s9 =	sadd.s32 $0x50, s5;
	s11 =	simm.s32 $0xC568  }
0x2dd: {  	[hbm4b:s9+s3] =	stream.linear.scatter [tilespmem:s11], [sflag:$0x3], $0x80, $0x38;
	[tilespmem:$0x10280] =	vst v63  }
0x2de: {  	s12 =	sadd.s32 $0x60, s5;
	s24 =	simm.s32 $0xC5F0  }
0x2df: {  	[hbm4b:s12+s3] =	stream.linear.scatter [tilespmem:s24], [sflag:$0x3], $0x80, $0x38;
	[tilespmem:$0x10280] =	vst v63  }
0x2e0: {  	s5 =	sadd.s32 $0x70, s5;
	s7 =	simm.s32 $0xC678  }
0x2e1: {  	[hbm4b:s5+s3] =	stream.linear.scatter [tilespmem:s7], [sflag:$0x3], $0x80, $0x38;
	[tilespmem:$0x10280] =	vst v63  }
0x2e2: {  	s8 =	simm.s32 $0xC700;
	s5 =	sadd.s32 s1, s17  }
0x2e3: {  	[hbm4b:s5+s3] =	stream.linear.scatter [tilespmem:s8], [sflag:$0x3], $0x80, $0x38;
	[tilespmem:$0x10280] =	vst v63  }
0x2e4: {  	s11 =	simm.s32 $0xC788;
	s9 =	sadd.s32 $0x10, s5  }
0x2e5: {  	[hbm4b:s9+s3] =	stream.linear.scatter [tilespmem:s11], [sflag:$0x3], $0x80, $0x38;
	[tilespmem:$0x10280] =	vst v63  }
0x2e6: {  	s24 =	simm.s32 $0xC810;
	s12 =	sadd.s32 $0x20, s5  }
0x2e7: {  	[hbm4b:s12+s3] =	stream.linear.scatter [tilespmem:s24], [sflag:$0x3], $0x80, $0x38;
	[tilespmem:$0x10280] =	vst v63  }
0x2e8: {  	s7 =	sadd.s32 $0x30, s5;
	s8 =	simm.s32 $0xC898  }
0x2e9: {  	[hbm4b:s7+s3] =	stream.linear.scatter [tilespmem:s8], [sflag:$0x3], $0x80, $0x38;
	[tilespmem:$0x10280] =	vst v63  }
0x2ea: {  	s9 =	sadd.s32 $0x40, s5;
	s11 =	simm.s32 $0xC920  }
0x2eb: {  	[hbm4b:s9+s3] =	stream.linear.scatter [tilespmem:s11], [sflag:$0x3], $0x80, $0x38;
	[tilespmem:$0x10280] =	vst v63  }
0x2ec: {  	s12 =	sadd.s32 $0x50, s5;
	s24 =	simm.s32 $0xC9A8  }
0x2ed: {  	[hbm4b:s12+s3] =	stream.linear.scatter [tilespmem:s24], [sflag:$0x3], $0x80, $0x38;
	[tilespmem:$0x10280] =	vst v63  }
0x2ee: {  	s7 =	sadd.s32 $0x60, s5;
	s8 =	simm.s32 $0xCA30  }
0x2ef: {  	[hbm4b:s7+s3] =	stream.linear.scatter [tilespmem:s8], [sflag:$0x3], $0x80, $0x38;
	[tilespmem:$0x10280] =	vst v63  }
0x2f0: {  	s5 =	sadd.s32 $0x70, s5;
	s9 =	simm.s32 $0xCAB8  }
0x2f1: {  	[hbm4b:s5+s3] =	stream.linear.scatter [tilespmem:s9], [sflag:$0x3], $0x80, $0x38;
	[tilespmem:$0x10280] =	vst v63  }
0x2f2: {  	s11 =	simm.s32 $0xCB40;
	s5 =	sadd.s32 s1, s18  }
0x2f3: {  	[hbm4b:s5+s3] =	stream.linear.scatter [tilespmem:s11], [sflag:$0x3], $0x80, $0x38;
	[tilespmem:$0x10280] =	vst v63  }
0x2f4: {  	s24 =	simm.s32 $0xCBC8;
	s12 =	sadd.s32 $0x10, s5  }
0x2f5: {  	[hbm4b:s12+s3] =	stream.linear.scatter [tilespmem:s24], [sflag:$0x3], $0x80, $0x38;
	[tilespmem:$0x10280] =	vst v63  }
0x2f6: {  	s8 =	simm.s32 $0xCC50;
	s7 =	sadd.s32 $0x20, s5  }
0x2f7: {  	[hbm4b:s7+s3] =	stream.linear.scatter [tilespmem:s8], [sflag:$0x3], $0x80, $0x38;
	[tilespmem:$0x10280] =	vst v63  }
0x2f8: {  	s9 =	sadd.s32 $0x30, s5;
	s11 =	simm.s32 $0xCCD8  }
0x2f9: {  	[hbm4b:s9+s3] =	stream.linear.scatter [tilespmem:s11], [sflag:$0x3], $0x80, $0x38;
	[tilespmem:$0x10280] =	vst v63  }
0x2fa: {  	s12 =	sadd.s32 $0x40, s5;
	s24 =	simm.s32 $0xCD60  }
0x2fb: {  	[hbm4b:s12+s3] =	stream.linear.scatter [tilespmem:s24], [sflag:$0x3], $0x80, $0x38;
	[tilespmem:$0x10280] =	vst v63  }
0x2fc: {  	s7 =	sadd.s32 $0x50, s5;
	s8 =	simm.s32 $0xCDE8  }
0x2fd: {  	[hbm4b:s7+s3] =	stream.linear.scatter [tilespmem:s8], [sflag:$0x3], $0x80, $0x38;
	[tilespmem:$0x10280] =	vst v63  }
0x2fe: {  	s9 =	sadd.s32 $0x60, s5;
	s11 =	simm.s32 $0xCE70  }
0x2ff: {  	[hbm4b:s9+s3] =	stream.linear.scatter [tilespmem:s11], [sflag:$0x3], $0x80, $0x38;
	[tilespmem:$0x10280] =	vst v63  }
0x300: {  	s5 =	sadd.s32 $0x70, s5;
	s12 =	simm.s32 $0xCEF8  }
0x301: {  	[hbm4b:s5+s3] =	stream.linear.scatter [tilespmem:s12], [sflag:$0x3], $0x80, $0x38;
	[tilespmem:$0x10280] =	vst v63  }
0x302: {  	s24 =	simm.s32 $0xCF80;
	s5 =	sadd.s32 s1, s19  }
0x303: {  	[hbm4b:s5+s3] =	stream.linear.scatter [tilespmem:s24], [sflag:$0x3], $0x80, $0x38;
	[tilespmem:$0x10280] =	vst v63  }
0x304: {  	s8 =	simm.s32 $0xD008;
	s7 =	sadd.s32 $0x10, s5  }
0x305: {  	[hbm4b:s7+s3] =	stream.linear.scatter [tilespmem:s8], [sflag:$0x3], $0x80, $0x38;
	[tilespmem:$0x10280] =	vst v63  }
0x306: {  	s11 =	simm.s32 $0xD090;
	s9 =	sadd.s32 $0x20, s5  }
0x307: {  	[hbm4b:s9+s3] =	stream.linear.scatter [tilespmem:s11], [sflag:$0x3], $0x80, $0x38;
	[tilespmem:$0x10280] =	vst v63  }
0x308: {  	s12 =	sadd.s32 $0x30, s5;
	s24 =	simm.s32 $0xD118  }
0x309: {  	[hbm4b:s12+s3] =	stream.linear.scatter [tilespmem:s24], [sflag:$0x3], $0x80, $0x38;
	[tilespmem:$0x10280] =	vst v63  }
0x30a: {  	s7 =	sadd.s32 $0x40, s5;
	s8 =	simm.s32 $0xD1A0  }
0x30b: {  	[hbm4b:s7+s3] =	stream.linear.scatter [tilespmem:s8], [sflag:$0x3], $0x80, $0x38;
	[tilespmem:$0x10280] =	vst v63  }
0x30c: {  	s9 =	sadd.s32 $0x50, s5;
	s11 =	simm.s32 $0xD228  }
0x30d: {  	[hbm4b:s9+s3] =	stream.linear.scatter [tilespmem:s11], [sflag:$0x3], $0x80, $0x38;
	[tilespmem:$0x10280] =	vst v63  }
0x30e: {  	s12 =	sadd.s32 $0x60, s5;
	s24 =	simm.s32 $0xD2B0  }
0x30f: {  	[hbm4b:s12+s3] =	stream.linear.scatter [tilespmem:s24], [sflag:$0x3], $0x80, $0x38;
	[tilespmem:$0x10280] =	vst v63  }
0x310: {  	s5 =	sadd.s32 $0x70, s5;
	s7 =	simm.s32 $0xD338  }
0x311: {  	[hbm4b:s5+s3] =	stream.linear.scatter [tilespmem:s7], [sflag:$0x3], $0x80, $0x38;
	[tilespmem:$0x10280] =	vst v63  }
0x312: {  	s8 =	simm.s32 $0xD3C0;
	s5 =	sadd.s32 s1, s20  }
0x313: {  	[hbm4b:s5+s3] =	stream.linear.scatter [tilespmem:s8], [sflag:$0x3], $0x80, $0x38;
	[tilespmem:$0x10280] =	vst v63  }
0x314: {  	s11 =	simm.s32 $0xD448;
	s9 =	sadd.s32 $0x10, s5  }
0x315: {  	[hbm4b:s9+s3] =	stream.linear.scatter [tilespmem:s11], [sflag:$0x3], $0x80, $0x38;
	[tilespmem:$0x10280] =	vst v63  }
0x316: {  	s24 =	simm.s32 $0xD4D0;
	s12 =	sadd.s32 $0x20, s5  }
0x317: {  	[hbm4b:s12+s3] =	stream.linear.scatter [tilespmem:s24], [sflag:$0x3], $0x80, $0x38;
	[tilespmem:$0x10280] =	vst v63  }
0x318: {  	s7 =	sadd.s32 $0x30, s5;
	s8 =	simm.s32 $0xD558  }
0x319: {  	[hbm4b:s7+s3] =	stream.linear.scatter [tilespmem:s8], [sflag:$0x3], $0x80, $0x38;
	[tilespmem:$0x10280] =	vst v63  }
0x31a: {  	s9 =	sadd.s32 $0x40, s5;
	s11 =	simm.s32 $0xD5E0  }
0x31b: {  	[hbm4b:s9+s3] =	stream.linear.scatter [tilespmem:s11], [sflag:$0x3], $0x80, $0x38;
	[tilespmem:$0x10280] =	vst v63  }
0x31c: {  	s12 =	sadd.s32 $0x50, s5;
	s24 =	simm.s32 $0xD668  }
0x31d: {  	[hbm4b:s12+s3] =	stream.linear.scatter [tilespmem:s24], [sflag:$0x3], $0x80, $0x38;
	[tilespmem:$0x10280] =	vst v63  }
0x31e: {  	s7 =	sadd.s32 $0x60, s5;
	s8 =	simm.s32 $0xD6F0  }
0x31f: {  	[hbm4b:s7+s3] =	stream.linear.scatter [tilespmem:s8], [sflag:$0x3], $0x80, $0x38;
	[tilespmem:$0x10280] =	vst v63  }
0x320: {  	s5 =	sadd.s32 $0x70, s5;
	s9 =	simm.s32 $0xD778  }
0x321: {  	[hbm4b:s5+s3] =	stream.linear.scatter [tilespmem:s9], [sflag:$0x3], $0x80, $0x38;
	[tilespmem:$0x10280] =	vst v63  }
0x322: {  	s11 =	simm.s32 $0xD800;
	s5 =	sadd.s32 s1, s21  }
0x323: {  	[hbm4b:s5+s3] =	stream.linear.scatter [tilespmem:s11], [sflag:$0x3], $0x80, $0x38;
	[tilespmem:$0x10280] =	vst v63  }
0x324: {  	s24 =	simm.s32 $0xD888;
	s12 =	sadd.s32 $0x10, s5  }
0x325: {  	[hbm4b:s12+s3] =	stream.linear.scatter [tilespmem:s24], [sflag:$0x3], $0x80, $0x38;
	[tilespmem:$0x10280] =	vst v63  }
0x326: {  	s8 =	simm.s32 $0xD910;
	s7 =	sadd.s32 $0x20, s5  }
0x327: {  	[hbm4b:s7+s3] =	stream.linear.scatter [tilespmem:s8], [sflag:$0x3], $0x80, $0x38;
	[tilespmem:$0x10280] =	vst v63  }
0x328: {  	s9 =	sadd.s32 $0x30, s5;
	s11 =	simm.s32 $0xD998  }
0x329: {  	[hbm4b:s9+s3] =	stream.linear.scatter [tilespmem:s11], [sflag:$0x3], $0x80, $0x38;
	[tilespmem:$0x10280] =	vst v63  }
0x32a: {  	s12 =	sadd.s32 $0x40, s5;
	s24 =	simm.s32 $0xDA20  }
0x32b: {  	[hbm4b:s12+s3] =	stream.linear.scatter [tilespmem:s24], [sflag:$0x3], $0x80, $0x38;
	[tilespmem:$0x10280] =	vst v63  }
0x32c: {  	s8 =	sadd.s32 $0x50, s5;
	s9 =	simm.s32 $0xDAA8  }
0x32d: {  	[hbm4b:s8+s3] =	stream.linear.scatter [tilespmem:s9], [sflag:$0x3], $0x80, $0x38;
	[tilespmem:$0x10280] =	vst v63  }
0x32e: {  	s11 =	sadd.s32 $0x60, s5;
	s12 =	simm.s32 $0xDB30  }
0x32f: {  	[hbm4b:s11+s3] =	stream.linear.scatter [tilespmem:s12], [sflag:$0x3], $0x80, $0x38;
	[tilespmem:$0x10280] =	vst v63  }
0x330: {  	s5 =	sadd.s32 $0x70, s5;
	s24 =	simm.s32 $0xDBB8  }
0x331: {  	[hbm4b:s5+s3] =	stream.linear.scatter [tilespmem:s24], [sflag:$0x3], $0x80, $0x38;
	[tilespmem:$0x10280] =	vst v63  }
0x332: {  	s6 =	simm.s32 $0xDC40;
	s1 =	sadd.s32 s1, s22  }
0x333: {  	[hbm4b:s1+s3] =	stream.linear.scatter [tilespmem:s6], [sflag:$0x3], $0x80, $0x38;
	[tilespmem:$0x10280] =	vst v63  }
0x334: {  	s7 =	sadd.s32 $0x10, s1;
	s8 =	simm.s32 $0xDCC8  }
0x335: {  	[hbm4b:s7+s3] =	stream.linear.scatter [tilespmem:s8], [sflag:$0x3], $0x80, $0x38;
	[tilespmem:$0x10280] =	vst v63  }
0x336: {  	s9 =	sadd.s32 $0x20, s1;
	s11 =	simm.s32 $0xDD50  }
0x337: {  	[hbm4b:s9+s3] =	stream.linear.scatter [tilespmem:s11], [sflag:$0x3], $0x80, $0x38;
	[tilespmem:$0x10280] =	vst v63  }
0x338: {  	s12 =	sadd.s32 $0x30, s1;
	s24 =	simm.s32 $0xDDD8  }
0x339: {  	[hbm4b:s12+s3] =	stream.linear.scatter [tilespmem:s24], [sflag:$0x3], $0x80, $0x38;
	[tilespmem:$0x10280] =	vst v63  }
0x33a: {  	s6 =	sadd.s32 $0x40, s1;
	s7 =	simm.s32 $0xDE60  }
0x33b: {  	[hbm4b:s6+s3] =	stream.linear.scatter [tilespmem:s7], [sflag:$0x3], $0x80, $0x38;
	[tilespmem:$0x10280] =	vst v63  }
0x33c: {  	p1 =	seq.s32 s25, $0x18;
	s8 =	sadd.s32 $0x50, s1;
	s9 =	simm.s32 $0xDEE8  }
0x33d: {  	[hbm4b:s8+s3] =	stream.linear.scatter [tilespmem:s9], [sflag:$0x3], $0x80, $0x38;
	[tilespmem:$0x10280] =	vst v63  }
.Ltmp8:
0x33e: {  	_ = 	snop;
	(pc) =	sbr.rel @p1 .LBB2_18-.Ltmp8, $4  }
0x33f: {  	s11 =	sadd.s32 $0x60, s1;
	s12 =	simm.s32 $0xDF70  }
0x340: {  	[hbm4b:s11+s3] =	stream.linear.scatter [tilespmem:s12], [sflag:$0x3], $0x80, $0x38;
	[tilespmem:$0x10280] =	vst v63  }
0x341: {  	v49 =	vmovc v19;
	v60 =	vmov v24;
	v19 =	vmov v27;
	v24 =	vmov v20;
	s1 =	sadd.s32 $0x70, s1;
	s24 =	simm.s32 $0xDFF8  }
0x342: {  	v20 =	vmovc v49;
	v16 =	vmovc v51;
	v21 =	vmov v32;
	v27 =	vmov v23;
	v56 =	vmov v31;
	[hbm4b:s1+s3] =	stream.linear.scatter [tilespmem:s24], [sflag:$0x3], $0x80, $0x38;
	[tilespmem:$0x10280] =	vst v63  }
0x343: {  	s1 =	sadd.s32 $0xFFFFFFF8, s2  }
0x344: {  	s5 =	sadd.s32 $0x10F, s1;
	s9 =	sadd.s32 $0x109, s1  }
0x345: {  	s6 =	sadd.s32 $0x10A, s1;
	s11 =	sadd.s32 $0x10B, s1;
	s7 =	sadd.s32 $0x10C, s1  }
0x346: {  	s12 =	sadd.s32 $0x10D, s1;
	s24 =	sadd.s32 $0x10E, s1;
	s1 =	sadd.s32 $0x108, s1  }
0x347: {  	v9 =	vmov s1  }
0x348: {  	v0 =	vmov s5;
	v9 =	vshrl.u32 v9, $0x3  }
0x349: {  	v0 =	vshrl.u32 v0, $0x3;
	v9 =	vshll.u32 v9, v1  }
0x34a: {  	v3 =	vmov s9;
	v0 =	vshll.u32 v0, v1;
	v9 =	vbroadcast v9, $0x0  }
0x34b: {  	v4 =	vmov s6;
	v3 =	vshrl.u32 v3, $0x3;
	v0 =	vadd.s32 $0x7, v0  }
0x34c: {  	v5 =	vmov s11;
	v3 =	vshll.u32 v3, v1;
	v0 =	vbroadcast v0, $0x0  }
0x34d: {  	v6 =	vmov s7;
	v4 =	vshrl.u32 v4, $0x3;
	v3 =	vadd.s32 $0x1, v3  }
0x34e: {  	v7 =	vmov s12;
	v4 =	vshll.u32 v4, v1;
	v3 =	vbroadcast v3, $0x0  }
0x34f: {  	v8 =	vmov s24;
	v5 =	vshrl.u32 v5, $0x3;
	v4 =	vadd.s32 $0x2, v4  }
0x350: {  	v6 =	vshrl.u32 v6, $0x3;
	v5 =	vshll.u32 v5, v1;
	v4 =	vbroadcast v4, $0x0;
	v9 =	vld.idx.msk [tilespmem:v9+s28+$0x0], $0xffff  }
0x351: {  	v7 =	vshrl.u32 v7, $0x3;
	v8 =	vshrl.u32 v8, $0x3;
	v5 =	vadd.s32 $0x3, v5  }
0x352: {  	v6 =	vshll.u32 v6, v1;
	v7 =	vshll.u32 v7, v1;
	v5 =	vbroadcast v5, $0x0;
	v0 =	vld.idx.msk [tilespmem:v0+s28+$0x0], $0xffff  }
0x353: {  	v8 =	vshll.u32 v8, v1;
	v6 =	vadd.s32 $0x4, v6;
	v7 =	vadd.s32 $0x5, v7  }
0x354: {  	v8 =	vadd.s32 $0x6, v8;
	v6 =	vbroadcast v6, $0x0;
	v7 =	vbroadcast v7, $0x0;
	v3 =	vld.idx.msk [tilespmem:v3+s28+$0x0], $0xffff  }
0x355: {  	v8 =	vbroadcast v8, $0x0;
	v63 =	vmul.f32 v9, v34  }
0x356: {  	v4 =	vld.idx.msk [tilespmem:v4+s28+$0x0], $0xffff;
	v62 =	vmul.f32 v9, v36;
	v61 =	vmul.f32 v9, v38  }
0x357: {  	v60 =	vmul.f32 v9, v39;
	v10 =	vmul.f32 v0, v34  }
0x358: {  	v5 =	vld.idx.msk [tilespmem:v5+s28+$0x0], $0xffff;
	v11 =	vmul.f32 v0, v39;
	v12 =	vmul.f32 v0, v36  }
0x359: {  	v0 =	vmul.f32 v0, v38;
	v13 =	vmul.f32 v3, v34  }
0x35a: {  	v6 =	vld.idx.msk [tilespmem:v6+s28+$0x0], $0xffff;
	v14 =	vmul.f32 v3, v36;
	v15 =	vmul.f32 v3, v38  }
0x35b: {  	v3 =	vmul.f32 v3, v39;
	v42 =	vmul.f32 v4, v34  }
0x35c: {  	v7 =	vld.idx.msk [tilespmem:v7+s28+$0x0], $0xffff;
	v43 =	vmul.f32 v4, v36;
	v44 =	vmul.f32 v4, v38  }
0x35d: {  	v8 =	vld.idx.msk [tilespmem:v8+s28+$0x0], $0xffff;
	v4 =	vmul.f32 v4, v39;
	v45 =	vmul.f32 v5, v34  }
0x35e: {  	v46 =	vmul.f32 v5, v36;
	v47 =	vmul.f32 v5, v38  }
0x35f: {  	v5 =	vmul.f32 v5, v39;
	v49 =	vmul.f32 v6, v34;
	v10 =	vadd.f32 v10, v35  }
0x360: {  	v52 =	vmul.f32 v6, v36;
	v11 =	vadd.f32 v11, v41;
	v12 =	vadd.f32 v12, v37  }
0x361: {  	v53 =	vmul.f32 v7, v34;
	v0 =	vadd.f32 v0, v40;
	v13 =	vadd.f32 v13, v35  }
0x362: {  	v32 =	vmul.f32 v8, v36;
	v14 =	vadd.f32 v14, v37;
	v15 =	vadd.f32 v15, v40  }
0x363: {  	v33 =	vmul.f32 v8, v38;
	v3 =	vadd.f32 v3, v41;
	v42 =	vadd.f32 v42, v35  }
0x364: {  	v16 =	vadd.f32 v43, v37;
	v43 =	vmul.f32 v6, v38;
	v6 =	vmul.f32 v6, v39  }
0x365: {  	v57 =	vadd.f32 v44, v40;
	v59 =	vadd.f32 v4, v41;
	v4 =	vmul.f32 v7, v38  }
0x366: {  	s5 =	simm.s32 $0x7F80;
	v58 =	vadd.f32 v45, v35;
	v45 =	vmul.f32 v8, v34;
	v11 =	vmax.f32 v11, $0.0e+00  }
0x367: {  	v44 =	vadd.f32 v46, v37;
	v8 =	vmul.f32 v8, v39;
	v10 =	vmax.f32 v10, $0.0e+00;
	[tilespmem:s5+$0xF0] =	vst v11  }
0x368: {  	v29 =	vmovc v56;
	v48 =	vadd.f32 v47, v40;
	v52 =	vadd.f32 v52, v37;
	v50 =	vmax.f32 v12, $0.0e+00;
	[tilespmem:s5+$0xC0] =	vst v10  }
0x369: {  	v23 =	vmovc v21;
	v56 =	vadd.f32 v53, v35;
	v51 =	vmax.f32 v0, $0.0e+00;
	v0 =	vmul.f32 v7, v36;
	[tilespmem:s5+$0xD0] =	vst v50  }
0x36a: {  	v21 =	vmovc v20;
	v7 =	vmul.f32 v7, v39;
	v46 =	vmax.f32 v13, $0.0e+00;
	v55 =	vadd.f32 v43, v40;
	[tilespmem:s5+$0xE0] =	vst v51  }
0x36b: {  	v20 =	vmovc v54;
	v47 =	vmax.f32 v14, $0.0e+00;
	v54 =	vadd.f32 v6, v41;
	v45 =	vadd.f32 v45, v35;
	[tilespmem:s5+$0xFFFFFF40] =	vst v46  }
0x36c: {  	v43 =	vadd.f32 v32, v37;
	v51 =	vadd.f32 v49, v35;
	[tilespmem:s5+$0xFFFFFF50] =	vst v47;
	v49 =	vmax.f32 v15, $0.0e+00  }
0x36d: {  	v50 =	vadd.f32 v5, v41;
	v53 =	vadd.f32 v0, v37;
	[tilespmem:s5+$0xFFFFFF60] =	vst v49;
	v0 =	vmax.f32 v3, $0.0e+00  }
0x36e: {  	v46 =	vadd.f32 v33, v40;
	v49 =	vadd.f32 v4, v40;
	[tilespmem:s5+$0xFFFFFF70] =	vst v0;
	v0 =	vmax.f32 v42, $0.0e+00  }
0x36f: {  	s10 =	sadd.s32 $0x100, s10;
	s12 =	simm.s32 $0x0;
	s11 =	simm.s32 $0x7F80;
	v47 =	vadd.f32 v7, v41;
	v42 =	vadd.f32 v8, v41;
	[tilespmem:s5+$0xFFFFFF80] =	vst v0;
	v0 =	vmax.f32 v16, $0.0e+00  }
.LBB2_16:
0x370: {  	s1 =	sadd.s32 s12, s2;
	s12 =	sadd.s32 $0x8, s12;
	v3 =	vadd.f32 v63, v35;
	v4 =	vadd.f32 v62, v37;
	[tilespmem:s5+$0xFFFFFF90] =	vst v0;
	v0 =	vmax.f32 v57, $0.0e+00  }
0x371: {  	v5 =	vadd.f32 v61, v40;
	v57 =	vadd.f32 v60, v41;
	s6 =	sadd.s32 $0x109, s1;
	s7 =	sadd.s32 $0x10F, s1;
	p1 =	slt.u32 s12, $0x78;
	[tilespmem:s5+$0xFFFFFFA0] =	vst v0;
	v0 =	vmax.f32 v59, $0.0e+00  }
0x372: {  	s8 =	sadd.s32 $0x10B, s1;
	s9 =	sadd.s32 $0x10C, s1;
	v6 =	vmov s6;
	s6 =	sadd.s32 $0x10A, s1;
	v7 =	vmov s7;
	[tilespmem:s5+$0xFFFFFFB0] =	vst v0;
	v0 =	vmax.f32 v58, $0.0e+00  }
0x373: {  	s7 =	sadd.s32 $0x108, s1;
	v9 =	vmov s8;
	v8 =	vmov s6;
	s6 =	sadd.s32 $0x10D, s1;
	s1 =	sadd.s32 $0x10E, s1;
	v7 =	vshrl.u32 v7, $0x3;
	[tilespmem:s5+$0xFFFFFFC0] =	vst v0  }
0x374: {  	v0 =	vmov s9;
	v10 =	vmov s6;
	v7 =	vshll.u32 v7, v1  }
0x375: {  	v6 =	vshrl.u32 v6, $0x3;
	v11 =	vmov s1;
	v7 =	vadd.s32 $0x7, v7  }
0x376: {  	v9 =	vshrl.u32 v9, $0x3;
	v8 =	vshrl.u32 v8, $0x3;
	v7 =	vbroadcast v7, $0x0  }
0x377: {  	v0 =	vshrl.u32 v0, $0x3;
	v10 =	vshrl.u32 v10, $0x3;
	v11 =	vshrl.u32 v11, $0x3  }
0x378: {  	v12 =	vmov s7;
	v6 =	vshll.u32 v6, v1;
	v8 =	vshll.u32 v8, v1  }
0x379: {  	v9 =	vshll.u32 v9, v1;
	v0 =	vshll.u32 v0, v1;
	v10 =	vshll.u32 v10, v1  }
0x37a: {  	v12 =	vshrl.u32 v12, $0x3;
	v6 =	vadd.s32 $0x1, v6;
	v11 =	vshll.u32 v11, v1  }
0x37b: {  	v9 =	vadd.s32 $0x3, v9;
	v8 =	vadd.s32 $0x2, v8;
	v0 =	vadd.s32 $0x4, v0  }
0x37c: {  	v12 =	vshll.u32 v12, v1;
	v10 =	vadd.s32 $0x5, v10;
	v11 =	vadd.s32 $0x6, v11;
	v7 =	vld.idx.msk [tilespmem:v7+s28+$0x0], $0xffff  }
0x37d: {  	v13 =	vmax.f32 v44, $0.0e+00;
	v6 =	vbroadcast v6, $0x0;
	v8 =	vbroadcast v8, $0x0  }
0x37e: {  	v9 =	vbroadcast v9, $0x0;
	v0 =	vbroadcast v0, $0x0;
	[tilespmem:s5+$0xFFFFFFD0] =	vst v13;
	v13 =	vmax.f32 v48, $0.0e+00  }
0x37f: {  	v10 =	vbroadcast v10, $0x0;
	v11 =	vbroadcast v11, $0x0;
	[tilespmem:s5+$0xFFFFFFE0] =	vst v13;
	v13 =	vmax.f32 v50, $0.0e+00  }
0x380: {  	v14 =	vmax.f32 v52, $0.0e+00;
	v12 =	vbroadcast v12, $0x0;
	[tilespmem:s5+$0xFFFFFFF0] =	vst v13;
	v13 =	vmax.f32 v51, $0.0e+00  }
0x381: {  	v15 =	vmax.f32 v54, $0.0e+00;
	v44 =	vmax.f32 v56, $0.0e+00;
	[tilespmem:s5+$0x0] =	vst v13;
	v13 =	vmax.f32 v55, $0.0e+00  }
0x382: {  	v48 =	vmul.f32 v7, v34;
	v50 =	vmul.f32 v7, v39;
	[tilespmem:s5+$0x10] =	vst v14;
	v14 =	vmax.f32 v53, $0.0e+00  }
0x383: {  	v51 =	vmul.f32 v7, v36;
	v7 =	vmul.f32 v7, v38;
	v6 =	vld.idx.msk [tilespmem:v6+s28+$0x0], $0xffff;
	[tilespmem:s5+$0x20] =	vst v13;
	v13 =	vmax.f32 v49, $0.0e+00  }
0x384: {  	v48 =	vadd.f32 v48, v35;
	v49 =	vadd.f32 v50, v41;
	v8 =	vld.idx.msk [tilespmem:v8+s28+$0x0], $0xffff;
	[tilespmem:s5+$0x30] =	vst v15;
	v15 =	vmax.f32 v47, $0.0e+00  }
0x385: {  	v7 =	vadd.f32 v7, v40;
	v47 =	vadd.f32 v51, v37;
	v9 =	vld.idx.msk [tilespmem:v9+s28+$0x0], $0xffff;
	[tilespmem:s5+$0x40] =	vst v44;
	v44 =	vmax.f32 v45, $0.0e+00  }
0x386: {  	v45 =	vmax.f32 v49, $0.0e+00;
	s5 =	sadd.s32 $0x200, s5;
	v0 =	vld.idx.msk [tilespmem:v0+s28+$0x0], $0xffff;
	[tilespmem:s11+$0x50] =	vst v14;
	v14 =	vmax.f32 v43, $0.0e+00;
	v43 =	vmax.f32 v46, $0.0e+00  }
0x387: {  	v42 =	vmax.f32 v42, $0.0e+00;
	v46 =	vmax.f32 v48, $0.0e+00;
	v47 =	vmax.f32 v47, $0.0e+00;
	v10 =	vld.idx.msk [tilespmem:v10+s28+$0x0], $0xffff;
	[tilespmem:s5+$0xF0] =	vst v45  }
0x388: {  	v3 =	vmax.f32 v3, $0.0e+00;
	v4 =	vmax.f32 v4, $0.0e+00;
	v7 =	vmax.f32 v7, $0.0e+00;
	v11 =	vld.idx.msk [tilespmem:v11+s28+$0x0], $0xffff;
	[tilespmem:s11+$0x60] =	vst v13  }
0x389: {  	v5 =	vmax.f32 v5, $0.0e+00;
	v13 =	vmul.f32 v6, v34;
	v45 =	vmul.f32 v6, v36;
	v12 =	vld.idx.msk [tilespmem:v12+s28+$0x0], $0xffff;
	[tilespmem:s11+$0x70] =	vst v15  }
0x38a: {  	v48 =	vmax.f32 v57, $0.0e+00;
	v15 =	vmul.f32 v6, v38;
	v6 =	vmul.f32 v6, v39;
	[tilespmem:s11+$0x80] =	vst v44  }
0x38b: {  	v49 =	vmul.f32 v8, v36;
	v13 =	vadd.f32 v13, v35;
	v44 =	vmul.f32 v8, v34;
	[tilespmem:s11+$0x90] =	vst v14  }
0x38c: {  	v14 =	vadd.f32 v45, v37;
	v45 =	vmul.f32 v8, v38;
	v8 =	vmul.f32 v8, v39;
	[tilespmem:s11+$0xA0] =	vst v43  }
0x38d: {  	v50 =	vmul.f32 v9, v36;
	v15 =	vadd.f32 v15, v40;
	v43 =	vmul.f32 v9, v34;
	[tilespmem:s11+$0xB0] =	vst v42  }
0x38e: {  	v6 =	vadd.f32 v6, v41;
	v42 =	vmul.f32 v9, v38;
	v9 =	vmul.f32 v9, v39;
	[tilespmem:s5+$0xC0] =	vst v46  }
0x38f: {  	v51 =	vmul.f32 v0, v34;
	v52 =	vmul.f32 v0, v36;
	v46 =	vadd.f32 v44, v35;
	[tilespmem:s5+$0xD0] =	vst v47  }
0x390: {  	v16 =	vadd.f32 v49, v37;
	v47 =	vmul.f32 v0, v38;
	v0 =	vmul.f32 v0, v39;
	[tilespmem:s5+$0xE0] =	vst v7  }
0x391: {  	v57 =	vadd.f32 v45, v40;
	v45 =	vmul.f32 v10, v36;
	v7 =	vmul.f32 v10, v34;
	[tilespmem:s11+$0xFFFFFF00] =	vst v3  }
0x392: {  	v59 =	vadd.f32 v8, v41;
	v8 =	vmul.f32 v10, v39;
	v3 =	vmul.f32 v10, v38;
	[tilespmem:s11+$0xFFFFFF10] =	vst v4  }
0x393: {  	v58 =	vadd.f32 v43, v35;
	v10 =	vmul.f32 v11, v36;
	v4 =	vmul.f32 v11, v34;
	[tilespmem:s11+$0xFFFFFF20] =	vst v5  }
0x394: {  	v44 =	vadd.f32 v50, v37;
	v5 =	vmul.f32 v11, v38;
	v11 =	vmul.f32 v11, v39;
	[tilespmem:s11+$0xFFFFFF30] =	vst v48;
	s11 =	smov.u32 s5  }
0x395: {  	v63 =	vmul.f32 v12, v34;
	v62 =	vmul.f32 v12, v36;
	v48 =	vadd.f32 v42, v40  }
0x396: {  	v61 =	vmul.f32 v12, v38;
	v60 =	vmul.f32 v12, v39;
	v50 =	vadd.f32 v9, v41  }
0x397: {  	v51 =	vadd.f32 v51, v35;
	v52 =	vadd.f32 v52, v37;
	v9 =	vmax.f32 v13, $0.0e+00  }
.Ltmp9:
0x398: {  	v55 =	vadd.f32 v47, v40;
	v54 =	vadd.f32 v0, v41;
	[tilespmem:s5+$0xFFFFFF40] =	vst v9;
	v9 =	vmax.f32 v14, $0.0e+00;
	(pc) =	sbr.rel @p1 .LBB2_16-.Ltmp9, $4  }
0x399: {  	v53 =	vadd.f32 v45, v37;
	v0 =	vmax.f32 v15, $0.0e+00;
	v56 =	vadd.f32 v7, v35;
	[tilespmem:s5+$0xFFFFFF50] =	vst v9  }
0x39a: {  	v47 =	vadd.f32 v8, v41;
	v49 =	vadd.f32 v3, v40;
	[tilespmem:s5+$0xFFFFFF60] =	vst v0;
	v0 =	vmax.f32 v6, $0.0e+00  }
0x39b: {  	v43 =	vadd.f32 v10, v37;
	v45 =	vadd.f32 v4, v35;
	[tilespmem:s5+$0xFFFFFF70] =	vst v0;
	v0 =	vmax.f32 v46, $0.0e+00  }
0x39c: {  	v42 =	vadd.f32 v11, v41;
	v46 =	vadd.f32 v5, v40;
	[tilespmem:s5+$0xFFFFFF80] =	vst v0;
	v0 =	vmax.f32 v16, $0.0e+00  }
0x39d: {  	[tilespmem:s5+$0xFFFFFF90] =	vst v0;
	v0 =	vmax.f32 v57, $0.0e+00  }
0x39e: {  	v3 =	vmax.f32 v52, $0.0e+00;
	[tilespmem:s5+$0xFFFFFFA0] =	vst v0  }
0x39f: {  	v0 =	vmax.f32 v59, $0.0e+00;
	[tilespmem:s5+$0x10] =	vst v3  }
0x3a0: {  	v3 =	vmax.f32 v54, $0.0e+00;
	[tilespmem:s5+$0xFFFFFFB0] =	vst v0  }
0x3a1: {  	v4 =	vmax.f32 v46, $0.0e+00;
	[tilespmem:s5+$0x30] =	vst v3  }
0x3a2: {  	v0 =	vmax.f32 v58, $0.0e+00;
	[tilespmem:s11+$0xA0] =	vst v4  }
0x3a3: {  	[tilespmem:s5+$0xFFFFFFC0] =	vst v0;
	v0 =	vmax.f32 v44, $0.0e+00  }
0x3a4: {  	[tilespmem:s5+$0xFFFFFFD0] =	vst v0;
	v0 =	vmax.f32 v48, $0.0e+00  }
0x3a5: {  	[tilespmem:s5+$0xFFFFFFE0] =	vst v0;
	v0 =	vmax.f32 v50, $0.0e+00  }
0x3a6: {  	[tilespmem:s5+$0xFFFFFFF0] =	vst v0;
	v0 =	vmax.f32 v51, $0.0e+00  }
0x3a7: {  	[tilespmem:s5+$0x0] =	vst v0;
	v0 =	vmax.f32 v55, $0.0e+00  }
0x3a8: {  	[tilespmem:s5+$0x20] =	vst v0;
	v0 =	vmax.f32 v56, $0.0e+00  }
0x3a9: {  	v3 =	vmax.f32 v53, $0.0e+00;
	[tilespmem:s5+$0x40] =	vst v0  }
0x3aa: {  	v0 =	vmax.f32 v49, $0.0e+00;
	[tilespmem:s11+$0x50] =	vst v3  }
0x3ab: {  	v3 =	vmax.f32 v47, $0.0e+00;
	[tilespmem:s11+$0x60] =	vst v0  }
0x3ac: {  	v0 =	vmax.f32 v45, $0.0e+00;
	[tilespmem:s11+$0x70] =	vst v3  }
0x3ad: {  	v3 =	vmax.f32 v43, $0.0e+00;
	[tilespmem:s11+$0x80] =	vst v0;
	v0 =	vadd.f32 v63, v35  }
0x3ae: {  	v5 =	vmax.f32 v42, $0.0e+00;
	[tilespmem:s11+$0x90] =	vst v3;
	v3 =	vadd.f32 v62, v37  }
0x3af: {  	[tilespmem:s11+$0xB0] =	vst v5;
	v62 =	vadd.f32 v61, v40;
	v0 =	vmax.f32 v0, $0.0e+00  }
0x3b0: {  	v63 =	vadd.f32 v60, v41;
	v3 =	vmax.f32 v3, $0.0e+00;
	[tilespmem:s11+$0xFFFFFF00] =	vst v0  }
0x3b1: {  	v0 =	vmax.f32 v62, $0.0e+00;
	[tilespmem:s11+$0xFFFFFF10] =	vst v3  }
0x3b2: {  	v3 =	vmax.f32 v63, $0.0e+00;
	[tilespmem:s11+$0xFFFFFF20] =	vst v0  }
0x3b3: {  	[tilespmem:s11+$0xFFFFFF30] =	vst v3  }
0x3b4: {  	s6 =	simm.s32 $0x7E80;
	s1 =	rddreg [dreg:$0x5]  }
0x3b5: {  	[tilespmem:s6], [sflag:$0x1] =	stream.indirect.gather.add.f32 [hbm:s1], $0x40, s10, s0, $0xb8;
	[tilespmem:$0x10280] =	vst v63  }
0x3b6: {  	s8 =	sadd.s32 $0x1900, s10;
	s5 =	rddreg [dreg:$0x6]  }
0x3b7: {  	v16 =	vld [tilespmem:$0x1FEE0];
	[tilespmem:s6], [sflag:$0x1] =	stream.indirect.gather.add.f32 [hbm:s5], $0x40, s8, s0, $0xb8  }
0x3b8: {  	s9 =	sadd.s32 $0x3200, s10;
	s11 =	rddreg [dreg:$0x7];
	v50 =	vld [tilespmem:$0x1FEF0]  }
0x3b9: {  	v33 =	vld [tilespmem:$0x1FF20];
	[tilespmem:s6], [sflag:$0x1] =	stream.indirect.gather.add.f32 [hbm:s11], $0x40, s9, s0, $0xb8  }
0x3ba: {  	s12 =	sadd.s32 $0x4B00, s10;
	s24 =	rddreg [dreg:$0x8];
	v59 =	vld [tilespmem:$0x1FF30]  }
0x3bb: {  	v54 =	vmovc v20;
	v20 =	vmov v21;
	v21 =	vmov v23;
	v56 =	vmov v29;
	v60 =	vld [tilespmem:$0x1FF80];
	[tilespmem:s6], [sflag:$0x1] =	stream.indirect.gather.add.f32 [hbm:s24], $0x40, s12, s0, $0xb8  }
.LBB2_18:
0x3bc: {  	_ =	swait.ge [sflag:s13], $0x2000  }
0x3bd: {  	[sflag:s13] =	ssyncset.done $0x0  }
0x3be: {  	[sflag:s13] =	ssyncadd.s32 $0xFFFFE000  }
0x3bf: {  	_ =	swait.ge [sflag:s13], $0x2000  }
0x3c0: {  	[sflag:s13] =	ssyncset.done $0x0  }
0x3c1: {  	[sflag:s13] =	ssyncadd.s32 $0xFFFFE000  }
0x3c2: {  	_ =	swait.ge [sflag:s13], $0x2000  }
.Ltmp10:
0x3c3: {  	[sflag:s13] =	ssyncset.done $0x0;
	(pc) =	sbr.rel .LBB2_19-.Ltmp10, $4  }
0x3c4: {  	[sflag:s13] =	ssyncadd.s32 $0xFFFFE000  }
0x3c5: {  	_ =	swait.ge [sflag:s13], $0x2000  }
0x3c6: {  	s5 =	simm.s32 $0x0;
	[sflag:s13] =	ssyncset.done $0x0  }
0x3c7: {  	s10 =	simm.s32 $0x9E80;
	s11 =	smov.u32 s23;
	v28 =	vld [tilespmem:$0x1FF60];
	[sflag:s13] =	ssyncadd.s32 $0xFFFFE000  }
.LBB2_22:
0x3c8: {  	v3 =	vadd.s32 $0x1900, v43;
	v4 =	vadd.f32 v44, v45;
	_ =	sdelay $0x1  }
0x3c9: {  	v0 =	vadd.f32 v0, v4  }
0x3ca: {  	v13 =	vadd.s32 $0x3200, v43  }
0x3cb: {  	[tilespmem:s8+$0x30] =	vst.add.f32.msk $0xffff, v0  }
0x3cc: {  	v0 =	vld.idx.msk [tilespmem:v3+s3+$0x0], $0xffff  }
0x3cd: {  	v3 =	vadd.s32 $0x4B00, v43;
	v5 =	vld.idx.msk [tilespmem:v42+s3+$0x0], $0xffff  }
0x3ce: {  	v6 =	vld [tilespmem:$0x7DC0]  }
0x3cf: {  	v4 =	vld.idx.msk [tilespmem:v13+s3+$0x0], $0xffff  }
0x3d0: {  	v7 =	vld [tilespmem:$0x7D80]  }
0x3d1: {  	v8 =	vld [tilespmem:$0x7E00]  }
0x3d2: {  	v3 =	vld.idx.msk [tilespmem:v3+s3+$0x0], $0xffff  }
0x3d3: {  	vm0 =	veq.s32 v0, $0x0;
	vm1 =	veq.s32 v5, $0x0  }
0x3d4: {  	v9 =	vld [tilespmem:$0x7E40];
	v0 =	vsel vm0, $0xBF800000, v2;
	v5 =	vsel vm1, $0xBF800000, v2  }
0x3d5: {  	vm14 =	veq.s32 v4, $0x0;
	v14 =	vmul.f32 v7, v5;
	v6 =	vmul.f32 v6, v0  }
0x3d6: {  	v32 =	vsel vm14, $0xBF800000, v2  }
0x3d7: {  	v42 =	vmul.f32 v8, v32;
	vm15 =	veq.s32 v3, $0x0;
	v3 =	vadd.f32 v6, v14  }
0x3d8: {  	v43 =	vsel vm15, $0xBF800000, v2  }
0x3d9: {  	v3 =	vadd.f32 v42, v3;
	v44 =	vmul.f32 v9, v43;
	_ =	sdelay $0x1  }
0x3da: {  	s1 =	sshra.s32 s1, $0x2;
	v3 =	vadd.f32 v44, v3  }
0x3db: {  	s1 =	sadd.s32 s1, s10  }
0x3dc: {  	[tilespmem:s1+$0x0] =	vst.add.f32.msk $0xffff, v3  }
0x3dd: {  	v3 =	vld [tilespmem:$0x7D90]  }
0x3de: {  	v45 =	vld [tilespmem:$0x7DD0];
	_ =	sdelay $0x1  }
0x3df: {  	v46 =	vld [tilespmem:$0x7E10];
	_ =	sdelay $0x1  }
0x3e0: {  	v47 =	vld [tilespmem:$0x7E50]  }
0x3e1: {  	v3 =	vmul.f32 v3, v5;
	v4 =	vmul.f32 v45, v0;
	_ =	sdelay $0x1  }
0x3e2: {  	v48 =	vmul.f32 v46, v32;
	v3 =	vadd.f32 v4, v3;
	_ =	sdelay $0x1  }
0x3e3: {  	v49 =	vmul.f32 v47, v43;
	v3 =	vadd.f32 v48, v3;
	_ =	sdelay $0x1  }
0x3e4: {  	v3 =	vadd.f32 v49, v3;
	_ =	sdelay $0x1  }
0x3e5: {  	[tilespmem:s1+$0x10] =	vst.add.f32.msk $0xffff, v3  }
0x3e6: {  	v3 =	vld [tilespmem:$0x7DA0]  }
0x3e7: {  	v51 =	vld [tilespmem:$0x7DE0];
	_ =	sdelay $0x1  }
0x3e8: {  	v52 =	vld [tilespmem:$0x7E20];
	_ =	sdelay $0x1  }
0x3e9: {  	v53 =	vld [tilespmem:$0x7E60]  }
0x3ea: {  	v3 =	vmul.f32 v3, v5;
	v4 =	vmul.f32 v51, v0;
	_ =	sdelay $0x1  }
0x3eb: {  	v55 =	vmul.f32 v52, v32;
	v3 =	vadd.f32 v4, v3;
	_ =	sdelay $0x1  }
0x3ec: {  	v57 =	vmul.f32 v53, v43;
	v3 =	vadd.f32 v55, v3;
	_ =	sdelay $0x1  }
0x3ed: {  	v3 =	vadd.f32 v57, v3;
	_ =	sdelay $0x1  }
0x3ee: {  	[tilespmem:s1+$0x20] =	vst.add.f32.msk $0xffff, v3  }
0x3ef: {  	v3 =	vld [tilespmem:$0x7DB0]  }
0x3f0: {  	v58 =	vld [tilespmem:$0x7DF0];
	_ =	sdelay $0x1  }
0x3f1: {  	v61 =	vld [tilespmem:$0x7E30];
	_ =	sdelay $0x1  }
0x3f2: {  	v62 =	vld [tilespmem:$0x7E70]  }
0x3f3: {  	v3 =	vmul.f32 v3, v5;
	v0 =	vmul.f32 v58, v0;
	_ =	sdelay $0x1  }
0x3f4: {  	v63 =	vmul.f32 v61, v32;
	v0 =	vadd.f32 v0, v3;
	_ =	sdelay $0x1  }
0x3f5: {  	v3 =	vmul.f32 v62, v43;
	v0 =	vadd.f32 v63, v0;
	_ =	sdelay $0x1  }
0x3f6: {  	v0 =	vadd.f32 v3, v0;
	_ =	sdelay $0x1  }
0x3f7: {  	[tilespmem:s1+$0x30] =	vst.add.f32.msk $0xffff, v0  }
.LBB2_23:
0x3f8: {  	s5 =	sadd.s32 $0x1, s5  }
0x3f9: {  	p1 =	sne.s32 s5, $0x8  }
.Ltmp11:
0x3fa: {  	_ = 	snop;
	(pc) =	sbr.rel @!p1 .LBB2_24-.Ltmp11, $2  }
0x3fb: {  	_ =	sdelay $0x2  }
0x3fc: {  	s11 =	sadd.s32 $0x10, s11;
	s10 =	sadd.s32 $0x400, s10  }
.LBB2_19:
0x3fd: {  	s1 =	sshll.u32 s5, $0x4  }
0x3fe: {  	s1 =	sor.u32 s4, s1  }
0x3ff: {  	v0 =	vld [tilespmem:s1+$0x0]  }
0x400: {  	v3 =	vld [tilespmem:s1+$0x1900]  }
0x401: {  	v4 =	vld [tilespmem:s1+$0x3200]  }
0x402: {  	v5 =	vld [tilespmem:s1+$0x4B00];
	_ =	sdelay $0x2  }
0x403: {  	vm0 =	veq.s32 v0, $0x0;
	vm1 =	veq.s32 v3, $0x0  }
0x404: {  	vm14 =	veq.s32 v4, $0x0;
	vm0 =	vmor vm0, vm1  }
0x405: {  	vm15 =	veq.s32 v5, $0x0;
	vm0 =	vmor vm0, vm14  }
0x406: {  	vm0 =	vmor vm0, vm15  }
0x407: {  	v0 =	vsel vm0, $0x3F800000, v2  }
0x408: {  	(xrf0) =	vmax.scan.msk.f32 $0xffff, v0;
	_ =	sdelay $0x5  }
0x409: {  	v0, _, _ =	vpop (xrf0)  }
0x40a: {  	(v2sf) =	vpush v0, $0xF;
	_ =	sdelay $0xe  }
0x40b: {  	s24 =	spop (v2sf)  }
0x40c: {  	p1 =	sgt.f32 s24, $0.0e+00  }
.Ltmp12:
0x40d: {  	_ = 	snop;
	(pc) =	sbr.rel @!p1 .LBB2_23-.Ltmp12, $1  }
0x40e: {  	_ =	sdelay $0x3  }
0x40f: {  	v0 =	vmov s11  }
0x410: {  	v3 =	vand.u32 $0x7FFFFFFF, v0  }
0x411: {  	v4 =	vadd.s32 $0x1900, v3;
	_ =	sdelay $0x1  }
0x412: {  	v5 =	vadd.s32 $0x3200, v3  }
0x413: {  	v6 =	vld [tilespmem:$0x7DC0]  }
0x414: {  	v3 =	vadd.s32 $0x4B00, v3;
	v0 =	vld.idx.msk [tilespmem:v0+s3+$0x0], $0xffff  }
0x415: {  	v4 =	vld.idx.msk [tilespmem:v4+s3+$0x0], $0xffff  }
0x416: {  	v7 =	vld [tilespmem:$0x7D80]  }
0x417: {  	v5 =	vld.idx.msk [tilespmem:v5+s3+$0x0], $0xffff  }
0x418: {  	v8 =	vld [tilespmem:$0x7E00]  }
0x419: {  	v3 =	vld.idx.msk [tilespmem:v3+s3+$0x0], $0xffff  }
0x41a: {  	vm1 =	veq.s32 v0, $0x0;
	vm0 =	veq.s32 v4, $0x0  }
0x41b: {  	v9 =	vld [tilespmem:$0x7E40];
	v44 =	vsel vm1, $0xBF800000, v2;
	v0 =	vsel vm0, $0xBF800000, v2  }
0x41c: {  	vm14 =	veq.s32 v5, $0x0;
	v12 =	vmul.f32 v7, v44;
	v6 =	vmul.f32 v6, v0  }
0x41d: {  	v13 =	vsel vm14, $0xBF800000, v2  }
0x41e: {  	vm15 =	veq.s32 v3, $0x0;
	v14 =	vmul.f32 v8, v13;
	v3 =	vadd.f32 v6, v12  }
0x41f: {  	v32 =	vsel vm15, $0xBF800000, v2  }
0x420: {  	v45 =	vmul.f32 v9, v32;
	v3 =	vadd.f32 v14, v3;
	_ =	sdelay $0x1  }
0x421: {  	v3 =	vadd.f32 v45, v3  }
0x422: {  	s8 =	sadd.s32 $0x0, s10  }
0x423: {  	[tilespmem:s8+$0x0] =	vst.add.f32.msk $0xffff, v3  }
0x424: {  	v3 =	vld [tilespmem:$0x7D90]  }
0x425: {  	v46 =	vld [tilespmem:$0x7DD0];
	_ =	sdelay $0x1  }
0x426: {  	v47 =	vld [tilespmem:$0x7E10];
	_ =	sdelay $0x1  }
0x427: {  	v48 =	vld [tilespmem:$0x7E50]  }
0x428: {  	v3 =	vmul.f32 v3, v44;
	v5 =	vmul.f32 v46, v0;
	_ =	sdelay $0x1  }
0x429: {  	v49 =	vmul.f32 v47, v13;
	v3 =	vadd.f32 v5, v3;
	_ =	sdelay $0x1  }
0x42a: {  	v51 =	vmul.f32 v48, v32;
	v3 =	vadd.f32 v49, v3;
	_ =	sdelay $0x1  }
0x42b: {  	v3 =	vadd.f32 v51, v3;
	_ =	sdelay $0x1  }
0x42c: {  	[tilespmem:s8+$0x10] =	vst.add.f32.msk $0xffff, v3  }
0x42d: {  	v3 =	vld [tilespmem:$0x7DA0]  }
0x42e: {  	v52 =	vld [tilespmem:$0x7DE0];
	_ =	sdelay $0x1  }
0x42f: {  	v53 =	vld [tilespmem:$0x7E20];
	_ =	sdelay $0x1  }
0x430: {  	v55 =	vld [tilespmem:$0x7E60]  }
0x431: {  	v3 =	vmul.f32 v3, v44;
	v5 =	vmul.f32 v52, v0;
	_ =	sdelay $0x1  }
0x432: {  	v57 =	vmul.f32 v53, v13;
	v3 =	vadd.f32 v5, v3;
	_ =	sdelay $0x1  }
0x433: {  	v58 =	vmul.f32 v55, v32;
	v3 =	vadd.f32 v57, v3;
	_ =	sdelay $0x1  }
0x434: {  	v3 =	vadd.f32 v58, v3;
	_ =	sdelay $0x1  }
0x435: {  	[tilespmem:s8+$0x20] =	vst.add.f32.msk $0xffff, v3  }
0x436: {  	v3 =	vld [tilespmem:$0x7DB0]  }
0x437: {  	v61 =	vld [tilespmem:$0x7DF0];
	_ =	sdelay $0x1  }
0x438: {  	v62 =	vld [tilespmem:$0x7E30]  }
0x439: {  	v63 =	vld [tilespmem:$0x7E70];
	_ =	sdelay $0x1  }
0x43a: {  	v3 =	vmul.f32 v3, v44;
	v0 =	vmul.f32 v61, v0  }
0x43b: {  	s6 =	sadd.s32 $0x1, s11  }
0x43c: {  	v42 =	vmov s6;
	v44 =	vmul.f32 v62, v13;
	v45 =	vadd.f32 v0, v3  }
0x43d: {  	s1 =	simm.s32 $0x100;
	s7 =	simm.s32 $0x200;
	v43 =	vand.u32 $0x7FFFFFFF, v42;
	v0 =	vmul.f32 v63, v32  }
.LBB2_21:
0x43e: {  	p1 =	sne.s32 s7, $0xF00;
	v3 =	vadd.s32 $0x1900, v43;
	v4 =	vadd.f32 v44, v45;
	s9 =	smov.u32 s7;
	s7 =	sadd.s32 $0x100, s7  }
0x43f: {  	_ = 	snop  }
0x440: {  	v0 =	vadd.f32 v0, v4  }
0x441: {  	v4 =	vadd.s32 $0x3200, v43  }
0x442: {  	[tilespmem:s8+$0x30] =	vst.add.f32.msk $0xffff, v0  }
0x443: {  	v0 =	vld.idx.msk [tilespmem:v3+s3+$0x0], $0xffff;
	v3 =	vadd.s32 $0x4B00, v43  }
0x444: {  	v5 =	vld.idx.msk [tilespmem:v42+s3+$0x0], $0xffff  }
0x445: {  	v6 =	vld [tilespmem:$0x7DC0]  }
0x446: {  	v4 =	vld.idx.msk [tilespmem:v4+s3+$0x0], $0xffff  }
0x447: {  	v7 =	vld [tilespmem:$0x7D80]  }
0x448: {  	v3 =	vld.idx.msk [tilespmem:v3+s3+$0x0], $0xffff  }
0x449: {  	vm0 =	veq.s32 v0, $0x0;
	v0 =	vld [tilespmem:$0x7E00]  }
0x44a: {  	vm1 =	veq.s32 v5, $0x0;
	v5 =	vsel vm0, $0xBF800000, v2  }
0x44b: {  	v8 =	vsel vm1, $0xBF800000, v2;
	v9 =	vld [tilespmem:$0x7E40]  }
0x44c: {  	v6 =	vmul.f32 v6, v5;
	vm0 =	veq.s32 v4, $0x0;
	v4 =	vmul.f32 v7, v8  }
0x44d: {  	v7 =	vsel vm0, $0xBF800000, v2  }
0x44e: {  	vm0 =	veq.s32 v3, $0x0;
	v3 =	vadd.f32 v6, v4;
	v0 =	vmul.f32 v0, v7  }
0x44f: {  	v4 =	vsel vm0, $0xBF800000, v2  }
0x450: {  	v0 =	vadd.f32 v0, v3;
	v3 =	vmul.f32 v9, v4;
	_ =	sdelay $0x1  }
0x451: {  	s8 =	sshra.s32 s1, $0x2;
	s1 =	smov.u32 s9;
	v0 =	vadd.f32 v3, v0  }
0x452: {  	s8 =	sadd.s32 s8, s10  }
0x453: {  	[tilespmem:s8+$0x0] =	vst.add.f32.msk $0xffff, v0  }
0x454: {  	v0 =	vld [tilespmem:$0x7D90]  }
0x455: {  	v3 =	vld [tilespmem:$0x7DD0];
	_ =	sdelay $0x1  }
0x456: {  	v6 =	vld [tilespmem:$0x7E10];
	_ =	sdelay $0x1  }
0x457: {  	v0 =	vmul.f32 v0, v8;
	v9 =	vld [tilespmem:$0x7E50]  }
0x458: {  	v3 =	vmul.f32 v3, v5;
	_ =	sdelay $0x1  }
0x459: {  	v0 =	vadd.f32 v3, v0;
	v3 =	vmul.f32 v6, v7;
	_ =	sdelay $0x1  }
0x45a: {  	v0 =	vadd.f32 v3, v0;
	v3 =	vmul.f32 v9, v4;
	_ =	sdelay $0x1  }
0x45b: {  	v0 =	vadd.f32 v3, v0;
	_ =	sdelay $0x1  }
0x45c: {  	[tilespmem:s8+$0x10] =	vst.add.f32.msk $0xffff, v0  }
0x45d: {  	v0 =	vld [tilespmem:$0x7DA0]  }
0x45e: {  	v3 =	vld [tilespmem:$0x7DE0];
	_ =	sdelay $0x1  }
0x45f: {  	v6 =	vld [tilespmem:$0x7E20];
	_ =	sdelay $0x1  }
0x460: {  	v0 =	vmul.f32 v0, v8;
	v9 =	vld [tilespmem:$0x7E60]  }
0x461: {  	v3 =	vmul.f32 v3, v5;
	_ =	sdelay $0x1  }
0x462: {  	v0 =	vadd.f32 v3, v0;
	v3 =	vmul.f32 v6, v7;
	_ =	sdelay $0x1  }
0x463: {  	v0 =	vadd.f32 v3, v0;
	v3 =	vmul.f32 v9, v4;
	_ =	sdelay $0x1  }
0x464: {  	v0 =	vadd.f32 v3, v0;
	_ =	sdelay $0x1  }
0x465: {  	[tilespmem:s8+$0x20] =	vst.add.f32.msk $0xffff, v0  }
0x466: {  	v0 =	vld [tilespmem:$0x7DB0]  }
0x467: {  	v3 =	vld [tilespmem:$0x7DF0]  }
0x468: {  	v6 =	vld [tilespmem:$0x7E30]  }
0x469: {  	v9 =	vld [tilespmem:$0x7E70];
	_ =	sdelay $0x1  }
.Ltmp13:
0x46a: {  	v0 =	vmul.f32 v0, v8;
	(pc) =	sbr.rel @p1 .LBB2_21-.Ltmp13, $4  }
0x46b: {  	v3 =	vmul.f32 v3, v5  }
0x46c: {  	s6 =	sadd.s32 $0x1, s6;
	v44 =	vmul.f32 v6, v7  }
0x46d: {  	v42 =	vmov s6;
	v45 =	vadd.f32 v3, v0  }
0x46e: {  	v43 =	vand.u32 $0x7FFFFFFF, v42;
	v0 =	vmul.f32 v9, v4  }
.Ltmp14:
0x46f: {  	_ = 	snop;
	(pc) =	sbr.rel .LBB2_22-.Ltmp14, $1  }
0x470: {  	_ =	sdelay $0x3  }
.LBB2_24:
0x471: {  	s1 =	simm.s32 @!p0 $0x4  }
0x472: {  	_ =	swait.ge @!p0 [sflag:s1], $0x400  }
0x473: {  	[sflag:s1] =	ssyncset.done @!p0 $0x0  }
0x474: {  	[sflag:s1] =	ssyncadd.s32 @!p0 $0xFFFFFC00  }
0x475: {  	_ =	swait.ge @!p0 [sflag:s1], $0x400  }
0x476: {  	[sflag:s1] =	ssyncset.done @!p0 $0x0  }
0x477: {  	[sflag:s1] =	ssyncadd.s32 @!p0 $0xFFFFFC00  }
0x478: {  	_ =	swait.ge @!p0 [sflag:s1], $0x400  }
0x479: {  	[sflag:s1] =	ssyncset.done @!p0 $0x0  }
0x47a: {  	[sflag:s1] =	ssyncadd.s32 @!p0 $0xFFFFFC00  }
0x47b: {  	_ =	swait.ge @!p0 [sflag:s1], $0x400  }
0x47c: {  	[sflag:s1] =	ssyncset.done @!p0 $0x0  }
0x47d: {  	[sflag:s1] =	ssyncadd.s32 @!p0 $0xFFFFFC00  }
0x47e: {  	_ =	swait.ge @!p0 [sflag:s1], $0x400  }
0x47f: {  	[sflag:s1] =	ssyncset.done @!p0 $0x0  }
0x480: {  	[sflag:s1] =	ssyncadd.s32 @!p0 $0xFFFFFC00  }
0x481: {  	_ =	swait.ge @!p0 [sflag:s1], $0x400  }
0x482: {  	[sflag:s1] =	ssyncset.done @!p0 $0x0  }
0x483: {  	[sflag:s1] =	ssyncadd.s32 @!p0 $0xFFFFFC00  }
0x484: {  	s12 =	simm.s32 $0x7;
	_ =	swait.ge @!p0 [sflag:s1], $0x400  }
0x485: {  	s4 =	simm.s32 $0x0;
	v7 =	vmov s12;
	[sflag:s1] =	ssyncset.done @!p0 $0x0  }
0x486: {  	s10 =	simm.s32 $0x1;
	v0 =	vmov s4;
	v7 =	vshrl.u32 v7, $0x3;
	[sflag:s1] =	ssyncadd.s32 @!p0 $0xFFFFFC00  }
0x487: {  	v3 =	vmov s10;
	v0 =	vshrl.u32 v0, $0x3;
	v7 =	vshll.u32 v7, v1;
	_ =	swait.ge @!p0 [sflag:s1], $0x400  }
0x488: {  	v3 =	vshrl.u32 v3, $0x3;
	v0 =	vshll.u32 v0, v1;
	v7 =	vbroadcast v7, $0x0;
	[sflag:s1] =	ssyncset.done @!p0 $0x0  }
0x489: {  	s4 =	simm.s32 $0x9F80;
	v42 =	vbroadcast v0, $0x0;
	v0 =	vshll.u32 v3, v1;
	[sflag:s1] =	ssyncadd.s32 @!p0 $0xFFFFFC00  }
0x48a: {  	v0 =	vbroadcast v0, $0x0;
	v10 =	vadd.s32 v60, v7;
	v57 =	vld [tilespmem:s4+$0xC0]  }
0x48b: {  	v12 =	vadd.s32 v16, v42;
	v11 =	vld [tilespmem:s4+$0xFFFFFF00]  }
0x48c: {  	v14 =	vadd.s32 v20, v0;
	v13 =	vld [tilespmem:s4+$0xFFFFFF40]  }
0x48d: {  	s5 =	simm.s32 $0x2  }
0x48e: {  	s6 =	simm.s32 $0x3;
	s11 =	simm.s32 $0x4;
	v4 =	vmov s5;
	v31 =	vld [tilespmem:$0x1FE80]  }
0x48f: {  	s24 =	simm.s32 $0x5;
	v5 =	vmov s6;
	v6 =	vmov s11;
	v4 =	vshrl.u32 v4, $0x3;
	v32 =	vld [tilespmem:$0x1FEC0];
	[tilespmem:v10+s14+$0x0] =	vst.idx.msk $0xffff, v57  }
0x490: {  	v8 =	vmov s24;
	v5 =	vshrl.u32 v5, $0x3;
	v3 =	vshll.u32 v4, v1;
	[tilespmem:v12+s14+$0x0] =	vst.idx.msk $0xffff, v11  }
0x491: {  	s6 =	simm.s32 $0x6;
	v6 =	vshrl.u32 v6, $0x3;
	v5 =	vshll.u32 v5, v1;
	v3 =	vbroadcast v3, $0x0;
	v52 =	vld [tilespmem:$0x1FF90];
	[tilespmem:v14+s14+$0x0] =	vst.idx.msk $0xffff, v13  }
0x492: {  	v9 =	vmov s6;
	v58 =	vshll.u32 v6, v1;
	v44 =	vbroadcast v5, $0x0;
	v10 =	vld [tilespmem:$0x1FF10]  }
0x493: {  	v62 =	vshrl.u32 v8, $0x3;
	v43 =	vbroadcast v58, $0x0;
	v15 =	vadd.s32 v24, v3;
	v61 =	vld [tilespmem:s4+$0xFFFFFF80]  }
0x494: {  	v9 =	vshrl.u32 v9, $0x3;
	v5 =	vshll.u32 v62, v1;
	v63 =	vld [tilespmem:s4+$0xFFFFFFC0];
	v16 =	vadd.s32 v31, v44  }
0x495: {  	v51 =	vshll.u32 v9, v1;
	v46 =	vbroadcast v5, $0x0;
	v47 =	vld [tilespmem:s4+$0x0];
	v48 =	vadd.s32 v32, v43  }
0x496: {  	v45 =	vbroadcast v51, $0x0;
	v4 =	vld [tilespmem:s4+$0xD0];
	v5 =	vadd.s32 v52, v7  }
0x497: {  	v53 =	vld [tilespmem:s4+$0x40];
	v10 =	vadd.s32 v10, v46  }
0x498: {  	v55 =	vld [tilespmem:s4+$0x80];
	v57 =	vadd.s32 v28, v45;
	[tilespmem:v15+s14+$0x0] =	vst.idx.msk $0xffff, v61  }
0x499: {  	v58 =	vld [tilespmem:s4+$0xFFFFFF50];
	v61 =	vadd.s32 v21, v0;
	[tilespmem:v16+s14+$0x0] =	vst.idx.msk $0xffff, v63  }
0x49a: {  	v62 =	vld [tilespmem:s4+$0xFFFFFF90];
	v63 =	vadd.s32 v27, v3;
	[tilespmem:v48+s14+$0x0] =	vst.idx.msk $0xffff, v47  }
0x49b: {  	v29 =	vld [tilespmem:$0x1FE90];
	[tilespmem:v5+s14+$0x0] =	vst.idx.msk $0xffff, v4  }
0x49c: {  	[tilespmem:v10+s14+$0x0] =	vst.idx.msk $0xffff, v53  }
0x49d: {  	v5 =	vld [tilespmem:$0x1FFB0];
	[tilespmem:v57+s14+$0x0] =	vst.idx.msk $0xffff, v55  }
0x49e: {  	[tilespmem:v61+s14+$0x0] =	vst.idx.msk $0xffff, v58  }
0x49f: {  	v15 =	vld [tilespmem:s4+$0xFFFFFFD0];
	[tilespmem:v63+s14+$0x0] =	vst.idx.msk $0xffff, v62  }
0x4a0: {  	v16 =	vadd.s32 v29, v44;
	v12 =	vld [tilespmem:$0x1FF50]  }
0x4a1: {  	v48 =	vadd.s32 v22, v43;
	v47 =	vld [tilespmem:s4+$0x10]  }
0x4a2: {  	v4 =	vld [tilespmem:s4+$0xE0];
	v5 =	vadd.s32 v5, v7  }
0x4a3: {  	v51 =	vadd.s32 v33, v46;
	v49 =	vld [tilespmem:s4+$0x50]  }
0x4a4: {  	v53 =	vld [tilespmem:s4+$0xFFFFFF10]  }
0x4a5: {  	v52 =	vld [tilespmem:s4+$0x90];
	[tilespmem:v16+s14+$0x0] =	vst.idx.msk $0xffff, v15;
	v12 =	vadd.s32 v12, v45  }
0x4a6: {  	v55 =	vadd.s32 v25, v42;
	v15 =	vld [tilespmem:s4+$0xFFFFFF60];
	[tilespmem:v48+s14+$0x0] =	vst.idx.msk $0xffff, v47  }
0x4a7: {  	v57 =	vadd.s32 v26, v7;
	v16 =	vadd.s32 v56, v0;
	v7 =	vld [tilespmem:s4+$0xFFFFFFA0];
	[tilespmem:v5+s14+$0x0] =	vst.idx.msk $0xffff, v4  }
0x4a8: {  	[tilespmem:v51+s14+$0x0] =	vst.idx.msk $0xffff, v49;
	v4 =	vld [tilespmem:s4+$0xF0]  }
0x4a9: {  	v47 =	vadd.s32 v54, v3;
	v10 =	vld [tilespmem:$0x1FEA0]  }
0x4aa: {  	[tilespmem:v12+s14+$0x0] =	vst.idx.msk $0xffff, v52  }
0x4ab: {  	[tilespmem:v55+s14+$0x0] =	vst.idx.msk $0xffff, v53  }
0x4ac: {  	v6 =	vld [tilespmem:s4+$0xFFFFFFE0];
	[tilespmem:v16+s14+$0x0] =	vst.idx.msk $0xffff, v15  }
0x4ad: {  	v8 =	vld [tilespmem:s4+$0x20];
	[tilespmem:v57+s14+$0x0] =	vst.idx.msk $0xffff, v4  }
0x4ae: {  	v10 =	vadd.s32 v10, v44;
	v5 =	vld [tilespmem:$0x1FE00];
	[tilespmem:v47+s14+$0x0] =	vst.idx.msk $0xffff, v7  }
0x4af: {  	v61 =	vld [tilespmem:$0x1FE40]  }
0x4b0: {  	v49 =	vld [tilespmem:s4+$0x60]  }
0x4b1: {  	s7 =	simm.s32 $0x8;
	v11 =	vadd.s32 v50, v43;
	v51 =	vld [tilespmem:s4+$0xA0]  }
0x4b2: {  	v58 =	vmov s7;
	v55 =	vld [tilespmem:s4+$0xFFFFFF20]  }
0x4b3: {  	v12 =	vshrl.u32 v58, $0x3;
	v58 =	vld [tilespmem:s4+$0xFFFFFF70];
	[tilespmem:v10+s14+$0x0] =	vst.idx.msk $0xffff, v6  }
0x4b4: {  	v23 =	vmov v60;
	v60 =	vadd.s32 v61, v0;
	v0 =	vld [tilespmem:$0x1FFC0]  }
0x4b5: {  	s8 =	simm.s32 $0x9;
	v50 =	vadd.s32 v59, v46;
	v59 =	vld [tilespmem:s4+$0xFFFFFFB0]  }
0x4b6: {  	s9 =	simm.s32 $0xA;
	v18 =	vmov v33;
	s11 =	simm.s32 $0xC;
	s24 =	simm.s32 $0xE;
	v33 =	vmov v22;
	v62 =	vmov s8;
	v30 =	vld [tilespmem:$0x1FEB0];
	[tilespmem:v11+s14+$0x0] =	vst.idx.msk $0xffff, v8  }
0x4b7: {  	s10 =	simm.s32 $0xB;
	v63 =	vmov s9;
	v25 =	vmovc v27;
	v27 =	vmovc v28;
	v56 =	vmov s11;
	v48 =	vmov s24;
	v22 =	vld [tilespmem:$0x1FF00]  }
0x4b8: {  	s12 =	simm.s32 $0xD;
	v28 =	vmovc v31;
	v31 =	vmovc v26;
	v52 =	vadd.s32 v17, v45;
	v53 =	vmov s10;
	v54 =	vshll.u32 v12, v1;
	v26 =	vld [tilespmem:$0x1FF40]  }
0x4b9: {  	s5 =	simm.s32 $0x10;
	s1 =	simm.s32 $0xF;
	v47 =	vmov s12;
	v57 =	vadd.s32 v5, v42;
	v17 =	vld [tilespmem:$0x1FF70];
	v61 =	vadd.s32 v0, v3  }
.LBB2_25:
0x4ba: {  	_ =	sdelay $0x1  }
0x4bb: {  	v4 =	vld [tilespmem:s4+$0xFFFFFFF0]  }
0x4bc: {  	v3 =	vmov s1;
	v7 =	vld [tilespmem:s4+$0x30]  }
0x4bd: {  	v3 =	vshrl.u32 v3, $0x3;
	[tilespmem:v50+s14+$0x0] =	vst.idx.msk $0xffff, v49;
	v50 =	vld [tilespmem:$0x1FEE0]  }
0x4be: {  	v3 =	vshll.u32 v3, v1;
	[tilespmem:v52+s14+$0x0] =	vst.idx.msk $0xffff, v51;
	v10 =	vld [tilespmem:s4+$0x70]  }
0x4bf: {  	v3 =	vbroadcast v3, $0x0;
	[tilespmem:v57+s14+$0x0] =	vst.idx.msk $0xffff, v55;
	v13 =	vld [tilespmem:s4+$0xB0]  }
0x4c0: {  	v5 =	vadd.s32 v30, v44;
	v15 =	vld [tilespmem:s4+$0xFFFFFF30];
	s4 =	sadd.s32 $0x200, s4  }
0x4c1: {  	v0 =	vshrl.u32 v62, $0x3;
	[tilespmem:v61+s14+$0x0] =	vst.idx.msk $0xffff, v59;
	v62 =	vadd.s32 v23, v3;
	v61 =	vld [tilespmem:s4+$0xC0]  }
0x4c2: {  	v6 =	vshrl.u32 v63, $0x3;
	v8 =	vadd.s32 v22, v43  }
0x4c3: {  	v12 =	vshrl.u32 v56, $0x3;
	v14 =	vadd.s32 v17, v45;
	v16 =	vadd.s32 v19, v42  }
0x4c4: {  	v42 =	vbroadcast v54, $0x0;
	v56 =	vshrl.u32 v47, $0x3;
	v47 =	vld [tilespmem:$0x1FF10];
	v6 =	vshll.u32 v6, v1  }
0x4c5: {  	v9 =	vshrl.u32 v53, $0x3;
	v0 =	vshll.u32 v0, v1;
	v6 =	vbroadcast v6, $0x0;
	[tilespmem:v5+s14+$0x0] =	vst.idx.msk $0xffff, v4;
	v63 =	vld [tilespmem:s4+$0xFFFFFF00]  }
0x4c6: {  	v9 =	vshll.u32 v9, v1;
	v0 =	vbroadcast v0, $0x0;
	v5 =	vadd.s32 v50, v42;
	[tilespmem:v62+s14+$0x0] =	vst.idx.msk $0xffff, v61;
	v62 =	vld [tilespmem:$0x1FF90]  }
0x4c7: {  	v44 =	vbroadcast v9, $0x0;
	[tilespmem:v60+s14+$0x0] =	vst.idx.msk $0xffff, v58;
	v55 =	vadd.s32 v24, v6;
	v54 =	vld [tilespmem:s4+$0xFFFFFF80]  }
0x4c8: {  	v52 =	vadd.s32 v20, v0;
	[tilespmem:v8+s14+$0x0] =	vst.idx.msk $0xffff, v7;
	v51 =	vld [tilespmem:s4+$0xFFFFFF40]  }
0x4c9: {  	v58 =	vadd.s32 v28, v44;
	v57 =	vld [tilespmem:s4+$0xFFFFFFC0];
	[tilespmem:v14+s14+$0x0] =	vst.idx.msk $0xffff, v13  }
0x4ca: {  	[tilespmem:v16+s14+$0x0] =	vst.idx.msk $0xffff, v15;
	v15 =	vld [tilespmem:s4+$0x0]  }
0x4cb: {  	v53 =	vshll.u32 v12, v1;
	v61 =	vld [tilespmem:s4+$0xD0];
	[tilespmem:v5+s14+$0x0] =	vst.idx.msk $0xffff, v63;
	v5 =	vadd.s32 v62, v3  }
0x4cc: {  	v11 =	vadd.s32 v26, v46;
	v43 =	vbroadcast v53, $0x0;
	[tilespmem:v55+s14+$0x0] =	vst.idx.msk $0xffff, v54;
	v54 =	vld [tilespmem:$0x1FFB0]  }
0x4cd: {  	v59 =	vshrl.u32 v48, $0x3;
	[tilespmem:v52+s14+$0x0] =	vst.idx.msk $0xffff, v51;
	v48 =	vld [tilespmem:s4+$0x80]  }
0x4ce: {  	v16 =	vadd.s32 v32, v43;
	[tilespmem:v58+s14+$0x0] =	vst.idx.msk $0xffff, v57;
	v58 =	vld [tilespmem:$0x1FE70]  }
0x4cf: {  	v60 =	vshll.u32 v59, v1;
	v50 =	vld [tilespmem:s4+$0xFFFFFF50]  }
0x4d0: {  	v45 =	vbroadcast v60, $0x0;
	v52 =	vld [tilespmem:s4+$0xFFFFFF90];
	[tilespmem:v5+s14+$0x0] =	vst.idx.msk $0xffff, v61  }
0x4d1: {  	v9 =	vshll.u32 v56, v1;
	[tilespmem:v11+s14+$0x0] =	vst.idx.msk $0xffff, v10;
	v5 =	vadd.s32 v54, v3;
	v4 =	vld [tilespmem:s4+$0xE0]  }
0x4d2: {  	v46 =	vbroadcast v9, $0x0;
	v49 =	vadd.s32 v27, v45;
	v63 =	vld [tilespmem:s4+$0x40]  }
0x4d3: {  	v53 =	vadd.s32 v25, v6;
	[tilespmem:v16+s14+$0x0] =	vst.idx.msk $0xffff, v15;
	v15 =	vld [tilespmem:s4+$0xFFFFFFD0]  }
0x4d4: {  	v8 =	vadd.s32 v47, v46;
	v55 =	vld [tilespmem:s4+$0x10]  }
0x4d5: {  	v62 =	vld [tilespmem:s4+$0xFFFFFF10]  }
0x4d6: {  	v51 =	vadd.s32 v21, v0;
	v61 =	vld [tilespmem:$0x1FF50];
	[tilespmem:v5+s14+$0x0] =	vst.idx.msk $0xffff, v4  }
0x4d7: {  	[tilespmem:v49+s14+$0x0] =	vst.idx.msk $0xffff, v48;
	v3 =	vadd.s32 v31, v3;
	v4 =	vld [tilespmem:s4+$0xF0]  }
0x4d8: {  	v16 =	vadd.s32 v29, v44;
	[tilespmem:v53+s14+$0x0] =	vst.idx.msk $0xffff, v52;
	v60 =	vld [tilespmem:s4+$0x90]  }
0x4d9: {  	v47 =	vld [tilespmem:s4+$0xFFFFFFA0];
	[tilespmem:v8+s14+$0x0] =	vst.idx.msk $0xffff, v63  }
0x4da: {  	v59 =	vadd.s32 v18, v46;
	v57 =	vld [tilespmem:s4+$0x50]  }
0x4db: {  	[tilespmem:v51+s14+$0x0] =	vst.idx.msk $0xffff, v50;
	v63 =	vld [tilespmem:$0x1FFE0];
	v12 =	vadd.s32 v61, v45  }
0x4dc: {  	[tilespmem:v3+s14+$0x0] =	vst.idx.msk $0xffff, v4;
	v3 =	vld [tilespmem:$0x1FE00]  }
0x4dd: {  	v56 =	vadd.s32 v33, v43;
	[tilespmem:v16+s14+$0x0] =	vst.idx.msk $0xffff, v15;
	v15 =	vld [tilespmem:s4+$0xFFFFFF60]  }
0x4de: {  	v16 =	vld [tilespmem:$0x1FE30]  }
0x4df: {  	[tilespmem:v59+s14+$0x0] =	vst.idx.msk $0xffff, v57;
	v59 =	vld [tilespmem:$0x1FEA0]  }
0x4e0: {  	v14 =	vadd.s32 v63, v42;
	[tilespmem:v12+s14+$0x0] =	vst.idx.msk $0xffff, v60;
	v60 =	vld [tilespmem:$0x1FEF0]  }
0x4e1: {  	v57 =	vadd.s32 v3, v42;
	v3 =	vld [tilespmem:$0x1FE40]  }
0x4e2: {  	[tilespmem:v56+s14+$0x0] =	vst.idx.msk $0xffff, v55;
	v8 =	vld [tilespmem:s4+$0xFFFFFFE0]  }
0x4e3: {  	v7 =	vadd.s32 v58, v6;
	v10 =	vld [tilespmem:s4+$0x20]  }
0x4e4: {  	v63 =	vld [tilespmem:$0x1FFD0];
	v16 =	vadd.s32 v16, v0  }
0x4e5: {  	[tilespmem:v14+s14+$0x0] =	vst.idx.msk $0xffff, v62;
	v62 =	vld [tilespmem:$0x1FF30];
	v9 =	vadd.s32 v59, v44  }
0x4e6: {  	p0 =	slt.u32 s5, $0x78;
	s24 =	sadd.s32 $0x6, s5;
	v11 =	vadd.s32 v60, v43;
	v60 =	vadd.s32 v3, v0;
	v0 =	vld [tilespmem:$0x1FFC0]  }
.Ltmp15:
0x4e7: {  	s6 =	sadd.s32 $0x3, s5;
	v48 =	vmov s24;
	v49 =	vld [tilespmem:s4+$0x60];
	(pc) =	sbr.rel @p0 .LBB2_25-.Ltmp15, $4  }
0x4e8: {  	s11 =	sadd.s32 $0x4, s5;
	s12 =	sadd.s32 $0x5, s5;
	v53 =	vmov s6;
	[tilespmem:v7+s14+$0x0] =	vst.idx.msk $0xffff, v47;
	v61 =	vmov s5;
	v55 =	vld [tilespmem:s4+$0xFFFFFF20]  }
0x4e9: {  	s10 =	sadd.s32 $0x2, s5;
	v56 =	vmov s11;
	v47 =	vmov s12;
	[tilespmem:v16+s14+$0x0] =	vst.idx.msk $0xffff, v15;
	v59 =	vld [tilespmem:s4+$0xFFFFFFB0];
	v12 =	vshrl.u32 v61, $0x3  }
0x4ea: {  	s9 =	sadd.s32 $0x1, s5;
	v52 =	vadd.s32 v63, v45;
	v63 =	vmov s10;
	v58 =	vld [tilespmem:s4+$0xFFFFFF70];
	v54 =	vshll.u32 v12, v1;
	[tilespmem:v9+s14+$0x0] =	vst.idx.msk $0xffff, v8  }
0x4eb: {  	s1 =	sadd.s32 $0x7, s5;
	s5 =	sadd.s32 $0x8, s5;
	v51 =	vld [tilespmem:s4+$0xA0];
	v50 =	vadd.s32 v62, v46;
	v62 =	vmov s9;
	[tilespmem:v11+s14+$0x0] =	vst.idx.msk $0xffff, v10;
	v61 =	vadd.s32 v0, v6  }
0x4ec: {  	_ =	sdelay $0x3  }
0x4ed: {  	v4 =	vld [tilespmem:s4+$0xFFFFFFF0];
	v5 =	vadd.s32 v30, v44;
	[tilespmem:v50+s14+$0x0] =	vst.idx.msk $0xffff, v49  }
0x4ee: {  	[tilespmem:v57+s14+$0x0] =	vst.idx.msk $0xffff, v55  }
0x4ef: {  	[tilespmem:v61+s14+$0x0] =	vst.idx.msk $0xffff, v59  }
0x4f0: {  	[tilespmem:v60+s14+$0x0] =	vst.idx.msk $0xffff, v58  }
0x4f1: {  	[tilespmem:v52+s14+$0x0] =	vst.idx.msk $0xffff, v51  }
0x4f2: {  	v3 =	vmov s1;
	v7 =	vld [tilespmem:s4+$0x30];
	[tilespmem:v5+s14+$0x0] =	vst.idx.msk $0xffff, v4  }
0x4f3: {  	v8 =	vadd.s32 v22, v43;
	v3 =	vshrl.u32 v3, $0x3;
	v5 =	vld [tilespmem:$0x1FEE0]  }
0x4f4: {  	v11 =	vadd.s32 v26, v46;
	v10 =	vld [tilespmem:s4+$0x70];
	v3 =	vshll.u32 v3, v1  }
0x4f5: {  	v0 =	vshrl.u32 v62, $0x3;
	v42 =	vadd.s32 v19, v42;
	v16 =	vld [tilespmem:s4+$0xFFFFFF30];
	v3 =	vbroadcast v3, $0x0  }
0x4f6: {  	v14 =	vadd.s32 v17, v45;
	v15 =	vbroadcast v54, $0x0;
	v0 =	vshll.u32 v0, v1;
	v13 =	vld [tilespmem:s4+$0xB0];
	s4 =	sadd.s32 $0x200, s4  }
0x4f7: {  	v0 =	vbroadcast v0, $0x0;
	v58 =	vadd.s32 v23, v3;
	v43 =	vld [tilespmem:s4+$0xC0]  }
0x4f8: {  	v59 =	vld [tilespmem:s4+$0xFFFFFF00];
	[tilespmem:v8+s14+$0x0] =	vst.idx.msk $0xffff, v7;
	v5 =	vadd.s32 v5, v15  }
0x4f9: {  	v61 =	vadd.s32 v20, v0;
	v60 =	vld [tilespmem:s4+$0xFFFFFF40];
	[tilespmem:v11+s14+$0x0] =	vst.idx.msk $0xffff, v10  }
0x4fa: {  	[tilespmem:v42+s14+$0x0] =	vst.idx.msk $0xffff, v16  }
0x4fb: {  	v6 =	vshrl.u32 v63, $0x3;
	[tilespmem:v14+s14+$0x0] =	vst.idx.msk $0xffff, v13  }
0x4fc: {  	v6 =	vshll.u32 v6, v1;
	[tilespmem:v58+s14+$0x0] =	vst.idx.msk $0xffff, v43  }
0x4fd: {  	v9 =	vshrl.u32 v53, $0x3;
	v6 =	vbroadcast v6, $0x0;
	[tilespmem:v5+s14+$0x0] =	vst.idx.msk $0xffff, v59  }
0x4fe: {  	v12 =	vshrl.u32 v56, $0x3;
	v9 =	vshll.u32 v9, v1;
	v20 =	vld [tilespmem:$0x1FF90];
	[tilespmem:v61+s14+$0x0] =	vst.idx.msk $0xffff, v60  }
0x4ff: {  	v12 =	vshll.u32 v12, v1;
	v9 =	vbroadcast v9, $0x0;
	v50 =	vadd.s32 v24, v6;
	v24 =	vld [tilespmem:$0x1FF10]  }
0x500: {  	v53 =	vshrl.u32 v47, $0x3;
	v12 =	vbroadcast v12, $0x0;
	v63 =	vld [tilespmem:s4+$0xFFFFFF80]  }
0x501: {  	v45 =	vshll.u32 v53, v1;
	v55 =	vadd.s32 v28, v9;
	v54 =	vld [tilespmem:s4+$0xFFFFFFC0]  }
0x502: {  	v45 =	vbroadcast v45, $0x0;
	v57 =	vadd.s32 v32, v12;
	v16 =	vld [tilespmem:s4+$0x0]  }
0x503: {  	v56 =	vshrl.u32 v48, $0x3;
	v58 =	vld [tilespmem:s4+$0xD0];
	v59 =	vadd.s32 v20, v3  }
0x504: {  	v46 =	vshll.u32 v56, v1;
	v60 =	vld [tilespmem:s4+$0x40];
	v61 =	vadd.s32 v24, v45  }
0x505: {  	v4 =	vbroadcast v46, $0x0;
	[tilespmem:v50+s14+$0x0] =	vst.idx.msk $0xffff, v63  }
0x506: {  	[tilespmem:v55+s14+$0x0] =	vst.idx.msk $0xffff, v54  }
0x507: {  	v32 =	vadd.s32 v27, v4;
	v63 =	vld [tilespmem:s4+$0x80];
	[tilespmem:v57+s14+$0x0] =	vst.idx.msk $0xffff, v16  }
0x508: {  	v48 =	vld [tilespmem:s4+$0xFFFFFF50];
	v50 =	vadd.s32 v21, v0;
	[tilespmem:v59+s14+$0x0] =	vst.idx.msk $0xffff, v58  }
0x509: {  	v54 =	vadd.s32 v25, v6;
	v53 =	vld [tilespmem:s4+$0xFFFFFF90];
	[tilespmem:v61+s14+$0x0] =	vst.idx.msk $0xffff, v60  }
0x50a: {  	v49 =	vmov v19;
	v19 =	vld [tilespmem:$0x1FFB0]  }
0x50b: {  	v55 =	vadd.s32 v29, v9;
	v16 =	vld [tilespmem:s4+$0xFFFFFFD0]  }
0x50c: {  	v57 =	vld [tilespmem:s4+$0x10];
	[tilespmem:v32+s14+$0x0] =	vst.idx.msk $0xffff, v63  }
0x50d: {  	v5 =	vld [tilespmem:s4+$0xE0];
	[tilespmem:v50+s14+$0x0] =	vst.idx.msk $0xffff, v48  }
0x50e: {  	v58 =	vadd.s32 v33, v12;
	v59 =	vld [tilespmem:s4+$0x50];
	[tilespmem:v54+s14+$0x0] =	vst.idx.msk $0xffff, v53  }
0x50f: {  	v21 =	vld [tilespmem:$0x1FF50];
	v56 =	vadd.s32 v19, v3  }
0x510: {  	v52 =	vmov v26;
	v60 =	vadd.s32 v18, v45;
	v26 =	vld [tilespmem:$0x1FFE0];
	[tilespmem:v55+s14+$0x0] =	vst.idx.msk $0xffff, v16  }
0x511: {  	v51 =	vmov v17;
	v17 =	vld [tilespmem:$0x1FE30]  }
0x512: {  	v32 =	vld [tilespmem:s4+$0xFFFFFF10]  }
0x513: {  	v61 =	vld [tilespmem:s4+$0x90];
	[tilespmem:v58+s14+$0x0] =	vst.idx.msk $0xffff, v57  }
0x514: {  	v16 =	vld [tilespmem:s4+$0xFFFFFF60];
	v63 =	vadd.s32 v21, v4;
	[tilespmem:v56+s14+$0x0] =	vst.idx.msk $0xffff, v5  }
0x515: {  	v33 =	vadd.s32 v26, v15;
	v8 =	vld [tilespmem:$0x1FE70];
	[tilespmem:v60+s14+$0x0] =	vst.idx.msk $0xffff, v59  }
0x516: {  	v47 =	vadd.s32 v17, v0;
	v11 =	vld [tilespmem:$0x1FEA0]  }
0x517: {  	v48 =	vld [tilespmem:s4+$0xFFFFFFA0]  }
0x518: {  	v3 =	vadd.s32 v31, v3;
	v5 =	vld [tilespmem:s4+$0xF0]  }
0x519: {  	v50 =	vld [tilespmem:s4+$0xFFFFFFE0];
	[tilespmem:v63+s14+$0x0] =	vst.idx.msk $0xffff, v61  }
0x51a: {  	v53 =	vld [tilespmem:s4+$0x20];
	[tilespmem:v33+s14+$0x0] =	vst.idx.msk $0xffff, v32;
	v8 =	vadd.s32 v8, v6  }
0x51b: {  	v17 =	vld [tilespmem:$0x1FEF0];
	[tilespmem:v47+s14+$0x0] =	vst.idx.msk $0xffff, v16;
	v11 =	vadd.s32 v11, v9  }
0x51c: {  	v62 =	vmov v22;
	v22 =	vld [tilespmem:$0x1FF30]  }
0x51d: {  	v28 =	vmov v27;
	v27 =	vld [tilespmem:$0x1FFD0];
	[tilespmem:v3+s14+$0x0] =	vst.idx.msk $0xffff, v5  }
0x51e: {  	v5 =	vld [tilespmem:$0x1FE00]  }
0x51f: {  	v16 =	vld [tilespmem:s4+$0x60];
	[tilespmem:v8+s14+$0x0] =	vst.idx.msk $0xffff, v48  }
0x520: {  	v54 =	vadd.s32 v17, v12;
	v8 =	vld [tilespmem:$0x1FE40];
	[tilespmem:v11+s14+$0x0] =	vst.idx.msk $0xffff, v50  }
0x521: {  	v55 =	vadd.s32 v22, v45;
	v25 =	vld [tilespmem:$0x1FFC0]  }
0x522: {  	v56 =	vld [tilespmem:s4+$0xA0];
	v57 =	vadd.s32 v27, v4  }
0x523: {  	v3 =	vld [tilespmem:s4+$0xFFFFFF20];
	v5 =	vadd.s32 v5, v15  }
0x524: {  	v9 =	vadd.s32 v30, v9;
	v10 =	vld [tilespmem:s4+$0xFFFFFFF0]  }
0x525: {  	v58 =	vld [tilespmem:s4+$0xFFFFFF70];
	[tilespmem:v54+s14+$0x0] =	vst.idx.msk $0xffff, v53;
	v0 =	vadd.s32 v8, v0  }
0x526: {  	v59 =	vld [tilespmem:s4+$0xFFFFFFB0];
	[tilespmem:v55+s14+$0x0] =	vst.idx.msk $0xffff, v16;
	v6 =	vadd.s32 v25, v6  }
0x527: {  	[tilespmem:v57+s14+$0x0] =	vst.idx.msk $0xffff, v56  }
0x528: {  	[tilespmem:v5+s14+$0x0] =	vst.idx.msk $0xffff, v3  }
0x529: {  	v12 =	vadd.s32 v62, v12;
	v60 =	vld [tilespmem:s4+$0x30];
	[tilespmem:v9+s14+$0x0] =	vst.idx.msk $0xffff, v10  }
0x52a: {  	v61 =	vadd.s32 v52, v45;
	v3 =	vld [tilespmem:s4+$0x70];
	[tilespmem:v0+s14+$0x0] =	vst.idx.msk $0xffff, v58  }
0x52b: {  	v63 =	vadd.s32 v49, v15;
	v62 =	vld [tilespmem:s4+$0xFFFFFF30];
	[tilespmem:v6+s14+$0x0] =	vst.idx.msk $0xffff, v59  }
0x52c: {  	v4 =	vadd.s32 v51, v4;
	v0 =	vld [tilespmem:s4+$0xB0];
	s5 =	rddreg [dreg:$0xe]  }
0x52d: {  	s1 =	sadd.s32 s5, s26  }
0x52e: {  	[tilespmem:v12+s14+$0x0] =	vst.idx.msk $0xffff, v60;
	s6 =	sshll.u32 s1, $0xA;
	s1 =	sshll.u32 s1, $0x7  }
0x52f: {  	[tilespmem:v61+s14+$0x0] =	vst.idx.msk $0xffff, v3;
	s4 =	sand.u32 $0x7FFF8000, s6;
	s1 =	sand.u32 $0xF80, s1  }
0x530: {  	[tilespmem:v63+s14+$0x0] =	vst.idx.msk $0xffff, v62;
	s1 =	sor.u32 s1, s4  }
0x531: {  	[tilespmem:v4+s14+$0x0] =	vst.idx.msk $0xffff, v0;
	s4 =	sadd.s32 s15, s1  }
0x532: {  	[hbm4b:s4+s3] =	stream.linear.scatter [tilespmem:s14], [sflag:$0x4], $0x80, $0x38;
	[tilespmem:$0x10280] =	vst v63  }
0x533: {  	s6 =	simm.s32 $0xE108;
	s5 =	sadd.s32 $0x10, s4  }
0x534: {  	[hbm4b:s5+s3] =	stream.linear.scatter [tilespmem:s6], [sflag:$0x4], $0x80, $0x38;
	[tilespmem:$0x10280] =	vst v63  }
0x535: {  	s8 =	simm.s32 $0xE190;
	s7 =	sadd.s32 $0x20, s4  }
0x536: {  	[hbm4b:s7+s3] =	stream.linear.scatter [tilespmem:s8], [sflag:$0x4], $0x80, $0x38;
	[tilespmem:$0x10280] =	vst v63  }
0x537: {  	s10 =	simm.s32 $0xE218;
	s9 =	sadd.s32 $0x30, s4  }
0x538: {  	[hbm4b:s9+s3] =	stream.linear.scatter [tilespmem:s10], [sflag:$0x4], $0x80, $0x38;
	[tilespmem:$0x10280] =	vst v63  }
0x539: {  	s12 =	simm.s32 $0xE2A0;
	s11 =	sadd.s32 $0x40, s4  }
0x53a: {  	[hbm4b:s11+s3] =	stream.linear.scatter [tilespmem:s12], [sflag:$0x4], $0x80, $0x38;
	[tilespmem:$0x10280] =	vst v63  }
0x53b: {  	s26 =	simm.s32 $0xE328;
	s24 =	sadd.s32 $0x50, s4  }
0x53c: {  	[hbm4b:s24+s3] =	stream.linear.scatter [tilespmem:s26], [sflag:$0x4], $0x80, $0x38;
	[tilespmem:$0x10280] =	vst v63  }
0x53d: {  	s7 =	sadd.s32 $0x60, s4;
	s8 =	simm.s32 $0xE3B0  }
0x53e: {  	[hbm4b:s7+s3] =	stream.linear.scatter [tilespmem:s8], [sflag:$0x4], $0x80, $0x38;
	[tilespmem:$0x10280] =	vst v63  }
0x53f: {  	s4 =	sadd.s32 $0x70, s4;
	s9 =	simm.s32 $0xE438  }
0x540: {  	[hbm4b:s4+s3] =	stream.linear.scatter [tilespmem:s9], [sflag:$0x4], $0x80, $0x38;
	[tilespmem:$0x10280] =	vst v63  }
0x541: {  	s10 =	simm.s32 $0xE4C0;
	s4 =	sadd.s32 s1, s16  }
0x542: {  	[hbm4b:s4+s3] =	stream.linear.scatter [tilespmem:s10], [sflag:$0x4], $0x80, $0x38;
	[tilespmem:$0x10280] =	vst v63  }
0x543: {  	s12 =	simm.s32 $0xE548;
	s11 =	sadd.s32 $0x10, s4  }
0x544: {  	[hbm4b:s11+s3] =	stream.linear.scatter [tilespmem:s12], [sflag:$0x4], $0x80, $0x38;
	[tilespmem:$0x10280] =	vst v63  }
0x545: {  	s26 =	simm.s32 $0xE5D0;
	s24 =	sadd.s32 $0x20, s4  }
0x546: {  	[hbm4b:s24+s3] =	stream.linear.scatter [tilespmem:s26], [sflag:$0x4], $0x80, $0x38;
	[tilespmem:$0x10280] =	vst v63  }
0x547: {  	s7 =	simm.s32 $0xE658;
	s6 =	sadd.s32 $0x30, s4  }
0x548: {  	[hbm4b:s6+s3] =	stream.linear.scatter [tilespmem:s7], [sflag:$0x4], $0x80, $0x38;
	[tilespmem:$0x10280] =	vst v63  }
0x549: {  	s9 =	simm.s32 $0xE6E0;
	s8 =	sadd.s32 $0x40, s4  }
0x54a: {  	[hbm4b:s8+s3] =	stream.linear.scatter [tilespmem:s9], [sflag:$0x4], $0x80, $0x38;
	[tilespmem:$0x10280] =	vst v63  }
0x54b: {  	s10 =	sadd.s32 $0x50, s4;
	s11 =	simm.s32 $0xE768  }
0x54c: {  	[hbm4b:s10+s3] =	stream.linear.scatter [tilespmem:s11], [sflag:$0x4], $0x80, $0x38;
	[tilespmem:$0x10280] =	vst v63  }
0x54d: {  	s12 =	sadd.s32 $0x60, s4;
	s24 =	simm.s32 $0xE7F0  }
0x54e: {  	[hbm4b:s12+s3] =	stream.linear.scatter [tilespmem:s24], [sflag:$0x4], $0x80, $0x38;
	[tilespmem:$0x10280] =	vst v63  }
0x54f: {  	s4 =	sadd.s32 $0x70, s4;
	s26 =	simm.s32 $0xE878  }
0x550: {  	[hbm4b:s4+s3] =	stream.linear.scatter [tilespmem:s26], [sflag:$0x4], $0x80, $0x38;
	[tilespmem:$0x10280] =	vst v63  }
0x551: {  	s6 =	simm.s32 $0xE900;
	s4 =	sadd.s32 s1, s17  }
0x552: {  	[hbm4b:s4+s3] =	stream.linear.scatter [tilespmem:s6], [sflag:$0x4], $0x80, $0x38;
	[tilespmem:$0x10280] =	vst v63  }
0x553: {  	s8 =	simm.s32 $0xE988;
	s7 =	sadd.s32 $0x10, s4  }
0x554: {  	[hbm4b:s7+s3] =	stream.linear.scatter [tilespmem:s8], [sflag:$0x4], $0x80, $0x38;
	[tilespmem:$0x10280] =	vst v63  }
0x555: {  	s10 =	simm.s32 $0xEA10;
	s9 =	sadd.s32 $0x20, s4  }
0x556: {  	[hbm4b:s9+s3] =	stream.linear.scatter [tilespmem:s10], [sflag:$0x4], $0x80, $0x38;
	[tilespmem:$0x10280] =	vst v63  }
0x557: {  	s12 =	simm.s32 $0xEA98;
	s11 =	sadd.s32 $0x30, s4  }
0x558: {  	[hbm4b:s11+s3] =	stream.linear.scatter [tilespmem:s12], [sflag:$0x4], $0x80, $0x38;
	[tilespmem:$0x10280] =	vst v63  }
0x559: {  	s26 =	simm.s32 $0xEB20;
	s24 =	sadd.s32 $0x40, s4  }
0x55a: {  	[hbm4b:s24+s3] =	stream.linear.scatter [tilespmem:s26], [sflag:$0x4], $0x80, $0x38;
	[tilespmem:$0x10280] =	vst v63  }
0x55b: {  	s7 =	sadd.s32 $0x50, s4;
	s8 =	simm.s32 $0xEBA8  }
0x55c: {  	[hbm4b:s7+s3] =	stream.linear.scatter [tilespmem:s8], [sflag:$0x4], $0x80, $0x38;
	[tilespmem:$0x10280] =	vst v63  }
0x55d: {  	s9 =	sadd.s32 $0x60, s4;
	s10 =	simm.s32 $0xEC30  }
0x55e: {  	[hbm4b:s9+s3] =	stream.linear.scatter [tilespmem:s10], [sflag:$0x4], $0x80, $0x38;
	[tilespmem:$0x10280] =	vst v63  }
0x55f: {  	s4 =	sadd.s32 $0x70, s4;
	s11 =	simm.s32 $0xECB8  }
0x560: {  	[hbm4b:s4+s3] =	stream.linear.scatter [tilespmem:s11], [sflag:$0x4], $0x80, $0x38;
	[tilespmem:$0x10280] =	vst v63  }
0x561: {  	s12 =	simm.s32 $0xED40;
	s4 =	sadd.s32 s1, s18  }
0x562: {  	[hbm4b:s4+s3] =	stream.linear.scatter [tilespmem:s12], [sflag:$0x4], $0x80, $0x38;
	[tilespmem:$0x10280] =	vst v63  }
0x563: {  	s26 =	simm.s32 $0xEDC8;
	s24 =	sadd.s32 $0x10, s4  }
0x564: {  	[hbm4b:s24+s3] =	stream.linear.scatter [tilespmem:s26], [sflag:$0x4], $0x80, $0x38;
	[tilespmem:$0x10280] =	vst v63  }
0x565: {  	s8 =	simm.s32 $0xEE50;
	s7 =	sadd.s32 $0x20, s4  }
0x566: {  	[hbm4b:s7+s3] =	stream.linear.scatter [tilespmem:s8], [sflag:$0x4], $0x80, $0x38;
	[tilespmem:$0x10280] =	vst v63  }
0x567: {  	s10 =	simm.s32 $0xEED8;
	s9 =	sadd.s32 $0x30, s4  }
0x568: {  	[hbm4b:s9+s3] =	stream.linear.scatter [tilespmem:s10], [sflag:$0x4], $0x80, $0x38;
	[tilespmem:$0x10280] =	vst v63  }
0x569: {  	s11 =	sadd.s32 $0x40, s4;
	s12 =	simm.s32 $0xEF60  }
0x56a: {  	[hbm4b:s11+s3] =	stream.linear.scatter [tilespmem:s12], [sflag:$0x4], $0x80, $0x38;
	[tilespmem:$0x10280] =	vst v63  }
0x56b: {  	s24 =	sadd.s32 $0x50, s4;
	s26 =	simm.s32 $0xEFE8  }
0x56c: {  	[hbm4b:s24+s3] =	stream.linear.scatter [tilespmem:s26], [sflag:$0x4], $0x80, $0x38;
	[tilespmem:$0x10280] =	vst v63  }
0x56d: {  	s7 =	sadd.s32 $0x60, s4;
	s8 =	simm.s32 $0xF070  }
0x56e: {  	[hbm4b:s7+s3] =	stream.linear.scatter [tilespmem:s8], [sflag:$0x4], $0x80, $0x38;
	[tilespmem:$0x10280] =	vst v63  }
0x56f: {  	s4 =	sadd.s32 $0x70, s4;
	s9 =	simm.s32 $0xF0F8  }
0x570: {  	[hbm4b:s4+s3] =	stream.linear.scatter [tilespmem:s9], [sflag:$0x4], $0x80, $0x38;
	[tilespmem:$0x10280] =	vst v63  }
0x571: {  	s10 =	simm.s32 $0xF180;
	s4 =	sadd.s32 s1, s19  }
0x572: {  	[hbm4b:s4+s3] =	stream.linear.scatter [tilespmem:s10], [sflag:$0x4], $0x80, $0x38;
	[tilespmem:$0x10280] =	vst v63  }
0x573: {  	s12 =	simm.s32 $0xF208;
	s11 =	sadd.s32 $0x10, s4  }
0x574: {  	[hbm4b:s11+s3] =	stream.linear.scatter [tilespmem:s12], [sflag:$0x4], $0x80, $0x38;
	[tilespmem:$0x10280] =	vst v63  }
0x575: {  	s26 =	simm.s32 $0xF290;
	s24 =	sadd.s32 $0x20, s4  }
0x576: {  	[hbm4b:s24+s3] =	stream.linear.scatter [tilespmem:s26], [sflag:$0x4], $0x80, $0x38;
	[tilespmem:$0x10280] =	vst v63  }
0x577: {  	s7 =	simm.s32 $0xF318;
	s6 =	sadd.s32 $0x30, s4  }
0x578: {  	[hbm4b:s6+s3] =	stream.linear.scatter [tilespmem:s7], [sflag:$0x4], $0x80, $0x38;
	[tilespmem:$0x10280] =	vst v63  }
0x579: {  	s9 =	simm.s32 $0xF3A0;
	s8 =	sadd.s32 $0x40, s4  }
0x57a: {  	[hbm4b:s8+s3] =	stream.linear.scatter [tilespmem:s9], [sflag:$0x4], $0x80, $0x38;
	[tilespmem:$0x10280] =	vst v63  }
0x57b: {  	s10 =	sadd.s32 $0x50, s4;
	s11 =	simm.s32 $0xF428  }
0x57c: {  	[hbm4b:s10+s3] =	stream.linear.scatter [tilespmem:s11], [sflag:$0x4], $0x80, $0x38;
	[tilespmem:$0x10280] =	vst v63  }
0x57d: {  	s12 =	sadd.s32 $0x60, s4;
	s24 =	simm.s32 $0xF4B0  }
0x57e: {  	[hbm4b:s12+s3] =	stream.linear.scatter [tilespmem:s24], [sflag:$0x4], $0x80, $0x38;
	[tilespmem:$0x10280] =	vst v63  }
0x57f: {  	s4 =	sadd.s32 $0x70, s4;
	s26 =	simm.s32 $0xF538  }
0x580: {  	[hbm4b:s4+s3] =	stream.linear.scatter [tilespmem:s26], [sflag:$0x4], $0x80, $0x38;
	[tilespmem:$0x10280] =	vst v63  }
0x581: {  	s6 =	simm.s32 $0xF5C0;
	s4 =	sadd.s32 s1, s20  }
0x582: {  	[hbm4b:s4+s3] =	stream.linear.scatter [tilespmem:s6], [sflag:$0x4], $0x80, $0x38;
	[tilespmem:$0x10280] =	vst v63  }
0x583: {  	s8 =	simm.s32 $0xF648;
	s7 =	sadd.s32 $0x10, s4  }
0x584: {  	[hbm4b:s7+s3] =	stream.linear.scatter [tilespmem:s8], [sflag:$0x4], $0x80, $0x38;
	[tilespmem:$0x10280] =	vst v63  }
0x585: {  	s10 =	simm.s32 $0xF6D0;
	s9 =	sadd.s32 $0x20, s4  }
0x586: {  	[hbm4b:s9+s3] =	stream.linear.scatter [tilespmem:s10], [sflag:$0x4], $0x80, $0x38;
	[tilespmem:$0x10280] =	vst v63  }
0x587: {  	s12 =	simm.s32 $0xF758;
	s11 =	sadd.s32 $0x30, s4  }
0x588: {  	[hbm4b:s11+s3] =	stream.linear.scatter [tilespmem:s12], [sflag:$0x4], $0x80, $0x38;
	[tilespmem:$0x10280] =	vst v63  }
0x589: {  	s26 =	simm.s32 $0xF7E0;
	s24 =	sadd.s32 $0x40, s4  }
0x58a: {  	[hbm4b:s24+s3] =	stream.linear.scatter [tilespmem:s26], [sflag:$0x4], $0x80, $0x38;
	[tilespmem:$0x10280] =	vst v63  }
0x58b: {  	s7 =	sadd.s32 $0x50, s4;
	s8 =	simm.s32 $0xF868  }
0x58c: {  	[hbm4b:s7+s3] =	stream.linear.scatter [tilespmem:s8], [sflag:$0x4], $0x80, $0x38;
	[tilespmem:$0x10280] =	vst v63  }
0x58d: {  	s9 =	sadd.s32 $0x60, s4;
	s10 =	simm.s32 $0xF8F0  }
0x58e: {  	[hbm4b:s9+s3] =	stream.linear.scatter [tilespmem:s10], [sflag:$0x4], $0x80, $0x38;
	[tilespmem:$0x10280] =	vst v63  }
0x58f: {  	s4 =	sadd.s32 $0x70, s4;
	s11 =	simm.s32 $0xF978  }
0x590: {  	[hbm4b:s4+s3] =	stream.linear.scatter [tilespmem:s11], [sflag:$0x4], $0x80, $0x38;
	[tilespmem:$0x10280] =	vst v63  }
0x591: {  	s12 =	simm.s32 $0xFA00;
	s4 =	sadd.s32 s1, s21  }
0x592: {  	[hbm4b:s4+s3] =	stream.linear.scatter [tilespmem:s12], [sflag:$0x4], $0x80, $0x38;
	[tilespmem:$0x10280] =	vst v63  }
0x593: {  	s26 =	simm.s32 $0xFA88;
	s24 =	sadd.s32 $0x10, s4  }
0x594: {  	[hbm4b:s24+s3] =	stream.linear.scatter [tilespmem:s26], [sflag:$0x4], $0x80, $0x38;
	[tilespmem:$0x10280] =	vst v63  }
0x595: {  	s8 =	simm.s32 $0xFB10;
	s7 =	sadd.s32 $0x20, s4  }
0x596: {  	[hbm4b:s7+s3] =	stream.linear.scatter [tilespmem:s8], [sflag:$0x4], $0x80, $0x38;
	[tilespmem:$0x10280] =	vst v63  }
0x597: {  	s10 =	simm.s32 $0xFB98;
	s9 =	sadd.s32 $0x30, s4  }
0x598: {  	[hbm4b:s9+s3] =	stream.linear.scatter [tilespmem:s10], [sflag:$0x4], $0x80, $0x38;
	[tilespmem:$0x10280] =	vst v63  }
0x599: {  	s11 =	sadd.s32 $0x40, s4;
	s12 =	simm.s32 $0xFC20  }
0x59a: {  	[hbm4b:s11+s3] =	stream.linear.scatter [tilespmem:s12], [sflag:$0x4], $0x80, $0x38;
	[tilespmem:$0x10280] =	vst v63  }
0x59b: {  	s24 =	sadd.s32 $0x50, s4;
	s26 =	simm.s32 $0xFCA8  }
0x59c: {  	[hbm4b:s24+s3] =	stream.linear.scatter [tilespmem:s26], [sflag:$0x4], $0x80, $0x38;
	[tilespmem:$0x10280] =	vst v63  }
0x59d: {  	s7 =	sadd.s32 $0x60, s4;
	s8 =	simm.s32 $0xFD30  }
0x59e: {  	[hbm4b:s7+s3] =	stream.linear.scatter [tilespmem:s8], [sflag:$0x4], $0x80, $0x38;
	[tilespmem:$0x10280] =	vst v63  }
0x59f: {  	s4 =	sadd.s32 $0x70, s4;
	s9 =	simm.s32 $0xFDB8  }
0x5a0: {  	[hbm4b:s4+s3] =	stream.linear.scatter [tilespmem:s9], [sflag:$0x4], $0x80, $0x38;
	[tilespmem:$0x10280] =	vst v63  }
0x5a1: {  	s1 =	sadd.s32 s1, s22;
	s10 =	simm.s32 $0xFE40  }
0x5a2: {  	[hbm4b:s1+s3] =	stream.linear.scatter [tilespmem:s10], [sflag:$0x4], $0x80, $0x38;
	[tilespmem:$0x10280] =	vst v63  }
0x5a3: {  	s11 =	sadd.s32 $0x10, s1;
	s12 =	simm.s32 $0xFEC8  }
0x5a4: {  	[hbm4b:s11+s3] =	stream.linear.scatter [tilespmem:s12], [sflag:$0x4], $0x80, $0x38;
	[tilespmem:$0x10280] =	vst v63  }
0x5a5: {  	s24 =	sadd.s32 $0x20, s1;
	s26 =	simm.s32 $0xFF50  }
0x5a6: {  	[hbm4b:s24+s3] =	stream.linear.scatter [tilespmem:s26], [sflag:$0x4], $0x80, $0x38;
	[tilespmem:$0x10280] =	vst v63  }
0x5a7: {  	s6 =	sadd.s32 $0x30, s1;
	s7 =	simm.s32 $0xFFD8  }
0x5a8: {  	[hbm4b:s6+s3] =	stream.linear.scatter [tilespmem:s7], [sflag:$0x4], $0x80, $0x38;
	[tilespmem:$0x10280] =	vst v63  }
0x5a9: {  	s25 =	sadd.s32 $0x1, s25;
	s8 =	sadd.s32 $0x40, s1;
	s9 =	simm.s32 $0x10060  }
0x5aa: {  	[hbm4b:s8+s3] =	stream.linear.scatter [tilespmem:s9], [sflag:$0x4], $0x80, $0x38;
	[tilespmem:$0x10280] =	vst v63  }
0x5ab: {  	p0 =	sne.s32 s25, $0x19;
	s10 =	sadd.s32 $0x50, s1;
	s11 =	simm.s32 $0x100E8  }
0x5ac: {  	[hbm4b:s10+s3] =	stream.linear.scatter [tilespmem:s11], [sflag:$0x4], $0x80, $0x38;
	[tilespmem:$0x10280] =	vst v63  }
.Ltmp16:
0x5ad: {  	_ = 	snop;
	(pc) =	sbr.rel @p0 .LBB2_4-.Ltmp16, $4  }
0x5ae: {  	s2 =	sadd.s32 $0x100, s2;
	s12 =	sadd.s32 $0x60, s1;
	s24 =	simm.s32 $0x10170  }
0x5af: {  	[hbm4b:s12+s3] =	stream.linear.scatter [tilespmem:s24], [sflag:$0x4], $0x80, $0x38;
	[tilespmem:$0x10280] =	vst v63  }
0x5b0: {  	s23 =	sadd.s32 $0x100, s23;
	s1 =	sadd.s32 $0x70, s1;
	s26 =	simm.s32 $0x101F8  }
0x5b1: {  	v23 =	vmovc v28;
	v29 =	vmovc v31;
	v17 =	vmov v24;
	v27 =	vmov v19;
	v25 =	vmov v20;
	[hbm4b:s1+s3] =	stream.linear.scatter [tilespmem:s26], [sflag:$0x4], $0x80, $0x38;
	[tilespmem:$0x10280] =	vst v63  }
0x5b2: {  	s1 =	simm.s32 $0x3  }
0x5b3: {  	_ =	swait.ge [sflag:s1], $0x400  }
0x5b4: {  	[sflag:s1] =	ssyncset.done $0x0  }
0x5b5: {  	[sflag:s1] =	ssyncadd.s32 $0xFFFFFC00  }
0x5b6: {  	_ =	swait.ge [sflag:s1], $0x400  }
0x5b7: {  	[sflag:s1] =	ssyncset.done $0x0  }
0x5b8: {  	[sflag:s1] =	ssyncadd.s32 $0xFFFFFC00  }
0x5b9: {  	_ =	swait.ge [sflag:s1], $0x400  }
0x5ba: {  	[sflag:s1] =	ssyncset.done $0x0  }
0x5bb: {  	[sflag:s1] =	ssyncadd.s32 $0xFFFFFC00  }
0x5bc: {  	_ =	swait.ge [sflag:s1], $0x400  }
0x5bd: {  	[sflag:s1] =	ssyncset.done $0x0  }
0x5be: {  	[sflag:s1] =	ssyncadd.s32 $0xFFFFFC00  }
0x5bf: {  	_ =	swait.ge [sflag:s1], $0x400  }
0x5c0: {  	[sflag:s1] =	ssyncset.done $0x0  }
0x5c1: {  	[sflag:s1] =	ssyncadd.s32 $0xFFFFFC00  }
0x5c2: {  	_ =	swait.ge [sflag:s1], $0x400  }
0x5c3: {  	[sflag:s1] =	ssyncset.done $0x0  }
0x5c4: {  	[sflag:s1] =	ssyncadd.s32 $0xFFFFFC00  }
0x5c5: {  	_ =	swait.ge [sflag:s1], $0x400  }
0x5c6: {  	[sflag:s1] =	ssyncset.done $0x0  }
0x5c7: {  	[sflag:s1] =	ssyncadd.s32 $0xFFFFFC00  }
0x5c8: {  	_ =	swait.ge [sflag:s1], $0x400  }
0x5c9: {  	[sflag:s1] =	ssyncset.done $0x0  }
0x5ca: {  	s2 =	simm.s32 $0x4;
	[sflag:s1] =	ssyncadd.s32 $0xFFFFFC00  }
0x5cb: {  	_ =	swait.ge [sflag:s2], $0x400  }
0x5cc: {  	[sflag:s2] =	ssyncset.done $0x0  }
0x5cd: {  	[sflag:s2] =	ssyncadd.s32 $0xFFFFFC00  }
0x5ce: {  	_ =	swait.ge [sflag:s2], $0x400  }
0x5cf: {  	[sflag:s2] =	ssyncset.done $0x0  }
0x5d0: {  	[sflag:s2] =	ssyncadd.s32 $0xFFFFFC00  }
0x5d1: {  	_ =	swait.ge [sflag:s2], $0x400  }
0x5d2: {  	[sflag:s2] =	ssyncset.done $0x0  }
0x5d3: {  	[sflag:s2] =	ssyncadd.s32 $0xFFFFFC00  }
0x5d4: {  	_ =	swait.ge [sflag:s2], $0x400  }
0x5d5: {  	[sflag:s2] =	ssyncset.done $0x0  }
0x5d6: {  	[sflag:s2] =	ssyncadd.s32 $0xFFFFFC00  }
0x5d7: {  	_ =	swait.ge [sflag:s2], $0x400  }
0x5d8: {  	[sflag:s2] =	ssyncset.done $0x0  }
0x5d9: {  	[sflag:s2] =	ssyncadd.s32 $0xFFFFFC00  }
0x5da: {  	_ =	swait.ge [sflag:s2], $0x400  }
0x5db: {  	[sflag:s2] =	ssyncset.done $0x0  }
0x5dc: {  	[sflag:s2] =	ssyncadd.s32 $0xFFFFFC00  }
0x5dd: {  	_ =	swait.ge [sflag:s2], $0x400  }
0x5de: {  	[sflag:s2] =	ssyncset.done $0x0  }
0x5df: {  	[sflag:s2] =	ssyncadd.s32 $0xFFFFFC00  }
0x5e0: {  	_ =	swait.ge [sflag:s2], $0x400  }
0x5e1: {  	s4 =	rddreg [dreg:$0x10]  }
0x5e2: {  	s26 =	rddreg [dreg:$0xf];
	s4 =	sadd.s32 $0x1, s4  }
0x5e3: {  	p0 =	sne.s32 s4, s26  }
.Ltmp17:
0x5e4: {  	_ = 	snop;
	(pc) =	sbr.rel @p0 .LBB2_1-.Ltmp17, $3  }
0x5e5: {  	_ =	sdelay $0x1  }
0x5e6: {  	s7 =	simm.s32 $0x1900;
	[sflag:s2] =	ssyncset.done $0x0  }
0x5e7: {  	s8 =	simm.s32 $0x3200;
	s9 =	simm.s32 $0x4B00;
	[sflag:s2] =	ssyncadd.s32 $0xFFFFFC00  }
0x5e8: {  	_ =	sfence.sel $0x180000  }
0x5e9: {  	[bflag:$0x0] =	sbarrier.arrive $0xFFFF  }
0x5ea: {  	_ =	strace $0x90000047  }
0x5eb: {  	s0 =	stileid.u32;
	[bflag:$0x2] =	sbarrier.arrive $0xFFFF  }
0x5ec: {  	p0 =	sne.s32 s0, $0x0;
	s0 =	rddreg [dreg:$0x2]  }
0x5ed: {  	s0 =	sadd.s32 @!p0 $0x100000, s0  }
0x5ee: {  	[sflag:s0] =	ssyncadd.tile.s32 @!p0 $0x1;
	_ =	shalt  }
.Lfunc_end2:
_tile_overlayer_lowered:
.L_overlay_start_2:
0x5ef: {  	(tag) =	ssettag $0x2  }
0x5f0: {  	s0 =	rddreg [dreg:$0x0];
	s2 =	stileid.u32  }
0x5f1: {  	s1 =	rddreg [dreg:$0x1];
	p0 =	sne.s32 s2, $0x0  }
0x5f2: {  	s3 =	rddreg [dreg:$0x2];
	[bflag:$0x3] =	sbarrier.arrive $0xFFFF;
	s2 =	simm.s32 @!p0 $0x1C05  }
0x5f3: {  	[timem:s3], [sflag:s2] =	dma.local @!p0 [hbm:s0], s1  }
0x5f4: {  	s0 =	simm.s32 @!p0 $0x5  }
0x5f5: {  	_ =	swait.ge @!p0 [sflag:s0], s1  }
0x5f6: {  	s1 =	ssub.s32 @!p0 $0x0, s1;
	[sflag:s0] =	ssyncset.done @!p0 $0x0  }
0x5f7: {  	[sflag:s0] =	ssyncadd.s32 @!p0 s1  }
0x5f8: {  	[bflag:$0x3] =	sbarrier.arrive $0xFFFF  }
0x5f9: {  	_ =	shalt  }

</sc_bundles>
